<compile_context>
chip_gen: v7x
topology: tpu7x:2x2x1
jax: 0.10.2.dev20260603
libtpu: 0.0.44.dev20260713+nightly
codegen_flags: <defaults>
</compile_context>

<pallas_src>
import functools

import jax
import jax.numpy as jnp
from jax import lax
from jax.experimental import pallas as pl
from jax.experimental.pallas import tpu as pltpu
from jax.experimental.pallas import tpu_sc as plsc

N = 10000
E = 320000
NFEAT = 128
NHEADS = 8
DH = 16
ALPHA = 0.2
ROW = NHEADS * DH + 2 * NHEADS
FD = NHEADS * DH
ACCW = FD + NHEADS

NC = 2
NS = 16
NW = NC * NS
EPW = E // NW
CHUNK = 20
NCHUNK = EPW // CHUNK
NPAD = 10240
RPS = NPAD // NS
ZR = 8

_GDN = lax.GatherDimensionNumbers(
    offset_dims=(), collapsed_slice_dims=(0,), start_index_map=(0,))


def _gather16(vec, idx):
  return lax.gather(vec, idx.reshape(16, 1), _GDN, (1,),
                    mode=lax.GatherScatterMode.PROMISE_IN_BOUNDS)


def _mm_body(x_ref, w_ref, y_ref):
  y_ref[...] = jnp.dot(x_ref[...], w_ref[...],
                       preferred_element_type=jnp.float32)


def _stage1(x, wcat):
  return pl.pallas_call(
      _mm_body,
      grid=(10,),
      in_specs=[
          pl.BlockSpec((N // 10, NFEAT), lambda i: (i, 0)),
          pl.BlockSpec((NFEAT, ROW), lambda i: (0, 0)),
      ],
      out_specs=pl.BlockSpec((N // 10, ROW), lambda i: (i, 0)),
      out_shape=jax.ShapeDtypeStruct((N, ROW), jnp.float32),
  )(x, wcat)


def _edge_body(y_hbm, s_hbm, src_hbm, dst_hbm, out_hbm, acc):
  def _scoped(*refs):
    _edge_impl(y_hbm, s_hbm, src_hbm, dst_hbm, out_hbm, *refs, acc)

  pl.run_scoped(
      _scoped,
      pltpu.VMEM((NCHUNK, CHUNK), jnp.int32),
      pltpu.VMEM((NCHUNK, CHUNK), jnp.int32),
      pltpu.VMEM((CHUNK, ROW), jnp.float32),
      pltpu.VMEM((CHUNK, ROW), jnp.float32),
      pltpu.VMEM((CHUNK, ROW), jnp.float32),
      pltpu.VMEM((CHUNK, ROW), jnp.float32),
      pltpu.VMEM((CHUNK, 16), jnp.float32),
      pltpu.VMEM((CHUNK, 16), jnp.float32),
      pltpu.VMEM((CHUNK, 16), jnp.float32),
      pltpu.VMEM((CHUNK, 16), jnp.float32),
      pltpu.VMEM((CHUNK, ACCW), jnp.float32),
      pltpu.VMEM((CHUNK, ACCW), jnp.float32),
      pltpu.VMEM((ZR, ACCW), jnp.float32),
      *([pltpu.SemaphoreType.DMA] * 10))


def _edge_impl(y_hbm, s_hbm, src_hbm, dst_hbm, out_hbm,
               src2, dst2, rows0, rows1, rows2, rows3,
               sdst0, sdst1, sdst2, sdst3, msg0, msg1, zbuf,
               gr0, gr1, gr2, gr3, gs0, gs1, gs2, gs3, sc0, sc1, acc):
  cid = lax.axis_index("c")
  sid = lax.axis_index("s")
  wid = sid * NC + cid

  rows_b = (rows0, rows1, rows2, rows3)
  sdst_b = (sdst0, sdst1, sdst2, sdst3)
  msg_b = (msg0, msg1)
  gr = (gr0, gr1, gr2, gr3)
  gs = (gs0, gs1, gs2, gs3)
  sc = (sc0, sc1)

  zero16 = jnp.zeros((16,), jnp.float32)

  def _zrow(i, carry):
    for j in range(ACCW // 16):
      zbuf[i, pl.ds(j * 16, 16)] = zero16
    zbuf[i, pl.ds(ACCW - 16, 16)] = zero16
    return carry

  lax.fori_loop(0, ZR, _zrow, 0)
  for b in range(RPS // ZR):
    pltpu.sync_copy(zbuf, acc.at[pl.ds(sid * RPS + b * ZR, ZR)])

  pltpu.sync_copy(src_hbm.at[wid], src2)
  pltpu.sync_copy(dst_hbm.at[wid], dst2)

  for b in range(3):
    pltpu.async_copy(y_hbm.at[src2.at[b]], rows_b[b], gr[b])
    pltpu.async_copy(s_hbm.at[dst2.at[b]], sdst_b[b], gs[b])

  plsc.subcore_barrier()

  shift_idx = (lax.iota(jnp.int32, 16) & 7) + 8
  lane = lax.iota(jnp.int32, 16)
  den_col = FD + (lane & 7)
  den_mask = lane < 8

  @pl.loop(0, NCHUNK, step=4)
  def _outer(k0):
    for j in range(4):
      k = k0 + j
      mb = j % 2
      rows, sdst, msg = rows_b[j], sdst_b[j], msg_b[mb]
      jn = (j + 3) % 4
      pltpu.make_async_copy(y_hbm.at[src2.at[k]], rows, gr[j]).wait()
      pltpu.make_async_copy(s_hbm.at[dst2.at[k]], sdst, gs[j]).wait()

      @pl.when(k + 3 < NCHUNK)
      def _next_gather():
        pltpu.async_copy(y_hbm.at[src2.at[k + 3]], rows_b[jn], gr[jn])
        pltpu.async_copy(s_hbm.at[dst2.at[k + 3]], sdst_b[jn], gs[jn])

      @pl.when(k >= 2)
      def _wait_prev_scatter():
        pltpu.make_async_copy(msg, acc.at[dst2.at[k]], sc[mb]).wait()

      @plsc.parallel_loop(0, CHUNK, unroll=4)
      def _edge(i):
        s_src = rows[i, pl.ds(FD, 16)]
        s_dst = sdst[i, pl.ds(0, 16)]
        tot = s_src + _gather16(s_dst, shift_idx)
        e = jnp.where(tot >= 0, tot, ALPHA * tot)
        ex = jnp.exp(e)
        row_i = jnp.full((16,), 0, jnp.int32) + i
        plsc.store_scatter(msg, [row_i, den_col], ex, mask=den_mask)
        for h in range(NHEADS):
          exh = _gather16(ex, jnp.full((16,), h, jnp.int32))
          msg[i, pl.ds(h * 16, 16)] = exh * rows[i, pl.ds(h * 16, 16)]

      pltpu.async_copy(msg, acc.at[dst2.at[k]], sc[mb], add=True)

  for b in range(2):
    pltpu.make_async_copy(msg_b[b], acc.at[dst2.at[b]], sc[b]).wait()
  plsc.subcore_barrier()
  pltpu.sync_copy(acc.at[pl.ds(sid * RPS, RPS)],
                  out_hbm.at[cid, pl.ds(sid * RPS, RPS)])


def _stage2(y, s, src, dst):
  mesh = plsc.VectorSubcoreMesh(core_axis_name="c", subcore_axis_name="s")
  k = functools.partial(
      pl.kernel,
      mesh=mesh,
      out_type=jax.ShapeDtypeStruct((NC, NPAD, ACCW), jnp.float32),
      scratch_types=[pltpu.VMEM_SHARED((NPAD, ACCW), jnp.float32)],
      compiler_params=pltpu.CompilerParams(use_tc_tiling_on_sc=False,
                                           needs_layout_passes=False),
  )(_edge_body)
  return k(y, s, src, dst)


def _fin_body(part_ref, rep_ref, o_ref):
  p = part_ref[0] + part_ref[1]
  den = jnp.dot(p, rep_ref[...], preferred_element_type=jnp.float32)
  o_ref[...] = p[:, :FD] / jnp.maximum(den, 1e-16)


def _stage3(part, rep):
  return pl.pallas_call(
      _fin_body,
      grid=(10,),
      in_specs=[
          pl.BlockSpec((NC, NPAD // 10, ACCW), lambda i: (0, i, 0)),
          pl.BlockSpec((ACCW, FD), lambda i: (0, 0)),
      ],
      out_specs=pl.BlockSpec((NPAD // 10, FD), lambda i: (i, 0)),
      out_shape=jax.ShapeDtypeStruct((NPAD, FD), jnp.float32),
  )(part, rep)


def kernel(x, edge_index, W, a):
  src = edge_index[0].reshape(NW, NCHUNK, CHUNK)
  dst = edge_index[1].reshape(NW, NCHUNK, CHUNK)
  wflat = W.transpose(1, 0, 2).reshape(NFEAT, FD)
  a1 = a[:, :DH, 0]
  a2 = a[:, DH:, 0]
  b1 = jnp.einsum('hfd,hd->fh', W, a1)
  b2 = jnp.einsum('hfd,hd->fh', W, a2)
  wcat = jnp.concatenate([wflat, b1, b2], axis=1)

  y = _stage1(x, wcat)
  s = y[:, FD:]
  part = _stage2(y, s, src, dst)

  hsel = (lax.broadcasted_iota(jnp.int32, (ACCW, FD), 0) - FD ==
          lax.broadcasted_iota(jnp.int32, (ACCW, FD), 1) // DH)
  rep = hsel.astype(jnp.float32)
  return _stage3(part, rep)[:N]

# --- scband reference (transcript-rebuilt; emitter-appended) ---
"""Pipeline reference for scband-gat-40870908789103 (READ-ONLY COPY).

The authoritative reference and input builder live on the scoring server;
editing this copy changes nothing except your own understanding.
"""

import jax, jax.numpy as jnp
import numpy as np

N = 10000
E = 320000
NFEAT = 128
NHEADS = 8
DH = 16  # nhid // nheads = 128 // 8
ALPHA = 0.2


def setup_inputs(seed: int = 0) -> dict:
    key = jax.random.key(seed)
    k1, k2, k3, k4 = jax.random.split(key, 4)
    x = jax.random.normal(k1, (N, NFEAT), dtype=jnp.float32)
    edge_index = jax.random.randint(k2, (2, E), 0, N, dtype=jnp.int32)
    # xavier_uniform with gain=1.414, per-head stacked
    gw = 1.414 * np.sqrt(6.0 / (NFEAT + DH))
    W = jax.random.uniform(k3, (NHEADS, NFEAT, DH), minval=-gw, maxval=gw, dtype=jnp.float32)
    ga = 1.414 * np.sqrt(6.0 / (2 * DH + 1))
    a = jax.random.uniform(k4, (NHEADS, 2 * DH, 1), minval=-ga, maxval=ga, dtype=jnp.float32)
    return {"x": x, "edge_index": edge_index, "W": W, "a": a}


def reference(x, edge_index, W, a):
    # Multi-head GAT layer (eval mode => dropout is identity).
    # Each head: Wh = x @ W_h; e_ij = leakyrelu(a1.Wh_src + a2.Wh_dst);
    # softmax over incoming edges per dst; h' = sum attn * Wh_src; heads concatenated.
    src = edge_index[0]
    dst = edge_index[1]
    Wh = jnp.einsum('nf,hfo->nho', x, W)              # [N, H, DH]
    a1 = a[:, :DH, 0]                                  # [H, DH]
    a2 = a[:, DH:, 0]                                  # [H, DH]
    s1 = jnp.einsum('nho,ho->nh', Wh, a1)              # [N, H]
    s2 = jnp.einsum('nho,ho->nh', Wh, a2)              # [N, H]
    e = jax.nn.leaky_relu(s1[src] + s2[dst], negative_slope=ALPHA)  # [E, H]
    # numerically-stable per-destination-node softmax over edges
    m = jax.ops.segment_max(e, dst, num_segments=N)    # [N, H]
    m = jnp.where(jnp.isfinite(m), m, 0.0)
    ex = jnp.exp(e - m[dst])                           # [E, H]
    denom = jax.ops.segment_sum(ex, dst, num_segments=N)  # [N, H]
    attn = ex / jnp.maximum(denom[dst], 1e-16)         # [E, H]
    msg = attn[:, :, None] * Wh[src]                   # [E, H, DH]
    h_prime = jax.ops.segment_sum(msg, dst, num_segments=N)  # [N, H, DH]
    return h_prime.reshape(N, NHEADS * DH)

if __name__ == "__main__":
    import jax
    _d = setup_inputs()
    print(jax.jit(kernel)(*tuple(_d.values())))

</pallas_src>

<mosaic_0001>
#map = affine_map<(d0, d1) -> (0, 0)>
#map1 = affine_map<(d0, d1) -> (0, 0, 0)>
module attributes {stable_mosaic.version = 14 : i64} {
  func.func @_edge_body(%arg0: i32, %arg1: i32, %arg2: memref<10000x144xf32, #tpu.memory_space<hbm>>, %arg3: memref<10000x16xf32, #tpu.memory_space<hbm>>, %arg4: memref<32x500x20xi32, #tpu.memory_space<hbm>>, %arg5: memref<32x500x20xi32, #tpu.memory_space<hbm>>, %arg6: memref<2x10240x136xf32, #tpu.memory_space<hbm>>, %arg7: memref<10240x136xf32, #tpu.memory_space<vmem_shared>>) attributes {dimension_semantics = [#tpu.dimension_semantics<core_parallel>, #tpu.dimension_semantics<subcore_parallel>], iteration_bounds = array<i64: 2, 16>, scalar_prefetch = 0 : i64, scratch_operands = 1 : i64, tpu.core_type = #tpu.core_type<sc_vector_subcore>, window_params = [{transform_indices = #map}, {transform_indices = #map}, {transform_indices = #map1}, {transform_indices = #map1}, {transform_indices = #map1}]} {
    "tpu.region"() ({
      %run_scoped3A = memref.alloca() : memref<500x20xi32, #tpu.memory_space<vmem>>
      %run_scoped3A_0 = memref.alloca() : memref<500x20xi32, #tpu.memory_space<vmem>>
      %run_scoped3A_1 = memref.alloca() : memref<20x144xf32, #tpu.memory_space<vmem>>
      %run_scoped3A_2 = memref.alloca() : memref<20x144xf32, #tpu.memory_space<vmem>>
      %run_scoped3A_3 = memref.alloca() : memref<20x144xf32, #tpu.memory_space<vmem>>
      %run_scoped3A_4 = memref.alloca() : memref<20x144xf32, #tpu.memory_space<vmem>>
      %run_scoped3A_5 = memref.alloca() : memref<20x16xf32, #tpu.memory_space<vmem>>
      %run_scoped3A_6 = memref.alloca() : memref<20x16xf32, #tpu.memory_space<vmem>>
      %run_scoped3A_7 = memref.alloca() : memref<20x16xf32, #tpu.memory_space<vmem>>
      %run_scoped3A_8 = memref.alloca() : memref<20x16xf32, #tpu.memory_space<vmem>>
      %run_scoped3A_9 = memref.alloca() : memref<20x136xf32, #tpu.memory_space<vmem>>
      %run_scoped3A_10 = memref.alloca() : memref<20x136xf32, #tpu.memory_space<vmem>>
      %run_scoped3A_11 = memref.alloca() : memref<8x136xf32, #tpu.memory_space<vmem>>
      %run_scoped3A_12 = tpu.sem_alloc : memref<!tpu.dma_semaphore, #tpu.memory_space<semaphore_mem>>
      %run_scoped3A_13 = tpu.sem_alloc : memref<!tpu.dma_semaphore, #tpu.memory_space<semaphore_mem>>
      %run_scoped3A_14 = tpu.sem_alloc : memref<!tpu.dma_semaphore, #tpu.memory_space<semaphore_mem>>
      %run_scoped3A_15 = tpu.sem_alloc : memref<!tpu.dma_semaphore, #tpu.memory_space<semaphore_mem>>
      %run_scoped3A_16 = tpu.sem_alloc : memref<!tpu.dma_semaphore, #tpu.memory_space<semaphore_mem>>
      %run_scoped3A_17 = tpu.sem_alloc : memref<!tpu.dma_semaphore, #tpu.memory_space<semaphore_mem>>
      %run_scoped3A_18 = tpu.sem_alloc : memref<!tpu.dma_semaphore, #tpu.memory_space<semaphore_mem>>
      %run_scoped3A_19 = tpu.sem_alloc : memref<!tpu.dma_semaphore, #tpu.memory_space<semaphore_mem>>
      %run_scoped3A_20 = tpu.sem_alloc : memref<!tpu.dma_semaphore, #tpu.memory_space<semaphore_mem>>
      %run_scoped3A_21 = tpu.sem_alloc : memref<!tpu.dma_semaphore, #tpu.memory_space<semaphore_mem>>
      %mul3A = arith.constant 2 : i32
      %mul3A_22 = arith.muli %arg1, %mul3A : i32
      %add3A = arith.addi %mul3A_22, %arg0 : i32
      %broadcast_in_dim3A = arith.constant 0.000000e+00 : f32
      %broadcast_in_dim3A_23 = vector.broadcast %broadcast_in_dim3A : f32 to vector<16xf32>
      %scan3A = arith.constant 0 : i32
      %scan3A_24 = arith.constant 0 : i32
      %scan3A_25 = arith.constant 8 : i32
      %scan3A_26 = arith.addi %scan3A_24, %scan3A_25 : i32
      %scan3A_27 = arith.constant 1 : i32
      scf.for %scan3A_427 = %scan3A_24 to %scan3A_26 step %scan3A_27  : i32 {
        %swap3A = arith.index_cast %scan3A_427 : i32 to index
        %swap3A_428 = arith.constant 0 : index
        %swap3A_429 = tpu.vector_load %run_scoped3A_11[%swap3A, %swap3A_428] {strides = array<i32>} : memref<8x136xf32, #tpu.memory_space<vmem>>, vector<16xf32>,
        tpu.vector_store %run_scoped3A_11[%swap3A, %swap3A_428], %broadcast_in_dim3A_23 {strides = array<i32>} : memref<8x136xf32, #tpu.memory_space<vmem>>, vector<16xf32>,
        %swap3A_430 = arith.index_cast %scan3A_427 : i32 to index
        %swap3A_431 = arith.constant 16 : index
        %swap3A_432 = tpu.vector_load %run_scoped3A_11[%swap3A_430, %swap3A_431] {strides = array<i32>} : memref<8x136xf32, #tpu.memory_space<vmem>>, vector<16xf32>,
        tpu.vector_store %run_scoped3A_11[%swap3A_430, %swap3A_431], %broadcast_in_dim3A_23 {strides = array<i32>} : memref<8x136xf32, #tpu.memory_space<vmem>>, vector<16xf32>,
        %swap3A_433 = arith.index_cast %scan3A_427 : i32 to index
        %swap3A_434 = arith.constant 32 : index
        %swap3A_435 = tpu.vector_load %run_scoped3A_11[%swap3A_433, %swap3A_434] {strides = array<i32>} : memref<8x136xf32, #tpu.memory_space<vmem>>, vector<16xf32>,
        tpu.vector_store %run_scoped3A_11[%swap3A_433, %swap3A_434], %broadcast_in_dim3A_23 {strides = array<i32>} : memref<8x136xf32, #tpu.memory_space<vmem>>, vector<16xf32>,
        %swap3A_436 = arith.index_cast %scan3A_427 : i32 to index
        %swap3A_437 = arith.constant 48 : index
        %swap3A_438 = tpu.vector_load %run_scoped3A_11[%swap3A_436, %swap3A_437] {strides = array<i32>} : memref<8x136xf32, #tpu.memory_space<vmem>>, vector<16xf32>,
        tpu.vector_store %run_scoped3A_11[%swap3A_436, %swap3A_437], %broadcast_in_dim3A_23 {strides = array<i32>} : memref<8x136xf32, #tpu.memory_space<vmem>>, vector<16xf32>,
        %swap3A_439 = arith.index_cast %scan3A_427 : i32 to index
        %swap3A_440 = arith.constant 64 : index
        %swap3A_441 = tpu.vector_load %run_scoped3A_11[%swap3A_439, %swap3A_440] {strides = array<i32>} : memref<8x136xf32, #tpu.memory_space<vmem>>, vector<16xf32>,
        tpu.vector_store %run_scoped3A_11[%swap3A_439, %swap3A_440], %broadcast_in_dim3A_23 {strides = array<i32>} : memref<8x136xf32, #tpu.memory_space<vmem>>, vector<16xf32>,
        %swap3A_442 = arith.index_cast %scan3A_427 : i32 to index
        %swap3A_443 = arith.constant 80 : index
        %swap3A_444 = tpu.vector_load %run_scoped3A_11[%swap3A_442, %swap3A_443] {strides = array<i32>} : memref<8x136xf32, #tpu.memory_space<vmem>>, vector<16xf32>,
        tpu.vector_store %run_scoped3A_11[%swap3A_442, %swap3A_443], %broadcast_in_dim3A_23 {strides = array<i32>} : memref<8x136xf32, #tpu.memory_space<vmem>>, vector<16xf32>,
        %swap3A_445 = arith.index_cast %scan3A_427 : i32 to index
        %swap3A_446 = arith.constant 96 : index
        %swap3A_447 = tpu.vector_load %run_scoped3A_11[%swap3A_445, %swap3A_446] {strides = array<i32>} : memref<8x136xf32, #tpu.memory_space<vmem>>, vector<16xf32>,
        tpu.vector_store %run_scoped3A_11[%swap3A_445, %swap3A_446], %broadcast_in_dim3A_23 {strides = array<i32>} : memref<8x136xf32, #tpu.memory_space<vmem>>, vector<16xf32>,
        %swap3A_448 = arith.index_cast %scan3A_427 : i32 to index
        %swap3A_449 = arith.constant 112 : index
        %swap3A_450 = tpu.vector_load %run_scoped3A_11[%swap3A_448, %swap3A_449] {strides = array<i32>} : memref<8x136xf32, #tpu.memory_space<vmem>>, vector<16xf32>,
        tpu.vector_store %run_scoped3A_11[%swap3A_448, %swap3A_449], %broadcast_in_dim3A_23 {strides = array<i32>} : memref<8x136xf32, #tpu.memory_space<vmem>>, vector<16xf32>,
        %swap3A_451 = arith.index_cast %scan3A_427 : i32 to index
        %swap3A_452 = arith.constant 120 : index
        %swap3A_453 = tpu.vector_load %run_scoped3A_11[%swap3A_451, %swap3A_452] {strides = array<i32>} : memref<8x136xf32, #tpu.memory_space<vmem>>, vector<16xf32>,
        tpu.vector_store %run_scoped3A_11[%swap3A_451, %swap3A_452], %broadcast_in_dim3A_23 {strides = array<i32>} : memref<8x136xf32, #tpu.memory_space<vmem>>, vector<16xf32>,
      }
      %scan3A_28 = arith.constant 8 : i32
      %mul3A_29 = arith.constant 640 : i32
      %mul3A_30 = arith.muli %arg1, %mul3A_29 : i32
      %add3A_31 = arith.constant 0 : i32
      %add3A_32 = arith.addi %mul3A_30, %add3A_31 : i32
      "tpu.region"() ({
        %run_scoped3A_427 = tpu.sem_alloc : memref<!tpu.dma_semaphore, #tpu.memory_space<semaphore_mem>>
        %dma_start3A_428 = arith.constant 0 : i32
        %dma_start3A_429 = tpu.memref_slice %arg7[%add3A_32, %dma_start3A_428] : memref<10240x136xf32, #tpu.memory_space<vmem_shared>> -> memref<8x136xf32, #tpu.memory_space<vmem_shared>>
        %dma_start3A_430 = arith.constant 0 : i32
        %dma_start3A_431 = tpu.memref_slice %arg7[%add3A_32, %dma_start3A_430] : memref<10240x136xf32, #tpu.memory_space<vmem_shared>> -> memref<8x136xf32, #tpu.memory_space<vmem_shared>>
        tpu.enqueue_dma source(%run_scoped3A_11 : memref<8x136xf32, #tpu.memory_space<vmem>>) target(%dma_start3A_431 : memref<8x136xf32, #tpu.memory_space<vmem_shared>>) target_semaphore(%run_scoped3A_427 : memref<!tpu.dma_semaphore, #tpu.memory_space<semaphore_mem>>)
        %dma_wait3A_432 = arith.constant 0 : i32
        %dma_wait3A_433 = tpu.memref_slice %arg7[%add3A_32, %dma_wait3A_432] : memref<10240x136xf32, #tpu.memory_space<vmem_shared>> -> memref<8x136xf32, #tpu.memory_space<vmem_shared>>
        %dma_wait3A_434 = arith.constant 0 : i32
        %dma_wait3A_435 = tpu.memref_slice %arg7[%add3A_32, %dma_wait3A_434] : memref<10240x136xf32, #tpu.memory_space<vmem_shared>> -> memref<8x136xf32, #tpu.memory_space<vmem_shared>>
        tpu.wait_dma2 semaphore(%run_scoped3A_427 : memref<!tpu.dma_semaphore, #tpu.memory_space<semaphore_mem>>) src(%run_scoped3A_11 : memref<8x136xf32, #tpu.memory_space<vmem>>) dst(%dma_wait3A_435 : memref<8x136xf32, #tpu.memory_space<vmem_shared>>)
        tpu.yield
      }) : () -> ()
      %mul3A_33 = arith.constant 640 : i32
      %mul3A_34 = arith.muli %arg1, %mul3A_33 : i32
      %add3A_35 = arith.constant 8 : i32
      %add3A_36 = arith.addi %mul3A_34, %add3A_35 : i32
      "tpu.region"() ({
        %run_scoped3A_427 = tpu.sem_alloc : memref<!tpu.dma_semaphore, #tpu.memory_space<semaphore_mem>>
        %dma_start3A_428 = arith.constant 0 : i32
        %dma_start3A_429 = tpu.memref_slice %arg7[%add3A_36, %dma_start3A_428] : memref<10240x136xf32, #tpu.memory_space<vmem_shared>> -> memref<8x136xf32, #tpu.memory_space<vmem_shared>>
        %dma_start3A_430 = arith.constant 0 : i32
        %dma_start3A_431 = tpu.memref_slice %arg7[%add3A_36, %dma_start3A_430] : memref<10240x136xf32, #tpu.memory_space<vmem_shared>> -> memref<8x136xf32, #tpu.memory_space<vmem_shared>>
        tpu.enqueue_dma source(%run_scoped3A_11 : memref<8x136xf32, #tpu.memory_space<vmem>>) target(%dma_start3A_431 : memref<8x136xf32, #tpu.memory_space<vmem_shared>>) target_semaphore(%run_scoped3A_427 : memref<!tpu.dma_semaphore, #tpu.memory_space<semaphore_mem>>)
        %dma_wait3A_432 = arith.constant 0 : i32
        %dma_wait3A_433 = tpu.memref_slice %arg7[%add3A_36, %dma_wait3A_432] : memref<10240x136xf32, #tpu.memory_space<vmem_shared>> -> memref<8x136xf32, #tpu.memory_space<vmem_shared>>
        %dma_wait3A_434 = arith.constant 0 : i32
        %dma_wait3A_435 = tpu.memref_slice %arg7[%add3A_36, %dma_wait3A_434] : memref<10240x136xf32, #tpu.memory_space<vmem_shared>> -> memref<8x136xf32, #tpu.memory_space<vmem_shared>>
        tpu.wait_dma2 semaphore(%run_scoped3A_427 : memref<!tpu.dma_semaphore, #tpu.memory_space<semaphore_mem>>) src(%run_scoped3A_11 : memref<8x136xf32, #tpu.memory_space<vmem>>) dst(%dma_wait3A_435 : memref<8x136xf32, #tpu.memory_space<vmem_shared>>)
        tpu.yield
      }) : () -> ()
      %mul3A_37 = arith.constant 640 : i32
      %mul3A_38 = arith.muli %arg1, %mul3A_37 : i32
      %add3A_39 = arith.constant 16 : i32
      %add3A_40 = arith.addi %mul3A_38, %add3A_39 : i32
      "tpu.region"() ({
        %run_scoped3A_427 = tpu.sem_alloc : memref<!tpu.dma_semaphore, #tpu.memory_space<semaphore_mem>>
        %dma_start3A_428 = arith.constant 0 : i32
        %dma_start3A_429 = tpu.memref_slice %arg7[%add3A_40, %dma_start3A_428] : memref<10240x136xf32, #tpu.memory_space<vmem_shared>> -> memref<8x136xf32, #tpu.memory_space<vmem_shared>>
        %dma_start3A_430 = arith.constant 0 : i32
        %dma_start3A_431 = tpu.memref_slice %arg7[%add3A_40, %dma_start3A_430] : memref<10240x136xf32, #tpu.memory_space<vmem_shared>> -> memref<8x136xf32, #tpu.memory_space<vmem_shared>>
        tpu.enqueue_dma source(%run_scoped3A_11 : memref<8x136xf32, #tpu.memory_space<vmem>>) target(%dma_start3A_431 : memref<8x136xf32, #tpu.memory_space<vmem_shared>>) target_semaphore(%run_scoped3A_427 : memref<!tpu.dma_semaphore, #tpu.memory_space<semaphore_mem>>)
        %dma_wait3A_432 = arith.constant 0 : i32
        %dma_wait3A_433 = tpu.memref_slice %arg7[%add3A_40, %dma_wait3A_432] : memref<10240x136xf32, #tpu.memory_space<vmem_shared>> -> memref<8x136xf32, #tpu.memory_space<vmem_shared>>
        %dma_wait3A_434 = arith.constant 0 : i32
        %dma_wait3A_435 = tpu.memref_slice %arg7[%add3A_40, %dma_wait3A_434] : memref<10240x136xf32, #tpu.memory_space<vmem_shared>> -> memref<8x136xf32, #tpu.memory_space<vmem_shared>>
        tpu.wait_dma2 semaphore(%run_scoped3A_427 : memref<!tpu.dma_semaphore, #tpu.memory_space<semaphore_mem>>) src(%run_scoped3A_11 : memref<8x136xf32, #tpu.memory_space<vmem>>) dst(%dma_wait3A_435 : memref<8x136xf32, #tpu.memory_space<vmem_shared>>)
        tpu.yield
      }) : () -> ()
      %mul3A_41 = arith.constant 640 : i32
      %mul3A_42 = arith.muli %arg1, %mul3A_41 : i32
      %add3A_43 = arith.constant 24 : i32
      %add3A_44 = arith.addi %mul3A_42, %add3A_43 : i32
      "tpu.region"() ({
        %run_scoped3A_427 = tpu.sem_alloc : memref<!tpu.dma_semaphore, #tpu.memory_space<semaphore_mem>>
        %dma_start3A_428 = arith.constant 0 : i32
        %dma_start3A_429 = tpu.memref_slice %arg7[%add3A_44, %dma_start3A_428] : memref<10240x136xf32, #tpu.memory_space<vmem_shared>> -> memref<8x136xf32, #tpu.memory_space<vmem_shared>>
        %dma_start3A_430 = arith.constant 0 : i32
        %dma_start3A_431 = tpu.memref_slice %arg7[%add3A_44, %dma_start3A_430] : memref<10240x136xf32, #tpu.memory_space<vmem_shared>> -> memref<8x136xf32, #tpu.memory_space<vmem_shared>>
        tpu.enqueue_dma source(%run_scoped3A_11 : memref<8x136xf32, #tpu.memory_space<vmem>>) target(%dma_start3A_431 : memref<8x136xf32, #tpu.memory_space<vmem_shared>>) target_semaphore(%run_scoped3A_427 : memref<!tpu.dma_semaphore, #tpu.memory_space<semaphore_mem>>)
        %dma_wait3A_432 = arith.constant 0 : i32
        %dma_wait3A_433 = tpu.memref_slice %arg7[%add3A_44, %dma_wait3A_432] : memref<10240x136xf32, #tpu.memory_space<vmem_shared>> -> memref<8x136xf32, #tpu.memory_space<vmem_shared>>
        %dma_wait3A_434 = arith.constant 0 : i32
        %dma_wait3A_435 = tpu.memref_slice %arg7[%add3A_44, %dma_wait3A_434] : memref<10240x136xf32, #tpu.memory_space<vmem_shared>> -> memref<8x136xf32, #tpu.memory_space<vmem_shared>>
        tpu.wait_dma2 semaphore(%run_scoped3A_427 : memref<!tpu.dma_semaphore, #tpu.memory_space<semaphore_mem>>) src(%run_scoped3A_11 : memref<8x136xf32, #tpu.memory_space<vmem>>) dst(%dma_wait3A_435 : memref<8x136xf32, #tpu.memory_space<vmem_shared>>)
        tpu.yield
      }) : () -> ()
      %mul3A_45 = arith.constant 640 : i32
      %mul3A_46 = arith.muli %arg1, %mul3A_45 : i32
      %add3A_47 = arith.constant 32 : i32
      %add3A_48 = arith.addi %mul3A_46, %add3A_47 : i32
      "tpu.region"() ({
        %run_scoped3A_427 = tpu.sem_alloc : memref<!tpu.dma_semaphore, #tpu.memory_space<semaphore_mem>>
        %dma_start3A_428 = arith.constant 0 : i32
        %dma_start3A_429 = tpu.memref_slice %arg7[%add3A_48, %dma_start3A_428] : memref<10240x136xf32, #tpu.memory_space<vmem_shared>> -> memref<8x136xf32, #tpu.memory_space<vmem_shared>>
        %dma_start3A_430 = arith.constant 0 : i32
        %dma_start3A_431 = tpu.memref_slice %arg7[%add3A_48, %dma_start3A_430] : memref<10240x136xf32, #tpu.memory_space<vmem_shared>> -> memref<8x136xf32, #tpu.memory_space<vmem_shared>>
        tpu.enqueue_dma source(%run_scoped3A_11 : memref<8x136xf32, #tpu.memory_space<vmem>>) target(%dma_start3A_431 : memref<8x136xf32, #tpu.memory_space<vmem_shared>>) target_semaphore(%run_scoped3A_427 : memref<!tpu.dma_semaphore, #tpu.memory_space<semaphore_mem>>)
        %dma_wait3A_432 = arith.constant 0 : i32
        %dma_wait3A_433 = tpu.memref_slice %arg7[%add3A_48, %dma_wait3A_432] : memref<10240x136xf32, #tpu.memory_space<vmem_shared>> -> memref<8x136xf32, #tpu.memory_space<vmem_shared>>
        %dma_wait3A_434 = arith.constant 0 : i32
        %dma_wait3A_435 = tpu.memref_slice %arg7[%add3A_48, %dma_wait3A_434] : memref<10240x136xf32, #tpu.memory_space<vmem_shared>> -> memref<8x136xf32, #tpu.memory_space<vmem_shared>>
        tpu.wait_dma2 semaphore(%run_scoped3A_427 : memref<!tpu.dma_semaphore, #tpu.memory_space<semaphore_mem>>) src(%run_scoped3A_11 : memref<8x136xf32, #tpu.memory_space<vmem>>) dst(%dma_wait3A_435 : memref<8x136xf32, #tpu.memory_space<vmem_shared>>)
        tpu.yield
      }) : () -> ()
      %mul3A_49 = arith.constant 640 : i32
      %mul3A_50 = arith.muli %arg1, %mul3A_49 : i32
      %add3A_51 = arith.constant 40 : i32
      %add3A_52 = arith.addi %mul3A_50, %add3A_51 : i32
      "tpu.region"() ({
        %run_scoped3A_427 = tpu.sem_alloc : memref<!tpu.dma_semaphore, #tpu.memory_space<semaphore_mem>>
        %dma_start3A_428 = arith.constant 0 : i32
        %dma_start3A_429 = tpu.memref_slice %arg7[%add3A_52, %dma_start3A_428] : memref<10240x136xf32, #tpu.memory_space<vmem_shared>> -> memref<8x136xf32, #tpu.memory_space<vmem_shared>>
        %dma_start3A_430 = arith.constant 0 : i32
        %dma_start3A_431 = tpu.memref_slice %arg7[%add3A_52, %dma_start3A_430] : memref<10240x136xf32, #tpu.memory_space<vmem_shared>> -> memref<8x136xf32, #tpu.memory_space<vmem_shared>>
        tpu.enqueue_dma source(%run_scoped3A_11 : memref<8x136xf32, #tpu.memory_space<vmem>>) target(%dma_start3A_431 : memref<8x136xf32, #tpu.memory_space<vmem_shared>>) target_semaphore(%run_scoped3A_427 : memref<!tpu.dma_semaphore, #tpu.memory_space<semaphore_mem>>)
        %dma_wait3A_432 = arith.constant 0 : i32
        %dma_wait3A_433 = tpu.memref_slice %arg7[%add3A_52, %dma_wait3A_432] : memref<10240x136xf32, #tpu.memory_space<vmem_shared>> -> memref<8x136xf32, #tpu.memory_space<vmem_shared>>
        %dma_wait3A_434 = arith.constant 0 : i32
        %dma_wait3A_435 = tpu.memref_slice %arg7[%add3A_52, %dma_wait3A_434] : memref<10240x136xf32, #tpu.memory_space<vmem_shared>> -> memref<8x136xf32, #tpu.memory_space<vmem_shared>>
        tpu.wait_dma2 semaphore(%run_scoped3A_427 : memref<!tpu.dma_semaphore, #tpu.memory_space<semaphore_mem>>) src(%run_scoped3A_11 : memref<8x136xf32, #tpu.memory_space<vmem>>) dst(%dma_wait3A_435 : memref<8x136xf32, #tpu.memory_space<vmem_shared>>)
        tpu.yield
      }) : () -> ()
      %mul3A_53 = arith.constant 640 : i32
      %mul3A_54 = arith.muli %arg1, %mul3A_53 : i32
      %add3A_55 = arith.constant 48 : i32
      %add3A_56 = arith.addi %mul3A_54, %add3A_55 : i32
      "tpu.region"() ({
        %run_scoped3A_427 = tpu.sem_alloc : memref<!tpu.dma_semaphore, #tpu.memory_space<semaphore_mem>>
        %dma_start3A_428 = arith.constant 0 : i32
        %dma_start3A_429 = tpu.memref_slice %arg7[%add3A_56, %dma_start3A_428] : memref<10240x136xf32, #tpu.memory_space<vmem_shared>> -> memref<8x136xf32, #tpu.memory_space<vmem_shared>>
        %dma_start3A_430 = arith.constant 0 : i32
        %dma_start3A_431 = tpu.memref_slice %arg7[%add3A_56, %dma_start3A_430] : memref<10240x136xf32, #tpu.memory_space<vmem_shared>> -> memref<8x136xf32, #tpu.memory_space<vmem_shared>>
        tpu.enqueue_dma source(%run_scoped3A_11 : memref<8x136xf32, #tpu.memory_space<vmem>>) target(%dma_start3A_431 : memref<8x136xf32, #tpu.memory_space<vmem_shared>>) target_semaphore(%run_scoped3A_427 : memref<!tpu.dma_semaphore, #tpu.memory_space<semaphore_mem>>)
        %dma_wait3A_432 = arith.constant 0 : i32
        %dma_wait3A_433 = tpu.memref_slice %arg7[%add3A_56, %dma_wait3A_432] : memref<10240x136xf32, #tpu.memory_space<vmem_shared>> -> memref<8x136xf32, #tpu.memory_space<vmem_shared>>
        %dma_wait3A_434 = arith.constant 0 : i32
        %dma_wait3A_435 = tpu.memref_slice %arg7[%add3A_56, %dma_wait3A_434] : memref<10240x136xf32, #tpu.memory_space<vmem_shared>> -> memref<8x136xf32, #tpu.memory_space<vmem_shared>>
        tpu.wait_dma2 semaphore(%run_scoped3A_427 : memref<!tpu.dma_semaphore, #tpu.memory_space<semaphore_mem>>) src(%run_scoped3A_11 : memref<8x136xf32, #tpu.memory_space<vmem>>) dst(%dma_wait3A_435 : memref<8x136xf32, #tpu.memory_space<vmem_shared>>)
        tpu.yield
      }) : () -> ()
      %mul3A_57 = arith.constant 640 : i32
      %mul3A_58 = arith.muli %arg1, %mul3A_57 : i32
      %add3A_59 = arith.constant 56 : i32
      %add3A_60 = arith.addi %mul3A_58, %add3A_59 : i32
      "tpu.region"() ({
        %run_scoped3A_427 = tpu.sem_alloc : memref<!tpu.dma_semaphore, #tpu.memory_space<semaphore_mem>>
        %dma_start3A_428 = arith.constant 0 : i32
        %dma_start3A_429 = tpu.memref_slice %arg7[%add3A_60, %dma_start3A_428] : memref<10240x136xf32, #tpu.memory_space<vmem_shared>> -> memref<8x136xf32, #tpu.memory_space<vmem_shared>>
        %dma_start3A_430 = arith.constant 0 : i32
        %dma_start3A_431 = tpu.memref_slice %arg7[%add3A_60, %dma_start3A_430] : memref<10240x136xf32, #tpu.memory_space<vmem_shared>> -> memref<8x136xf32, #tpu.memory_space<vmem_shared>>
        tpu.enqueue_dma source(%run_scoped3A_11 : memref<8x136xf32, #tpu.memory_space<vmem>>) target(%dma_start3A_431 : memref<8x136xf32, #tpu.memory_space<vmem_shared>>) target_semaphore(%run_scoped3A_427 : memref<!tpu.dma_semaphore, #tpu.memory_space<semaphore_mem>>)
        %dma_wait3A_432 = arith.constant 0 : i32
        %dma_wait3A_433 = tpu.memref_slice %arg7[%add3A_60, %dma_wait3A_432] : memref<10240x136xf32, #tpu.memory_space<vmem_shared>> -> memref<8x136xf32, #tpu.memory_space<vmem_shared>>
        %dma_wait3A_434 = arith.constant 0 : i32
        %dma_wait3A_435 = tpu.memref_slice %arg7[%add3A_60, %dma_wait3A_434] : memref<10240x136xf32, #tpu.memory_space<vmem_shared>> -> memref<8x136xf32, #tpu.memory_space<vmem_shared>>
        tpu.wait_dma2 semaphore(%run_scoped3A_427 : memref<!tpu.dma_semaphore, #tpu.memory_space<semaphore_mem>>) src(%run_scoped3A_11 : memref<8x136xf32, #tpu.memory_space<vmem>>) dst(%dma_wait3A_435 : memref<8x136xf32, #tpu.memory_space<vmem_shared>>)
        tpu.yield
      }) : () -> ()
      %mul3A_61 = arith.constant 640 : i32
      %mul3A_62 = arith.muli %arg1, %mul3A_61 : i32
      %add3A_63 = arith.constant 64 : i32
      %add3A_64 = arith.addi %mul3A_62, %add3A_63 : i32
      "tpu.region"() ({
        %run_scoped3A_427 = tpu.sem_alloc : memref<!tpu.dma_semaphore, #tpu.memory_space<semaphore_mem>>
        %dma_start3A_428 = arith.constant 0 : i32
        %dma_start3A_429 = tpu.memref_slice %arg7[%add3A_64, %dma_start3A_428] : memref<10240x136xf32, #tpu.memory_space<vmem_shared>> -> memref<8x136xf32, #tpu.memory_space<vmem_shared>>
        %dma_start3A_430 = arith.constant 0 : i32
        %dma_start3A_431 = tpu.memref_slice %arg7[%add3A_64, %dma_start3A_430] : memref<10240x136xf32, #tpu.memory_space<vmem_shared>> -> memref<8x136xf32, #tpu.memory_space<vmem_shared>>
        tpu.enqueue_dma source(%run_scoped3A_11 : memref<8x136xf32, #tpu.memory_space<vmem>>) target(%dma_start3A_431 : memref<8x136xf32, #tpu.memory_space<vmem_shared>>) target_semaphore(%run_scoped3A_427 : memref<!tpu.dma_semaphore, #tpu.memory_space<semaphore_mem>>)
        %dma_wait3A_432 = arith.constant 0 : i32
        %dma_wait3A_433 = tpu.memref_slice %arg7[%add3A_64, %dma_wait3A_432] : memref<10240x136xf32, #tpu.memory_space<vmem_shared>> -> memref<8x136xf32, #tpu.memory_space<vmem_shared>>
        %dma_wait3A_434 = arith.constant 0 : i32
        %dma_wait3A_435 = tpu.memref_slice %arg7[%add3A_64, %dma_wait3A_434] : memref<10240x136xf32, #tpu.memory_space<vmem_shared>> -> memref<8x136xf32, #tpu.memory_space<vmem_shared>>
        tpu.wait_dma2 semaphore(%run_scoped3A_427 : memref<!tpu.dma_semaphore, #tpu.memory_space<semaphore_mem>>) src(%run_scoped3A_11 : memref<8x136xf32, #tpu.memory_space<vmem>>) dst(%dma_wait3A_435 : memref<8x136xf32, #tpu.memory_space<vmem_shared>>)
        tpu.yield
      }) : () -> ()
      %mul3A_65 = arith.constant 640 : i32
      %mul3A_66 = arith.muli %arg1, %mul3A_65 : i32
      %add3A_67 = arith.constant 72 : i32
      %add3A_68 = arith.addi %mul3A_66, %add3A_67 : i32
      "tpu.region"() ({
        %run_scoped3A_427 = tpu.sem_alloc : memref<!tpu.dma_semaphore, #tpu.memory_space<semaphore_mem>>
        %dma_start3A_428 = arith.constant 0 : i32
        %dma_start3A_429 = tpu.memref_slice %arg7[%add3A_68, %dma_start3A_428] : memref<10240x136xf32, #tpu.memory_space<vmem_shared>> -> memref<8x136xf32, #tpu.memory_space<vmem_shared>>
        %dma_start3A_430 = arith.constant 0 : i32
        %dma_start3A_431 = tpu.memref_slice %arg7[%add3A_68, %dma_start3A_430] : memref<10240x136xf32, #tpu.memory_space<vmem_shared>> -> memref<8x136xf32, #tpu.memory_space<vmem_shared>>
        tpu.enqueue_dma source(%run_scoped3A_11 : memref<8x136xf32, #tpu.memory_space<vmem>>) target(%dma_start3A_431 : memref<8x136xf32, #tpu.memory_space<vmem_shared>>) target_semaphore(%run_scoped3A_427 : memref<!tpu.dma_semaphore, #tpu.memory_space<semaphore_mem>>)
        %dma_wait3A_432 = arith.constant 0 : i32
        %dma_wait3A_433 = tpu.memref_slice %arg7[%add3A_68, %dma_wait3A_432] : memref<10240x136xf32, #tpu.memory_space<vmem_shared>> -> memref<8x136xf32, #tpu.memory_space<vmem_shared>>
        %dma_wait3A_434 = arith.constant 0 : i32
        %dma_wait3A_435 = tpu.memref_slice %arg7[%add3A_68, %dma_wait3A_434] : memref<10240x136xf32, #tpu.memory_space<vmem_shared>> -> memref<8x136xf32, #tpu.memory_space<vmem_shared>>
        tpu.wait_dma2 semaphore(%run_scoped3A_427 : memref<!tpu.dma_semaphore, #tpu.memory_space<semaphore_mem>>) src(%run_scoped3A_11 : memref<8x136xf32, #tpu.memory_space<vmem>>) dst(%dma_wait3A_435 : memref<8x136xf32, #tpu.memory_space<vmem_shared>>)
        tpu.yield
      }) : () -> ()
      %mul3A_69 = arith.constant 640 : i32
      %mul3A_70 = arith.muli %arg1, %mul3A_69 : i32
      %add3A_71 = arith.constant 80 : i32
      %add3A_72 = arith.addi %mul3A_70, %add3A_71 : i32
      "tpu.region"() ({
        %run_scoped3A_427 = tpu.sem_alloc : memref<!tpu.dma_semaphore, #tpu.memory_space<semaphore_mem>>
        %dma_start3A_428 = arith.constant 0 : i32
        %dma_start3A_429 = tpu.memref_slice %arg7[%add3A_72, %dma_start3A_428] : memref<10240x136xf32, #tpu.memory_space<vmem_shared>> -> memref<8x136xf32, #tpu.memory_space<vmem_shared>>
        %dma_start3A_430 = arith.constant 0 : i32
        %dma_start3A_431 = tpu.memref_slice %arg7[%add3A_72, %dma_start3A_430] : memref<10240x136xf32, #tpu.memory_space<vmem_shared>> -> memref<8x136xf32, #tpu.memory_space<vmem_shared>>
        tpu.enqueue_dma source(%run_scoped3A_11 : memref<8x136xf32, #tpu.memory_space<vmem>>) target(%dma_start3A_431 : memref<8x136xf32, #tpu.memory_space<vmem_shared>>) target_semaphore(%run_scoped3A_427 : memref<!tpu.dma_semaphore, #tpu.memory_space<semaphore_mem>>)
        %dma_wait3A_432 = arith.constant 0 : i32
        %dma_wait3A_433 = tpu.memref_slice %arg7[%add3A_72, %dma_wait3A_432] : memref<10240x136xf32, #tpu.memory_space<vmem_shared>> -> memref<8x136xf32, #tpu.memory_space<vmem_shared>>
        %dma_wait3A_434 = arith.constant 0 : i32
        %dma_wait3A_435 = tpu.memref_slice %arg7[%add3A_72, %dma_wait3A_434] : memref<10240x136xf32, #tpu.memory_space<vmem_shared>> -> memref<8x136xf32, #tpu.memory_space<vmem_shared>>
        tpu.wait_dma2 semaphore(%run_scoped3A_427 : memref<!tpu.dma_semaphore, #tpu.memory_space<semaphore_mem>>) src(%run_scoped3A_11 : memref<8x136xf32, #tpu.memory_space<vmem>>) dst(%dma_wait3A_435 : memref<8x136xf32, #tpu.memory_space<vmem_shared>>)
        tpu.yield
      }) : () -> ()
      %mul3A_73 = arith.constant 640 : i32
      %mul3A_74 = arith.muli %arg1, %mul3A_73 : i32
      %add3A_75 = arith.constant 88 : i32
      %add3A_76 = arith.addi %mul3A_74, %add3A_75 : i32
      "tpu.region"() ({
        %run_scoped3A_427 = tpu.sem_alloc : memref<!tpu.dma_semaphore, #tpu.memory_space<semaphore_mem>>
        %dma_start3A_428 = arith.constant 0 : i32
        %dma_start3A_429 = tpu.memref_slice %arg7[%add3A_76, %dma_start3A_428] : memref<10240x136xf32, #tpu.memory_space<vmem_shared>> -> memref<8x136xf32, #tpu.memory_space<vmem_shared>>
        %dma_start3A_430 = arith.constant 0 : i32
        %dma_start3A_431 = tpu.memref_slice %arg7[%add3A_76, %dma_start3A_430] : memref<10240x136xf32, #tpu.memory_space<vmem_shared>> -> memref<8x136xf32, #tpu.memory_space<vmem_shared>>
        tpu.enqueue_dma source(%run_scoped3A_11 : memref<8x136xf32, #tpu.memory_space<vmem>>) target(%dma_start3A_431 : memref<8x136xf32, #tpu.memory_space<vmem_shared>>) target_semaphore(%run_scoped3A_427 : memref<!tpu.dma_semaphore, #tpu.memory_space<semaphore_mem>>)
        %dma_wait3A_432 = arith.constant 0 : i32
        %dma_wait3A_433 = tpu.memref_slice %arg7[%add3A_76, %dma_wait3A_432] : memref<10240x136xf32, #tpu.memory_space<vmem_shared>> -> memref<8x136xf32, #tpu.memory_space<vmem_shared>>
        %dma_wait3A_434 = arith.constant 0 : i32
        %dma_wait3A_435 = tpu.memref_slice %arg7[%add3A_76, %dma_wait3A_434] : memref<10240x136xf32, #tpu.memory_space<vmem_shared>> -> memref<8x136xf32, #tpu.memory_space<vmem_shared>>
        tpu.wait_dma2 semaphore(%run_scoped3A_427 : memref<!tpu.dma_semaphore, #tpu.memory_space<semaphore_mem>>) src(%run_scoped3A_11 : memref<8x136xf32, #tpu.memory_space<vmem>>) dst(%dma_wait3A_435 : memref<8x136xf32, #tpu.memory_space<vmem_shared>>)
        tpu.yield
      }) : () -> ()
      %mul3A_77 = arith.constant 640 : i32
      %mul3A_78 = arith.muli %arg1, %mul3A_77 : i32
      %add3A_79 = arith.constant 96 : i32
      %add3A_80 = arith.addi %mul3A_78, %add3A_79 : i32
      "tpu.region"() ({
        %run_scoped3A_427 = tpu.sem_alloc : memref<!tpu.dma_semaphore, #tpu.memory_space<semaphore_mem>>
        %dma_start3A_428 = arith.constant 0 : i32
        %dma_start3A_429 = tpu.memref_slice %arg7[%add3A_80, %dma_start3A_428] : memref<10240x136xf32, #tpu.memory_space<vmem_shared>> -> memref<8x136xf32, #tpu.memory_space<vmem_shared>>
        %dma_start3A_430 = arith.constant 0 : i32
        %dma_start3A_431 = tpu.memref_slice %arg7[%add3A_80, %dma_start3A_430] : memref<10240x136xf32, #tpu.memory_space<vmem_shared>> -> memref<8x136xf32, #tpu.memory_space<vmem_shared>>
        tpu.enqueue_dma source(%run_scoped3A_11 : memref<8x136xf32, #tpu.memory_space<vmem>>) target(%dma_start3A_431 : memref<8x136xf32, #tpu.memory_space<vmem_shared>>) target_semaphore(%run_scoped3A_427 : memref<!tpu.dma_semaphore, #tpu.memory_space<semaphore_mem>>)
        %dma_wait3A_432 = arith.constant 0 : i32
        %dma_wait3A_433 = tpu.memref_slice %arg7[%add3A_80, %dma_wait3A_432] : memref<10240x136xf32, #tpu.memory_space<vmem_shared>> -> memref<8x136xf32, #tpu.memory_space<vmem_shared>>
        %dma_wait3A_434 = arith.constant 0 : i32
        %dma_wait3A_435 = tpu.memref_slice %arg7[%add3A_80, %dma_wait3A_434] : memref<10240x136xf32, #tpu.memory_space<vmem_shared>> -> memref<8x136xf32, #tpu.memory_space<vmem_shared>>
        tpu.wait_dma2 semaphore(%run_scoped3A_427 : memref<!tpu.dma_semaphore, #tpu.memory_space<semaphore_mem>>) src(%run_scoped3A_11 : memref<8x136xf32, #tpu.memory_space<vmem>>) dst(%dma_wait3A_435 : memref<8x136xf32, #tpu.memory_space<vmem_shared>>)
        tpu.yield
      }) : () -> ()
      %mul3A_81 = arith.constant 640 : i32
      %mul3A_82 = arith.muli %arg1, %mul3A_81 : i32
      %add3A_83 = arith.constant 104 : i32
      %add3A_84 = arith.addi %mul3A_82, %add3A_83 : i32
      "tpu.region"() ({
        %run_scoped3A_427 = tpu.sem_alloc : memref<!tpu.dma_semaphore, #tpu.memory_space<semaphore_mem>>
        %dma_start3A_428 = arith.constant 0 : i32
        %dma_start3A_429 = tpu.memref_slice %arg7[%add3A_84, %dma_start3A_428] : memref<10240x136xf32, #tpu.memory_space<vmem_shared>> -> memref<8x136xf32, #tpu.memory_space<vmem_shared>>
        %dma_start3A_430 = arith.constant 0 : i32
        %dma_start3A_431 = tpu.memref_slice %arg7[%add3A_84, %dma_start3A_430] : memref<10240x136xf32, #tpu.memory_space<vmem_shared>> -> memref<8x136xf32, #tpu.memory_space<vmem_shared>>
        tpu.enqueue_dma source(%run_scoped3A_11 : memref<8x136xf32, #tpu.memory_space<vmem>>) target(%dma_start3A_431 : memref<8x136xf32, #tpu.memory_space<vmem_shared>>) target_semaphore(%run_scoped3A_427 : memref<!tpu.dma_semaphore, #tpu.memory_space<semaphore_mem>>)
        %dma_wait3A_432 = arith.constant 0 : i32
        %dma_wait3A_433 = tpu.memref_slice %arg7[%add3A_84, %dma_wait3A_432] : memref<10240x136xf32, #tpu.memory_space<vmem_shared>> -> memref<8x136xf32, #tpu.memory_space<vmem_shared>>
        %dma_wait3A_434 = arith.constant 0 : i32
        %dma_wait3A_435 = tpu.memref_slice %arg7[%add3A_84, %dma_wait3A_434] : memref<10240x136xf32, #tpu.memory_space<vmem_shared>> -> memref<8x136xf32, #tpu.memory_space<vmem_shared>>
        tpu.wait_dma2 semaphore(%run_scoped3A_427 : memref<!tpu.dma_semaphore, #tpu.memory_space<semaphore_mem>>) src(%run_scoped3A_11 : memref<8x136xf32, #tpu.memory_space<vmem>>) dst(%dma_wait3A_435 : memref<8x136xf32, #tpu.memory_space<vmem_shared>>)
        tpu.yield
      }) : () -> ()
      %mul3A_85 = arith.constant 640 : i32
      %mul3A_86 = arith.muli %arg1, %mul3A_85 : i32
      %add3A_87 = arith.constant 112 : i32
      %add3A_88 = arith.addi %mul3A_86, %add3A_87 : i32
      "tpu.region"() ({
        %run_scoped3A_427 = tpu.sem_alloc : memref<!tpu.dma_semaphore, #tpu.memory_space<semaphore_mem>>
        %dma_start3A_428 = arith.constant 0 : i32
        %dma_start3A_429 = tpu.memref_slice %arg7[%add3A_88, %dma_start3A_428] : memref<10240x136xf32, #tpu.memory_space<vmem_shared>> -> memref<8x136xf32, #tpu.memory_space<vmem_shared>>
        %dma_start3A_430 = arith.constant 0 : i32
        %dma_start3A_431 = tpu.memref_slice %arg7[%add3A_88, %dma_start3A_430] : memref<10240x136xf32, #tpu.memory_space<vmem_shared>> -> memref<8x136xf32, #tpu.memory_space<vmem_shared>>
        tpu.enqueue_dma source(%run_scoped3A_11 : memref<8x136xf32, #tpu.memory_space<vmem>>) target(%dma_start3A_431 : memref<8x136xf32, #tpu.memory_space<vmem_shared>>) target_semaphore(%run_scoped3A_427 : memref<!tpu.dma_semaphore, #tpu.memory_space<semaphore_mem>>)
        %dma_wait3A_432 = arith.constant 0 : i32
        %dma_wait3A_433 = tpu.memref_slice %arg7[%add3A_88, %dma_wait3A_432] : memref<10240x136xf32, #tpu.memory_space<vmem_shared>> -> memref<8x136xf32, #tpu.memory_space<vmem_shared>>
        %dma_wait3A_434 = arith.constant 0 : i32
        %dma_wait3A_435 = tpu.memref_slice %arg7[%add3A_88, %dma_wait3A_434] : memref<10240x136xf32, #tpu.memory_space<vmem_shared>> -> memref<8x136xf32, #tpu.memory_space<vmem_shared>>
        tpu.wait_dma2 semaphore(%run_scoped3A_427 : memref<!tpu.dma_semaphore, #tpu.memory_space<semaphore_mem>>) src(%run_scoped3A_11 : memref<8x136xf32, #tpu.memory_space<vmem>>) dst(%dma_wait3A_435 : memref<8x136xf32, #tpu.memory_space<vmem_shared>>)
        tpu.yield
      }) : () -> ()
      %mul3A_89 = arith.constant 640 : i32
      %mul3A_90 = arith.muli %arg1, %mul3A_89 : i32
      %add3A_91 = arith.constant 120 : i32
      %add3A_92 = arith.addi %mul3A_90, %add3A_91 : i32
      "tpu.region"() ({
        %run_scoped3A_427 = tpu.sem_alloc : memref<!tpu.dma_semaphore, #tpu.memory_space<semaphore_mem>>
        %dma_start3A_428 = arith.constant 0 : i32
        %dma_start3A_429 = tpu.memref_slice %arg7[%add3A_92, %dma_start3A_428] : memref<10240x136xf32, #tpu.memory_space<vmem_shared>> -> memref<8x136xf32, #tpu.memory_space<vmem_shared>>
        %dma_start3A_430 = arith.constant 0 : i32
        %dma_start3A_431 = tpu.memref_slice %arg7[%add3A_92, %dma_start3A_430] : memref<10240x136xf32, #tpu.memory_space<vmem_shared>> -> memref<8x136xf32, #tpu.memory_space<vmem_shared>>
        tpu.enqueue_dma source(%run_scoped3A_11 : memref<8x136xf32, #tpu.memory_space<vmem>>) target(%dma_start3A_431 : memref<8x136xf32, #tpu.memory_space<vmem_shared>>) target_semaphore(%run_scoped3A_427 : memref<!tpu.dma_semaphore, #tpu.memory_space<semaphore_mem>>)
        %dma_wait3A_432 = arith.constant 0 : i32
        %dma_wait3A_433 = tpu.memref_slice %arg7[%add3A_92, %dma_wait3A_432] : memref<10240x136xf32, #tpu.memory_space<vmem_shared>> -> memref<8x136xf32, #tpu.memory_space<vmem_shared>>
        %dma_wait3A_434 = arith.constant 0 : i32
        %dma_wait3A_435 = tpu.memref_slice %arg7[%add3A_92, %dma_wait3A_434] : memref<10240x136xf32, #tpu.memory_space<vmem_shared>> -> memref<8x136xf32, #tpu.memory_space<vmem_shared>>
        tpu.wait_dma2 semaphore(%run_scoped3A_427 : memref<!tpu.dma_semaphore, #tpu.memory_space<semaphore_mem>>) src(%run_scoped3A_11 : memref<8x136xf32, #tpu.memory_space<vmem>>) dst(%dma_wait3A_435 : memref<8x136xf32, #tpu.memory_space<vmem_shared>>)
        tpu.yield
      }) : () -> ()
      %mul3A_93 = arith.constant 640 : i32
      %mul3A_94 = arith.muli %arg1, %mul3A_93 : i32
      %add3A_95 = arith.constant 128 : i32
      %add3A_96 = arith.addi %mul3A_94, %add3A_95 : i32
      "tpu.region"() ({
        %run_scoped3A_427 = tpu.sem_alloc : memref<!tpu.dma_semaphore, #tpu.memory_space<semaphore_mem>>
        %dma_start3A_428 = arith.constant 0 : i32
        %dma_start3A_429 = tpu.memref_slice %arg7[%add3A_96, %dma_start3A_428] : memref<10240x136xf32, #tpu.memory_space<vmem_shared>> -> memref<8x136xf32, #tpu.memory_space<vmem_shared>>
        %dma_start3A_430 = arith.constant 0 : i32
        %dma_start3A_431 = tpu.memref_slice %arg7[%add3A_96, %dma_start3A_430] : memref<10240x136xf32, #tpu.memory_space<vmem_shared>> -> memref<8x136xf32, #tpu.memory_space<vmem_shared>>
        tpu.enqueue_dma source(%run_scoped3A_11 : memref<8x136xf32, #tpu.memory_space<vmem>>) target(%dma_start3A_431 : memref<8x136xf32, #tpu.memory_space<vmem_shared>>) target_semaphore(%run_scoped3A_427 : memref<!tpu.dma_semaphore, #tpu.memory_space<semaphore_mem>>)
        %dma_wait3A_432 = arith.constant 0 : i32
        %dma_wait3A_433 = tpu.memref_slice %arg7[%add3A_96, %dma_wait3A_432] : memref<10240x136xf32, #tpu.memory_space<vmem_shared>> -> memref<8x136xf32, #tpu.memory_space<vmem_shared>>
        %dma_wait3A_434 = arith.constant 0 : i32
        %dma_wait3A_435 = tpu.memref_slice %arg7[%add3A_96, %dma_wait3A_434] : memref<10240x136xf32, #tpu.memory_space<vmem_shared>> -> memref<8x136xf32, #tpu.memory_space<vmem_shared>>
        tpu.wait_dma2 semaphore(%run_scoped3A_427 : memref<!tpu.dma_semaphore, #tpu.memory_space<semaphore_mem>>) src(%run_scoped3A_11 : memref<8x136xf32, #tpu.memory_space<vmem>>) dst(%dma_wait3A_435 : memref<8x136xf32, #tpu.memory_space<vmem_shared>>)
        tpu.yield
      }) : () -> ()
      %mul3A_97 = arith.constant 640 : i32
      %mul3A_98 = arith.muli %arg1, %mul3A_97 : i32
      %add3A_99 = arith.constant 136 : i32
      %add3A_100 = arith.addi %mul3A_98, %add3A_99 : i32
      "tpu.region"() ({
        %run_scoped3A_427 = tpu.sem_alloc : memref<!tpu.dma_semaphore, #tpu.memory_space<semaphore_mem>>
        %dma_start3A_428 = arith.constant 0 : i32
        %dma_start3A_429 = tpu.memref_slice %arg7[%add3A_100, %dma_start3A_428] : memref<10240x136xf32, #tpu.memory_space<vmem_shared>> -> memref<8x136xf32, #tpu.memory_space<vmem_shared>>
        %dma_start3A_430 = arith.constant 0 : i32
        %dma_start3A_431 = tpu.memref_slice %arg7[%add3A_100, %dma_start3A_430] : memref<10240x136xf32, #tpu.memory_space<vmem_shared>> -> memref<8x136xf32, #tpu.memory_space<vmem_shared>>
        tpu.enqueue_dma source(%run_scoped3A_11 : memref<8x136xf32, #tpu.memory_space<vmem>>) target(%dma_start3A_431 : memref<8x136xf32, #tpu.memory_space<vmem_shared>>) target_semaphore(%run_scoped3A_427 : memref<!tpu.dma_semaphore, #tpu.memory_space<semaphore_mem>>)
        %dma_wait3A_432 = arith.constant 0 : i32
        %dma_wait3A_433 = tpu.memref_slice %arg7[%add3A_100, %dma_wait3A_432] : memref<10240x136xf32, #tpu.memory_space<vmem_shared>> -> memref<8x136xf32, #tpu.memory_space<vmem_shared>>
        %dma_wait3A_434 = arith.constant 0 : i32
        %dma_wait3A_435 = tpu.memref_slice %arg7[%add3A_100, %dma_wait3A_434] : memref<10240x136xf32, #tpu.memory_space<vmem_shared>> -> memref<8x136xf32, #tpu.memory_space<vmem_shared>>
        tpu.wait_dma2 semaphore(%run_scoped3A_427 : memref<!tpu.dma_semaphore, #tpu.memory_space<semaphore_mem>>) src(%run_scoped3A_11 : memref<8x136xf32, #tpu.memory_space<vmem>>) dst(%dma_wait3A_435 : memref<8x136xf32, #tpu.memory_space<vmem_shared>>)
        tpu.yield
      }) : () -> ()
      %mul3A_101 = arith.constant 640 : i32
      %mul3A_102 = arith.muli %arg1, %mul3A_101 : i32
      %add3A_103 = arith.constant 144 : i32
      %add3A_104 = arith.addi %mul3A_102, %add3A_103 : i32
      "tpu.region"() ({
        %run_scoped3A_427 = tpu.sem_alloc : memref<!tpu.dma_semaphore, #tpu.memory_space<semaphore_mem>>
        %dma_start3A_428 = arith.constant 0 : i32
        %dma_start3A_429 = tpu.memref_slice %arg7[%add3A_104, %dma_start3A_428] : memref<10240x136xf32, #tpu.memory_space<vmem_shared>> -> memref<8x136xf32, #tpu.memory_space<vmem_shared>>
        %dma_start3A_430 = arith.constant 0 : i32
        %dma_start3A_431 = tpu.memref_slice %arg7[%add3A_104, %dma_start3A_430] : memref<10240x136xf32, #tpu.memory_space<vmem_shared>> -> memref<8x136xf32, #tpu.memory_space<vmem_shared>>
        tpu.enqueue_dma source(%run_scoped3A_11 : memref<8x136xf32, #tpu.memory_space<vmem>>) target(%dma_start3A_431 : memref<8x136xf32, #tpu.memory_space<vmem_shared>>) target_semaphore(%run_scoped3A_427 : memref<!tpu.dma_semaphore, #tpu.memory_space<semaphore_mem>>)
        %dma_wait3A_432 = arith.constant 0 : i32
        %dma_wait3A_433 = tpu.memref_slice %arg7[%add3A_104, %dma_wait3A_432] : memref<10240x136xf32, #tpu.memory_space<vmem_shared>> -> memref<8x136xf32, #tpu.memory_space<vmem_shared>>
        %dma_wait3A_434 = arith.constant 0 : i32
        %dma_wait3A_435 = tpu.memref_slice %arg7[%add3A_104, %dma_wait3A_434] : memref<10240x136xf32, #tpu.memory_space<vmem_shared>> -> memref<8x136xf32, #tpu.memory_space<vmem_shared>>
        tpu.wait_dma2 semaphore(%run_scoped3A_427 : memref<!tpu.dma_semaphore, #tpu.memory_space<semaphore_mem>>) src(%run_scoped3A_11 : memref<8x136xf32, #tpu.memory_space<vmem>>) dst(%dma_wait3A_435 : memref<8x136xf32, #tpu.memory_space<vmem_shared>>)
        tpu.yield
      }) : () -> ()
      %mul3A_105 = arith.constant 640 : i32
      %mul3A_106 = arith.muli %arg1, %mul3A_105 : i32
      %add3A_107 = arith.constant 152 : i32
      %add3A_108 = arith.addi %mul3A_106, %add3A_107 : i32
      "tpu.region"() ({
        %run_scoped3A_427 = tpu.sem_alloc : memref<!tpu.dma_semaphore, #tpu.memory_space<semaphore_mem>>
        %dma_start3A_428 = arith.constant 0 : i32
        %dma_start3A_429 = tpu.memref_slice %arg7[%add3A_108, %dma_start3A_428] : memref<10240x136xf32, #tpu.memory_space<vmem_shared>> -> memref<8x136xf32, #tpu.memory_space<vmem_shared>>
        %dma_start3A_430 = arith.constant 0 : i32
        %dma_start3A_431 = tpu.memref_slice %arg7[%add3A_108, %dma_start3A_430] : memref<10240x136xf32, #tpu.memory_space<vmem_shared>> -> memref<8x136xf32, #tpu.memory_space<vmem_shared>>
        tpu.enqueue_dma source(%run_scoped3A_11 : memref<8x136xf32, #tpu.memory_space<vmem>>) target(%dma_start3A_431 : memref<8x136xf32, #tpu.memory_space<vmem_shared>>) target_semaphore(%run_scoped3A_427 : memref<!tpu.dma_semaphore, #tpu.memory_space<semaphore_mem>>)
        %dma_wait3A_432 = arith.constant 0 : i32
        %dma_wait3A_433 = tpu.memref_slice %arg7[%add3A_108, %dma_wait3A_432] : memref<10240x136xf32, #tpu.memory_space<vmem_shared>> -> memref<8x136xf32, #tpu.memory_space<vmem_shared>>
        %dma_wait3A_434 = arith.constant 0 : i32
        %dma_wait3A_435 = tpu.memref_slice %arg7[%add3A_108, %dma_wait3A_434] : memref<10240x136xf32, #tpu.memory_space<vmem_shared>> -> memref<8x136xf32, #tpu.memory_space<vmem_shared>>
        tpu.wait_dma2 semaphore(%run_scoped3A_427 : memref<!tpu.dma_semaphore, #tpu.memory_space<semaphore_mem>>) src(%run_scoped3A_11 : memref<8x136xf32, #tpu.memory_space<vmem>>) dst(%dma_wait3A_435 : memref<8x136xf32, #tpu.memory_space<vmem_shared>>)
        tpu.yield
      }) : () -> ()
      %mul3A_109 = arith.constant 640 : i32
      %mul3A_110 = arith.muli %arg1, %mul3A_109 : i32
      %add3A_111 = arith.constant 160 : i32
      %add3A_112 = arith.addi %mul3A_110, %add3A_111 : i32
      "tpu.region"() ({
        %run_scoped3A_427 = tpu.sem_alloc : memref<!tpu.dma_semaphore, #tpu.memory_space<semaphore_mem>>
        %dma_start3A_428 = arith.constant 0 : i32
        %dma_start3A_429 = tpu.memref_slice %arg7[%add3A_112, %dma_start3A_428] : memref<10240x136xf32, #tpu.memory_space<vmem_shared>> -> memref<8x136xf32, #tpu.memory_space<vmem_shared>>
        %dma_start3A_430 = arith.constant 0 : i32
        %dma_start3A_431 = tpu.memref_slice %arg7[%add3A_112, %dma_start3A_430] : memref<10240x136xf32, #tpu.memory_space<vmem_shared>> -> memref<8x136xf32, #tpu.memory_space<vmem_shared>>
        tpu.enqueue_dma source(%run_scoped3A_11 : memref<8x136xf32, #tpu.memory_space<vmem>>) target(%dma_start3A_431 : memref<8x136xf32, #tpu.memory_space<vmem_shared>>) target_semaphore(%run_scoped3A_427 : memref<!tpu.dma_semaphore, #tpu.memory_space<semaphore_mem>>)
        %dma_wait3A_432 = arith.constant 0 : i32
        %dma_wait3A_433 = tpu.memref_slice %arg7[%add3A_112, %dma_wait3A_432] : memref<10240x136xf32, #tpu.memory_space<vmem_shared>> -> memref<8x136xf32, #tpu.memory_space<vmem_shared>>
        %dma_wait3A_434 = arith.constant 0 : i32
        %dma_wait3A_435 = tpu.memref_slice %arg7[%add3A_112, %dma_wait3A_434] : memref<10240x136xf32, #tpu.memory_space<vmem_shared>> -> memref<8x136xf32, #tpu.memory_space<vmem_shared>>
        tpu.wait_dma2 semaphore(%run_scoped3A_427 : memref<!tpu.dma_semaphore, #tpu.memory_space<semaphore_mem>>) src(%run_scoped3A_11 : memref<8x136xf32, #tpu.memory_space<vmem>>) dst(%dma_wait3A_435 : memref<8x136xf32, #tpu.memory_space<vmem_shared>>)
        tpu.yield
      }) : () -> ()
      %mul3A_113 = arith.constant 640 : i32
      %mul3A_114 = arith.muli %arg1, %mul3A_113 : i32
      %add3A_115 = arith.constant 168 : i32
      %add3A_116 = arith.addi %mul3A_114, %add3A_115 : i32
      "tpu.region"() ({
        %run_scoped3A_427 = tpu.sem_alloc : memref<!tpu.dma_semaphore, #tpu.memory_space<semaphore_mem>>
        %dma_start3A_428 = arith.constant 0 : i32
        %dma_start3A_429 = tpu.memref_slice %arg7[%add3A_116, %dma_start3A_428] : memref<10240x136xf32, #tpu.memory_space<vmem_shared>> -> memref<8x136xf32, #tpu.memory_space<vmem_shared>>
        %dma_start3A_430 = arith.constant 0 : i32
        %dma_start3A_431 = tpu.memref_slice %arg7[%add3A_116, %dma_start3A_430] : memref<10240x136xf32, #tpu.memory_space<vmem_shared>> -> memref<8x136xf32, #tpu.memory_space<vmem_shared>>
        tpu.enqueue_dma source(%run_scoped3A_11 : memref<8x136xf32, #tpu.memory_space<vmem>>) target(%dma_start3A_431 : memref<8x136xf32, #tpu.memory_space<vmem_shared>>) target_semaphore(%run_scoped3A_427 : memref<!tpu.dma_semaphore, #tpu.memory_space<semaphore_mem>>)
        %dma_wait3A_432 = arith.constant 0 : i32
        %dma_wait3A_433 = tpu.memref_slice %arg7[%add3A_116, %dma_wait3A_432] : memref<10240x136xf32, #tpu.memory_space<vmem_shared>> -> memref<8x136xf32, #tpu.memory_space<vmem_shared>>
        %dma_wait3A_434 = arith.constant 0 : i32
        %dma_wait3A_435 = tpu.memref_slice %arg7[%add3A_116, %dma_wait3A_434] : memref<10240x136xf32, #tpu.memory_space<vmem_shared>> -> memref<8x136xf32, #tpu.memory_space<vmem_shared>>
        tpu.wait_dma2 semaphore(%run_scoped3A_427 : memref<!tpu.dma_semaphore, #tpu.memory_space<semaphore_mem>>) src(%run_scoped3A_11 : memref<8x136xf32, #tpu.memory_space<vmem>>) dst(%dma_wait3A_435 : memref<8x136xf32, #tpu.memory_space<vmem_shared>>)
        tpu.yield
      }) : () -> ()
      %mul3A_117 = arith.constant 640 : i32
      %mul3A_118 = arith.muli %arg1, %mul3A_117 : i32
      %add3A_119 = arith.constant 176 : i32
      %add3A_120 = arith.addi %mul3A_118, %add3A_119 : i32
      "tpu.region"() ({
        %run_scoped3A_427 = tpu.sem_alloc : memref<!tpu.dma_semaphore, #tpu.memory_space<semaphore_mem>>
        %dma_start3A_428 = arith.constant 0 : i32
        %dma_start3A_429 = tpu.memref_slice %arg7[%add3A_120, %dma_start3A_428] : memref<10240x136xf32, #tpu.memory_space<vmem_shared>> -> memref<8x136xf32, #tpu.memory_space<vmem_shared>>
        %dma_start3A_430 = arith.constant 0 : i32
        %dma_start3A_431 = tpu.memref_slice %arg7[%add3A_120, %dma_start3A_430] : memref<10240x136xf32, #tpu.memory_space<vmem_shared>> -> memref<8x136xf32, #tpu.memory_space<vmem_shared>>
        tpu.enqueue_dma source(%run_scoped3A_11 : memref<8x136xf32, #tpu.memory_space<vmem>>) target(%dma_start3A_431 : memref<8x136xf32, #tpu.memory_space<vmem_shared>>) target_semaphore(%run_scoped3A_427 : memref<!tpu.dma_semaphore, #tpu.memory_space<semaphore_mem>>)
        %dma_wait3A_432 = arith.constant 0 : i32
        %dma_wait3A_433 = tpu.memref_slice %arg7[%add3A_120, %dma_wait3A_432] : memref<10240x136xf32, #tpu.memory_space<vmem_shared>> -> memref<8x136xf32, #tpu.memory_space<vmem_shared>>
        %dma_wait3A_434 = arith.constant 0 : i32
        %dma_wait3A_435 = tpu.memref_slice %arg7[%add3A_120, %dma_wait3A_434] : memref<10240x136xf32, #tpu.memory_space<vmem_shared>> -> memref<8x136xf32, #tpu.memory_space<vmem_shared>>
        tpu.wait_dma2 semaphore(%run_scoped3A_427 : memref<!tpu.dma_semaphore, #tpu.memory_space<semaphore_mem>>) src(%run_scoped3A_11 : memref<8x136xf32, #tpu.memory_space<vmem>>) dst(%dma_wait3A_435 : memref<8x136xf32, #tpu.memory_space<vmem_shared>>)
        tpu.yield
      }) : () -> ()
      %mul3A_121 = arith.constant 640 : i32
      %mul3A_122 = arith.muli %arg1, %mul3A_121 : i32
      %add3A_123 = arith.constant 184 : i32
      %add3A_124 = arith.addi %mul3A_122, %add3A_123 : i32
      "tpu.region"() ({
        %run_scoped3A_427 = tpu.sem_alloc : memref<!tpu.dma_semaphore, #tpu.memory_space<semaphore_mem>>
        %dma_start3A_428 = arith.constant 0 : i32
        %dma_start3A_429 = tpu.memref_slice %arg7[%add3A_124, %dma_start3A_428] : memref<10240x136xf32, #tpu.memory_space<vmem_shared>> -> memref<8x136xf32, #tpu.memory_space<vmem_shared>>
        %dma_start3A_430 = arith.constant 0 : i32
        %dma_start3A_431 = tpu.memref_slice %arg7[%add3A_124, %dma_start3A_430] : memref<10240x136xf32, #tpu.memory_space<vmem_shared>> -> memref<8x136xf32, #tpu.memory_space<vmem_shared>>
        tpu.enqueue_dma source(%run_scoped3A_11 : memref<8x136xf32, #tpu.memory_space<vmem>>) target(%dma_start3A_431 : memref<8x136xf32, #tpu.memory_space<vmem_shared>>) target_semaphore(%run_scoped3A_427 : memref<!tpu.dma_semaphore, #tpu.memory_space<semaphore_mem>>)
        %dma_wait3A_432 = arith.constant 0 : i32
        %dma_wait3A_433 = tpu.memref_slice %arg7[%add3A_124, %dma_wait3A_432] : memref<10240x136xf32, #tpu.memory_space<vmem_shared>> -> memref<8x136xf32, #tpu.memory_space<vmem_shared>>
        %dma_wait3A_434 = arith.constant 0 : i32
        %dma_wait3A_435 = tpu.memref_slice %arg7[%add3A_124, %dma_wait3A_434] : memref<10240x136xf32, #tpu.memory_space<vmem_shared>> -> memref<8x136xf32, #tpu.memory_space<vmem_shared>>
        tpu.wait_dma2 semaphore(%run_scoped3A_427 : memref<!tpu.dma_semaphore, #tpu.memory_space<semaphore_mem>>) src(%run_scoped3A_11 : memref<8x136xf32, #tpu.memory_space<vmem>>) dst(%dma_wait3A_435 : memref<8x136xf32, #tpu.memory_space<vmem_shared>>)
        tpu.yield
      }) : () -> ()
      %mul3A_125 = arith.constant 640 : i32
      %mul3A_126 = arith.muli %arg1, %mul3A_125 : i32
      %add3A_127 = arith.constant 192 : i32
      %add3A_128 = arith.addi %mul3A_126, %add3A_127 : i32
      "tpu.region"() ({
        %run_scoped3A_427 = tpu.sem_alloc : memref<!tpu.dma_semaphore, #tpu.memory_space<semaphore_mem>>
        %dma_start3A_428 = arith.constant 0 : i32
        %dma_start3A_429 = tpu.memref_slice %arg7[%add3A_128, %dma_start3A_428] : memref<10240x136xf32, #tpu.memory_space<vmem_shared>> -> memref<8x136xf32, #tpu.memory_space<vmem_shared>>
        %dma_start3A_430 = arith.constant 0 : i32
        %dma_start3A_431 = tpu.memref_slice %arg7[%add3A_128, %dma_start3A_430] : memref<10240x136xf32, #tpu.memory_space<vmem_shared>> -> memref<8x136xf32, #tpu.memory_space<vmem_shared>>
        tpu.enqueue_dma source(%run_scoped3A_11 : memref<8x136xf32, #tpu.memory_space<vmem>>) target(%dma_start3A_431 : memref<8x136xf32, #tpu.memory_space<vmem_shared>>) target_semaphore(%run_scoped3A_427 : memref<!tpu.dma_semaphore, #tpu.memory_space<semaphore_mem>>)
        %dma_wait3A_432 = arith.constant 0 : i32
        %dma_wait3A_433 = tpu.memref_slice %arg7[%add3A_128, %dma_wait3A_432] : memref<10240x136xf32, #tpu.memory_space<vmem_shared>> -> memref<8x136xf32, #tpu.memory_space<vmem_shared>>
        %dma_wait3A_434 = arith.constant 0 : i32
        %dma_wait3A_435 = tpu.memref_slice %arg7[%add3A_128, %dma_wait3A_434] : memref<10240x136xf32, #tpu.memory_space<vmem_shared>> -> memref<8x136xf32, #tpu.memory_space<vmem_shared>>
        tpu.wait_dma2 semaphore(%run_scoped3A_427 : memref<!tpu.dma_semaphore, #tpu.memory_space<semaphore_mem>>) src(%run_scoped3A_11 : memref<8x136xf32, #tpu.memory_space<vmem>>) dst(%dma_wait3A_435 : memref<8x136xf32, #tpu.memory_space<vmem_shared>>)
        tpu.yield
      }) : () -> ()
      %mul3A_129 = arith.constant 640 : i32
      %mul3A_130 = arith.muli %arg1, %mul3A_129 : i32
      %add3A_131 = arith.constant 200 : i32
      %add3A_132 = arith.addi %mul3A_130, %add3A_131 : i32
      "tpu.region"() ({
        %run_scoped3A_427 = tpu.sem_alloc : memref<!tpu.dma_semaphore, #tpu.memory_space<semaphore_mem>>
        %dma_start3A_428 = arith.constant 0 : i32
        %dma_start3A_429 = tpu.memref_slice %arg7[%add3A_132, %dma_start3A_428] : memref<10240x136xf32, #tpu.memory_space<vmem_shared>> -> memref<8x136xf32, #tpu.memory_space<vmem_shared>>
        %dma_start3A_430 = arith.constant 0 : i32
        %dma_start3A_431 = tpu.memref_slice %arg7[%add3A_132, %dma_start3A_430] : memref<10240x136xf32, #tpu.memory_space<vmem_shared>> -> memref<8x136xf32, #tpu.memory_space<vmem_shared>>
        tpu.enqueue_dma source(%run_scoped3A_11 : memref<8x136xf32, #tpu.memory_space<vmem>>) target(%dma_start3A_431 : memref<8x136xf32, #tpu.memory_space<vmem_shared>>) target_semaphore(%run_scoped3A_427 : memref<!tpu.dma_semaphore, #tpu.memory_space<semaphore_mem>>)
        %dma_wait3A_432 = arith.constant 0 : i32
        %dma_wait3A_433 = tpu.memref_slice %arg7[%add3A_132, %dma_wait3A_432] : memref<10240x136xf32, #tpu.memory_space<vmem_shared>> -> memref<8x136xf32, #tpu.memory_space<vmem_shared>>
        %dma_wait3A_434 = arith.constant 0 : i32
        %dma_wait3A_435 = tpu.memref_slice %arg7[%add3A_132, %dma_wait3A_434] : memref<10240x136xf32, #tpu.memory_space<vmem_shared>> -> memref<8x136xf32, #tpu.memory_space<vmem_shared>>
        tpu.wait_dma2 semaphore(%run_scoped3A_427 : memref<!tpu.dma_semaphore, #tpu.memory_space<semaphore_mem>>) src(%run_scoped3A_11 : memref<8x136xf32, #tpu.memory_space<vmem>>) dst(%dma_wait3A_435 : memref<8x136xf32, #tpu.memory_space<vmem_shared>>)
        tpu.yield
      }) : () -> ()
      %mul3A_133 = arith.constant 640 : i32
      %mul3A_134 = arith.muli %arg1, %mul3A_133 : i32
      %add3A_135 = arith.constant 208 : i32
      %add3A_136 = arith.addi %mul3A_134, %add3A_135 : i32
      "tpu.region"() ({
        %run_scoped3A_427 = tpu.sem_alloc : memref<!tpu.dma_semaphore, #tpu.memory_space<semaphore_mem>>
        %dma_start3A_428 = arith.constant 0 : i32
        %dma_start3A_429 = tpu.memref_slice %arg7[%add3A_136, %dma_start3A_428] : memref<10240x136xf32, #tpu.memory_space<vmem_shared>> -> memref<8x136xf32, #tpu.memory_space<vmem_shared>>
        %dma_start3A_430 = arith.constant 0 : i32
        %dma_start3A_431 = tpu.memref_slice %arg7[%add3A_136, %dma_start3A_430] : memref<10240x136xf32, #tpu.memory_space<vmem_shared>> -> memref<8x136xf32, #tpu.memory_space<vmem_shared>>
        tpu.enqueue_dma source(%run_scoped3A_11 : memref<8x136xf32, #tpu.memory_space<vmem>>) target(%dma_start3A_431 : memref<8x136xf32, #tpu.memory_space<vmem_shared>>) target_semaphore(%run_scoped3A_427 : memref<!tpu.dma_semaphore, #tpu.memory_space<semaphore_mem>>)
        %dma_wait3A_432 = arith.constant 0 : i32
        %dma_wait3A_433 = tpu.memref_slice %arg7[%add3A_136, %dma_wait3A_432] : memref<10240x136xf32, #tpu.memory_space<vmem_shared>> -> memref<8x136xf32, #tpu.memory_space<vmem_shared>>
        %dma_wait3A_434 = arith.constant 0 : i32
        %dma_wait3A_435 = tpu.memref_slice %arg7[%add3A_136, %dma_wait3A_434] : memref<10240x136xf32, #tpu.memory_space<vmem_shared>> -> memref<8x136xf32, #tpu.memory_space<vmem_shared>>
        tpu.wait_dma2 semaphore(%run_scoped3A_427 : memref<!tpu.dma_semaphore, #tpu.memory_space<semaphore_mem>>) src(%run_scoped3A_11 : memref<8x136xf32, #tpu.memory_space<vmem>>) dst(%dma_wait3A_435 : memref<8x136xf32, #tpu.memory_space<vmem_shared>>)
        tpu.yield
      }) : () -> ()
      %mul3A_137 = arith.constant 640 : i32
      %mul3A_138 = arith.muli %arg1, %mul3A_137 : i32
      %add3A_139 = arith.constant 216 : i32
      %add3A_140 = arith.addi %mul3A_138, %add3A_139 : i32
      "tpu.region"() ({
        %run_scoped3A_427 = tpu.sem_alloc : memref<!tpu.dma_semaphore, #tpu.memory_space<semaphore_mem>>
        %dma_start3A_428 = arith.constant 0 : i32
        %dma_start3A_429 = tpu.memref_slice %arg7[%add3A_140, %dma_start3A_428] : memref<10240x136xf32, #tpu.memory_space<vmem_shared>> -> memref<8x136xf32, #tpu.memory_space<vmem_shared>>
        %dma_start3A_430 = arith.constant 0 : i32
        %dma_start3A_431 = tpu.memref_slice %arg7[%add3A_140, %dma_start3A_430] : memref<10240x136xf32, #tpu.memory_space<vmem_shared>> -> memref<8x136xf32, #tpu.memory_space<vmem_shared>>
        tpu.enqueue_dma source(%run_scoped3A_11 : memref<8x136xf32, #tpu.memory_space<vmem>>) target(%dma_start3A_431 : memref<8x136xf32, #tpu.memory_space<vmem_shared>>) target_semaphore(%run_scoped3A_427 : memref<!tpu.dma_semaphore, #tpu.memory_space<semaphore_mem>>)
        %dma_wait3A_432 = arith.constant 0 : i32
        %dma_wait3A_433 = tpu.memref_slice %arg7[%add3A_140, %dma_wait3A_432] : memref<10240x136xf32, #tpu.memory_space<vmem_shared>> -> memref<8x136xf32, #tpu.memory_space<vmem_shared>>
        %dma_wait3A_434 = arith.constant 0 : i32
        %dma_wait3A_435 = tpu.memref_slice %arg7[%add3A_140, %dma_wait3A_434] : memref<10240x136xf32, #tpu.memory_space<vmem_shared>> -> memref<8x136xf32, #tpu.memory_space<vmem_shared>>
        tpu.wait_dma2 semaphore(%run_scoped3A_427 : memref<!tpu.dma_semaphore, #tpu.memory_space<semaphore_mem>>) src(%run_scoped3A_11 : memref<8x136xf32, #tpu.memory_space<vmem>>) dst(%dma_wait3A_435 : memref<8x136xf32, #tpu.memory_space<vmem_shared>>)
        tpu.yield
      }) : () -> ()
      %mul3A_141 = arith.constant 640 : i32
      %mul3A_142 = arith.muli %arg1, %mul3A_141 : i32
      %add3A_143 = arith.constant 224 : i32
      %add3A_144 = arith.addi %mul3A_142, %add3A_143 : i32
      "tpu.region"() ({
        %run_scoped3A_427 = tpu.sem_alloc : memref<!tpu.dma_semaphore, #tpu.memory_space<semaphore_mem>>
        %dma_start3A_428 = arith.constant 0 : i32
        %dma_start3A_429 = tpu.memref_slice %arg7[%add3A_144, %dma_start3A_428] : memref<10240x136xf32, #tpu.memory_space<vmem_shared>> -> memref<8x136xf32, #tpu.memory_space<vmem_shared>>
        %dma_start3A_430 = arith.constant 0 : i32
        %dma_start3A_431 = tpu.memref_slice %arg7[%add3A_144, %dma_start3A_430] : memref<10240x136xf32, #tpu.memory_space<vmem_shared>> -> memref<8x136xf32, #tpu.memory_space<vmem_shared>>
        tpu.enqueue_dma source(%run_scoped3A_11 : memref<8x136xf32, #tpu.memory_space<vmem>>) target(%dma_start3A_431 : memref<8x136xf32, #tpu.memory_space<vmem_shared>>) target_semaphore(%run_scoped3A_427 : memref<!tpu.dma_semaphore, #tpu.memory_space<semaphore_mem>>)
        %dma_wait3A_432 = arith.constant 0 : i32
        %dma_wait3A_433 = tpu.memref_slice %arg7[%add3A_144, %dma_wait3A_432] : memref<10240x136xf32, #tpu.memory_space<vmem_shared>> -> memref<8x136xf32, #tpu.memory_space<vmem_shared>>
        %dma_wait3A_434 = arith.constant 0 : i32
        %dma_wait3A_435 = tpu.memref_slice %arg7[%add3A_144, %dma_wait3A_434] : memref<10240x136xf32, #tpu.memory_space<vmem_shared>> -> memref<8x136xf32, #tpu.memory_space<vmem_shared>>
        tpu.wait_dma2 semaphore(%run_scoped3A_427 : memref<!tpu.dma_semaphore, #tpu.memory_space<semaphore_mem>>) src(%run_scoped3A_11 : memref<8x136xf32, #tpu.memory_space<vmem>>) dst(%dma_wait3A_435 : memref<8x136xf32, #tpu.memory_space<vmem_shared>>)
        tpu.yield
      }) : () -> ()
      %mul3A_145 = arith.constant 640 : i32
      %mul3A_146 = arith.muli %arg1, %mul3A_145 : i32
      %add3A_147 = arith.constant 232 : i32
      %add3A_148 = arith.addi %mul3A_146, %add3A_147 : i32
      "tpu.region"() ({
        %run_scoped3A_427 = tpu.sem_alloc : memref<!tpu.dma_semaphore, #tpu.memory_space<semaphore_mem>>
        %dma_start3A_428 = arith.constant 0 : i32
        %dma_start3A_429 = tpu.memref_slice %arg7[%add3A_148, %dma_start3A_428] : memref<10240x136xf32, #tpu.memory_space<vmem_shared>> -> memref<8x136xf32, #tpu.memory_space<vmem_shared>>
        %dma_start3A_430 = arith.constant 0 : i32
        %dma_start3A_431 = tpu.memref_slice %arg7[%add3A_148, %dma_start3A_430] : memref<10240x136xf32, #tpu.memory_space<vmem_shared>> -> memref<8x136xf32, #tpu.memory_space<vmem_shared>>
        tpu.enqueue_dma source(%run_scoped3A_11 : memref<8x136xf32, #tpu.memory_space<vmem>>) target(%dma_start3A_431 : memref<8x136xf32, #tpu.memory_space<vmem_shared>>) target_semaphore(%run_scoped3A_427 : memref<!tpu.dma_semaphore, #tpu.memory_space<semaphore_mem>>)
        %dma_wait3A_432 = arith.constant 0 : i32
        %dma_wait3A_433 = tpu.memref_slice %arg7[%add3A_148, %dma_wait3A_432] : memref<10240x136xf32, #tpu.memory_space<vmem_shared>> -> memref<8x136xf32, #tpu.memory_space<vmem_shared>>
        %dma_wait3A_434 = arith.constant 0 : i32
        %dma_wait3A_435 = tpu.memref_slice %arg7[%add3A_148, %dma_wait3A_434] : memref<10240x136xf32, #tpu.memory_space<vmem_shared>> -> memref<8x136xf32, #tpu.memory_space<vmem_shared>>
        tpu.wait_dma2 semaphore(%run_scoped3A_427 : memref<!tpu.dma_semaphore, #tpu.memory_space<semaphore_mem>>) src(%run_scoped3A_11 : memref<8x136xf32, #tpu.memory_space<vmem>>) dst(%dma_wait3A_435 : memref<8x136xf32, #tpu.memory_space<vmem_shared>>)
        tpu.yield
      }) : () -> ()
      %mul3A_149 = arith.constant 640 : i32
      %mul3A_150 = arith.muli %arg1, %mul3A_149 : i32
      %add3A_151 = arith.constant 240 : i32
      %add3A_152 = arith.addi %mul3A_150, %add3A_151 : i32
      "tpu.region"() ({
        %run_scoped3A_427 = tpu.sem_alloc : memref<!tpu.dma_semaphore, #tpu.memory_space<semaphore_mem>>
        %dma_start3A_428 = arith.constant 0 : i32
        %dma_start3A_429 = tpu.memref_slice %arg7[%add3A_152, %dma_start3A_428] : memref<10240x136xf32, #tpu.memory_space<vmem_shared>> -> memref<8x136xf32, #tpu.memory_space<vmem_shared>>
        %dma_start3A_430 = arith.constant 0 : i32
        %dma_start3A_431 = tpu.memref_slice %arg7[%add3A_152, %dma_start3A_430] : memref<10240x136xf32, #tpu.memory_space<vmem_shared>> -> memref<8x136xf32, #tpu.memory_space<vmem_shared>>
        tpu.enqueue_dma source(%run_scoped3A_11 : memref<8x136xf32, #tpu.memory_space<vmem>>) target(%dma_start3A_431 : memref<8x136xf32, #tpu.memory_space<vmem_shared>>) target_semaphore(%run_scoped3A_427 : memref<!tpu.dma_semaphore, #tpu.memory_space<semaphore_mem>>)
        %dma_wait3A_432 = arith.constant 0 : i32
        %dma_wait3A_433 = tpu.memref_slice %arg7[%add3A_152, %dma_wait3A_432] : memref<10240x136xf32, #tpu.memory_space<vmem_shared>> -> memref<8x136xf32, #tpu.memory_space<vmem_shared>>
        %dma_wait3A_434 = arith.constant 0 : i32
        %dma_wait3A_435 = tpu.memref_slice %arg7[%add3A_152, %dma_wait3A_434] : memref<10240x136xf32, #tpu.memory_space<vmem_shared>> -> memref<8x136xf32, #tpu.memory_space<vmem_shared>>
        tpu.wait_dma2 semaphore(%run_scoped3A_427 : memref<!tpu.dma_semaphore, #tpu.memory_space<semaphore_mem>>) src(%run_scoped3A_11 : memref<8x136xf32, #tpu.memory_space<vmem>>) dst(%dma_wait3A_435 : memref<8x136xf32, #tpu.memory_space<vmem_shared>>)
        tpu.yield
      }) : () -> ()
      %mul3A_153 = arith.constant 640 : i32
      %mul3A_154 = arith.muli %arg1, %mul3A_153 : i32
      %add3A_155 = arith.constant 248 : i32
      %add3A_156 = arith.addi %mul3A_154, %add3A_155 : i32
      "tpu.region"() ({
        %run_scoped3A_427 = tpu.sem_alloc : memref<!tpu.dma_semaphore, #tpu.memory_space<semaphore_mem>>
        %dma_start3A_428 = arith.constant 0 : i32
        %dma_start3A_429 = tpu.memref_slice %arg7[%add3A_156, %dma_start3A_428] : memref<10240x136xf32, #tpu.memory_space<vmem_shared>> -> memref<8x136xf32, #tpu.memory_space<vmem_shared>>
        %dma_start3A_430 = arith.constant 0 : i32
        %dma_start3A_431 = tpu.memref_slice %arg7[%add3A_156, %dma_start3A_430] : memref<10240x136xf32, #tpu.memory_space<vmem_shared>> -> memref<8x136xf32, #tpu.memory_space<vmem_shared>>
        tpu.enqueue_dma source(%run_scoped3A_11 : memref<8x136xf32, #tpu.memory_space<vmem>>) target(%dma_start3A_431 : memref<8x136xf32, #tpu.memory_space<vmem_shared>>) target_semaphore(%run_scoped3A_427 : memref<!tpu.dma_semaphore, #tpu.memory_space<semaphore_mem>>)
        %dma_wait3A_432 = arith.constant 0 : i32
        %dma_wait3A_433 = tpu.memref_slice %arg7[%add3A_156, %dma_wait3A_432] : memref<10240x136xf32, #tpu.memory_space<vmem_shared>> -> memref<8x136xf32, #tpu.memory_space<vmem_shared>>
        %dma_wait3A_434 = arith.constant 0 : i32
        %dma_wait3A_435 = tpu.memref_slice %arg7[%add3A_156, %dma_wait3A_434] : memref<10240x136xf32, #tpu.memory_space<vmem_shared>> -> memref<8x136xf32, #tpu.memory_space<vmem_shared>>
        tpu.wait_dma2 semaphore(%run_scoped3A_427 : memref<!tpu.dma_semaphore, #tpu.memory_space<semaphore_mem>>) src(%run_scoped3A_11 : memref<8x136xf32, #tpu.memory_space<vmem>>) dst(%dma_wait3A_435 : memref<8x136xf32, #tpu.memory_space<vmem_shared>>)
        tpu.yield
      }) : () -> ()
      %mul3A_157 = arith.constant 640 : i32
      %mul3A_158 = arith.muli %arg1, %mul3A_157 : i32
      %add3A_159 = arith.constant 256 : i32
      %add3A_160 = arith.addi %mul3A_158, %add3A_159 : i32
      "tpu.region"() ({
        %run_scoped3A_427 = tpu.sem_alloc : memref<!tpu.dma_semaphore, #tpu.memory_space<semaphore_mem>>
        %dma_start3A_428 = arith.constant 0 : i32
        %dma_start3A_429 = tpu.memref_slice %arg7[%add3A_160, %dma_start3A_428] : memref<10240x136xf32, #tpu.memory_space<vmem_shared>> -> memref<8x136xf32, #tpu.memory_space<vmem_shared>>
        %dma_start3A_430 = arith.constant 0 : i32
        %dma_start3A_431 = tpu.memref_slice %arg7[%add3A_160, %dma_start3A_430] : memref<10240x136xf32, #tpu.memory_space<vmem_shared>> -> memref<8x136xf32, #tpu.memory_space<vmem_shared>>
        tpu.enqueue_dma source(%run_scoped3A_11 : memref<8x136xf32, #tpu.memory_space<vmem>>) target(%dma_start3A_431 : memref<8x136xf32, #tpu.memory_space<vmem_shared>>) target_semaphore(%run_scoped3A_427 : memref<!tpu.dma_semaphore, #tpu.memory_space<semaphore_mem>>)
        %dma_wait3A_432 = arith.constant 0 : i32
        %dma_wait3A_433 = tpu.memref_slice %arg7[%add3A_160, %dma_wait3A_432] : memref<10240x136xf32, #tpu.memory_space<vmem_shared>> -> memref<8x136xf32, #tpu.memory_space<vmem_shared>>
        %dma_wait3A_434 = arith.constant 0 : i32
        %dma_wait3A_435 = tpu.memref_slice %arg7[%add3A_160, %dma_wait3A_434] : memref<10240x136xf32, #tpu.memory_space<vmem_shared>> -> memref<8x136xf32, #tpu.memory_space<vmem_shared>>
        tpu.wait_dma2 semaphore(%run_scoped3A_427 : memref<!tpu.dma_semaphore, #tpu.memory_space<semaphore_mem>>) src(%run_scoped3A_11 : memref<8x136xf32, #tpu.memory_space<vmem>>) dst(%dma_wait3A_435 : memref<8x136xf32, #tpu.memory_space<vmem_shared>>)
        tpu.yield
      }) : () -> ()
      %mul3A_161 = arith.constant 640 : i32
      %mul3A_162 = arith.muli %arg1, %mul3A_161 : i32
      %add3A_163 = arith.constant 264 : i32
      %add3A_164 = arith.addi %mul3A_162, %add3A_163 : i32
      "tpu.region"() ({
        %run_scoped3A_427 = tpu.sem_alloc : memref<!tpu.dma_semaphore, #tpu.memory_space<semaphore_mem>>
        %dma_start3A_428 = arith.constant 0 : i32
        %dma_start3A_429 = tpu.memref_slice %arg7[%add3A_164, %dma_start3A_428] : memref<10240x136xf32, #tpu.memory_space<vmem_shared>> -> memref<8x136xf32, #tpu.memory_space<vmem_shared>>
        %dma_start3A_430 = arith.constant 0 : i32
        %dma_start3A_431 = tpu.memref_slice %arg7[%add3A_164, %dma_start3A_430] : memref<10240x136xf32, #tpu.memory_space<vmem_shared>> -> memref<8x136xf32, #tpu.memory_space<vmem_shared>>
        tpu.enqueue_dma source(%run_scoped3A_11 : memref<8x136xf32, #tpu.memory_space<vmem>>) target(%dma_start3A_431 : memref<8x136xf32, #tpu.memory_space<vmem_shared>>) target_semaphore(%run_scoped3A_427 : memref<!tpu.dma_semaphore, #tpu.memory_space<semaphore_mem>>)
        %dma_wait3A_432 = arith.constant 0 : i32
        %dma_wait3A_433 = tpu.memref_slice %arg7[%add3A_164, %dma_wait3A_432] : memref<10240x136xf32, #tpu.memory_space<vmem_shared>> -> memref<8x136xf32, #tpu.memory_space<vmem_shared>>
        %dma_wait3A_434 = arith.constant 0 : i32
        %dma_wait3A_435 = tpu.memref_slice %arg7[%add3A_164, %dma_wait3A_434] : memref<10240x136xf32, #tpu.memory_space<vmem_shared>> -> memref<8x136xf32, #tpu.memory_space<vmem_shared>>
        tpu.wait_dma2 semaphore(%run_scoped3A_427 : memref<!tpu.dma_semaphore, #tpu.memory_space<semaphore_mem>>) src(%run_scoped3A_11 : memref<8x136xf32, #tpu.memory_space<vmem>>) dst(%dma_wait3A_435 : memref<8x136xf32, #tpu.memory_space<vmem_shared>>)
        tpu.yield
      }) : () -> ()
      %mul3A_165 = arith.constant 640 : i32
      %mul3A_166 = arith.muli %arg1, %mul3A_165 : i32
      %add3A_167 = arith.constant 272 : i32
      %add3A_168 = arith.addi %mul3A_166, %add3A_167 : i32
      "tpu.region"() ({
        %run_scoped3A_427 = tpu.sem_alloc : memref<!tpu.dma_semaphore, #tpu.memory_space<semaphore_mem>>
        %dma_start3A_428 = arith.constant 0 : i32
        %dma_start3A_429 = tpu.memref_slice %arg7[%add3A_168, %dma_start3A_428] : memref<10240x136xf32, #tpu.memory_space<vmem_shared>> -> memref<8x136xf32, #tpu.memory_space<vmem_shared>>
        %dma_start3A_430 = arith.constant 0 : i32
        %dma_start3A_431 = tpu.memref_slice %arg7[%add3A_168, %dma_start3A_430] : memref<10240x136xf32, #tpu.memory_space<vmem_shared>> -> memref<8x136xf32, #tpu.memory_space<vmem_shared>>
        tpu.enqueue_dma source(%run_scoped3A_11 : memref<8x136xf32, #tpu.memory_space<vmem>>) target(%dma_start3A_431 : memref<8x136xf32, #tpu.memory_space<vmem_shared>>) target_semaphore(%run_scoped3A_427 : memref<!tpu.dma_semaphore, #tpu.memory_space<semaphore_mem>>)
        %dma_wait3A_432 = arith.constant 0 : i32
        %dma_wait3A_433 = tpu.memref_slice %arg7[%add3A_168, %dma_wait3A_432] : memref<10240x136xf32, #tpu.memory_space<vmem_shared>> -> memref<8x136xf32, #tpu.memory_space<vmem_shared>>
        %dma_wait3A_434 = arith.constant 0 : i32
        %dma_wait3A_435 = tpu.memref_slice %arg7[%add3A_168, %dma_wait3A_434] : memref<10240x136xf32, #tpu.memory_space<vmem_shared>> -> memref<8x136xf32, #tpu.memory_space<vmem_shared>>
        tpu.wait_dma2 semaphore(%run_scoped3A_427 : memref<!tpu.dma_semaphore, #tpu.memory_space<semaphore_mem>>) src(%run_scoped3A_11 : memref<8x136xf32, #tpu.memory_space<vmem>>) dst(%dma_wait3A_435 : memref<8x136xf32, #tpu.memory_space<vmem_shared>>)
        tpu.yield
      }) : () -> ()
      %mul3A_169 = arith.constant 640 : i32
      %mul3A_170 = arith.muli %arg1, %mul3A_169 : i32
      %add3A_171 = arith.constant 280 : i32
      %add3A_172 = arith.addi %mul3A_170, %add3A_171 : i32
      "tpu.region"() ({
        %run_scoped3A_427 = tpu.sem_alloc : memref<!tpu.dma_semaphore, #tpu.memory_space<semaphore_mem>>
        %dma_start3A_428 = arith.constant 0 : i32
        %dma_start3A_429 = tpu.memref_slice %arg7[%add3A_172, %dma_start3A_428] : memref<10240x136xf32, #tpu.memory_space<vmem_shared>> -> memref<8x136xf32, #tpu.memory_space<vmem_shared>>
        %dma_start3A_430 = arith.constant 0 : i32
        %dma_start3A_431 = tpu.memref_slice %arg7[%add3A_172, %dma_start3A_430] : memref<10240x136xf32, #tpu.memory_space<vmem_shared>> -> memref<8x136xf32, #tpu.memory_space<vmem_shared>>
        tpu.enqueue_dma source(%run_scoped3A_11 : memref<8x136xf32, #tpu.memory_space<vmem>>) target(%dma_start3A_431 : memref<8x136xf32, #tpu.memory_space<vmem_shared>>) target_semaphore(%run_scoped3A_427 : memref<!tpu.dma_semaphore, #tpu.memory_space<semaphore_mem>>)
        %dma_wait3A_432 = arith.constant 0 : i32
        %dma_wait3A_433 = tpu.memref_slice %arg7[%add3A_172, %dma_wait3A_432] : memref<10240x136xf32, #tpu.memory_space<vmem_shared>> -> memref<8x136xf32, #tpu.memory_space<vmem_shared>>
        %dma_wait3A_434 = arith.constant 0 : i32
        %dma_wait3A_435 = tpu.memref_slice %arg7[%add3A_172, %dma_wait3A_434] : memref<10240x136xf32, #tpu.memory_space<vmem_shared>> -> memref<8x136xf32, #tpu.memory_space<vmem_shared>>
        tpu.wait_dma2 semaphore(%run_scoped3A_427 : memref<!tpu.dma_semaphore, #tpu.memory_space<semaphore_mem>>) src(%run_scoped3A_11 : memref<8x136xf32, #tpu.memory_space<vmem>>) dst(%dma_wait3A_435 : memref<8x136xf32, #tpu.memory_space<vmem_shared>>)
        tpu.yield
      }) : () -> ()
      %mul3A_173 = arith.constant 640 : i32
      %mul3A_174 = arith.muli %arg1, %mul3A_173 : i32
      %add3A_175 = arith.constant 288 : i32
      %add3A_176 = arith.addi %mul3A_174, %add3A_175 : i32
      "tpu.region"() ({
        %run_scoped3A_427 = tpu.sem_alloc : memref<!tpu.dma_semaphore, #tpu.memory_space<semaphore_mem>>
        %dma_start3A_428 = arith.constant 0 : i32
        %dma_start3A_429 = tpu.memref_slice %arg7[%add3A_176, %dma_start3A_428] : memref<10240x136xf32, #tpu.memory_space<vmem_shared>> -> memref<8x136xf32, #tpu.memory_space<vmem_shared>>
        %dma_start3A_430 = arith.constant 0 : i32
        %dma_start3A_431 = tpu.memref_slice %arg7[%add3A_176, %dma_start3A_430] : memref<10240x136xf32, #tpu.memory_space<vmem_shared>> -> memref<8x136xf32, #tpu.memory_space<vmem_shared>>
        tpu.enqueue_dma source(%run_scoped3A_11 : memref<8x136xf32, #tpu.memory_space<vmem>>) target(%dma_start3A_431 : memref<8x136xf32, #tpu.memory_space<vmem_shared>>) target_semaphore(%run_scoped3A_427 : memref<!tpu.dma_semaphore, #tpu.memory_space<semaphore_mem>>)
        %dma_wait3A_432 = arith.constant 0 : i32
        %dma_wait3A_433 = tpu.memref_slice %arg7[%add3A_176, %dma_wait3A_432] : memref<10240x136xf32, #tpu.memory_space<vmem_shared>> -> memref<8x136xf32, #tpu.memory_space<vmem_shared>>
        %dma_wait3A_434 = arith.constant 0 : i32
        %dma_wait3A_435 = tpu.memref_slice %arg7[%add3A_176, %dma_wait3A_434] : memref<10240x136xf32, #tpu.memory_space<vmem_shared>> -> memref<8x136xf32, #tpu.memory_space<vmem_shared>>
        tpu.wait_dma2 semaphore(%run_scoped3A_427 : memref<!tpu.dma_semaphore, #tpu.memory_space<semaphore_mem>>) src(%run_scoped3A_11 : memref<8x136xf32, #tpu.memory_space<vmem>>) dst(%dma_wait3A_435 : memref<8x136xf32, #tpu.memory_space<vmem_shared>>)
        tpu.yield
      }) : () -> ()
      %mul3A_177 = arith.constant 640 : i32
      %mul3A_178 = arith.muli %arg1, %mul3A_177 : i32
      %add3A_179 = arith.constant 296 : i32
      %add3A_180 = arith.addi %mul3A_178, %add3A_179 : i32
      "tpu.region"() ({
        %run_scoped3A_427 = tpu.sem_alloc : memref<!tpu.dma_semaphore, #tpu.memory_space<semaphore_mem>>
        %dma_start3A_428 = arith.constant 0 : i32
        %dma_start3A_429 = tpu.memref_slice %arg7[%add3A_180, %dma_start3A_428] : memref<10240x136xf32, #tpu.memory_space<vmem_shared>> -> memref<8x136xf32, #tpu.memory_space<vmem_shared>>
        %dma_start3A_430 = arith.constant 0 : i32
        %dma_start3A_431 = tpu.memref_slice %arg7[%add3A_180, %dma_start3A_430] : memref<10240x136xf32, #tpu.memory_space<vmem_shared>> -> memref<8x136xf32, #tpu.memory_space<vmem_shared>>
        tpu.enqueue_dma source(%run_scoped3A_11 : memref<8x136xf32, #tpu.memory_space<vmem>>) target(%dma_start3A_431 : memref<8x136xf32, #tpu.memory_space<vmem_shared>>) target_semaphore(%run_scoped3A_427 : memref<!tpu.dma_semaphore, #tpu.memory_space<semaphore_mem>>)
        %dma_wait3A_432 = arith.constant 0 : i32
        %dma_wait3A_433 = tpu.memref_slice %arg7[%add3A_180, %dma_wait3A_432] : memref<10240x136xf32, #tpu.memory_space<vmem_shared>> -> memref<8x136xf32, #tpu.memory_space<vmem_shared>>
        %dma_wait3A_434 = arith.constant 0 : i32
        %dma_wait3A_435 = tpu.memref_slice %arg7[%add3A_180, %dma_wait3A_434] : memref<10240x136xf32, #tpu.memory_space<vmem_shared>> -> memref<8x136xf32, #tpu.memory_space<vmem_shared>>
        tpu.wait_dma2 semaphore(%run_scoped3A_427 : memref<!tpu.dma_semaphore, #tpu.memory_space<semaphore_mem>>) src(%run_scoped3A_11 : memref<8x136xf32, #tpu.memory_space<vmem>>) dst(%dma_wait3A_435 : memref<8x136xf32, #tpu.memory_space<vmem_shared>>)
        tpu.yield
      }) : () -> ()
      %mul3A_181 = arith.constant 640 : i32
      %mul3A_182 = arith.muli %arg1, %mul3A_181 : i32
      %add3A_183 = arith.constant 304 : i32
      %add3A_184 = arith.addi %mul3A_182, %add3A_183 : i32
      "tpu.region"() ({
        %run_scoped3A_427 = tpu.sem_alloc : memref<!tpu.dma_semaphore, #tpu.memory_space<semaphore_mem>>
        %dma_start3A_428 = arith.constant 0 : i32
        %dma_start3A_429 = tpu.memref_slice %arg7[%add3A_184, %dma_start3A_428] : memref<10240x136xf32, #tpu.memory_space<vmem_shared>> -> memref<8x136xf32, #tpu.memory_space<vmem_shared>>
        %dma_start3A_430 = arith.constant 0 : i32
        %dma_start3A_431 = tpu.memref_slice %arg7[%add3A_184, %dma_start3A_430] : memref<10240x136xf32, #tpu.memory_space<vmem_shared>> -> memref<8x136xf32, #tpu.memory_space<vmem_shared>>
        tpu.enqueue_dma source(%run_scoped3A_11 : memref<8x136xf32, #tpu.memory_space<vmem>>) target(%dma_start3A_431 : memref<8x136xf32, #tpu.memory_space<vmem_shared>>) target_semaphore(%run_scoped3A_427 : memref<!tpu.dma_semaphore, #tpu.memory_space<semaphore_mem>>)
        %dma_wait3A_432 = arith.constant 0 : i32
        %dma_wait3A_433 = tpu.memref_slice %arg7[%add3A_184, %dma_wait3A_432] : memref<10240x136xf32, #tpu.memory_space<vmem_shared>> -> memref<8x136xf32, #tpu.memory_space<vmem_shared>>
        %dma_wait3A_434 = arith.constant 0 : i32
        %dma_wait3A_435 = tpu.memref_slice %arg7[%add3A_184, %dma_wait3A_434] : memref<10240x136xf32, #tpu.memory_space<vmem_shared>> -> memref<8x136xf32, #tpu.memory_space<vmem_shared>>
        tpu.wait_dma2 semaphore(%run_scoped3A_427 : memref<!tpu.dma_semaphore, #tpu.memory_space<semaphore_mem>>) src(%run_scoped3A_11 : memref<8x136xf32, #tpu.memory_space<vmem>>) dst(%dma_wait3A_435 : memref<8x136xf32, #tpu.memory_space<vmem_shared>>)
        tpu.yield
      }) : () -> ()
      %mul3A_185 = arith.constant 640 : i32
      %mul3A_186 = arith.muli %arg1, %mul3A_185 : i32
      %add3A_187 = arith.constant 312 : i32
      %add3A_188 = arith.addi %mul3A_186, %add3A_187 : i32
      "tpu.region"() ({
        %run_scoped3A_427 = tpu.sem_alloc : memref<!tpu.dma_semaphore, #tpu.memory_space<semaphore_mem>>
        %dma_start3A_428 = arith.constant 0 : i32
        %dma_start3A_429 = tpu.memref_slice %arg7[%add3A_188, %dma_start3A_428] : memref<10240x136xf32, #tpu.memory_space<vmem_shared>> -> memref<8x136xf32, #tpu.memory_space<vmem_shared>>
        %dma_start3A_430 = arith.constant 0 : i32
        %dma_start3A_431 = tpu.memref_slice %arg7[%add3A_188, %dma_start3A_430] : memref<10240x136xf32, #tpu.memory_space<vmem_shared>> -> memref<8x136xf32, #tpu.memory_space<vmem_shared>>
        tpu.enqueue_dma source(%run_scoped3A_11 : memref<8x136xf32, #tpu.memory_space<vmem>>) target(%dma_start3A_431 : memref<8x136xf32, #tpu.memory_space<vmem_shared>>) target_semaphore(%run_scoped3A_427 : memref<!tpu.dma_semaphore, #tpu.memory_space<semaphore_mem>>)
        %dma_wait3A_432 = arith.constant 0 : i32
        %dma_wait3A_433 = tpu.memref_slice %arg7[%add3A_188, %dma_wait3A_432] : memref<10240x136xf32, #tpu.memory_space<vmem_shared>> -> memref<8x136xf32, #tpu.memory_space<vmem_shared>>
        %dma_wait3A_434 = arith.constant 0 : i32
        %dma_wait3A_435 = tpu.memref_slice %arg7[%add3A_188, %dma_wait3A_434] : memref<10240x136xf32, #tpu.memory_space<vmem_shared>> -> memref<8x136xf32, #tpu.memory_space<vmem_shared>>
        tpu.wait_dma2 semaphore(%run_scoped3A_427 : memref<!tpu.dma_semaphore, #tpu.memory_space<semaphore_mem>>) src(%run_scoped3A_11 : memref<8x136xf32, #tpu.memory_space<vmem>>) dst(%dma_wait3A_435 : memref<8x136xf32, #tpu.memory_space<vmem_shared>>)
        tpu.yield
      }) : () -> ()
      %mul3A_189 = arith.constant 640 : i32
      %mul3A_190 = arith.muli %arg1, %mul3A_189 : i32
      %add3A_191 = arith.constant 320 : i32
      %add3A_192 = arith.addi %mul3A_190, %add3A_191 : i32
      "tpu.region"() ({
        %run_scoped3A_427 = tpu.sem_alloc : memref<!tpu.dma_semaphore, #tpu.memory_space<semaphore_mem>>
        %dma_start3A_428 = arith.constant 0 : i32
        %dma_start3A_429 = tpu.memref_slice %arg7[%add3A_192, %dma_start3A_428] : memref<10240x136xf32, #tpu.memory_space<vmem_shared>> -> memref<8x136xf32, #tpu.memory_space<vmem_shared>>
        %dma_start3A_430 = arith.constant 0 : i32
        %dma_start3A_431 = tpu.memref_slice %arg7[%add3A_192, %dma_start3A_430] : memref<10240x136xf32, #tpu.memory_space<vmem_shared>> -> memref<8x136xf32, #tpu.memory_space<vmem_shared>>
        tpu.enqueue_dma source(%run_scoped3A_11 : memref<8x136xf32, #tpu.memory_space<vmem>>) target(%dma_start3A_431 : memref<8x136xf32, #tpu.memory_space<vmem_shared>>) target_semaphore(%run_scoped3A_427 : memref<!tpu.dma_semaphore, #tpu.memory_space<semaphore_mem>>)
        %dma_wait3A_432 = arith.constant 0 : i32
        %dma_wait3A_433 = tpu.memref_slice %arg7[%add3A_192, %dma_wait3A_432] : memref<10240x136xf32, #tpu.memory_space<vmem_shared>> -> memref<8x136xf32, #tpu.memory_space<vmem_shared>>
        %dma_wait3A_434 = arith.constant 0 : i32
        %dma_wait3A_435 = tpu.memref_slice %arg7[%add3A_192, %dma_wait3A_434] : memref<10240x136xf32, #tpu.memory_space<vmem_shared>> -> memref<8x136xf32, #tpu.memory_space<vmem_shared>>
        tpu.wait_dma2 semaphore(%run_scoped3A_427 : memref<!tpu.dma_semaphore, #tpu.memory_space<semaphore_mem>>) src(%run_scoped3A_11 : memref<8x136xf32, #tpu.memory_space<vmem>>) dst(%dma_wait3A_435 : memref<8x136xf32, #tpu.memory_space<vmem_shared>>)
        tpu.yield
      }) : () -> ()
      %mul3A_193 = arith.constant 640 : i32
      %mul3A_194 = arith.muli %arg1, %mul3A_193 : i32
      %add3A_195 = arith.constant 328 : i32
      %add3A_196 = arith.addi %mul3A_194, %add3A_195 : i32
      "tpu.region"() ({
        %run_scoped3A_427 = tpu.sem_alloc : memref<!tpu.dma_semaphore, #tpu.memory_space<semaphore_mem>>
        %dma_start3A_428 = arith.constant 0 : i32
        %dma_start3A_429 = tpu.memref_slice %arg7[%add3A_196, %dma_start3A_428] : memref<10240x136xf32, #tpu.memory_space<vmem_shared>> -> memref<8x136xf32, #tpu.memory_space<vmem_shared>>
        %dma_start3A_430 = arith.constant 0 : i32
        %dma_start3A_431 = tpu.memref_slice %arg7[%add3A_196, %dma_start3A_430] : memref<10240x136xf32, #tpu.memory_space<vmem_shared>> -> memref<8x136xf32, #tpu.memory_space<vmem_shared>>
        tpu.enqueue_dma source(%run_scoped3A_11 : memref<8x136xf32, #tpu.memory_space<vmem>>) target(%dma_start3A_431 : memref<8x136xf32, #tpu.memory_space<vmem_shared>>) target_semaphore(%run_scoped3A_427 : memref<!tpu.dma_semaphore, #tpu.memory_space<semaphore_mem>>)
        %dma_wait3A_432 = arith.constant 0 : i32
        %dma_wait3A_433 = tpu.memref_slice %arg7[%add3A_196, %dma_wait3A_432] : memref<10240x136xf32, #tpu.memory_space<vmem_shared>> -> memref<8x136xf32, #tpu.memory_space<vmem_shared>>
        %dma_wait3A_434 = arith.constant 0 : i32
        %dma_wait3A_435 = tpu.memref_slice %arg7[%add3A_196, %dma_wait3A_434] : memref<10240x136xf32, #tpu.memory_space<vmem_shared>> -> memref<8x136xf32, #tpu.memory_space<vmem_shared>>
        tpu.wait_dma2 semaphore(%run_scoped3A_427 : memref<!tpu.dma_semaphore, #tpu.memory_space<semaphore_mem>>) src(%run_scoped3A_11 : memref<8x136xf32, #tpu.memory_space<vmem>>) dst(%dma_wait3A_435 : memref<8x136xf32, #tpu.memory_space<vmem_shared>>)
        tpu.yield
      }) : () -> ()
      %mul3A_197 = arith.constant 640 : i32
      %mul3A_198 = arith.muli %arg1, %mul3A_197 : i32
      %add3A_199 = arith.constant 336 : i32
      %add3A_200 = arith.addi %mul3A_198, %add3A_199 : i32
      "tpu.region"() ({
        %run_scoped3A_427 = tpu.sem_alloc : memref<!tpu.dma_semaphore, #tpu.memory_space<semaphore_mem>>
        %dma_start3A_428 = arith.constant 0 : i32
        %dma_start3A_429 = tpu.memref_slice %arg7[%add3A_200, %dma_start3A_428] : memref<10240x136xf32, #tpu.memory_space<vmem_shared>> -> memref<8x136xf32, #tpu.memory_space<vmem_shared>>
        %dma_start3A_430 = arith.constant 0 : i32
        %dma_start3A_431 = tpu.memref_slice %arg7[%add3A_200, %dma_start3A_430] : memref<10240x136xf32, #tpu.memory_space<vmem_shared>> -> memref<8x136xf32, #tpu.memory_space<vmem_shared>>
        tpu.enqueue_dma source(%run_scoped3A_11 : memref<8x136xf32, #tpu.memory_space<vmem>>) target(%dma_start3A_431 : memref<8x136xf32, #tpu.memory_space<vmem_shared>>) target_semaphore(%run_scoped3A_427 : memref<!tpu.dma_semaphore, #tpu.memory_space<semaphore_mem>>)
        %dma_wait3A_432 = arith.constant 0 : i32
        %dma_wait3A_433 = tpu.memref_slice %arg7[%add3A_200, %dma_wait3A_432] : memref<10240x136xf32, #tpu.memory_space<vmem_shared>> -> memref<8x136xf32, #tpu.memory_space<vmem_shared>>
        %dma_wait3A_434 = arith.constant 0 : i32
        %dma_wait3A_435 = tpu.memref_slice %arg7[%add3A_200, %dma_wait3A_434] : memref<10240x136xf32, #tpu.memory_space<vmem_shared>> -> memref<8x136xf32, #tpu.memory_space<vmem_shared>>
        tpu.wait_dma2 semaphore(%run_scoped3A_427 : memref<!tpu.dma_semaphore, #tpu.memory_space<semaphore_mem>>) src(%run_scoped3A_11 : memref<8x136xf32, #tpu.memory_space<vmem>>) dst(%dma_wait3A_435 : memref<8x136xf32, #tpu.memory_space<vmem_shared>>)
        tpu.yield
      }) : () -> ()
      %mul3A_201 = arith.constant 640 : i32
      %mul3A_202 = arith.muli %arg1, %mul3A_201 : i32
      %add3A_203 = arith.constant 344 : i32
      %add3A_204 = arith.addi %mul3A_202, %add3A_203 : i32
      "tpu.region"() ({
        %run_scoped3A_427 = tpu.sem_alloc : memref<!tpu.dma_semaphore, #tpu.memory_space<semaphore_mem>>
        %dma_start3A_428 = arith.constant 0 : i32
        %dma_start3A_429 = tpu.memref_slice %arg7[%add3A_204, %dma_start3A_428] : memref<10240x136xf32, #tpu.memory_space<vmem_shared>> -> memref<8x136xf32, #tpu.memory_space<vmem_shared>>
        %dma_start3A_430 = arith.constant 0 : i32
        %dma_start3A_431 = tpu.memref_slice %arg7[%add3A_204, %dma_start3A_430] : memref<10240x136xf32, #tpu.memory_space<vmem_shared>> -> memref<8x136xf32, #tpu.memory_space<vmem_shared>>
        tpu.enqueue_dma source(%run_scoped3A_11 : memref<8x136xf32, #tpu.memory_space<vmem>>) target(%dma_start3A_431 : memref<8x136xf32, #tpu.memory_space<vmem_shared>>) target_semaphore(%run_scoped3A_427 : memref<!tpu.dma_semaphore, #tpu.memory_space<semaphore_mem>>)
        %dma_wait3A_432 = arith.constant 0 : i32
        %dma_wait3A_433 = tpu.memref_slice %arg7[%add3A_204, %dma_wait3A_432] : memref<10240x136xf32, #tpu.memory_space<vmem_shared>> -> memref<8x136xf32, #tpu.memory_space<vmem_shared>>
        %dma_wait3A_434 = arith.constant 0 : i32
        %dma_wait3A_435 = tpu.memref_slice %arg7[%add3A_204, %dma_wait3A_434] : memref<10240x136xf32, #tpu.memory_space<vmem_shared>> -> memref<8x136xf32, #tpu.memory_space<vmem_shared>>
        tpu.wait_dma2 semaphore(%run_scoped3A_427 : memref<!tpu.dma_semaphore, #tpu.memory_space<semaphore_mem>>) src(%run_scoped3A_11 : memref<8x136xf32, #tpu.memory_space<vmem>>) dst(%dma_wait3A_435 : memref<8x136xf32, #tpu.memory_space<vmem_shared>>)
        tpu.yield
      }) : () -> ()
      %mul3A_205 = arith.constant 640 : i32
      %mul3A_206 = arith.muli %arg1, %mul3A_205 : i32
      %add3A_207 = arith.constant 352 : i32
      %add3A_208 = arith.addi %mul3A_206, %add3A_207 : i32
      "tpu.region"() ({
        %run_scoped3A_427 = tpu.sem_alloc : memref<!tpu.dma_semaphore, #tpu.memory_space<semaphore_mem>>
        %dma_start3A_428 = arith.constant 0 : i32
        %dma_start3A_429 = tpu.memref_slice %arg7[%add3A_208, %dma_start3A_428] : memref<10240x136xf32, #tpu.memory_space<vmem_shared>> -> memref<8x136xf32, #tpu.memory_space<vmem_shared>>
        %dma_start3A_430 = arith.constant 0 : i32
        %dma_start3A_431 = tpu.memref_slice %arg7[%add3A_208, %dma_start3A_430] : memref<10240x136xf32, #tpu.memory_space<vmem_shared>> -> memref<8x136xf32, #tpu.memory_space<vmem_shared>>
        tpu.enqueue_dma source(%run_scoped3A_11 : memref<8x136xf32, #tpu.memory_space<vmem>>) target(%dma_start3A_431 : memref<8x136xf32, #tpu.memory_space<vmem_shared>>) target_semaphore(%run_scoped3A_427 : memref<!tpu.dma_semaphore, #tpu.memory_space<semaphore_mem>>)
        %dma_wait3A_432 = arith.constant 0 : i32
        %dma_wait3A_433 = tpu.memref_slice %arg7[%add3A_208, %dma_wait3A_432] : memref<10240x136xf32, #tpu.memory_space<vmem_shared>> -> memref<8x136xf32, #tpu.memory_space<vmem_shared>>
        %dma_wait3A_434 = arith.constant 0 : i32
        %dma_wait3A_435 = tpu.memref_slice %arg7[%add3A_208, %dma_wait3A_434] : memref<10240x136xf32, #tpu.memory_space<vmem_shared>> -> memref<8x136xf32, #tpu.memory_space<vmem_shared>>
        tpu.wait_dma2 semaphore(%run_scoped3A_427 : memref<!tpu.dma_semaphore, #tpu.memory_space<semaphore_mem>>) src(%run_scoped3A_11 : memref<8x136xf32, #tpu.memory_space<vmem>>) dst(%dma_wait3A_435 : memref<8x136xf32, #tpu.memory_space<vmem_shared>>)
        tpu.yield
      }) : () -> ()
      %mul3A_209 = arith.constant 640 : i32
      %mul3A_210 = arith.muli %arg1, %mul3A_209 : i32
      %add3A_211 = arith.constant 360 : i32
      %add3A_212 = arith.addi %mul3A_210, %add3A_211 : i32
      "tpu.region"() ({
        %run_scoped3A_427 = tpu.sem_alloc : memref<!tpu.dma_semaphore, #tpu.memory_space<semaphore_mem>>
        %dma_start3A_428 = arith.constant 0 : i32
        %dma_start3A_429 = tpu.memref_slice %arg7[%add3A_212, %dma_start3A_428] : memref<10240x136xf32, #tpu.memory_space<vmem_shared>> -> memref<8x136xf32, #tpu.memory_space<vmem_shared>>
        %dma_start3A_430 = arith.constant 0 : i32
        %dma_start3A_431 = tpu.memref_slice %arg7[%add3A_212, %dma_start3A_430] : memref<10240x136xf32, #tpu.memory_space<vmem_shared>> -> memref<8x136xf32, #tpu.memory_space<vmem_shared>>
        tpu.enqueue_dma source(%run_scoped3A_11 : memref<8x136xf32, #tpu.memory_space<vmem>>) target(%dma_start3A_431 : memref<8x136xf32, #tpu.memory_space<vmem_shared>>) target_semaphore(%run_scoped3A_427 : memref<!tpu.dma_semaphore, #tpu.memory_space<semaphore_mem>>)
        %dma_wait3A_432 = arith.constant 0 : i32
        %dma_wait3A_433 = tpu.memref_slice %arg7[%add3A_212, %dma_wait3A_432] : memref<10240x136xf32, #tpu.memory_space<vmem_shared>> -> memref<8x136xf32, #tpu.memory_space<vmem_shared>>
        %dma_wait3A_434 = arith.constant 0 : i32
        %dma_wait3A_435 = tpu.memref_slice %arg7[%add3A_212, %dma_wait3A_434] : memref<10240x136xf32, #tpu.memory_space<vmem_shared>> -> memref<8x136xf32, #tpu.memory_space<vmem_shared>>
        tpu.wait_dma2 semaphore(%run_scoped3A_427 : memref<!tpu.dma_semaphore, #tpu.memory_space<semaphore_mem>>) src(%run_scoped3A_11 : memref<8x136xf32, #tpu.memory_space<vmem>>) dst(%dma_wait3A_435 : memref<8x136xf32, #tpu.memory_space<vmem_shared>>)
        tpu.yield
      }) : () -> ()
      %mul3A_213 = arith.constant 640 : i32
      %mul3A_214 = arith.muli %arg1, %mul3A_213 : i32
      %add3A_215 = arith.constant 368 : i32
      %add3A_216 = arith.addi %mul3A_214, %add3A_215 : i32
      "tpu.region"() ({
        %run_scoped3A_427 = tpu.sem_alloc : memref<!tpu.dma_semaphore, #tpu.memory_space<semaphore_mem>>
        %dma_start3A_428 = arith.constant 0 : i32
        %dma_start3A_429 = tpu.memref_slice %arg7[%add3A_216, %dma_start3A_428] : memref<10240x136xf32, #tpu.memory_space<vmem_shared>> -> memref<8x136xf32, #tpu.memory_space<vmem_shared>>
        %dma_start3A_430 = arith.constant 0 : i32
        %dma_start3A_431 = tpu.memref_slice %arg7[%add3A_216, %dma_start3A_430] : memref<10240x136xf32, #tpu.memory_space<vmem_shared>> -> memref<8x136xf32, #tpu.memory_space<vmem_shared>>
        tpu.enqueue_dma source(%run_scoped3A_11 : memref<8x136xf32, #tpu.memory_space<vmem>>) target(%dma_start3A_431 : memref<8x136xf32, #tpu.memory_space<vmem_shared>>) target_semaphore(%run_scoped3A_427 : memref<!tpu.dma_semaphore, #tpu.memory_space<semaphore_mem>>)
        %dma_wait3A_432 = arith.constant 0 : i32
        %dma_wait3A_433 = tpu.memref_slice %arg7[%add3A_216, %dma_wait3A_432] : memref<10240x136xf32, #tpu.memory_space<vmem_shared>> -> memref<8x136xf32, #tpu.memory_space<vmem_shared>>
        %dma_wait3A_434 = arith.constant 0 : i32
        %dma_wait3A_435 = tpu.memref_slice %arg7[%add3A_216, %dma_wait3A_434] : memref<10240x136xf32, #tpu.memory_space<vmem_shared>> -> memref<8x136xf32, #tpu.memory_space<vmem_shared>>
        tpu.wait_dma2 semaphore(%run_scoped3A_427 : memref<!tpu.dma_semaphore, #tpu.memory_space<semaphore_mem>>) src(%run_scoped3A_11 : memref<8x136xf32, #tpu.memory_space<vmem>>) dst(%dma_wait3A_435 : memref<8x136xf32, #tpu.memory_space<vmem_shared>>)
        tpu.yield
      }) : () -> ()
      %mul3A_217 = arith.constant 640 : i32
      %mul3A_218 = arith.muli %arg1, %mul3A_217 : i32
      %add3A_219 = arith.constant 376 : i32
      %add3A_220 = arith.addi %mul3A_218, %add3A_219 : i32
      "tpu.region"() ({
        %run_scoped3A_427 = tpu.sem_alloc : memref<!tpu.dma_semaphore, #tpu.memory_space<semaphore_mem>>
        %dma_start3A_428 = arith.constant 0 : i32
        %dma_start3A_429 = tpu.memref_slice %arg7[%add3A_220, %dma_start3A_428] : memref<10240x136xf32, #tpu.memory_space<vmem_shared>> -> memref<8x136xf32, #tpu.memory_space<vmem_shared>>
        %dma_start3A_430 = arith.constant 0 : i32
        %dma_start3A_431 = tpu.memref_slice %arg7[%add3A_220, %dma_start3A_430] : memref<10240x136xf32, #tpu.memory_space<vmem_shared>> -> memref<8x136xf32, #tpu.memory_space<vmem_shared>>
        tpu.enqueue_dma source(%run_scoped3A_11 : memref<8x136xf32, #tpu.memory_space<vmem>>) target(%dma_start3A_431 : memref<8x136xf32, #tpu.memory_space<vmem_shared>>) target_semaphore(%run_scoped3A_427 : memref<!tpu.dma_semaphore, #tpu.memory_space<semaphore_mem>>)
        %dma_wait3A_432 = arith.constant 0 : i32
        %dma_wait3A_433 = tpu.memref_slice %arg7[%add3A_220, %dma_wait3A_432] : memref<10240x136xf32, #tpu.memory_space<vmem_shared>> -> memref<8x136xf32, #tpu.memory_space<vmem_shared>>
        %dma_wait3A_434 = arith.constant 0 : i32
        %dma_wait3A_435 = tpu.memref_slice %arg7[%add3A_220, %dma_wait3A_434] : memref<10240x136xf32, #tpu.memory_space<vmem_shared>> -> memref<8x136xf32, #tpu.memory_space<vmem_shared>>
        tpu.wait_dma2 semaphore(%run_scoped3A_427 : memref<!tpu.dma_semaphore, #tpu.memory_space<semaphore_mem>>) src(%run_scoped3A_11 : memref<8x136xf32, #tpu.memory_space<vmem>>) dst(%dma_wait3A_435 : memref<8x136xf32, #tpu.memory_space<vmem_shared>>)
        tpu.yield
      }) : () -> ()
      %mul3A_221 = arith.constant 640 : i32
      %mul3A_222 = arith.muli %arg1, %mul3A_221 : i32
      %add3A_223 = arith.constant 384 : i32
      %add3A_224 = arith.addi %mul3A_222, %add3A_223 : i32
      "tpu.region"() ({
        %run_scoped3A_427 = tpu.sem_alloc : memref<!tpu.dma_semaphore, #tpu.memory_space<semaphore_mem>>
        %dma_start3A_428 = arith.constant 0 : i32
        %dma_start3A_429 = tpu.memref_slice %arg7[%add3A_224, %dma_start3A_428] : memref<10240x136xf32, #tpu.memory_space<vmem_shared>> -> memref<8x136xf32, #tpu.memory_space<vmem_shared>>
        %dma_start3A_430 = arith.constant 0 : i32
        %dma_start3A_431 = tpu.memref_slice %arg7[%add3A_224, %dma_start3A_430] : memref<10240x136xf32, #tpu.memory_space<vmem_shared>> -> memref<8x136xf32, #tpu.memory_space<vmem_shared>>
        tpu.enqueue_dma source(%run_scoped3A_11 : memref<8x136xf32, #tpu.memory_space<vmem>>) target(%dma_start3A_431 : memref<8x136xf32, #tpu.memory_space<vmem_shared>>) target_semaphore(%run_scoped3A_427 : memref<!tpu.dma_semaphore, #tpu.memory_space<semaphore_mem>>)
        %dma_wait3A_432 = arith.constant 0 : i32
        %dma_wait3A_433 = tpu.memref_slice %arg7[%add3A_224, %dma_wait3A_432] : memref<10240x136xf32, #tpu.memory_space<vmem_shared>> -> memref<8x136xf32, #tpu.memory_space<vmem_shared>>
        %dma_wait3A_434 = arith.constant 0 : i32
        %dma_wait3A_435 = tpu.memref_slice %arg7[%add3A_224, %dma_wait3A_434] : memref<10240x136xf32, #tpu.memory_space<vmem_shared>> -> memref<8x136xf32, #tpu.memory_space<vmem_shared>>
        tpu.wait_dma2 semaphore(%run_scoped3A_427 : memref<!tpu.dma_semaphore, #tpu.memory_space<semaphore_mem>>) src(%run_scoped3A_11 : memref<8x136xf32, #tpu.memory_space<vmem>>) dst(%dma_wait3A_435 : memref<8x136xf32, #tpu.memory_space<vmem_shared>>)
        tpu.yield
      }) : () -> ()
      %mul3A_225 = arith.constant 640 : i32
      %mul3A_226 = arith.muli %arg1, %mul3A_225 : i32
      %add3A_227 = arith.constant 392 : i32
      %add3A_228 = arith.addi %mul3A_226, %add3A_227 : i32
      "tpu.region"() ({
        %run_scoped3A_427 = tpu.sem_alloc : memref<!tpu.dma_semaphore, #tpu.memory_space<semaphore_mem>>
        %dma_start3A_428 = arith.constant 0 : i32
        %dma_start3A_429 = tpu.memref_slice %arg7[%add3A_228, %dma_start3A_428] : memref<10240x136xf32, #tpu.memory_space<vmem_shared>> -> memref<8x136xf32, #tpu.memory_space<vmem_shared>>
        %dma_start3A_430 = arith.constant 0 : i32
        %dma_start3A_431 = tpu.memref_slice %arg7[%add3A_228, %dma_start3A_430] : memref<10240x136xf32, #tpu.memory_space<vmem_shared>> -> memref<8x136xf32, #tpu.memory_space<vmem_shared>>
        tpu.enqueue_dma source(%run_scoped3A_11 : memref<8x136xf32, #tpu.memory_space<vmem>>) target(%dma_start3A_431 : memref<8x136xf32, #tpu.memory_space<vmem_shared>>) target_semaphore(%run_scoped3A_427 : memref<!tpu.dma_semaphore, #tpu.memory_space<semaphore_mem>>)
        %dma_wait3A_432 = arith.constant 0 : i32
        %dma_wait3A_433 = tpu.memref_slice %arg7[%add3A_228, %dma_wait3A_432] : memref<10240x136xf32, #tpu.memory_space<vmem_shared>> -> memref<8x136xf32, #tpu.memory_space<vmem_shared>>
        %dma_wait3A_434 = arith.constant 0 : i32
        %dma_wait3A_435 = tpu.memref_slice %arg7[%add3A_228, %dma_wait3A_434] : memref<10240x136xf32, #tpu.memory_space<vmem_shared>> -> memref<8x136xf32, #tpu.memory_space<vmem_shared>>
        tpu.wait_dma2 semaphore(%run_scoped3A_427 : memref<!tpu.dma_semaphore, #tpu.memory_space<semaphore_mem>>) src(%run_scoped3A_11 : memref<8x136xf32, #tpu.memory_space<vmem>>) dst(%dma_wait3A_435 : memref<8x136xf32, #tpu.memory_space<vmem_shared>>)
        tpu.yield
      }) : () -> ()
      %mul3A_229 = arith.constant 640 : i32
      %mul3A_230 = arith.muli %arg1, %mul3A_229 : i32
      %add3A_231 = arith.constant 400 : i32
      %add3A_232 = arith.addi %mul3A_230, %add3A_231 : i32
      "tpu.region"() ({
        %run_scoped3A_427 = tpu.sem_alloc : memref<!tpu.dma_semaphore, #tpu.memory_space<semaphore_mem>>
        %dma_start3A_428 = arith.constant 0 : i32
        %dma_start3A_429 = tpu.memref_slice %arg7[%add3A_232, %dma_start3A_428] : memref<10240x136xf32, #tpu.memory_space<vmem_shared>> -> memref<8x136xf32, #tpu.memory_space<vmem_shared>>
        %dma_start3A_430 = arith.constant 0 : i32
        %dma_start3A_431 = tpu.memref_slice %arg7[%add3A_232, %dma_start3A_430] : memref<10240x136xf32, #tpu.memory_space<vmem_shared>> -> memref<8x136xf32, #tpu.memory_space<vmem_shared>>
        tpu.enqueue_dma source(%run_scoped3A_11 : memref<8x136xf32, #tpu.memory_space<vmem>>) target(%dma_start3A_431 : memref<8x136xf32, #tpu.memory_space<vmem_shared>>) target_semaphore(%run_scoped3A_427 : memref<!tpu.dma_semaphore, #tpu.memory_space<semaphore_mem>>)
        %dma_wait3A_432 = arith.constant 0 : i32
        %dma_wait3A_433 = tpu.memref_slice %arg7[%add3A_232, %dma_wait3A_432] : memref<10240x136xf32, #tpu.memory_space<vmem_shared>> -> memref<8x136xf32, #tpu.memory_space<vmem_shared>>
        %dma_wait3A_434 = arith.constant 0 : i32
        %dma_wait3A_435 = tpu.memref_slice %arg7[%add3A_232, %dma_wait3A_434] : memref<10240x136xf32, #tpu.memory_space<vmem_shared>> -> memref<8x136xf32, #tpu.memory_space<vmem_shared>>
        tpu.wait_dma2 semaphore(%run_scoped3A_427 : memref<!tpu.dma_semaphore, #tpu.memory_space<semaphore_mem>>) src(%run_scoped3A_11 : memref<8x136xf32, #tpu.memory_space<vmem>>) dst(%dma_wait3A_435 : memref<8x136xf32, #tpu.memory_space<vmem_shared>>)
        tpu.yield
      }) : () -> ()
      %mul3A_233 = arith.constant 640 : i32
      %mul3A_234 = arith.muli %arg1, %mul3A_233 : i32
      %add3A_235 = arith.constant 408 : i32
      %add3A_236 = arith.addi %mul3A_234, %add3A_235 : i32
      "tpu.region"() ({
        %run_scoped3A_427 = tpu.sem_alloc : memref<!tpu.dma_semaphore, #tpu.memory_space<semaphore_mem>>
        %dma_start3A_428 = arith.constant 0 : i32
        %dma_start3A_429 = tpu.memref_slice %arg7[%add3A_236, %dma_start3A_428] : memref<10240x136xf32, #tpu.memory_space<vmem_shared>> -> memref<8x136xf32, #tpu.memory_space<vmem_shared>>
        %dma_start3A_430 = arith.constant 0 : i32
        %dma_start3A_431 = tpu.memref_slice %arg7[%add3A_236, %dma_start3A_430] : memref<10240x136xf32, #tpu.memory_space<vmem_shared>> -> memref<8x136xf32, #tpu.memory_space<vmem_shared>>
        tpu.enqueue_dma source(%run_scoped3A_11 : memref<8x136xf32, #tpu.memory_space<vmem>>) target(%dma_start3A_431 : memref<8x136xf32, #tpu.memory_space<vmem_shared>>) target_semaphore(%run_scoped3A_427 : memref<!tpu.dma_semaphore, #tpu.memory_space<semaphore_mem>>)
        %dma_wait3A_432 = arith.constant 0 : i32
        %dma_wait3A_433 = tpu.memref_slice %arg7[%add3A_236, %dma_wait3A_432] : memref<10240x136xf32, #tpu.memory_space<vmem_shared>> -> memref<8x136xf32, #tpu.memory_space<vmem_shared>>
        %dma_wait3A_434 = arith.constant 0 : i32
        %dma_wait3A_435 = tpu.memref_slice %arg7[%add3A_236, %dma_wait3A_434] : memref<10240x136xf32, #tpu.memory_space<vmem_shared>> -> memref<8x136xf32, #tpu.memory_space<vmem_shared>>
        tpu.wait_dma2 semaphore(%run_scoped3A_427 : memref<!tpu.dma_semaphore, #tpu.memory_space<semaphore_mem>>) src(%run_scoped3A_11 : memref<8x136xf32, #tpu.memory_space<vmem>>) dst(%dma_wait3A_435 : memref<8x136xf32, #tpu.memory_space<vmem_shared>>)
        tpu.yield
      }) : () -> ()
      %mul3A_237 = arith.constant 640 : i32
      %mul3A_238 = arith.muli %arg1, %mul3A_237 : i32
      %add3A_239 = arith.constant 416 : i32
      %add3A_240 = arith.addi %mul3A_238, %add3A_239 : i32
      "tpu.region"() ({
        %run_scoped3A_427 = tpu.sem_alloc : memref<!tpu.dma_semaphore, #tpu.memory_space<semaphore_mem>>
        %dma_start3A_428 = arith.constant 0 : i32
        %dma_start3A_429 = tpu.memref_slice %arg7[%add3A_240, %dma_start3A_428] : memref<10240x136xf32, #tpu.memory_space<vmem_shared>> -> memref<8x136xf32, #tpu.memory_space<vmem_shared>>
        %dma_start3A_430 = arith.constant 0 : i32
        %dma_start3A_431 = tpu.memref_slice %arg7[%add3A_240, %dma_start3A_430] : memref<10240x136xf32, #tpu.memory_space<vmem_shared>> -> memref<8x136xf32, #tpu.memory_space<vmem_shared>>
        tpu.enqueue_dma source(%run_scoped3A_11 : memref<8x136xf32, #tpu.memory_space<vmem>>) target(%dma_start3A_431 : memref<8x136xf32, #tpu.memory_space<vmem_shared>>) target_semaphore(%run_scoped3A_427 : memref<!tpu.dma_semaphore, #tpu.memory_space<semaphore_mem>>)
        %dma_wait3A_432 = arith.constant 0 : i32
        %dma_wait3A_433 = tpu.memref_slice %arg7[%add3A_240, %dma_wait3A_432] : memref<10240x136xf32, #tpu.memory_space<vmem_shared>> -> memref<8x136xf32, #tpu.memory_space<vmem_shared>>
        %dma_wait3A_434 = arith.constant 0 : i32
        %dma_wait3A_435 = tpu.memref_slice %arg7[%add3A_240, %dma_wait3A_434] : memref<10240x136xf32, #tpu.memory_space<vmem_shared>> -> memref<8x136xf32, #tpu.memory_space<vmem_shared>>
        tpu.wait_dma2 semaphore(%run_scoped3A_427 : memref<!tpu.dma_semaphore, #tpu.memory_space<semaphore_mem>>) src(%run_scoped3A_11 : memref<8x136xf32, #tpu.memory_space<vmem>>) dst(%dma_wait3A_435 : memref<8x136xf32, #tpu.memory_space<vmem_shared>>)
        tpu.yield
      }) : () -> ()
      %mul3A_241 = arith.constant 640 : i32
      %mul3A_242 = arith.muli %arg1, %mul3A_241 : i32
      %add3A_243 = arith.constant 424 : i32
      %add3A_244 = arith.addi %mul3A_242, %add3A_243 : i32
      "tpu.region"() ({
        %run_scoped3A_427 = tpu.sem_alloc : memref<!tpu.dma_semaphore, #tpu.memory_space<semaphore_mem>>
        %dma_start3A_428 = arith.constant 0 : i32
        %dma_start3A_429 = tpu.memref_slice %arg7[%add3A_244, %dma_start3A_428] : memref<10240x136xf32, #tpu.memory_space<vmem_shared>> -> memref<8x136xf32, #tpu.memory_space<vmem_shared>>
        %dma_start3A_430 = arith.constant 0 : i32
        %dma_start3A_431 = tpu.memref_slice %arg7[%add3A_244, %dma_start3A_430] : memref<10240x136xf32, #tpu.memory_space<vmem_shared>> -> memref<8x136xf32, #tpu.memory_space<vmem_shared>>
        tpu.enqueue_dma source(%run_scoped3A_11 : memref<8x136xf32, #tpu.memory_space<vmem>>) target(%dma_start3A_431 : memref<8x136xf32, #tpu.memory_space<vmem_shared>>) target_semaphore(%run_scoped3A_427 : memref<!tpu.dma_semaphore, #tpu.memory_space<semaphore_mem>>)
        %dma_wait3A_432 = arith.constant 0 : i32
        %dma_wait3A_433 = tpu.memref_slice %arg7[%add3A_244, %dma_wait3A_432] : memref<10240x136xf32, #tpu.memory_space<vmem_shared>> -> memref<8x136xf32, #tpu.memory_space<vmem_shared>>
        %dma_wait3A_434 = arith.constant 0 : i32
        %dma_wait3A_435 = tpu.memref_slice %arg7[%add3A_244, %dma_wait3A_434] : memref<10240x136xf32, #tpu.memory_space<vmem_shared>> -> memref<8x136xf32, #tpu.memory_space<vmem_shared>>
        tpu.wait_dma2 semaphore(%run_scoped3A_427 : memref<!tpu.dma_semaphore, #tpu.memory_space<semaphore_mem>>) src(%run_scoped3A_11 : memref<8x136xf32, #tpu.memory_space<vmem>>) dst(%dma_wait3A_435 : memref<8x136xf32, #tpu.memory_space<vmem_shared>>)
        tpu.yield
      }) : () -> ()
      %mul3A_245 = arith.constant 640 : i32
      %mul3A_246 = arith.muli %arg1, %mul3A_245 : i32
      %add3A_247 = arith.constant 432 : i32
      %add3A_248 = arith.addi %mul3A_246, %add3A_247 : i32
      "tpu.region"() ({
        %run_scoped3A_427 = tpu.sem_alloc : memref<!tpu.dma_semaphore, #tpu.memory_space<semaphore_mem>>
        %dma_start3A_428 = arith.constant 0 : i32
        %dma_start3A_429 = tpu.memref_slice %arg7[%add3A_248, %dma_start3A_428] : memref<10240x136xf32, #tpu.memory_space<vmem_shared>> -> memref<8x136xf32, #tpu.memory_space<vmem_shared>>
        %dma_start3A_430 = arith.constant 0 : i32
        %dma_start3A_431 = tpu.memref_slice %arg7[%add3A_248, %dma_start3A_430] : memref<10240x136xf32, #tpu.memory_space<vmem_shared>> -> memref<8x136xf32, #tpu.memory_space<vmem_shared>>
        tpu.enqueue_dma source(%run_scoped3A_11 : memref<8x136xf32, #tpu.memory_space<vmem>>) target(%dma_start3A_431 : memref<8x136xf32, #tpu.memory_space<vmem_shared>>) target_semaphore(%run_scoped3A_427 : memref<!tpu.dma_semaphore, #tpu.memory_space<semaphore_mem>>)
        %dma_wait3A_432 = arith.constant 0 : i32
        %dma_wait3A_433 = tpu.memref_slice %arg7[%add3A_248, %dma_wait3A_432] : memref<10240x136xf32, #tpu.memory_space<vmem_shared>> -> memref<8x136xf32, #tpu.memory_space<vmem_shared>>
        %dma_wait3A_434 = arith.constant 0 : i32
        %dma_wait3A_435 = tpu.memref_slice %arg7[%add3A_248, %dma_wait3A_434] : memref<10240x136xf32, #tpu.memory_space<vmem_shared>> -> memref<8x136xf32, #tpu.memory_space<vmem_shared>>
        tpu.wait_dma2 semaphore(%run_scoped3A_427 : memref<!tpu.dma_semaphore, #tpu.memory_space<semaphore_mem>>) src(%run_scoped3A_11 : memref<8x136xf32, #tpu.memory_space<vmem>>) dst(%dma_wait3A_435 : memref<8x136xf32, #tpu.memory_space<vmem_shared>>)
        tpu.yield
      }) : () -> ()
      %mul3A_249 = arith.constant 640 : i32
      %mul3A_250 = arith.muli %arg1, %mul3A_249 : i32
      %add3A_251 = arith.constant 440 : i32
      %add3A_252 = arith.addi %mul3A_250, %add3A_251 : i32
      "tpu.region"() ({
        %run_scoped3A_427 = tpu.sem_alloc : memref<!tpu.dma_semaphore, #tpu.memory_space<semaphore_mem>>
        %dma_start3A_428 = arith.constant 0 : i32
        %dma_start3A_429 = tpu.memref_slice %arg7[%add3A_252, %dma_start3A_428] : memref<10240x136xf32, #tpu.memory_space<vmem_shared>> -> memref<8x136xf32, #tpu.memory_space<vmem_shared>>
        %dma_start3A_430 = arith.constant 0 : i32
        %dma_start3A_431 = tpu.memref_slice %arg7[%add3A_252, %dma_start3A_430] : memref<10240x136xf32, #tpu.memory_space<vmem_shared>> -> memref<8x136xf32, #tpu.memory_space<vmem_shared>>
        tpu.enqueue_dma source(%run_scoped3A_11 : memref<8x136xf32, #tpu.memory_space<vmem>>) target(%dma_start3A_431 : memref<8x136xf32, #tpu.memory_space<vmem_shared>>) target_semaphore(%run_scoped3A_427 : memref<!tpu.dma_semaphore, #tpu.memory_space<semaphore_mem>>)
        %dma_wait3A_432 = arith.constant 0 : i32
        %dma_wait3A_433 = tpu.memref_slice %arg7[%add3A_252, %dma_wait3A_432] : memref<10240x136xf32, #tpu.memory_space<vmem_shared>> -> memref<8x136xf32, #tpu.memory_space<vmem_shared>>
        %dma_wait3A_434 = arith.constant 0 : i32
        %dma_wait3A_435 = tpu.memref_slice %arg7[%add3A_252, %dma_wait3A_434] : memref<10240x136xf32, #tpu.memory_space<vmem_shared>> -> memref<8x136xf32, #tpu.memory_space<vmem_shared>>
        tpu.wait_dma2 semaphore(%run_scoped3A_427 : memref<!tpu.dma_semaphore, #tpu.memory_space<semaphore_mem>>) src(%run_scoped3A_11 : memref<8x136xf32, #tpu.memory_space<vmem>>) dst(%dma_wait3A_435 : memref<8x136xf32, #tpu.memory_space<vmem_shared>>)
        tpu.yield
      }) : () -> ()
      %mul3A_253 = arith.constant 640 : i32
      %mul3A_254 = arith.muli %arg1, %mul3A_253 : i32
      %add3A_255 = arith.constant 448 : i32
      %add3A_256 = arith.addi %mul3A_254, %add3A_255 : i32
      "tpu.region"() ({
        %run_scoped3A_427 = tpu.sem_alloc : memref<!tpu.dma_semaphore, #tpu.memory_space<semaphore_mem>>
        %dma_start3A_428 = arith.constant 0 : i32
        %dma_start3A_429 = tpu.memref_slice %arg7[%add3A_256, %dma_start3A_428] : memref<10240x136xf32, #tpu.memory_space<vmem_shared>> -> memref<8x136xf32, #tpu.memory_space<vmem_shared>>
        %dma_start3A_430 = arith.constant 0 : i32
        %dma_start3A_431 = tpu.memref_slice %arg7[%add3A_256, %dma_start3A_430] : memref<10240x136xf32, #tpu.memory_space<vmem_shared>> -> memref<8x136xf32, #tpu.memory_space<vmem_shared>>
        tpu.enqueue_dma source(%run_scoped3A_11 : memref<8x136xf32, #tpu.memory_space<vmem>>) target(%dma_start3A_431 : memref<8x136xf32, #tpu.memory_space<vmem_shared>>) target_semaphore(%run_scoped3A_427 : memref<!tpu.dma_semaphore, #tpu.memory_space<semaphore_mem>>)
        %dma_wait3A_432 = arith.constant 0 : i32
        %dma_wait3A_433 = tpu.memref_slice %arg7[%add3A_256, %dma_wait3A_432] : memref<10240x136xf32, #tpu.memory_space<vmem_shared>> -> memref<8x136xf32, #tpu.memory_space<vmem_shared>>
        %dma_wait3A_434 = arith.constant 0 : i32
        %dma_wait3A_435 = tpu.memref_slice %arg7[%add3A_256, %dma_wait3A_434] : memref<10240x136xf32, #tpu.memory_space<vmem_shared>> -> memref<8x136xf32, #tpu.memory_space<vmem_shared>>
        tpu.wait_dma2 semaphore(%run_scoped3A_427 : memref<!tpu.dma_semaphore, #tpu.memory_space<semaphore_mem>>) src(%run_scoped3A_11 : memref<8x136xf32, #tpu.memory_space<vmem>>) dst(%dma_wait3A_435 : memref<8x136xf32, #tpu.memory_space<vmem_shared>>)
        tpu.yield
      }) : () -> ()
      %mul3A_257 = arith.constant 640 : i32
      %mul3A_258 = arith.muli %arg1, %mul3A_257 : i32
      %add3A_259 = arith.constant 456 : i32
      %add3A_260 = arith.addi %mul3A_258, %add3A_259 : i32
      "tpu.region"() ({
        %run_scoped3A_427 = tpu.sem_alloc : memref<!tpu.dma_semaphore, #tpu.memory_space<semaphore_mem>>
        %dma_start3A_428 = arith.constant 0 : i32
        %dma_start3A_429 = tpu.memref_slice %arg7[%add3A_260, %dma_start3A_428] : memref<10240x136xf32, #tpu.memory_space<vmem_shared>> -> memref<8x136xf32, #tpu.memory_space<vmem_shared>>
        %dma_start3A_430 = arith.constant 0 : i32
        %dma_start3A_431 = tpu.memref_slice %arg7[%add3A_260, %dma_start3A_430] : memref<10240x136xf32, #tpu.memory_space<vmem_shared>> -> memref<8x136xf32, #tpu.memory_space<vmem_shared>>
        tpu.enqueue_dma source(%run_scoped3A_11 : memref<8x136xf32, #tpu.memory_space<vmem>>) target(%dma_start3A_431 : memref<8x136xf32, #tpu.memory_space<vmem_shared>>) target_semaphore(%run_scoped3A_427 : memref<!tpu.dma_semaphore, #tpu.memory_space<semaphore_mem>>)
        %dma_wait3A_432 = arith.constant 0 : i32
        %dma_wait3A_433 = tpu.memref_slice %arg7[%add3A_260, %dma_wait3A_432] : memref<10240x136xf32, #tpu.memory_space<vmem_shared>> -> memref<8x136xf32, #tpu.memory_space<vmem_shared>>
        %dma_wait3A_434 = arith.constant 0 : i32
        %dma_wait3A_435 = tpu.memref_slice %arg7[%add3A_260, %dma_wait3A_434] : memref<10240x136xf32, #tpu.memory_space<vmem_shared>> -> memref<8x136xf32, #tpu.memory_space<vmem_shared>>
        tpu.wait_dma2 semaphore(%run_scoped3A_427 : memref<!tpu.dma_semaphore, #tpu.memory_space<semaphore_mem>>) src(%run_scoped3A_11 : memref<8x136xf32, #tpu.memory_space<vmem>>) dst(%dma_wait3A_435 : memref<8x136xf32, #tpu.memory_space<vmem_shared>>)
        tpu.yield
      }) : () -> ()
      %mul3A_261 = arith.constant 640 : i32
      %mul3A_262 = arith.muli %arg1, %mul3A_261 : i32
      %add3A_263 = arith.constant 464 : i32
      %add3A_264 = arith.addi %mul3A_262, %add3A_263 : i32
      "tpu.region"() ({
        %run_scoped3A_427 = tpu.sem_alloc : memref<!tpu.dma_semaphore, #tpu.memory_space<semaphore_mem>>
        %dma_start3A_428 = arith.constant 0 : i32
        %dma_start3A_429 = tpu.memref_slice %arg7[%add3A_264, %dma_start3A_428] : memref<10240x136xf32, #tpu.memory_space<vmem_shared>> -> memref<8x136xf32, #tpu.memory_space<vmem_shared>>
        %dma_start3A_430 = arith.constant 0 : i32
        %dma_start3A_431 = tpu.memref_slice %arg7[%add3A_264, %dma_start3A_430] : memref<10240x136xf32, #tpu.memory_space<vmem_shared>> -> memref<8x136xf32, #tpu.memory_space<vmem_shared>>
        tpu.enqueue_dma source(%run_scoped3A_11 : memref<8x136xf32, #tpu.memory_space<vmem>>) target(%dma_start3A_431 : memref<8x136xf32, #tpu.memory_space<vmem_shared>>) target_semaphore(%run_scoped3A_427 : memref<!tpu.dma_semaphore, #tpu.memory_space<semaphore_mem>>)
        %dma_wait3A_432 = arith.constant 0 : i32
        %dma_wait3A_433 = tpu.memref_slice %arg7[%add3A_264, %dma_wait3A_432] : memref<10240x136xf32, #tpu.memory_space<vmem_shared>> -> memref<8x136xf32, #tpu.memory_space<vmem_shared>>
        %dma_wait3A_434 = arith.constant 0 : i32
        %dma_wait3A_435 = tpu.memref_slice %arg7[%add3A_264, %dma_wait3A_434] : memref<10240x136xf32, #tpu.memory_space<vmem_shared>> -> memref<8x136xf32, #tpu.memory_space<vmem_shared>>
        tpu.wait_dma2 semaphore(%run_scoped3A_427 : memref<!tpu.dma_semaphore, #tpu.memory_space<semaphore_mem>>) src(%run_scoped3A_11 : memref<8x136xf32, #tpu.memory_space<vmem>>) dst(%dma_wait3A_435 : memref<8x136xf32, #tpu.memory_space<vmem_shared>>)
        tpu.yield
      }) : () -> ()
      %mul3A_265 = arith.constant 640 : i32
      %mul3A_266 = arith.muli %arg1, %mul3A_265 : i32
      %add3A_267 = arith.constant 472 : i32
      %add3A_268 = arith.addi %mul3A_266, %add3A_267 : i32
      "tpu.region"() ({
        %run_scoped3A_427 = tpu.sem_alloc : memref<!tpu.dma_semaphore, #tpu.memory_space<semaphore_mem>>
        %dma_start3A_428 = arith.constant 0 : i32
        %dma_start3A_429 = tpu.memref_slice %arg7[%add3A_268, %dma_start3A_428] : memref<10240x136xf32, #tpu.memory_space<vmem_shared>> -> memref<8x136xf32, #tpu.memory_space<vmem_shared>>
        %dma_start3A_430 = arith.constant 0 : i32
        %dma_start3A_431 = tpu.memref_slice %arg7[%add3A_268, %dma_start3A_430] : memref<10240x136xf32, #tpu.memory_space<vmem_shared>> -> memref<8x136xf32, #tpu.memory_space<vmem_shared>>
        tpu.enqueue_dma source(%run_scoped3A_11 : memref<8x136xf32, #tpu.memory_space<vmem>>) target(%dma_start3A_431 : memref<8x136xf32, #tpu.memory_space<vmem_shared>>) target_semaphore(%run_scoped3A_427 : memref<!tpu.dma_semaphore, #tpu.memory_space<semaphore_mem>>)
        %dma_wait3A_432 = arith.constant 0 : i32
        %dma_wait3A_433 = tpu.memref_slice %arg7[%add3A_268, %dma_wait3A_432] : memref<10240x136xf32, #tpu.memory_space<vmem_shared>> -> memref<8x136xf32, #tpu.memory_space<vmem_shared>>
        %dma_wait3A_434 = arith.constant 0 : i32
        %dma_wait3A_435 = tpu.memref_slice %arg7[%add3A_268, %dma_wait3A_434] : memref<10240x136xf32, #tpu.memory_space<vmem_shared>> -> memref<8x136xf32, #tpu.memory_space<vmem_shared>>
        tpu.wait_dma2 semaphore(%run_scoped3A_427 : memref<!tpu.dma_semaphore, #tpu.memory_space<semaphore_mem>>) src(%run_scoped3A_11 : memref<8x136xf32, #tpu.memory_space<vmem>>) dst(%dma_wait3A_435 : memref<8x136xf32, #tpu.memory_space<vmem_shared>>)
        tpu.yield
      }) : () -> ()
      %mul3A_269 = arith.constant 640 : i32
      %mul3A_270 = arith.muli %arg1, %mul3A_269 : i32
      %add3A_271 = arith.constant 480 : i32
      %add3A_272 = arith.addi %mul3A_270, %add3A_271 : i32
      "tpu.region"() ({
        %run_scoped3A_427 = tpu.sem_alloc : memref<!tpu.dma_semaphore, #tpu.memory_space<semaphore_mem>>
        %dma_start3A_428 = arith.constant 0 : i32
        %dma_start3A_429 = tpu.memref_slice %arg7[%add3A_272, %dma_start3A_428] : memref<10240x136xf32, #tpu.memory_space<vmem_shared>> -> memref<8x136xf32, #tpu.memory_space<vmem_shared>>
        %dma_start3A_430 = arith.constant 0 : i32
        %dma_start3A_431 = tpu.memref_slice %arg7[%add3A_272, %dma_start3A_430] : memref<10240x136xf32, #tpu.memory_space<vmem_shared>> -> memref<8x136xf32, #tpu.memory_space<vmem_shared>>
        tpu.enqueue_dma source(%run_scoped3A_11 : memref<8x136xf32, #tpu.memory_space<vmem>>) target(%dma_start3A_431 : memref<8x136xf32, #tpu.memory_space<vmem_shared>>) target_semaphore(%run_scoped3A_427 : memref<!tpu.dma_semaphore, #tpu.memory_space<semaphore_mem>>)
        %dma_wait3A_432 = arith.constant 0 : i32
        %dma_wait3A_433 = tpu.memref_slice %arg7[%add3A_272, %dma_wait3A_432] : memref<10240x136xf32, #tpu.memory_space<vmem_shared>> -> memref<8x136xf32, #tpu.memory_space<vmem_shared>>
        %dma_wait3A_434 = arith.constant 0 : i32
        %dma_wait3A_435 = tpu.memref_slice %arg7[%add3A_272, %dma_wait3A_434] : memref<10240x136xf32, #tpu.memory_space<vmem_shared>> -> memref<8x136xf32, #tpu.memory_space<vmem_shared>>
        tpu.wait_dma2 semaphore(%run_scoped3A_427 : memref<!tpu.dma_semaphore, #tpu.memory_space<semaphore_mem>>) src(%run_scoped3A_11 : memref<8x136xf32, #tpu.memory_space<vmem>>) dst(%dma_wait3A_435 : memref<8x136xf32, #tpu.memory_space<vmem_shared>>)
        tpu.yield
      }) : () -> ()
      %mul3A_273 = arith.constant 640 : i32
      %mul3A_274 = arith.muli %arg1, %mul3A_273 : i32
      %add3A_275 = arith.constant 488 : i32
      %add3A_276 = arith.addi %mul3A_274, %add3A_275 : i32
      "tpu.region"() ({
        %run_scoped3A_427 = tpu.sem_alloc : memref<!tpu.dma_semaphore, #tpu.memory_space<semaphore_mem>>
        %dma_start3A_428 = arith.constant 0 : i32
        %dma_start3A_429 = tpu.memref_slice %arg7[%add3A_276, %dma_start3A_428] : memref<10240x136xf32, #tpu.memory_space<vmem_shared>> -> memref<8x136xf32, #tpu.memory_space<vmem_shared>>
        %dma_start3A_430 = arith.constant 0 : i32
        %dma_start3A_431 = tpu.memref_slice %arg7[%add3A_276, %dma_start3A_430] : memref<10240x136xf32, #tpu.memory_space<vmem_shared>> -> memref<8x136xf32, #tpu.memory_space<vmem_shared>>
        tpu.enqueue_dma source(%run_scoped3A_11 : memref<8x136xf32, #tpu.memory_space<vmem>>) target(%dma_start3A_431 : memref<8x136xf32, #tpu.memory_space<vmem_shared>>) target_semaphore(%run_scoped3A_427 : memref<!tpu.dma_semaphore, #tpu.memory_space<semaphore_mem>>)
        %dma_wait3A_432 = arith.constant 0 : i32
        %dma_wait3A_433 = tpu.memref_slice %arg7[%add3A_276, %dma_wait3A_432] : memref<10240x136xf32, #tpu.memory_space<vmem_shared>> -> memref<8x136xf32, #tpu.memory_space<vmem_shared>>
        %dma_wait3A_434 = arith.constant 0 : i32
        %dma_wait3A_435 = tpu.memref_slice %arg7[%add3A_276, %dma_wait3A_434] : memref<10240x136xf32, #tpu.memory_space<vmem_shared>> -> memref<8x136xf32, #tpu.memory_space<vmem_shared>>
        tpu.wait_dma2 semaphore(%run_scoped3A_427 : memref<!tpu.dma_semaphore, #tpu.memory_space<semaphore_mem>>) src(%run_scoped3A_11 : memref<8x136xf32, #tpu.memory_space<vmem>>) dst(%dma_wait3A_435 : memref<8x136xf32, #tpu.memory_space<vmem_shared>>)
        tpu.yield
      }) : () -> ()
      %mul3A_277 = arith.constant 640 : i32
      %mul3A_278 = arith.muli %arg1, %mul3A_277 : i32
      %add3A_279 = arith.constant 496 : i32
      %add3A_280 = arith.addi %mul3A_278, %add3A_279 : i32
      "tpu.region"() ({
        %run_scoped3A_427 = tpu.sem_alloc : memref<!tpu.dma_semaphore, #tpu.memory_space<semaphore_mem>>
        %dma_start3A_428 = arith.constant 0 : i32
        %dma_start3A_429 = tpu.memref_slice %arg7[%add3A_280, %dma_start3A_428] : memref<10240x136xf32, #tpu.memory_space<vmem_shared>> -> memref<8x136xf32, #tpu.memory_space<vmem_shared>>
        %dma_start3A_430 = arith.constant 0 : i32
        %dma_start3A_431 = tpu.memref_slice %arg7[%add3A_280, %dma_start3A_430] : memref<10240x136xf32, #tpu.memory_space<vmem_shared>> -> memref<8x136xf32, #tpu.memory_space<vmem_shared>>
        tpu.enqueue_dma source(%run_scoped3A_11 : memref<8x136xf32, #tpu.memory_space<vmem>>) target(%dma_start3A_431 : memref<8x136xf32, #tpu.memory_space<vmem_shared>>) target_semaphore(%run_scoped3A_427 : memref<!tpu.dma_semaphore, #tpu.memory_space<semaphore_mem>>)
        %dma_wait3A_432 = arith.constant 0 : i32
        %dma_wait3A_433 = tpu.memref_slice %arg7[%add3A_280, %dma_wait3A_432] : memref<10240x136xf32, #tpu.memory_space<vmem_shared>> -> memref<8x136xf32, #tpu.memory_space<vmem_shared>>
        %dma_wait3A_434 = arith.constant 0 : i32
        %dma_wait3A_435 = tpu.memref_slice %arg7[%add3A_280, %dma_wait3A_434] : memref<10240x136xf32, #tpu.memory_space<vmem_shared>> -> memref<8x136xf32, #tpu.memory_space<vmem_shared>>
        tpu.wait_dma2 semaphore(%run_scoped3A_427 : memref<!tpu.dma_semaphore, #tpu.memory_space<semaphore_mem>>) src(%run_scoped3A_11 : memref<8x136xf32, #tpu.memory_space<vmem>>) dst(%dma_wait3A_435 : memref<8x136xf32, #tpu.memory_space<vmem_shared>>)
        tpu.yield
      }) : () -> ()
      %mul3A_281 = arith.constant 640 : i32
      %mul3A_282 = arith.muli %arg1, %mul3A_281 : i32
      %add3A_283 = arith.constant 504 : i32
      %add3A_284 = arith.addi %mul3A_282, %add3A_283 : i32
      "tpu.region"() ({
        %run_scoped3A_427 = tpu.sem_alloc : memref<!tpu.dma_semaphore, #tpu.memory_space<semaphore_mem>>
        %dma_start3A_428 = arith.constant 0 : i32
        %dma_start3A_429 = tpu.memref_slice %arg7[%add3A_284, %dma_start3A_428] : memref<10240x136xf32, #tpu.memory_space<vmem_shared>> -> memref<8x136xf32, #tpu.memory_space<vmem_shared>>
        %dma_start3A_430 = arith.constant 0 : i32
        %dma_start3A_431 = tpu.memref_slice %arg7[%add3A_284, %dma_start3A_430] : memref<10240x136xf32, #tpu.memory_space<vmem_shared>> -> memref<8x136xf32, #tpu.memory_space<vmem_shared>>
        tpu.enqueue_dma source(%run_scoped3A_11 : memref<8x136xf32, #tpu.memory_space<vmem>>) target(%dma_start3A_431 : memref<8x136xf32, #tpu.memory_space<vmem_shared>>) target_semaphore(%run_scoped3A_427 : memref<!tpu.dma_semaphore, #tpu.memory_space<semaphore_mem>>)
        %dma_wait3A_432 = arith.constant 0 : i32
        %dma_wait3A_433 = tpu.memref_slice %arg7[%add3A_284, %dma_wait3A_432] : memref<10240x136xf32, #tpu.memory_space<vmem_shared>> -> memref<8x136xf32, #tpu.memory_space<vmem_shared>>
        %dma_wait3A_434 = arith.constant 0 : i32
        %dma_wait3A_435 = tpu.memref_slice %arg7[%add3A_284, %dma_wait3A_434] : memref<10240x136xf32, #tpu.memory_space<vmem_shared>> -> memref<8x136xf32, #tpu.memory_space<vmem_shared>>
        tpu.wait_dma2 semaphore(%run_scoped3A_427 : memref<!tpu.dma_semaphore, #tpu.memory_space<semaphore_mem>>) src(%run_scoped3A_11 : memref<8x136xf32, #tpu.memory_space<vmem>>) dst(%dma_wait3A_435 : memref<8x136xf32, #tpu.memory_space<vmem_shared>>)
        tpu.yield
      }) : () -> ()
      %mul3A_285 = arith.constant 640 : i32
      %mul3A_286 = arith.muli %arg1, %mul3A_285 : i32
      %add3A_287 = arith.constant 512 : i32
      %add3A_288 = arith.addi %mul3A_286, %add3A_287 : i32
      "tpu.region"() ({
        %run_scoped3A_427 = tpu.sem_alloc : memref<!tpu.dma_semaphore, #tpu.memory_space<semaphore_mem>>
        %dma_start3A_428 = arith.constant 0 : i32
        %dma_start3A_429 = tpu.memref_slice %arg7[%add3A_288, %dma_start3A_428] : memref<10240x136xf32, #tpu.memory_space<vmem_shared>> -> memref<8x136xf32, #tpu.memory_space<vmem_shared>>
        %dma_start3A_430 = arith.constant 0 : i32
        %dma_start3A_431 = tpu.memref_slice %arg7[%add3A_288, %dma_start3A_430] : memref<10240x136xf32, #tpu.memory_space<vmem_shared>> -> memref<8x136xf32, #tpu.memory_space<vmem_shared>>
        tpu.enqueue_dma source(%run_scoped3A_11 : memref<8x136xf32, #tpu.memory_space<vmem>>) target(%dma_start3A_431 : memref<8x136xf32, #tpu.memory_space<vmem_shared>>) target_semaphore(%run_scoped3A_427 : memref<!tpu.dma_semaphore, #tpu.memory_space<semaphore_mem>>)
        %dma_wait3A_432 = arith.constant 0 : i32
        %dma_wait3A_433 = tpu.memref_slice %arg7[%add3A_288, %dma_wait3A_432] : memref<10240x136xf32, #tpu.memory_space<vmem_shared>> -> memref<8x136xf32, #tpu.memory_space<vmem_shared>>
        %dma_wait3A_434 = arith.constant 0 : i32
        %dma_wait3A_435 = tpu.memref_slice %arg7[%add3A_288, %dma_wait3A_434] : memref<10240x136xf32, #tpu.memory_space<vmem_shared>> -> memref<8x136xf32, #tpu.memory_space<vmem_shared>>
        tpu.wait_dma2 semaphore(%run_scoped3A_427 : memref<!tpu.dma_semaphore, #tpu.memory_space<semaphore_mem>>) src(%run_scoped3A_11 : memref<8x136xf32, #tpu.memory_space<vmem>>) dst(%dma_wait3A_435 : memref<8x136xf32, #tpu.memory_space<vmem_shared>>)
        tpu.yield
      }) : () -> ()
      %mul3A_289 = arith.constant 640 : i32
      %mul3A_290 = arith.muli %arg1, %mul3A_289 : i32
      %add3A_291 = arith.constant 520 : i32
      %add3A_292 = arith.addi %mul3A_290, %add3A_291 : i32
      "tpu.region"() ({
        %run_scoped3A_427 = tpu.sem_alloc : memref<!tpu.dma_semaphore, #tpu.memory_space<semaphore_mem>>
        %dma_start3A_428 = arith.constant 0 : i32
        %dma_start3A_429 = tpu.memref_slice %arg7[%add3A_292, %dma_start3A_428] : memref<10240x136xf32, #tpu.memory_space<vmem_shared>> -> memref<8x136xf32, #tpu.memory_space<vmem_shared>>
        %dma_start3A_430 = arith.constant 0 : i32
        %dma_start3A_431 = tpu.memref_slice %arg7[%add3A_292, %dma_start3A_430] : memref<10240x136xf32, #tpu.memory_space<vmem_shared>> -> memref<8x136xf32, #tpu.memory_space<vmem_shared>>
        tpu.enqueue_dma source(%run_scoped3A_11 : memref<8x136xf32, #tpu.memory_space<vmem>>) target(%dma_start3A_431 : memref<8x136xf32, #tpu.memory_space<vmem_shared>>) target_semaphore(%run_scoped3A_427 : memref<!tpu.dma_semaphore, #tpu.memory_space<semaphore_mem>>)
        %dma_wait3A_432 = arith.constant 0 : i32
        %dma_wait3A_433 = tpu.memref_slice %arg7[%add3A_292, %dma_wait3A_432] : memref<10240x136xf32, #tpu.memory_space<vmem_shared>> -> memref<8x136xf32, #tpu.memory_space<vmem_shared>>
        %dma_wait3A_434 = arith.constant 0 : i32
        %dma_wait3A_435 = tpu.memref_slice %arg7[%add3A_292, %dma_wait3A_434] : memref<10240x136xf32, #tpu.memory_space<vmem_shared>> -> memref<8x136xf32, #tpu.memory_space<vmem_shared>>
        tpu.wait_dma2 semaphore(%run_scoped3A_427 : memref<!tpu.dma_semaphore, #tpu.memory_space<semaphore_mem>>) src(%run_scoped3A_11 : memref<8x136xf32, #tpu.memory_space<vmem>>) dst(%dma_wait3A_435 : memref<8x136xf32, #tpu.memory_space<vmem_shared>>)
        tpu.yield
      }) : () -> ()
      %mul3A_293 = arith.constant 640 : i32
      %mul3A_294 = arith.muli %arg1, %mul3A_293 : i32
      %add3A_295 = arith.constant 528 : i32
      %add3A_296 = arith.addi %mul3A_294, %add3A_295 : i32
      "tpu.region"() ({
        %run_scoped3A_427 = tpu.sem_alloc : memref<!tpu.dma_semaphore, #tpu.memory_space<semaphore_mem>>
        %dma_start3A_428 = arith.constant 0 : i32
        %dma_start3A_429 = tpu.memref_slice %arg7[%add3A_296, %dma_start3A_428] : memref<10240x136xf32, #tpu.memory_space<vmem_shared>> -> memref<8x136xf32, #tpu.memory_space<vmem_shared>>
        %dma_start3A_430 = arith.constant 0 : i32
        %dma_start3A_431 = tpu.memref_slice %arg7[%add3A_296, %dma_start3A_430] : memref<10240x136xf32, #tpu.memory_space<vmem_shared>> -> memref<8x136xf32, #tpu.memory_space<vmem_shared>>
        tpu.enqueue_dma source(%run_scoped3A_11 : memref<8x136xf32, #tpu.memory_space<vmem>>) target(%dma_start3A_431 : memref<8x136xf32, #tpu.memory_space<vmem_shared>>) target_semaphore(%run_scoped3A_427 : memref<!tpu.dma_semaphore, #tpu.memory_space<semaphore_mem>>)
        %dma_wait3A_432 = arith.constant 0 : i32
        %dma_wait3A_433 = tpu.memref_slice %arg7[%add3A_296, %dma_wait3A_432] : memref<10240x136xf32, #tpu.memory_space<vmem_shared>> -> memref<8x136xf32, #tpu.memory_space<vmem_shared>>
        %dma_wait3A_434 = arith.constant 0 : i32
        %dma_wait3A_435 = tpu.memref_slice %arg7[%add3A_296, %dma_wait3A_434] : memref<10240x136xf32, #tpu.memory_space<vmem_shared>> -> memref<8x136xf32, #tpu.memory_space<vmem_shared>>
        tpu.wait_dma2 semaphore(%run_scoped3A_427 : memref<!tpu.dma_semaphore, #tpu.memory_space<semaphore_mem>>) src(%run_scoped3A_11 : memref<8x136xf32, #tpu.memory_space<vmem>>) dst(%dma_wait3A_435 : memref<8x136xf32, #tpu.memory_space<vmem_shared>>)
        tpu.yield
      }) : () -> ()
      %mul3A_297 = arith.constant 640 : i32
      %mul3A_298 = arith.muli %arg1, %mul3A_297 : i32
      %add3A_299 = arith.constant 536 : i32
      %add3A_300 = arith.addi %mul3A_298, %add3A_299 : i32
      "tpu.region"() ({
        %run_scoped3A_427 = tpu.sem_alloc : memref<!tpu.dma_semaphore, #tpu.memory_space<semaphore_mem>>
        %dma_start3A_428 = arith.constant 0 : i32
        %dma_start3A_429 = tpu.memref_slice %arg7[%add3A_300, %dma_start3A_428] : memref<10240x136xf32, #tpu.memory_space<vmem_shared>> -> memref<8x136xf32, #tpu.memory_space<vmem_shared>>
        %dma_start3A_430 = arith.constant 0 : i32
        %dma_start3A_431 = tpu.memref_slice %arg7[%add3A_300, %dma_start3A_430] : memref<10240x136xf32, #tpu.memory_space<vmem_shared>> -> memref<8x136xf32, #tpu.memory_space<vmem_shared>>
        tpu.enqueue_dma source(%run_scoped3A_11 : memref<8x136xf32, #tpu.memory_space<vmem>>) target(%dma_start3A_431 : memref<8x136xf32, #tpu.memory_space<vmem_shared>>) target_semaphore(%run_scoped3A_427 : memref<!tpu.dma_semaphore, #tpu.memory_space<semaphore_mem>>)
        %dma_wait3A_432 = arith.constant 0 : i32
        %dma_wait3A_433 = tpu.memref_slice %arg7[%add3A_300, %dma_wait3A_432] : memref<10240x136xf32, #tpu.memory_space<vmem_shared>> -> memref<8x136xf32, #tpu.memory_space<vmem_shared>>
        %dma_wait3A_434 = arith.constant 0 : i32
        %dma_wait3A_435 = tpu.memref_slice %arg7[%add3A_300, %dma_wait3A_434] : memref<10240x136xf32, #tpu.memory_space<vmem_shared>> -> memref<8x136xf32, #tpu.memory_space<vmem_shared>>
        tpu.wait_dma2 semaphore(%run_scoped3A_427 : memref<!tpu.dma_semaphore, #tpu.memory_space<semaphore_mem>>) src(%run_scoped3A_11 : memref<8x136xf32, #tpu.memory_space<vmem>>) dst(%dma_wait3A_435 : memref<8x136xf32, #tpu.memory_space<vmem_shared>>)
        tpu.yield
      }) : () -> ()
      %mul3A_301 = arith.constant 640 : i32
      %mul3A_302 = arith.muli %arg1, %mul3A_301 : i32
      %add3A_303 = arith.constant 544 : i32
      %add3A_304 = arith.addi %mul3A_302, %add3A_303 : i32
      "tpu.region"() ({
        %run_scoped3A_427 = tpu.sem_alloc : memref<!tpu.dma_semaphore, #tpu.memory_space<semaphore_mem>>
        %dma_start3A_428 = arith.constant 0 : i32
        %dma_start3A_429 = tpu.memref_slice %arg7[%add3A_304, %dma_start3A_428] : memref<10240x136xf32, #tpu.memory_space<vmem_shared>> -> memref<8x136xf32, #tpu.memory_space<vmem_shared>>
        %dma_start3A_430 = arith.constant 0 : i32
        %dma_start3A_431 = tpu.memref_slice %arg7[%add3A_304, %dma_start3A_430] : memref<10240x136xf32, #tpu.memory_space<vmem_shared>> -> memref<8x136xf32, #tpu.memory_space<vmem_shared>>
        tpu.enqueue_dma source(%run_scoped3A_11 : memref<8x136xf32, #tpu.memory_space<vmem>>) target(%dma_start3A_431 : memref<8x136xf32, #tpu.memory_space<vmem_shared>>) target_semaphore(%run_scoped3A_427 : memref<!tpu.dma_semaphore, #tpu.memory_space<semaphore_mem>>)
        %dma_wait3A_432 = arith.constant 0 : i32
        %dma_wait3A_433 = tpu.memref_slice %arg7[%add3A_304, %dma_wait3A_432] : memref<10240x136xf32, #tpu.memory_space<vmem_shared>> -> memref<8x136xf32, #tpu.memory_space<vmem_shared>>
        %dma_wait3A_434 = arith.constant 0 : i32
        %dma_wait3A_435 = tpu.memref_slice %arg7[%add3A_304, %dma_wait3A_434] : memref<10240x136xf32, #tpu.memory_space<vmem_shared>> -> memref<8x136xf32, #tpu.memory_space<vmem_shared>>
        tpu.wait_dma2 semaphore(%run_scoped3A_427 : memref<!tpu.dma_semaphore, #tpu.memory_space<semaphore_mem>>) src(%run_scoped3A_11 : memref<8x136xf32, #tpu.memory_space<vmem>>) dst(%dma_wait3A_435 : memref<8x136xf32, #tpu.memory_space<vmem_shared>>)
        tpu.yield
      }) : () -> ()
      %mul3A_305 = arith.constant 640 : i32
      %mul3A_306 = arith.muli %arg1, %mul3A_305 : i32
      %add3A_307 = arith.constant 552 : i32
      %add3A_308 = arith.addi %mul3A_306, %add3A_307 : i32
      "tpu.region"() ({
        %run_scoped3A_427 = tpu.sem_alloc : memref<!tpu.dma_semaphore, #tpu.memory_space<semaphore_mem>>
        %dma_start3A_428 = arith.constant 0 : i32
        %dma_start3A_429 = tpu.memref_slice %arg7[%add3A_308, %dma_start3A_428] : memref<10240x136xf32, #tpu.memory_space<vmem_shared>> -> memref<8x136xf32, #tpu.memory_space<vmem_shared>>
        %dma_start3A_430 = arith.constant 0 : i32
        %dma_start3A_431 = tpu.memref_slice %arg7[%add3A_308, %dma_start3A_430] : memref<10240x136xf32, #tpu.memory_space<vmem_shared>> -> memref<8x136xf32, #tpu.memory_space<vmem_shared>>
        tpu.enqueue_dma source(%run_scoped3A_11 : memref<8x136xf32, #tpu.memory_space<vmem>>) target(%dma_start3A_431 : memref<8x136xf32, #tpu.memory_space<vmem_shared>>) target_semaphore(%run_scoped3A_427 : memref<!tpu.dma_semaphore, #tpu.memory_space<semaphore_mem>>)
        %dma_wait3A_432 = arith.constant 0 : i32
        %dma_wait3A_433 = tpu.memref_slice %arg7[%add3A_308, %dma_wait3A_432] : memref<10240x136xf32, #tpu.memory_space<vmem_shared>> -> memref<8x136xf32, #tpu.memory_space<vmem_shared>>
        %dma_wait3A_434 = arith.constant 0 : i32
        %dma_wait3A_435 = tpu.memref_slice %arg7[%add3A_308, %dma_wait3A_434] : memref<10240x136xf32, #tpu.memory_space<vmem_shared>> -> memref<8x136xf32, #tpu.memory_space<vmem_shared>>
        tpu.wait_dma2 semaphore(%run_scoped3A_427 : memref<!tpu.dma_semaphore, #tpu.memory_space<semaphore_mem>>) src(%run_scoped3A_11 : memref<8x136xf32, #tpu.memory_space<vmem>>) dst(%dma_wait3A_435 : memref<8x136xf32, #tpu.memory_space<vmem_shared>>)
        tpu.yield
      }) : () -> ()
      %mul3A_309 = arith.constant 640 : i32
      %mul3A_310 = arith.muli %arg1, %mul3A_309 : i32
      %add3A_311 = arith.constant 560 : i32
      %add3A_312 = arith.addi %mul3A_310, %add3A_311 : i32
      "tpu.region"() ({
        %run_scoped3A_427 = tpu.sem_alloc : memref<!tpu.dma_semaphore, #tpu.memory_space<semaphore_mem>>
        %dma_start3A_428 = arith.constant 0 : i32
        %dma_start3A_429 = tpu.memref_slice %arg7[%add3A_312, %dma_start3A_428] : memref<10240x136xf32, #tpu.memory_space<vmem_shared>> -> memref<8x136xf32, #tpu.memory_space<vmem_shared>>
        %dma_start3A_430 = arith.constant 0 : i32
        %dma_start3A_431 = tpu.memref_slice %arg7[%add3A_312, %dma_start3A_430] : memref<10240x136xf32, #tpu.memory_space<vmem_shared>> -> memref<8x136xf32, #tpu.memory_space<vmem_shared>>
        tpu.enqueue_dma source(%run_scoped3A_11 : memref<8x136xf32, #tpu.memory_space<vmem>>) target(%dma_start3A_431 : memref<8x136xf32, #tpu.memory_space<vmem_shared>>) target_semaphore(%run_scoped3A_427 : memref<!tpu.dma_semaphore, #tpu.memory_space<semaphore_mem>>)
        %dma_wait3A_432 = arith.constant 0 : i32
        %dma_wait3A_433 = tpu.memref_slice %arg7[%add3A_312, %dma_wait3A_432] : memref<10240x136xf32, #tpu.memory_space<vmem_shared>> -> memref<8x136xf32, #tpu.memory_space<vmem_shared>>
        %dma_wait3A_434 = arith.constant 0 : i32
        %dma_wait3A_435 = tpu.memref_slice %arg7[%add3A_312, %dma_wait3A_434] : memref<10240x136xf32, #tpu.memory_space<vmem_shared>> -> memref<8x136xf32, #tpu.memory_space<vmem_shared>>
        tpu.wait_dma2 semaphore(%run_scoped3A_427 : memref<!tpu.dma_semaphore, #tpu.memory_space<semaphore_mem>>) src(%run_scoped3A_11 : memref<8x136xf32, #tpu.memory_space<vmem>>) dst(%dma_wait3A_435 : memref<8x136xf32, #tpu.memory_space<vmem_shared>>)
        tpu.yield
      }) : () -> ()
      %mul3A_313 = arith.constant 640 : i32
      %mul3A_314 = arith.muli %arg1, %mul3A_313 : i32
      %add3A_315 = arith.constant 568 : i32
      %add3A_316 = arith.addi %mul3A_314, %add3A_315 : i32
      "tpu.region"() ({
        %run_scoped3A_427 = tpu.sem_alloc : memref<!tpu.dma_semaphore, #tpu.memory_space<semaphore_mem>>
        %dma_start3A_428 = arith.constant 0 : i32
        %dma_start3A_429 = tpu.memref_slice %arg7[%add3A_316, %dma_start3A_428] : memref<10240x136xf32, #tpu.memory_space<vmem_shared>> -> memref<8x136xf32, #tpu.memory_space<vmem_shared>>
        %dma_start3A_430 = arith.constant 0 : i32
        %dma_start3A_431 = tpu.memref_slice %arg7[%add3A_316, %dma_start3A_430] : memref<10240x136xf32, #tpu.memory_space<vmem_shared>> -> memref<8x136xf32, #tpu.memory_space<vmem_shared>>
        tpu.enqueue_dma source(%run_scoped3A_11 : memref<8x136xf32, #tpu.memory_space<vmem>>) target(%dma_start3A_431 : memref<8x136xf32, #tpu.memory_space<vmem_shared>>) target_semaphore(%run_scoped3A_427 : memref<!tpu.dma_semaphore, #tpu.memory_space<semaphore_mem>>)
        %dma_wait3A_432 = arith.constant 0 : i32
        %dma_wait3A_433 = tpu.memref_slice %arg7[%add3A_316, %dma_wait3A_432] : memref<10240x136xf32, #tpu.memory_space<vmem_shared>> -> memref<8x136xf32, #tpu.memory_space<vmem_shared>>
        %dma_wait3A_434 = arith.constant 0 : i32
        %dma_wait3A_435 = tpu.memref_slice %arg7[%add3A_316, %dma_wait3A_434] : memref<10240x136xf32, #tpu.memory_space<vmem_shared>> -> memref<8x136xf32, #tpu.memory_space<vmem_shared>>
        tpu.wait_dma2 semaphore(%run_scoped3A_427 : memref<!tpu.dma_semaphore, #tpu.memory_space<semaphore_mem>>) src(%run_scoped3A_11 : memref<8x136xf32, #tpu.memory_space<vmem>>) dst(%dma_wait3A_435 : memref<8x136xf32, #tpu.memory_space<vmem_shared>>)
        tpu.yield
      }) : () -> ()
      %mul3A_317 = arith.constant 640 : i32
      %mul3A_318 = arith.muli %arg1, %mul3A_317 : i32
      %add3A_319 = arith.constant 576 : i32
      %add3A_320 = arith.addi %mul3A_318, %add3A_319 : i32
      "tpu.region"() ({
        %run_scoped3A_427 = tpu.sem_alloc : memref<!tpu.dma_semaphore, #tpu.memory_space<semaphore_mem>>
        %dma_start3A_428 = arith.constant 0 : i32
        %dma_start3A_429 = tpu.memref_slice %arg7[%add3A_320, %dma_start3A_428] : memref<10240x136xf32, #tpu.memory_space<vmem_shared>> -> memref<8x136xf32, #tpu.memory_space<vmem_shared>>
        %dma_start3A_430 = arith.constant 0 : i32
        %dma_start3A_431 = tpu.memref_slice %arg7[%add3A_320, %dma_start3A_430] : memref<10240x136xf32, #tpu.memory_space<vmem_shared>> -> memref<8x136xf32, #tpu.memory_space<vmem_shared>>
        tpu.enqueue_dma source(%run_scoped3A_11 : memref<8x136xf32, #tpu.memory_space<vmem>>) target(%dma_start3A_431 : memref<8x136xf32, #tpu.memory_space<vmem_shared>>) target_semaphore(%run_scoped3A_427 : memref<!tpu.dma_semaphore, #tpu.memory_space<semaphore_mem>>)
        %dma_wait3A_432 = arith.constant 0 : i32
        %dma_wait3A_433 = tpu.memref_slice %arg7[%add3A_320, %dma_wait3A_432] : memref<10240x136xf32, #tpu.memory_space<vmem_shared>> -> memref<8x136xf32, #tpu.memory_space<vmem_shared>>
        %dma_wait3A_434 = arith.constant 0 : i32
        %dma_wait3A_435 = tpu.memref_slice %arg7[%add3A_320, %dma_wait3A_434] : memref<10240x136xf32, #tpu.memory_space<vmem_shared>> -> memref<8x136xf32, #tpu.memory_space<vmem_shared>>
        tpu.wait_dma2 semaphore(%run_scoped3A_427 : memref<!tpu.dma_semaphore, #tpu.memory_space<semaphore_mem>>) src(%run_scoped3A_11 : memref<8x136xf32, #tpu.memory_space<vmem>>) dst(%dma_wait3A_435 : memref<8x136xf32, #tpu.memory_space<vmem_shared>>)
        tpu.yield
      }) : () -> ()
      %mul3A_321 = arith.constant 640 : i32
      %mul3A_322 = arith.muli %arg1, %mul3A_321 : i32
      %add3A_323 = arith.constant 584 : i32
      %add3A_324 = arith.addi %mul3A_322, %add3A_323 : i32
      "tpu.region"() ({
        %run_scoped3A_427 = tpu.sem_alloc : memref<!tpu.dma_semaphore, #tpu.memory_space<semaphore_mem>>
        %dma_start3A_428 = arith.constant 0 : i32
        %dma_start3A_429 = tpu.memref_slice %arg7[%add3A_324, %dma_start3A_428] : memref<10240x136xf32, #tpu.memory_space<vmem_shared>> -> memref<8x136xf32, #tpu.memory_space<vmem_shared>>
        %dma_start3A_430 = arith.constant 0 : i32
        %dma_start3A_431 = tpu.memref_slice %arg7[%add3A_324, %dma_start3A_430] : memref<10240x136xf32, #tpu.memory_space<vmem_shared>> -> memref<8x136xf32, #tpu.memory_space<vmem_shared>>
        tpu.enqueue_dma source(%run_scoped3A_11 : memref<8x136xf32, #tpu.memory_space<vmem>>) target(%dma_start3A_431 : memref<8x136xf32, #tpu.memory_space<vmem_shared>>) target_semaphore(%run_scoped3A_427 : memref<!tpu.dma_semaphore, #tpu.memory_space<semaphore_mem>>)
        %dma_wait3A_432 = arith.constant 0 : i32
        %dma_wait3A_433 = tpu.memref_slice %arg7[%add3A_324, %dma_wait3A_432] : memref<10240x136xf32, #tpu.memory_space<vmem_shared>> -> memref<8x136xf32, #tpu.memory_space<vmem_shared>>
        %dma_wait3A_434 = arith.constant 0 : i32
        %dma_wait3A_435 = tpu.memref_slice %arg7[%add3A_324, %dma_wait3A_434] : memref<10240x136xf32, #tpu.memory_space<vmem_shared>> -> memref<8x136xf32, #tpu.memory_space<vmem_shared>>
        tpu.wait_dma2 semaphore(%run_scoped3A_427 : memref<!tpu.dma_semaphore, #tpu.memory_space<semaphore_mem>>) src(%run_scoped3A_11 : memref<8x136xf32, #tpu.memory_space<vmem>>) dst(%dma_wait3A_435 : memref<8x136xf32, #tpu.memory_space<vmem_shared>>)
        tpu.yield
      }) : () -> ()
      %mul3A_325 = arith.constant 640 : i32
      %mul3A_326 = arith.muli %arg1, %mul3A_325 : i32
      %add3A_327 = arith.constant 592 : i32
      %add3A_328 = arith.addi %mul3A_326, %add3A_327 : i32
      "tpu.region"() ({
        %run_scoped3A_427 = tpu.sem_alloc : memref<!tpu.dma_semaphore, #tpu.memory_space<semaphore_mem>>
        %dma_start3A_428 = arith.constant 0 : i32
        %dma_start3A_429 = tpu.memref_slice %arg7[%add3A_328, %dma_start3A_428] : memref<10240x136xf32, #tpu.memory_space<vmem_shared>> -> memref<8x136xf32, #tpu.memory_space<vmem_shared>>
        %dma_start3A_430 = arith.constant 0 : i32
        %dma_start3A_431 = tpu.memref_slice %arg7[%add3A_328, %dma_start3A_430] : memref<10240x136xf32, #tpu.memory_space<vmem_shared>> -> memref<8x136xf32, #tpu.memory_space<vmem_shared>>
        tpu.enqueue_dma source(%run_scoped3A_11 : memref<8x136xf32, #tpu.memory_space<vmem>>) target(%dma_start3A_431 : memref<8x136xf32, #tpu.memory_space<vmem_shared>>) target_semaphore(%run_scoped3A_427 : memref<!tpu.dma_semaphore, #tpu.memory_space<semaphore_mem>>)
        %dma_wait3A_432 = arith.constant 0 : i32
        %dma_wait3A_433 = tpu.memref_slice %arg7[%add3A_328, %dma_wait3A_432] : memref<10240x136xf32, #tpu.memory_space<vmem_shared>> -> memref<8x136xf32, #tpu.memory_space<vmem_shared>>
        %dma_wait3A_434 = arith.constant 0 : i32
        %dma_wait3A_435 = tpu.memref_slice %arg7[%add3A_328, %dma_wait3A_434] : memref<10240x136xf32, #tpu.memory_space<vmem_shared>> -> memref<8x136xf32, #tpu.memory_space<vmem_shared>>
        tpu.wait_dma2 semaphore(%run_scoped3A_427 : memref<!tpu.dma_semaphore, #tpu.memory_space<semaphore_mem>>) src(%run_scoped3A_11 : memref<8x136xf32, #tpu.memory_space<vmem>>) dst(%dma_wait3A_435 : memref<8x136xf32, #tpu.memory_space<vmem_shared>>)
        tpu.yield
      }) : () -> ()
      %mul3A_329 = arith.constant 640 : i32
      %mul3A_330 = arith.muli %arg1, %mul3A_329 : i32
      %add3A_331 = arith.constant 600 : i32
      %add3A_332 = arith.addi %mul3A_330, %add3A_331 : i32
      "tpu.region"() ({
        %run_scoped3A_427 = tpu.sem_alloc : memref<!tpu.dma_semaphore, #tpu.memory_space<semaphore_mem>>
        %dma_start3A_428 = arith.constant 0 : i32
        %dma_start3A_429 = tpu.memref_slice %arg7[%add3A_332, %dma_start3A_428] : memref<10240x136xf32, #tpu.memory_space<vmem_shared>> -> memref<8x136xf32, #tpu.memory_space<vmem_shared>>
        %dma_start3A_430 = arith.constant 0 : i32
        %dma_start3A_431 = tpu.memref_slice %arg7[%add3A_332, %dma_start3A_430] : memref<10240x136xf32, #tpu.memory_space<vmem_shared>> -> memref<8x136xf32, #tpu.memory_space<vmem_shared>>
        tpu.enqueue_dma source(%run_scoped3A_11 : memref<8x136xf32, #tpu.memory_space<vmem>>) target(%dma_start3A_431 : memref<8x136xf32, #tpu.memory_space<vmem_shared>>) target_semaphore(%run_scoped3A_427 : memref<!tpu.dma_semaphore, #tpu.memory_space<semaphore_mem>>)
        %dma_wait3A_432 = arith.constant 0 : i32
        %dma_wait3A_433 = tpu.memref_slice %arg7[%add3A_332, %dma_wait3A_432] : memref<10240x136xf32, #tpu.memory_space<vmem_shared>> -> memref<8x136xf32, #tpu.memory_space<vmem_shared>>
        %dma_wait3A_434 = arith.constant 0 : i32
        %dma_wait3A_435 = tpu.memref_slice %arg7[%add3A_332, %dma_wait3A_434] : memref<10240x136xf32, #tpu.memory_space<vmem_shared>> -> memref<8x136xf32, #tpu.memory_space<vmem_shared>>
        tpu.wait_dma2 semaphore(%run_scoped3A_427 : memref<!tpu.dma_semaphore, #tpu.memory_space<semaphore_mem>>) src(%run_scoped3A_11 : memref<8x136xf32, #tpu.memory_space<vmem>>) dst(%dma_wait3A_435 : memref<8x136xf32, #tpu.memory_space<vmem_shared>>)
        tpu.yield
      }) : () -> ()
      %mul3A_333 = arith.constant 640 : i32
      %mul3A_334 = arith.muli %arg1, %mul3A_333 : i32
      %add3A_335 = arith.constant 608 : i32
      %add3A_336 = arith.addi %mul3A_334, %add3A_335 : i32
      "tpu.region"() ({
        %run_scoped3A_427 = tpu.sem_alloc : memref<!tpu.dma_semaphore, #tpu.memory_space<semaphore_mem>>
        %dma_start3A_428 = arith.constant 0 : i32
        %dma_start3A_429 = tpu.memref_slice %arg7[%add3A_336, %dma_start3A_428] : memref<10240x136xf32, #tpu.memory_space<vmem_shared>> -> memref<8x136xf32, #tpu.memory_space<vmem_shared>>
        %dma_start3A_430 = arith.constant 0 : i32
        %dma_start3A_431 = tpu.memref_slice %arg7[%add3A_336, %dma_start3A_430] : memref<10240x136xf32, #tpu.memory_space<vmem_shared>> -> memref<8x136xf32, #tpu.memory_space<vmem_shared>>
        tpu.enqueue_dma source(%run_scoped3A_11 : memref<8x136xf32, #tpu.memory_space<vmem>>) target(%dma_start3A_431 : memref<8x136xf32, #tpu.memory_space<vmem_shared>>) target_semaphore(%run_scoped3A_427 : memref<!tpu.dma_semaphore, #tpu.memory_space<semaphore_mem>>)
        %dma_wait3A_432 = arith.constant 0 : i32
        %dma_wait3A_433 = tpu.memref_slice %arg7[%add3A_336, %dma_wait3A_432] : memref<10240x136xf32, #tpu.memory_space<vmem_shared>> -> memref<8x136xf32, #tpu.memory_space<vmem_shared>>
        %dma_wait3A_434 = arith.constant 0 : i32
        %dma_wait3A_435 = tpu.memref_slice %arg7[%add3A_336, %dma_wait3A_434] : memref<10240x136xf32, #tpu.memory_space<vmem_shared>> -> memref<8x136xf32, #tpu.memory_space<vmem_shared>>
        tpu.wait_dma2 semaphore(%run_scoped3A_427 : memref<!tpu.dma_semaphore, #tpu.memory_space<semaphore_mem>>) src(%run_scoped3A_11 : memref<8x136xf32, #tpu.memory_space<vmem>>) dst(%dma_wait3A_435 : memref<8x136xf32, #tpu.memory_space<vmem_shared>>)
        tpu.yield
      }) : () -> ()
      %mul3A_337 = arith.constant 640 : i32
      %mul3A_338 = arith.muli %arg1, %mul3A_337 : i32
      %add3A_339 = arith.constant 616 : i32
      %add3A_340 = arith.addi %mul3A_338, %add3A_339 : i32
      "tpu.region"() ({
        %run_scoped3A_427 = tpu.sem_alloc : memref<!tpu.dma_semaphore, #tpu.memory_space<semaphore_mem>>
        %dma_start3A_428 = arith.constant 0 : i32
        %dma_start3A_429 = tpu.memref_slice %arg7[%add3A_340, %dma_start3A_428] : memref<10240x136xf32, #tpu.memory_space<vmem_shared>> -> memref<8x136xf32, #tpu.memory_space<vmem_shared>>
        %dma_start3A_430 = arith.constant 0 : i32
        %dma_start3A_431 = tpu.memref_slice %arg7[%add3A_340, %dma_start3A_430] : memref<10240x136xf32, #tpu.memory_space<vmem_shared>> -> memref<8x136xf32, #tpu.memory_space<vmem_shared>>
        tpu.enqueue_dma source(%run_scoped3A_11 : memref<8x136xf32, #tpu.memory_space<vmem>>) target(%dma_start3A_431 : memref<8x136xf32, #tpu.memory_space<vmem_shared>>) target_semaphore(%run_scoped3A_427 : memref<!tpu.dma_semaphore, #tpu.memory_space<semaphore_mem>>)
        %dma_wait3A_432 = arith.constant 0 : i32
        %dma_wait3A_433 = tpu.memref_slice %arg7[%add3A_340, %dma_wait3A_432] : memref<10240x136xf32, #tpu.memory_space<vmem_shared>> -> memref<8x136xf32, #tpu.memory_space<vmem_shared>>
        %dma_wait3A_434 = arith.constant 0 : i32
        %dma_wait3A_435 = tpu.memref_slice %arg7[%add3A_340, %dma_wait3A_434] : memref<10240x136xf32, #tpu.memory_space<vmem_shared>> -> memref<8x136xf32, #tpu.memory_space<vmem_shared>>
        tpu.wait_dma2 semaphore(%run_scoped3A_427 : memref<!tpu.dma_semaphore, #tpu.memory_space<semaphore_mem>>) src(%run_scoped3A_11 : memref<8x136xf32, #tpu.memory_space<vmem>>) dst(%dma_wait3A_435 : memref<8x136xf32, #tpu.memory_space<vmem_shared>>)
        tpu.yield
      }) : () -> ()
      %mul3A_341 = arith.constant 640 : i32
      %mul3A_342 = arith.muli %arg1, %mul3A_341 : i32
      %add3A_343 = arith.constant 624 : i32
      %add3A_344 = arith.addi %mul3A_342, %add3A_343 : i32
      "tpu.region"() ({
        %run_scoped3A_427 = tpu.sem_alloc : memref<!tpu.dma_semaphore, #tpu.memory_space<semaphore_mem>>
        %dma_start3A_428 = arith.constant 0 : i32
        %dma_start3A_429 = tpu.memref_slice %arg7[%add3A_344, %dma_start3A_428] : memref<10240x136xf32, #tpu.memory_space<vmem_shared>> -> memref<8x136xf32, #tpu.memory_space<vmem_shared>>
        %dma_start3A_430 = arith.constant 0 : i32
        %dma_start3A_431 = tpu.memref_slice %arg7[%add3A_344, %dma_start3A_430] : memref<10240x136xf32, #tpu.memory_space<vmem_shared>> -> memref<8x136xf32, #tpu.memory_space<vmem_shared>>
        tpu.enqueue_dma source(%run_scoped3A_11 : memref<8x136xf32, #tpu.memory_space<vmem>>) target(%dma_start3A_431 : memref<8x136xf32, #tpu.memory_space<vmem_shared>>) target_semaphore(%run_scoped3A_427 : memref<!tpu.dma_semaphore, #tpu.memory_space<semaphore_mem>>)
        %dma_wait3A_432 = arith.constant 0 : i32
        %dma_wait3A_433 = tpu.memref_slice %arg7[%add3A_344, %dma_wait3A_432] : memref<10240x136xf32, #tpu.memory_space<vmem_shared>> -> memref<8x136xf32, #tpu.memory_space<vmem_shared>>
        %dma_wait3A_434 = arith.constant 0 : i32
        %dma_wait3A_435 = tpu.memref_slice %arg7[%add3A_344, %dma_wait3A_434] : memref<10240x136xf32, #tpu.memory_space<vmem_shared>> -> memref<8x136xf32, #tpu.memory_space<vmem_shared>>
        tpu.wait_dma2 semaphore(%run_scoped3A_427 : memref<!tpu.dma_semaphore, #tpu.memory_space<semaphore_mem>>) src(%run_scoped3A_11 : memref<8x136xf32, #tpu.memory_space<vmem>>) dst(%dma_wait3A_435 : memref<8x136xf32, #tpu.memory_space<vmem_shared>>)
        tpu.yield
      }) : () -> ()
      %mul3A_345 = arith.constant 640 : i32
      %mul3A_346 = arith.muli %arg1, %mul3A_345 : i32
      %add3A_347 = arith.constant 632 : i32
      %add3A_348 = arith.addi %mul3A_346, %add3A_347 : i32
      "tpu.region"() ({
        %run_scoped3A_427 = tpu.sem_alloc : memref<!tpu.dma_semaphore, #tpu.memory_space<semaphore_mem>>
        %dma_start3A_428 = arith.constant 0 : i32
        %dma_start3A_429 = tpu.memref_slice %arg7[%add3A_348, %dma_start3A_428] : memref<10240x136xf32, #tpu.memory_space<vmem_shared>> -> memref<8x136xf32, #tpu.memory_space<vmem_shared>>
        %dma_start3A_430 = arith.constant 0 : i32
        %dma_start3A_431 = tpu.memref_slice %arg7[%add3A_348, %dma_start3A_430] : memref<10240x136xf32, #tpu.memory_space<vmem_shared>> -> memref<8x136xf32, #tpu.memory_space<vmem_shared>>
        tpu.enqueue_dma source(%run_scoped3A_11 : memref<8x136xf32, #tpu.memory_space<vmem>>) target(%dma_start3A_431 : memref<8x136xf32, #tpu.memory_space<vmem_shared>>) target_semaphore(%run_scoped3A_427 : memref<!tpu.dma_semaphore, #tpu.memory_space<semaphore_mem>>)
        %dma_wait3A_432 = arith.constant 0 : i32
        %dma_wait3A_433 = tpu.memref_slice %arg7[%add3A_348, %dma_wait3A_432] : memref<10240x136xf32, #tpu.memory_space<vmem_shared>> -> memref<8x136xf32, #tpu.memory_space<vmem_shared>>
        %dma_wait3A_434 = arith.constant 0 : i32
        %dma_wait3A_435 = tpu.memref_slice %arg7[%add3A_348, %dma_wait3A_434] : memref<10240x136xf32, #tpu.memory_space<vmem_shared>> -> memref<8x136xf32, #tpu.memory_space<vmem_shared>>
        tpu.wait_dma2 semaphore(%run_scoped3A_427 : memref<!tpu.dma_semaphore, #tpu.memory_space<semaphore_mem>>) src(%run_scoped3A_11 : memref<8x136xf32, #tpu.memory_space<vmem>>) dst(%dma_wait3A_435 : memref<8x136xf32, #tpu.memory_space<vmem_shared>>)
        tpu.yield
      }) : () -> ()
      "tpu.region"() ({
        %run_scoped3A_427 = tpu.sem_alloc : memref<!tpu.dma_semaphore, #tpu.memory_space<semaphore_mem>>
        %dma_start3A_428 = arith.constant 0 : i32
        %dma_start3A_429 = arith.constant 0 : i32
        %dma_start3A_430 = tpu.memref_slice %arg4[%add3A, %dma_start3A_428, %dma_start3A_429] : memref<32x500x20xi32, #tpu.memory_space<hbm>> -> memref<1x500x20xi32, #tpu.memory_space<hbm>>
        %dma_start3A_431 = tpu.memref_squeeze %dma_start3A_430 : memref<1x500x20xi32, #tpu.memory_space<hbm>> -> memref<500x20xi32, #tpu.memory_space<hbm>>
        %dma_start3A_432 = arith.constant 0 : i32
        %dma_start3A_433 = arith.constant 0 : i32
        %dma_start3A_434 = tpu.memref_slice %arg4[%add3A, %dma_start3A_432, %dma_start3A_433] : memref<32x500x20xi32, #tpu.memory_space<hbm>> -> memref<1x500x20xi32, #tpu.memory_space<hbm>>
        %dma_start3A_435 = tpu.memref_squeeze %dma_start3A_434 : memref<1x500x20xi32, #tpu.memory_space<hbm>> -> memref<500x20xi32, #tpu.memory_space<hbm>>
        tpu.enqueue_dma source(%dma_start3A_435 : memref<500x20xi32, #tpu.memory_space<hbm>>) target(%run_scoped3A : memref<500x20xi32, #tpu.memory_space<vmem>>) target_semaphore(%run_scoped3A_427 : memref<!tpu.dma_semaphore, #tpu.memory_space<semaphore_mem>>)
        %dma_wait3A_436 = arith.constant 0 : i32
        %dma_wait3A_437 = arith.constant 0 : i32
        %dma_wait3A_438 = tpu.memref_slice %arg4[%add3A, %dma_wait3A_436, %dma_wait3A_437] : memref<32x500x20xi32, #tpu.memory_space<hbm>> -> memref<1x500x20xi32, #tpu.memory_space<hbm>>
        %dma_wait3A_439 = tpu.memref_squeeze %dma_wait3A_438 : memref<1x500x20xi32, #tpu.memory_space<hbm>> -> memref<500x20xi32, #tpu.memory_space<hbm>>
        %dma_wait3A_440 = arith.constant 0 : i32
        %dma_wait3A_441 = arith.constant 0 : i32
        %dma_wait3A_442 = tpu.memref_slice %arg4[%add3A, %dma_wait3A_440, %dma_wait3A_441] : memref<32x500x20xi32, #tpu.memory_space<hbm>> -> memref<1x500x20xi32, #tpu.memory_space<hbm>>
        %dma_wait3A_443 = tpu.memref_squeeze %dma_wait3A_442 : memref<1x500x20xi32, #tpu.memory_space<hbm>> -> memref<500x20xi32, #tpu.memory_space<hbm>>
        tpu.wait_dma2 semaphore(%run_scoped3A_427 : memref<!tpu.dma_semaphore, #tpu.memory_space<semaphore_mem>>) src(%dma_wait3A_443 : memref<500x20xi32, #tpu.memory_space<hbm>>) dst(%run_scoped3A : memref<500x20xi32, #tpu.memory_space<vmem>>)
        tpu.yield
      }) : () -> ()
      "tpu.region"() ({
        %run_scoped3A_427 = tpu.sem_alloc : memref<!tpu.dma_semaphore, #tpu.memory_space<semaphore_mem>>
        %dma_start3A_428 = arith.constant 0 : i32
        %dma_start3A_429 = arith.constant 0 : i32
        %dma_start3A_430 = tpu.memref_slice %arg5[%add3A, %dma_start3A_428, %dma_start3A_429] : memref<32x500x20xi32, #tpu.memory_space<hbm>> -> memref<1x500x20xi32, #tpu.memory_space<hbm>>
        %dma_start3A_431 = tpu.memref_squeeze %dma_start3A_430 : memref<1x500x20xi32, #tpu.memory_space<hbm>> -> memref<500x20xi32, #tpu.memory_space<hbm>>
        %dma_start3A_432 = arith.constant 0 : i32
        %dma_start3A_433 = arith.constant 0 : i32
        %dma_start3A_434 = tpu.memref_slice %arg5[%add3A, %dma_start3A_432, %dma_start3A_433] : memref<32x500x20xi32, #tpu.memory_space<hbm>> -> memref<1x500x20xi32, #tpu.memory_space<hbm>>
        %dma_start3A_435 = tpu.memref_squeeze %dma_start3A_434 : memref<1x500x20xi32, #tpu.memory_space<hbm>> -> memref<500x20xi32, #tpu.memory_space<hbm>>
        tpu.enqueue_dma source(%dma_start3A_435 : memref<500x20xi32, #tpu.memory_space<hbm>>) target(%run_scoped3A_0 : memref<500x20xi32, #tpu.memory_space<vmem>>) target_semaphore(%run_scoped3A_427 : memref<!tpu.dma_semaphore, #tpu.memory_space<semaphore_mem>>)
        %dma_wait3A_436 = arith.constant 0 : i32
        %dma_wait3A_437 = arith.constant 0 : i32
        %dma_wait3A_438 = tpu.memref_slice %arg5[%add3A, %dma_wait3A_436, %dma_wait3A_437] : memref<32x500x20xi32, #tpu.memory_space<hbm>> -> memref<1x500x20xi32, #tpu.memory_space<hbm>>
        %dma_wait3A_439 = tpu.memref_squeeze %dma_wait3A_438 : memref<1x500x20xi32, #tpu.memory_space<hbm>> -> memref<500x20xi32, #tpu.memory_space<hbm>>
        %dma_wait3A_440 = arith.constant 0 : i32
        %dma_wait3A_441 = arith.constant 0 : i32
        %dma_wait3A_442 = tpu.memref_slice %arg5[%add3A, %dma_wait3A_440, %dma_wait3A_441] : memref<32x500x20xi32, #tpu.memory_space<hbm>> -> memref<1x500x20xi32, #tpu.memory_space<hbm>>
        %dma_wait3A_443 = tpu.memref_squeeze %dma_wait3A_442 : memref<1x500x20xi32, #tpu.memory_space<hbm>> -> memref<500x20xi32, #tpu.memory_space<hbm>>
        tpu.wait_dma2 semaphore(%run_scoped3A_427 : memref<!tpu.dma_semaphore, #tpu.memory_space<semaphore_mem>>) src(%dma_wait3A_443 : memref<500x20xi32, #tpu.memory_space<hbm>>) dst(%run_scoped3A_0 : memref<500x20xi32, #tpu.memory_space<vmem>>)
        tpu.yield
      }) : () -> ()
      %dma_start3A = arith.constant 0 : i32
      %dma_start3A_349 = arith.constant 0 : i32
      %dma_start3A_350 = tpu.memref_slice %run_scoped3A[%dma_start3A, %dma_start3A_349] : memref<500x20xi32, #tpu.memory_space<vmem>> -> memref<1x20xi32, #tpu.memory_space<vmem>>
      %dma_start3A_351 = tpu.memref_squeeze %dma_start3A_350 : memref<1x20xi32, #tpu.memory_space<vmem>> -> memref<20xi32, #tpu.memory_space<vmem>>
      %dma_start3A_352 = arith.constant 0 : i32
      %dma_start3A_353 = arith.constant 0 : i32
      %dma_start3A_354 = tpu.memref_slice %arg2[%dma_start3A_352, %dma_start3A_353] : memref<10000x144xf32, #tpu.memory_space<hbm>> -> memref<10000x144xf32, #tpu.memory_space<hbm>>
      tpu.enqueue_indirect_dma source(%dma_start3A_354 : memref<10000x144xf32, #tpu.memory_space<hbm>>) target(%run_scoped3A_1 : memref<20x144xf32, #tpu.memory_space<vmem>>) offsets(%dma_start3A_351 : memref<20xi32, #tpu.memory_space<vmem>>) semaphore(%run_scoped3A_12 : memref<!tpu.dma_semaphore, #tpu.memory_space<semaphore_mem>>)
      %dma_start3A_355 = arith.constant 0 : i32
      %dma_start3A_356 = arith.constant 0 : i32
      %dma_start3A_357 = tpu.memref_slice %run_scoped3A_0[%dma_start3A_355, %dma_start3A_356] : memref<500x20xi32, #tpu.memory_space<vmem>> -> memref<1x20xi32, #tpu.memory_space<vmem>>
      %dma_start3A_358 = tpu.memref_squeeze %dma_start3A_357 : memref<1x20xi32, #tpu.memory_space<vmem>> -> memref<20xi32, #tpu.memory_space<vmem>>
      %dma_start3A_359 = arith.constant 0 : i32
      %dma_start3A_360 = arith.constant 0 : i32
      %dma_start3A_361 = tpu.memref_slice %arg3[%dma_start3A_359, %dma_start3A_360] : memref<10000x16xf32, #tpu.memory_space<hbm>> -> memref<10000x16xf32, #tpu.memory_space<hbm>>
      tpu.enqueue_indirect_dma source(%dma_start3A_361 : memref<10000x16xf32, #tpu.memory_space<hbm>>) target(%run_scoped3A_5 : memref<20x16xf32, #tpu.memory_space<vmem>>) offsets(%dma_start3A_358 : memref<20xi32, #tpu.memory_space<vmem>>) semaphore(%run_scoped3A_16 : memref<!tpu.dma_semaphore, #tpu.memory_space<semaphore_mem>>)
      %dma_start3A_362 = arith.constant 1 : i32
      %dma_start3A_363 = arith.constant 0 : i32
      %dma_start3A_364 = tpu.memref_slice %run_scoped3A[%dma_start3A_362, %dma_start3A_363] : memref<500x20xi32, #tpu.memory_space<vmem>> -> memref<1x20xi32, #tpu.memory_space<vmem>>
      %dma_start3A_365 = tpu.memref_squeeze %dma_start3A_364 : memref<1x20xi32, #tpu.memory_space<vmem>> -> memref<20xi32, #tpu.memory_space<vmem>>
      %dma_start3A_366 = arith.constant 0 : i32
      %dma_start3A_367 = arith.constant 0 : i32
      %dma_start3A_368 = tpu.memref_slice %arg2[%dma_start3A_366, %dma_start3A_367] : memref<10000x144xf32, #tpu.memory_space<hbm>> -> memref<10000x144xf32, #tpu.memory_space<hbm>>
      tpu.enqueue_indirect_dma source(%dma_start3A_368 : memref<10000x144xf32, #tpu.memory_space<hbm>>) target(%run_scoped3A_2 : memref<20x144xf32, #tpu.memory_space<vmem>>) offsets(%dma_start3A_365 : memref<20xi32, #tpu.memory_space<vmem>>) semaphore(%run_scoped3A_13 : memref<!tpu.dma_semaphore, #tpu.memory_space<semaphore_mem>>)
      %dma_start3A_369 = arith.constant 1 : i32
      %dma_start3A_370 = arith.constant 0 : i32
      %dma_start3A_371 = tpu.memref_slice %run_scoped3A_0[%dma_start3A_369, %dma_start3A_370] : memref<500x20xi32, #tpu.memory_space<vmem>> -> memref<1x20xi32, #tpu.memory_space<vmem>>
      %dma_start3A_372 = tpu.memref_squeeze %dma_start3A_371 : memref<1x20xi32, #tpu.memory_space<vmem>> -> memref<20xi32, #tpu.memory_space<vmem>>
      %dma_start3A_373 = arith.constant 0 : i32
      %dma_start3A_374 = arith.constant 0 : i32
      %dma_start3A_375 = tpu.memref_slice %arg3[%dma_start3A_373, %dma_start3A_374] : memref<10000x16xf32, #tpu.memory_space<hbm>> -> memref<10000x16xf32, #tpu.memory_space<hbm>>
      tpu.enqueue_indirect_dma source(%dma_start3A_375 : memref<10000x16xf32, #tpu.memory_space<hbm>>) target(%run_scoped3A_6 : memref<20x16xf32, #tpu.memory_space<vmem>>) offsets(%dma_start3A_372 : memref<20xi32, #tpu.memory_space<vmem>>) semaphore(%run_scoped3A_17 : memref<!tpu.dma_semaphore, #tpu.memory_space<semaphore_mem>>)
      %dma_start3A_376 = arith.constant 2 : i32
      %dma_start3A_377 = arith.constant 0 : i32
      %dma_start3A_378 = tpu.memref_slice %run_scoped3A[%dma_start3A_376, %dma_start3A_377] : memref<500x20xi32, #tpu.memory_space<vmem>> -> memref<1x20xi32, #tpu.memory_space<vmem>>
      %dma_start3A_379 = tpu.memref_squeeze %dma_start3A_378 : memref<1x20xi32, #tpu.memory_space<vmem>> -> memref<20xi32, #tpu.memory_space<vmem>>
      %dma_start3A_380 = arith.constant 0 : i32
      %dma_start3A_381 = arith.constant 0 : i32
      %dma_start3A_382 = tpu.memref_slice %arg2[%dma_start3A_380, %dma_start3A_381] : memref<10000x144xf32, #tpu.memory_space<hbm>> -> memref<10000x144xf32, #tpu.memory_space<hbm>>
      tpu.enqueue_indirect_dma source(%dma_start3A_382 : memref<10000x144xf32, #tpu.memory_space<hbm>>) target(%run_scoped3A_3 : memref<20x144xf32, #tpu.memory_space<vmem>>) offsets(%dma_start3A_379 : memref<20xi32, #tpu.memory_space<vmem>>) semaphore(%run_scoped3A_14 : memref<!tpu.dma_semaphore, #tpu.memory_space<semaphore_mem>>)
      %dma_start3A_383 = arith.constant 2 : i32
      %dma_start3A_384 = arith.constant 0 : i32
      %dma_start3A_385 = tpu.memref_slice %run_scoped3A_0[%dma_start3A_383, %dma_start3A_384] : memref<500x20xi32, #tpu.memory_space<vmem>> -> memref<1x20xi32, #tpu.memory_space<vmem>>
      %dma_start3A_386 = tpu.memref_squeeze %dma_start3A_385 : memref<1x20xi32, #tpu.memory_space<vmem>> -> memref<20xi32, #tpu.memory_space<vmem>>
      %dma_start3A_387 = arith.constant 0 : i32
      %dma_start3A_388 = arith.constant 0 : i32
      %dma_start3A_389 = tpu.memref_slice %arg3[%dma_start3A_387, %dma_start3A_388] : memref<10000x16xf32, #tpu.memory_space<hbm>> -> memref<10000x16xf32, #tpu.memory_space<hbm>>
      tpu.enqueue_indirect_dma source(%dma_start3A_389 : memref<10000x16xf32, #tpu.memory_space<hbm>>) target(%run_scoped3A_7 : memref<20x16xf32, #tpu.memory_space<vmem>>) offsets(%dma_start3A_386 : memref<20xi32, #tpu.memory_space<vmem>>) semaphore(%run_scoped3A_18 : memref<!tpu.dma_semaphore, #tpu.memory_space<semaphore_mem>>)
      %barrier3A = arith.constant 0 : index
      tpu.barrier barrier_id(%barrier3A)
      %iota3A = tpu.iota {dimensions = array<i32: 0>} : vector<16xi32>
      %and3A = arith.constant 7 : i32
      %and3A_390 = vector.broadcast %and3A : i32 to vector<16xi32>
      %and3A_391 = arith.andi %iota3A, %and3A_390 : vector<16xi32>
      %add3A_392 = arith.constant 8 : i32
      %add3A_393 = vector.broadcast %add3A_392 : i32 to vector<16xi32>
      %add3A_394 = arith.addi %and3A_391, %add3A_393 : vector<16xi32>
      %iota3A_395 = tpu.iota {dimensions = array<i32: 0>} : vector<16xi32>
      %and3A_396 = arith.constant 7 : i32
      %and3A_397 = vector.broadcast %and3A_396 : i32 to vector<16xi32>
      %and3A_398 = arith.andi %iota3A_395, %and3A_397 : vector<16xi32>
      %add3A_399 = arith.constant 128 : i32
      %add3A_400 = vector.broadcast %add3A_399 : i32 to vector<16xi32>
      %add3A_401 = arith.addi %add3A_400, %and3A_398 : vector<16xi32>
      %lt3A = arith.constant 8 : i32
      %lt3A_402 = vector.broadcast %lt3A : i32 to vector<16xi32>
      %lt3A_403 = arith.cmpi slt, %iota3A_395, %lt3A_402 : vector<16xi32>
      %scan3A_404 = arith.constant 0 : i32
      %scan3A_405 = arith.constant 125 : i32
      %scan3A_406 = arith.addi %scan3A_404, %scan3A_405 : i32
      %scan3A_407 = arith.constant 1 : i32
      scf.for %scan3A_427 = %scan3A_404 to %scan3A_406 step %scan3A_407  : i32 {
        %mul3A_428 = arith.constant 4 : i32
        %mul3A_429 = arith.muli %scan3A_427, %mul3A_428 : i32
        %add3A_430 = arith.constant 0 : i32
        %add3A_431 = arith.addi %add3A_430, %mul3A_429 : i32
        %add3A_432 = arith.constant 0 : i32
        %add3A_433 = arith.addi %add3A_431, %add3A_432 : i32
        %dma_wait3A_434 = arith.constant 0 : i32
        %dma_wait3A_435 = tpu.memref_slice %run_scoped3A[%add3A_433, %dma_wait3A_434] : memref<500x20xi32, #tpu.memory_space<vmem>> -> memref<1x20xi32, #tpu.memory_space<vmem>>
        %dma_wait3A_436 = tpu.memref_squeeze %dma_wait3A_435 : memref<1x20xi32, #tpu.memory_space<vmem>> -> memref<20xi32, #tpu.memory_space<vmem>>
        %dma_wait3A_437 = arith.constant 0 : i32
        %dma_wait3A_438 = arith.constant 0 : i32
        %dma_wait3A_439 = tpu.memref_slice %arg2[%dma_wait3A_437, %dma_wait3A_438] : memref<10000x144xf32, #tpu.memory_space<hbm>> -> memref<10000x144xf32, #tpu.memory_space<hbm>>
        tpu.wait_indirect_dma semaphore(%run_scoped3A_12 : memref<!tpu.dma_semaphore, #tpu.memory_space<semaphore_mem>>) src(%dma_wait3A_439 : memref<10000x144xf32, #tpu.memory_space<hbm>>) dst(%run_scoped3A_1 : memref<20x144xf32, #tpu.memory_space<vmem>>)
        %dma_wait3A_440 = arith.constant 0 : i32
        %dma_wait3A_441 = tpu.memref_slice %run_scoped3A_0[%add3A_433, %dma_wait3A_440] : memref<500x20xi32, #tpu.memory_space<vmem>> -> memref<1x20xi32, #tpu.memory_space<vmem>>
        %dma_wait3A_442 = tpu.memref_squeeze %dma_wait3A_441 : memref<1x20xi32, #tpu.memory_space<vmem>> -> memref<20xi32, #tpu.memory_space<vmem>>
        %dma_wait3A_443 = arith.constant 0 : i32
        %dma_wait3A_444 = arith.constant 0 : i32
        %dma_wait3A_445 = tpu.memref_slice %arg3[%dma_wait3A_443, %dma_wait3A_444] : memref<10000x16xf32, #tpu.memory_space<hbm>> -> memref<10000x16xf32, #tpu.memory_space<hbm>>
        tpu.wait_indirect_dma semaphore(%run_scoped3A_16 : memref<!tpu.dma_semaphore, #tpu.memory_space<semaphore_mem>>) src(%dma_wait3A_445 : memref<10000x16xf32, #tpu.memory_space<hbm>>) dst(%run_scoped3A_5 : memref<20x16xf32, #tpu.memory_space<vmem>>)
        %add3A_446 = arith.constant 3 : i32
        %add3A_447 = arith.addi %add3A_433, %add3A_446 : i32
        %lt3A_448 = arith.constant 500 : i32
        %lt3A_449 = arith.cmpi slt, %add3A_447, %lt3A_448 : i32
        %convert_element_type3A = arith.extui %lt3A_449 : i1 to i32
        %cond3A = arith.constant 0 : i32
        %cond3A_450 = arith.cmpi ne, %convert_element_type3A, %cond3A : i32
        scf.if %cond3A_450 {
          %add3A_568 = arith.constant 3 : i32
          %add3A_569 = arith.addi %add3A_433, %add3A_568 : i32
          %dma_start3A_570 = arith.constant 0 : i32
          %dma_start3A_571 = tpu.memref_slice %run_scoped3A[%add3A_569, %dma_start3A_570] : memref<500x20xi32, #tpu.memory_space<vmem>> -> memref<1x20xi32, #tpu.memory_space<vmem>>
          %dma_start3A_572 = tpu.memref_squeeze %dma_start3A_571 : memref<1x20xi32, #tpu.memory_space<vmem>> -> memref<20xi32, #tpu.memory_space<vmem>>
          %dma_start3A_573 = arith.constant 0 : i32
          %dma_start3A_574 = arith.constant 0 : i32
          %dma_start3A_575 = tpu.memref_slice %arg2[%dma_start3A_573, %dma_start3A_574] : memref<10000x144xf32, #tpu.memory_space<hbm>> -> memref<10000x144xf32, #tpu.memory_space<hbm>>
          tpu.enqueue_indirect_dma source(%dma_start3A_575 : memref<10000x144xf32, #tpu.memory_space<hbm>>) target(%run_scoped3A_4 : memref<20x144xf32, #tpu.memory_space<vmem>>) offsets(%dma_start3A_572 : memref<20xi32, #tpu.memory_space<vmem>>) semaphore(%run_scoped3A_15 : memref<!tpu.dma_semaphore, #tpu.memory_space<semaphore_mem>>)
          %add3A_576 = arith.constant 3 : i32
          %add3A_577 = arith.addi %add3A_433, %add3A_576 : i32
          %dma_start3A_578 = arith.constant 0 : i32
          %dma_start3A_579 = tpu.memref_slice %run_scoped3A_0[%add3A_577, %dma_start3A_578] : memref<500x20xi32, #tpu.memory_space<vmem>> -> memref<1x20xi32, #tpu.memory_space<vmem>>
          %dma_start3A_580 = tpu.memref_squeeze %dma_start3A_579 : memref<1x20xi32, #tpu.memory_space<vmem>> -> memref<20xi32, #tpu.memory_space<vmem>>
          %dma_start3A_581 = arith.constant 0 : i32
          %dma_start3A_582 = arith.constant 0 : i32
          %dma_start3A_583 = tpu.memref_slice %arg3[%dma_start3A_581, %dma_start3A_582] : memref<10000x16xf32, #tpu.memory_space<hbm>> -> memref<10000x16xf32, #tpu.memory_space<hbm>>
          tpu.enqueue_indirect_dma source(%dma_start3A_583 : memref<10000x16xf32, #tpu.memory_space<hbm>>) target(%run_scoped3A_8 : memref<20x16xf32, #tpu.memory_space<vmem>>) offsets(%dma_start3A_580 : memref<20xi32, #tpu.memory_space<vmem>>) semaphore(%run_scoped3A_19 : memref<!tpu.dma_semaphore, #tpu.memory_space<semaphore_mem>>)
        } else {
        }
        %ge3A = arith.constant 2 : i32
        %ge3A_451 = arith.cmpi sge, %add3A_433, %ge3A : i32
        %convert_element_type3A_452 = arith.extui %ge3A_451 : i1 to i32
        %cond3A_453 = arith.constant 0 : i32
        %cond3A_454 = arith.cmpi ne, %convert_element_type3A_452, %cond3A_453 : i32
        scf.if %cond3A_454 {
          %dma_wait3A_568 = arith.constant 0 : i32
          %dma_wait3A_569 = tpu.memref_slice %run_scoped3A_0[%add3A_433, %dma_wait3A_568] : memref<500x20xi32, #tpu.memory_space<vmem>> -> memref<1x20xi32, #tpu.memory_space<vmem>>
          %dma_wait3A_570 = tpu.memref_squeeze %dma_wait3A_569 : memref<1x20xi32, #tpu.memory_space<vmem>> -> memref<20xi32, #tpu.memory_space<vmem>>
          %dma_wait3A_571 = arith.constant 0 : i32
          %dma_wait3A_572 = arith.constant 0 : i32
          %dma_wait3A_573 = tpu.memref_slice %arg7[%dma_wait3A_571, %dma_wait3A_572] : memref<10240x136xf32, #tpu.memory_space<vmem_shared>> -> memref<10240x136xf32, #tpu.memory_space<vmem_shared>>
          tpu.wait_indirect_dma semaphore(%run_scoped3A_20 : memref<!tpu.dma_semaphore, #tpu.memory_space<semaphore_mem>>) src(%run_scoped3A_9 : memref<20x136xf32, #tpu.memory_space<vmem>>) dst(%dma_wait3A_573 : memref<10240x136xf32, #tpu.memory_space<vmem_shared>>)
        } else {
        }
        %parallel_loop3A = arith.constant 0 : i32
        %parallel_loop3A_455 = arith.constant 20 : i32
        %parallel_loop3A_456 = arith.constant 1 : i32
        scf.for %parallel_loop3A_568 = %parallel_loop3A to %parallel_loop3A_455 step %parallel_loop3A_456  : i32 {
          %parallel_loop3A_569 = arith.index_cast %parallel_loop3A_568 : i32 to index
          %parallel_loop3A_570 = arith.constant 128 : index
          %parallel_loop3A_571 = tpu.vector_load %run_scoped3A_1[%parallel_loop3A_569, %parallel_loop3A_570] {strides = array<i32>} : memref<20x144xf32, #tpu.memory_space<vmem>>, vector<16xf32>,
          %parallel_loop3A_572 = arith.index_cast %parallel_loop3A_568 : i32 to index
          %parallel_loop3A_573 = arith.constant 0 : index
          %parallel_loop3A_574 = tpu.vector_load %run_scoped3A_5[%parallel_loop3A_572, %parallel_loop3A_573] {strides = array<i32>} : memref<20x16xf32, #tpu.memory_space<vmem>>, vector<16xf32>,
          %parallel_loop3A_575 = vector.shape_cast %add3A_394 : vector<16xi32> to vector<16x1xi32>
          %parallel_loop3A_576 = vector.shape_cast %parallel_loop3A_575 : vector<16x1xi32> to vector<16xi32>
          %parallel_loop3A_577 = tpu.dynamic_gather %parallel_loop3A_574[%parallel_loop3A_576] in [0] : vector<16xf32>, vector<16xi32> -> vector<16xf32>
          %parallel_loop3A_578 = arith.addf %parallel_loop3A_571, %parallel_loop3A_577 : vector<16xf32>
          %parallel_loop3A_579 = arith.constant 0.000000e+00 : f32
          %parallel_loop3A_580 = vector.broadcast %parallel_loop3A_579 : f32 to vector<16xf32>
          %parallel_loop3A_581 = arith.cmpf oge, %parallel_loop3A_578, %parallel_loop3A_580 : vector<16xf32>
          %parallel_loop3A_582 = arith.constant 2.000000e-01 : f32
          %parallel_loop3A_583 = vector.broadcast %parallel_loop3A_582 : f32 to vector<16xf32>
          %parallel_loop3A_584 = arith.mulf %parallel_loop3A_583, %parallel_loop3A_578 : vector<16xf32>
          %parallel_loop3A_585 = arith.select %parallel_loop3A_581, %parallel_loop3A_578, %parallel_loop3A_584 : vector<16xi1>, vector<16xf32>
          %parallel_loop3A_586 = math.exp %parallel_loop3A_585 : vector<16xf32>
          %parallel_loop3A_587 = arith.constant 0 : i32
          %parallel_loop3A_588 = vector.broadcast %parallel_loop3A_587 : i32 to vector<16xi32>
          %parallel_loop3A_589 = vector.broadcast %parallel_loop3A_568 : i32 to vector<16xi32>
          %parallel_loop3A_590 = arith.addi %parallel_loop3A_588, %parallel_loop3A_589 : vector<16xi32>
          tpu.vector_store_idx %run_scoped3A_9[%parallel_loop3A_590, %add3A_401], %parallel_loop3A_586 masked %lt3A_403 : memref<20x136xf32, #tpu.memory_space<vmem>>[vector<16xi32>, vector<16xi32>], vector<16xf32>, vector<16xi1>
          %parallel_loop3A_591 = arith.constant 0 : i32
          %parallel_loop3A_592 = vector.broadcast %parallel_loop3A_591 : i32 to vector<16xi32>
          %parallel_loop3A_593 = vector.shape_cast %parallel_loop3A_592 : vector<16xi32> to vector<16x1xi32>
          %parallel_loop3A_594 = vector.shape_cast %parallel_loop3A_593 : vector<16x1xi32> to vector<16xi32>
          %parallel_loop3A_595 = tpu.dynamic_gather %parallel_loop3A_586[%parallel_loop3A_594] in [0] : vector<16xf32>, vector<16xi32> -> vector<16xf32>
          %parallel_loop3A_596 = arith.index_cast %parallel_loop3A_568 : i32 to index
          %parallel_loop3A_597 = arith.constant 0 : index
          %parallel_loop3A_598 = tpu.vector_load %run_scoped3A_1[%parallel_loop3A_596, %parallel_loop3A_597] {strides = array<i32>} : memref<20x144xf32, #tpu.memory_space<vmem>>, vector<16xf32>,
          %parallel_loop3A_599 = arith.mulf %parallel_loop3A_595, %parallel_loop3A_598 : vector<16xf32>
          %parallel_loop3A_600 = arith.index_cast %parallel_loop3A_568 : i32 to index
          %parallel_loop3A_601 = arith.constant 0 : index
          %parallel_loop3A_602 = tpu.vector_load %run_scoped3A_9[%parallel_loop3A_600, %parallel_loop3A_601] {strides = array<i32>} : memref<20x136xf32, #tpu.memory_space<vmem>>, vector<16xf32>,
          tpu.vector_store %run_scoped3A_9[%parallel_loop3A_600, %parallel_loop3A_601], %parallel_loop3A_599 {strides = array<i32>} : memref<20x136xf32, #tpu.memory_space<vmem>>, vector<16xf32>,
          %parallel_loop3A_603 = arith.constant 1 : i32
          %parallel_loop3A_604 = vector.broadcast %parallel_loop3A_603 : i32 to vector<16xi32>
          %parallel_loop3A_605 = vector.shape_cast %parallel_loop3A_604 : vector<16xi32> to vector<16x1xi32>
          %parallel_loop3A_606 = vector.shape_cast %parallel_loop3A_605 : vector<16x1xi32> to vector<16xi32>
          %parallel_loop3A_607 = tpu.dynamic_gather %parallel_loop3A_586[%parallel_loop3A_606] in [0] : vector<16xf32>, vector<16xi32> -> vector<16xf32>
          %parallel_loop3A_608 = arith.index_cast %parallel_loop3A_568 : i32 to index
          %parallel_loop3A_609 = arith.constant 16 : index
          %parallel_loop3A_610 = tpu.vector_load %run_scoped3A_1[%parallel_loop3A_608, %parallel_loop3A_609] {strides = array<i32>} : memref<20x144xf32, #tpu.memory_space<vmem>>, vector<16xf32>,
          %parallel_loop3A_611 = arith.mulf %parallel_loop3A_607, %parallel_loop3A_610 : vector<16xf32>
          %parallel_loop3A_612 = arith.index_cast %parallel_loop3A_568 : i32 to index
          %parallel_loop3A_613 = arith.constant 16 : index
          %parallel_loop3A_614 = tpu.vector_load %run_scoped3A_9[%parallel_loop3A_612, %parallel_loop3A_613] {strides = array<i32>} : memref<20x136xf32, #tpu.memory_space<vmem>>, vector<16xf32>,
          tpu.vector_store %run_scoped3A_9[%parallel_loop3A_612, %parallel_loop3A_613], %parallel_loop3A_611 {strides = array<i32>} : memref<20x136xf32, #tpu.memory_space<vmem>>, vector<16xf32>,
          %parallel_loop3A_615 = arith.constant 2 : i32
          %parallel_loop3A_616 = vector.broadcast %parallel_loop3A_615 : i32 to vector<16xi32>
          %parallel_loop3A_617 = vector.shape_cast %parallel_loop3A_616 : vector<16xi32> to vector<16x1xi32>
          %parallel_loop3A_618 = vector.shape_cast %parallel_loop3A_617 : vector<16x1xi32> to vector<16xi32>
          %parallel_loop3A_619 = tpu.dynamic_gather %parallel_loop3A_586[%parallel_loop3A_618] in [0] : vector<16xf32>, vector<16xi32> -> vector<16xf32>
          %parallel_loop3A_620 = arith.index_cast %parallel_loop3A_568 : i32 to index
          %parallel_loop3A_621 = arith.constant 32 : index
          %parallel_loop3A_622 = tpu.vector_load %run_scoped3A_1[%parallel_loop3A_620, %parallel_loop3A_621] {strides = array<i32>} : memref<20x144xf32, #tpu.memory_space<vmem>>, vector<16xf32>,
          %parallel_loop3A_623 = arith.mulf %parallel_loop3A_619, %parallel_loop3A_622 : vector<16xf32>
          %parallel_loop3A_624 = arith.index_cast %parallel_loop3A_568 : i32 to index
          %parallel_loop3A_625 = arith.constant 32 : index
          %parallel_loop3A_626 = tpu.vector_load %run_scoped3A_9[%parallel_loop3A_624, %parallel_loop3A_625] {strides = array<i32>} : memref<20x136xf32, #tpu.memory_space<vmem>>, vector<16xf32>,
          tpu.vector_store %run_scoped3A_9[%parallel_loop3A_624, %parallel_loop3A_625], %parallel_loop3A_623 {strides = array<i32>} : memref<20x136xf32, #tpu.memory_space<vmem>>, vector<16xf32>,
          %parallel_loop3A_627 = arith.constant 3 : i32
          %parallel_loop3A_628 = vector.broadcast %parallel_loop3A_627 : i32 to vector<16xi32>
          %parallel_loop3A_629 = vector.shape_cast %parallel_loop3A_628 : vector<16xi32> to vector<16x1xi32>
          %parallel_loop3A_630 = vector.shape_cast %parallel_loop3A_629 : vector<16x1xi32> to vector<16xi32>
          %parallel_loop3A_631 = tpu.dynamic_gather %parallel_loop3A_586[%parallel_loop3A_630] in [0] : vector<16xf32>, vector<16xi32> -> vector<16xf32>
          %parallel_loop3A_632 = arith.index_cast %parallel_loop3A_568 : i32 to index
          %parallel_loop3A_633 = arith.constant 48 : index
          %parallel_loop3A_634 = tpu.vector_load %run_scoped3A_1[%parallel_loop3A_632, %parallel_loop3A_633] {strides = array<i32>} : memref<20x144xf32, #tpu.memory_space<vmem>>, vector<16xf32>,
          %parallel_loop3A_635 = arith.mulf %parallel_loop3A_631, %parallel_loop3A_634 : vector<16xf32>
          %parallel_loop3A_636 = arith.index_cast %parallel_loop3A_568 : i32 to index
          %parallel_loop3A_637 = arith.constant 48 : index
          %parallel_loop3A_638 = tpu.vector_load %run_scoped3A_9[%parallel_loop3A_636, %parallel_loop3A_637] {strides = array<i32>} : memref<20x136xf32, #tpu.memory_space<vmem>>, vector<16xf32>,
          tpu.vector_store %run_scoped3A_9[%parallel_loop3A_636, %parallel_loop3A_637], %parallel_loop3A_635 {strides = array<i32>} : memref<20x136xf32, #tpu.memory_space<vmem>>, vector<16xf32>,
          %parallel_loop3A_639 = arith.constant 4 : i32
          %parallel_loop3A_640 = vector.broadcast %parallel_loop3A_639 : i32 to vector<16xi32>
          %parallel_loop3A_641 = vector.shape_cast %parallel_loop3A_640 : vector<16xi32> to vector<16x1xi32>
          %parallel_loop3A_642 = vector.shape_cast %parallel_loop3A_641 : vector<16x1xi32> to vector<16xi32>
          %parallel_loop3A_643 = tpu.dynamic_gather %parallel_loop3A_586[%parallel_loop3A_642] in [0] : vector<16xf32>, vector<16xi32> -> vector<16xf32>
          %parallel_loop3A_644 = arith.index_cast %parallel_loop3A_568 : i32 to index
          %parallel_loop3A_645 = arith.constant 64 : index
          %parallel_loop3A_646 = tpu.vector_load %run_scoped3A_1[%parallel_loop3A_644, %parallel_loop3A_645] {strides = array<i32>} : memref<20x144xf32, #tpu.memory_space<vmem>>, vector<16xf32>,
          %parallel_loop3A_647 = arith.mulf %parallel_loop3A_643, %parallel_loop3A_646 : vector<16xf32>
          %parallel_loop3A_648 = arith.index_cast %parallel_loop3A_568 : i32 to index
          %parallel_loop3A_649 = arith.constant 64 : index
          %parallel_loop3A_650 = tpu.vector_load %run_scoped3A_9[%parallel_loop3A_648, %parallel_loop3A_649] {strides = array<i32>} : memref<20x136xf32, #tpu.memory_space<vmem>>, vector<16xf32>,
          tpu.vector_store %run_scoped3A_9[%parallel_loop3A_648, %parallel_loop3A_649], %parallel_loop3A_647 {strides = array<i32>} : memref<20x136xf32, #tpu.memory_space<vmem>>, vector<16xf32>,
          %parallel_loop3A_651 = arith.constant 5 : i32
          %parallel_loop3A_652 = vector.broadcast %parallel_loop3A_651 : i32 to vector<16xi32>
          %parallel_loop3A_653 = vector.shape_cast %parallel_loop3A_652 : vector<16xi32> to vector<16x1xi32>
          %parallel_loop3A_654 = vector.shape_cast %parallel_loop3A_653 : vector<16x1xi32> to vector<16xi32>
          %parallel_loop3A_655 = tpu.dynamic_gather %parallel_loop3A_586[%parallel_loop3A_654] in [0] : vector<16xf32>, vector<16xi32> -> vector<16xf32>
          %parallel_loop3A_656 = arith.index_cast %parallel_loop3A_568 : i32 to index
          %parallel_loop3A_657 = arith.constant 80 : index
          %parallel_loop3A_658 = tpu.vector_load %run_scoped3A_1[%parallel_loop3A_656, %parallel_loop3A_657] {strides = array<i32>} : memref<20x144xf32, #tpu.memory_space<vmem>>, vector<16xf32>,
          %parallel_loop3A_659 = arith.mulf %parallel_loop3A_655, %parallel_loop3A_658 : vector<16xf32>
          %parallel_loop3A_660 = arith.index_cast %parallel_loop3A_568 : i32 to index
          %parallel_loop3A_661 = arith.constant 80 : index
          %parallel_loop3A_662 = tpu.vector_load %run_scoped3A_9[%parallel_loop3A_660, %parallel_loop3A_661] {strides = array<i32>} : memref<20x136xf32, #tpu.memory_space<vmem>>, vector<16xf32>,
          tpu.vector_store %run_scoped3A_9[%parallel_loop3A_660, %parallel_loop3A_661], %parallel_loop3A_659 {strides = array<i32>} : memref<20x136xf32, #tpu.memory_space<vmem>>, vector<16xf32>,
          %parallel_loop3A_663 = arith.constant 6 : i32
          %parallel_loop3A_664 = vector.broadcast %parallel_loop3A_663 : i32 to vector<16xi32>
          %parallel_loop3A_665 = vector.shape_cast %parallel_loop3A_664 : vector<16xi32> to vector<16x1xi32>
          %parallel_loop3A_666 = vector.shape_cast %parallel_loop3A_665 : vector<16x1xi32> to vector<16xi32>
          %parallel_loop3A_667 = tpu.dynamic_gather %parallel_loop3A_586[%parallel_loop3A_666] in [0] : vector<16xf32>, vector<16xi32> -> vector<16xf32>
          %parallel_loop3A_668 = arith.index_cast %parallel_loop3A_568 : i32 to index
          %parallel_loop3A_669 = arith.constant 96 : index
          %parallel_loop3A_670 = tpu.vector_load %run_scoped3A_1[%parallel_loop3A_668, %parallel_loop3A_669] {strides = array<i32>} : memref<20x144xf32, #tpu.memory_space<vmem>>, vector<16xf32>,
          %parallel_loop3A_671 = arith.mulf %parallel_loop3A_667, %parallel_loop3A_670 : vector<16xf32>
          %parallel_loop3A_672 = arith.index_cast %parallel_loop3A_568 : i32 to index
          %parallel_loop3A_673 = arith.constant 96 : index
          %parallel_loop3A_674 = tpu.vector_load %run_scoped3A_9[%parallel_loop3A_672, %parallel_loop3A_673] {strides = array<i32>} : memref<20x136xf32, #tpu.memory_space<vmem>>, vector<16xf32>,
          tpu.vector_store %run_scoped3A_9[%parallel_loop3A_672, %parallel_loop3A_673], %parallel_loop3A_671 {strides = array<i32>} : memref<20x136xf32, #tpu.memory_space<vmem>>, vector<16xf32>,
          %parallel_loop3A_675 = arith.constant 7 : i32
          %parallel_loop3A_676 = vector.broadcast %parallel_loop3A_675 : i32 to vector<16xi32>
          %parallel_loop3A_677 = vector.shape_cast %parallel_loop3A_676 : vector<16xi32> to vector<16x1xi32>
          %parallel_loop3A_678 = vector.shape_cast %parallel_loop3A_677 : vector<16x1xi32> to vector<16xi32>
          %parallel_loop3A_679 = tpu.dynamic_gather %parallel_loop3A_586[%parallel_loop3A_678] in [0] : vector<16xf32>, vector<16xi32> -> vector<16xf32>
          %parallel_loop3A_680 = arith.index_cast %parallel_loop3A_568 : i32 to index
          %parallel_loop3A_681 = arith.constant 112 : index
          %parallel_loop3A_682 = tpu.vector_load %run_scoped3A_1[%parallel_loop3A_680, %parallel_loop3A_681] {strides = array<i32>} : memref<20x144xf32, #tpu.memory_space<vmem>>, vector<16xf32>,
          %parallel_loop3A_683 = arith.mulf %parallel_loop3A_679, %parallel_loop3A_682 : vector<16xf32>
          %parallel_loop3A_684 = arith.index_cast %parallel_loop3A_568 : i32 to index
          %parallel_loop3A_685 = arith.constant 112 : index
          %parallel_loop3A_686 = tpu.vector_load %run_scoped3A_9[%parallel_loop3A_684, %parallel_loop3A_685] {strides = array<i32>} : memref<20x136xf32, #tpu.memory_space<vmem>>, vector<16xf32>,
          tpu.vector_store %run_scoped3A_9[%parallel_loop3A_684, %parallel_loop3A_685], %parallel_loop3A_683 {strides = array<i32>} : memref<20x136xf32, #tpu.memory_space<vmem>>, vector<16xf32>,
        } {sc.loop_unroll_factor = 4 : i64, sc.parallel_access}
        %dma_start3A_457 = arith.constant 0 : i32
        %dma_start3A_458 = tpu.memref_slice %run_scoped3A_0[%add3A_433, %dma_start3A_457] : memref<500x20xi32, #tpu.memory_space<vmem>> -> memref<1x20xi32, #tpu.memory_space<vmem>>
        %dma_start3A_459 = tpu.memref_squeeze %dma_start3A_458 : memref<1x20xi32, #tpu.memory_space<vmem>> -> memref<20xi32, #tpu.memory_space<vmem>>
        %dma_start3A_460 = arith.constant 0 : i32
        %dma_start3A_461 = arith.constant 0 : i32
        %dma_start3A_462 = tpu.memref_slice %arg7[%dma_start3A_460, %dma_start3A_461] : memref<10240x136xf32, #tpu.memory_space<vmem_shared>> -> memref<10240x136xf32, #tpu.memory_space<vmem_shared>>
        tpu.enqueue_indirect_dma source(%run_scoped3A_9 : memref<20x136xf32, #tpu.memory_space<vmem>>) target(%dma_start3A_462 : memref<10240x136xf32, #tpu.memory_space<vmem_shared>>) offsets(%dma_start3A_459 : memref<20xi32, #tpu.memory_space<vmem>>) semaphore(%run_scoped3A_20 : memref<!tpu.dma_semaphore, #tpu.memory_space<semaphore_mem>>) {add = true}
        %add3A_463 = arith.constant 1 : i32
        %add3A_464 = arith.addi %add3A_431, %add3A_463 : i32
        %dma_wait3A_465 = arith.constant 0 : i32
        %dma_wait3A_466 = tpu.memref_slice %run_scoped3A[%add3A_464, %dma_wait3A_465] : memref<500x20xi32, #tpu.memory_space<vmem>> -> memref<1x20xi32, #tpu.memory_space<vmem>>
        %dma_wait3A_467 = tpu.memref_squeeze %dma_wait3A_466 : memref<1x20xi32, #tpu.memory_space<vmem>> -> memref<20xi32, #tpu.memory_space<vmem>>
        %dma_wait3A_468 = arith.constant 0 : i32
        %dma_wait3A_469 = arith.constant 0 : i32
        %dma_wait3A_470 = tpu.memref_slice %arg2[%dma_wait3A_468, %dma_wait3A_469] : memref<10000x144xf32, #tpu.memory_space<hbm>> -> memref<10000x144xf32, #tpu.memory_space<hbm>>
        tpu.wait_indirect_dma semaphore(%run_scoped3A_13 : memref<!tpu.dma_semaphore, #tpu.memory_space<semaphore_mem>>) src(%dma_wait3A_470 : memref<10000x144xf32, #tpu.memory_space<hbm>>) dst(%run_scoped3A_2 : memref<20x144xf32, #tpu.memory_space<vmem>>)
        %dma_wait3A_471 = arith.constant 0 : i32
        %dma_wait3A_472 = tpu.memref_slice %run_scoped3A_0[%add3A_464, %dma_wait3A_471] : memref<500x20xi32, #tpu.memory_space<vmem>> -> memref<1x20xi32, #tpu.memory_space<vmem>>
        %dma_wait3A_473 = tpu.memref_squeeze %dma_wait3A_472 : memref<1x20xi32, #tpu.memory_space<vmem>> -> memref<20xi32, #tpu.memory_space<vmem>>
        %dma_wait3A_474 = arith.constant 0 : i32
        %dma_wait3A_475 = arith.constant 0 : i32
        %dma_wait3A_476 = tpu.memref_slice %arg3[%dma_wait3A_474, %dma_wait3A_475] : memref<10000x16xf32, #tpu.memory_space<hbm>> -> memref<10000x16xf32, #tpu.memory_space<hbm>>
        tpu.wait_indirect_dma semaphore(%run_scoped3A_17 : memref<!tpu.dma_semaphore, #tpu.memory_space<semaphore_mem>>) src(%dma_wait3A_476 : memref<10000x16xf32, #tpu.memory_space<hbm>>) dst(%run_scoped3A_6 : memref<20x16xf32, #tpu.memory_space<vmem>>)
        %add3A_477 = arith.constant 3 : i32
        %add3A_478 = arith.addi %add3A_464, %add3A_477 : i32
        %lt3A_479 = arith.constant 500 : i32
        %lt3A_480 = arith.cmpi slt, %add3A_478, %lt3A_479 : i32
        %convert_element_type3A_481 = arith.extui %lt3A_480 : i1 to i32
        %cond3A_482 = arith.constant 0 : i32
        %cond3A_483 = arith.cmpi ne, %convert_element_type3A_481, %cond3A_482 : i32
        scf.if %cond3A_483 {
          %add3A_568 = arith.constant 3 : i32
          %add3A_569 = arith.addi %add3A_464, %add3A_568 : i32
          %dma_start3A_570 = arith.constant 0 : i32
          %dma_start3A_571 = tpu.memref_slice %run_scoped3A[%add3A_569, %dma_start3A_570] : memref<500x20xi32, #tpu.memory_space<vmem>> -> memref<1x20xi32, #tpu.memory_space<vmem>>
          %dma_start3A_572 = tpu.memref_squeeze %dma_start3A_571 : memref<1x20xi32, #tpu.memory_space<vmem>> -> memref<20xi32, #tpu.memory_space<vmem>>
          %dma_start3A_573 = arith.constant 0 : i32
          %dma_start3A_574 = arith.constant 0 : i32
          %dma_start3A_575 = tpu.memref_slice %arg2[%dma_start3A_573, %dma_start3A_574] : memref<10000x144xf32, #tpu.memory_space<hbm>> -> memref<10000x144xf32, #tpu.memory_space<hbm>>
          tpu.enqueue_indirect_dma source(%dma_start3A_575 : memref<10000x144xf32, #tpu.memory_space<hbm>>) target(%run_scoped3A_1 : memref<20x144xf32, #tpu.memory_space<vmem>>) offsets(%dma_start3A_572 : memref<20xi32, #tpu.memory_space<vmem>>) semaphore(%run_scoped3A_12 : memref<!tpu.dma_semaphore, #tpu.memory_space<semaphore_mem>>)
          %add3A_576 = arith.constant 3 : i32
          %add3A_577 = arith.addi %add3A_464, %add3A_576 : i32
          %dma_start3A_578 = arith.constant 0 : i32
          %dma_start3A_579 = tpu.memref_slice %run_scoped3A_0[%add3A_577, %dma_start3A_578] : memref<500x20xi32, #tpu.memory_space<vmem>> -> memref<1x20xi32, #tpu.memory_space<vmem>>
          %dma_start3A_580 = tpu.memref_squeeze %dma_start3A_579 : memref<1x20xi32, #tpu.memory_space<vmem>> -> memref<20xi32, #tpu.memory_space<vmem>>
          %dma_start3A_581 = arith.constant 0 : i32
          %dma_start3A_582 = arith.constant 0 : i32
          %dma_start3A_583 = tpu.memref_slice %arg3[%dma_start3A_581, %dma_start3A_582] : memref<10000x16xf32, #tpu.memory_space<hbm>> -> memref<10000x16xf32, #tpu.memory_space<hbm>>
          tpu.enqueue_indirect_dma source(%dma_start3A_583 : memref<10000x16xf32, #tpu.memory_space<hbm>>) target(%run_scoped3A_5 : memref<20x16xf32, #tpu.memory_space<vmem>>) offsets(%dma_start3A_580 : memref<20xi32, #tpu.memory_space<vmem>>) semaphore(%run_scoped3A_16 : memref<!tpu.dma_semaphore, #tpu.memory_space<semaphore_mem>>)
        } else {
        }
        %ge3A_484 = arith.constant 2 : i32
        %ge3A_485 = arith.cmpi sge, %add3A_464, %ge3A_484 : i32
        %convert_element_type3A_486 = arith.extui %ge3A_485 : i1 to i32
        %cond3A_487 = arith.constant 0 : i32
        %cond3A_488 = arith.cmpi ne, %convert_element_type3A_486, %cond3A_487 : i32
        scf.if %cond3A_488 {
          %dma_wait3A_568 = arith.constant 0 : i32
          %dma_wait3A_569 = tpu.memref_slice %run_scoped3A_0[%add3A_464, %dma_wait3A_568] : memref<500x20xi32, #tpu.memory_space<vmem>> -> memref<1x20xi32, #tpu.memory_space<vmem>>
          %dma_wait3A_570 = tpu.memref_squeeze %dma_wait3A_569 : memref<1x20xi32, #tpu.memory_space<vmem>> -> memref<20xi32, #tpu.memory_space<vmem>>
          %dma_wait3A_571 = arith.constant 0 : i32
          %dma_wait3A_572 = arith.constant 0 : i32
          %dma_wait3A_573 = tpu.memref_slice %arg7[%dma_wait3A_571, %dma_wait3A_572] : memref<10240x136xf32, #tpu.memory_space<vmem_shared>> -> memref<10240x136xf32, #tpu.memory_space<vmem_shared>>
          tpu.wait_indirect_dma semaphore(%run_scoped3A_21 : memref<!tpu.dma_semaphore, #tpu.memory_space<semaphore_mem>>) src(%run_scoped3A_10 : memref<20x136xf32, #tpu.memory_space<vmem>>) dst(%dma_wait3A_573 : memref<10240x136xf32, #tpu.memory_space<vmem_shared>>)
        } else {
        }
        %parallel_loop3A_489 = arith.constant 0 : i32
        %parallel_loop3A_490 = arith.constant 20 : i32
        %parallel_loop3A_491 = arith.constant 1 : i32
        scf.for %parallel_loop3A_568 = %parallel_loop3A_489 to %parallel_loop3A_490 step %parallel_loop3A_491  : i32 {
          %parallel_loop3A_569 = arith.index_cast %parallel_loop3A_568 : i32 to index
          %parallel_loop3A_570 = arith.constant 128 : index
          %parallel_loop3A_571 = tpu.vector_load %run_scoped3A_2[%parallel_loop3A_569, %parallel_loop3A_570] {strides = array<i32>} : memref<20x144xf32, #tpu.memory_space<vmem>>, vector<16xf32>,
          %parallel_loop3A_572 = arith.index_cast %parallel_loop3A_568 : i32 to index
          %parallel_loop3A_573 = arith.constant 0 : index
          %parallel_loop3A_574 = tpu.vector_load %run_scoped3A_6[%parallel_loop3A_572, %parallel_loop3A_573] {strides = array<i32>} : memref<20x16xf32, #tpu.memory_space<vmem>>, vector<16xf32>,
          %parallel_loop3A_575 = vector.shape_cast %add3A_394 : vector<16xi32> to vector<16x1xi32>
          %parallel_loop3A_576 = vector.shape_cast %parallel_loop3A_575 : vector<16x1xi32> to vector<16xi32>
          %parallel_loop3A_577 = tpu.dynamic_gather %parallel_loop3A_574[%parallel_loop3A_576] in [0] : vector<16xf32>, vector<16xi32> -> vector<16xf32>
          %parallel_loop3A_578 = arith.addf %parallel_loop3A_571, %parallel_loop3A_577 : vector<16xf32>
          %parallel_loop3A_579 = arith.constant 0.000000e+00 : f32
          %parallel_loop3A_580 = vector.broadcast %parallel_loop3A_579 : f32 to vector<16xf32>
          %parallel_loop3A_581 = arith.cmpf oge, %parallel_loop3A_578, %parallel_loop3A_580 : vector<16xf32>
          %parallel_loop3A_582 = arith.constant 2.000000e-01 : f32
          %parallel_loop3A_583 = vector.broadcast %parallel_loop3A_582 : f32 to vector<16xf32>
          %parallel_loop3A_584 = arith.mulf %parallel_loop3A_583, %parallel_loop3A_578 : vector<16xf32>
          %parallel_loop3A_585 = arith.select %parallel_loop3A_581, %parallel_loop3A_578, %parallel_loop3A_584 : vector<16xi1>, vector<16xf32>
          %parallel_loop3A_586 = math.exp %parallel_loop3A_585 : vector<16xf32>
          %parallel_loop3A_587 = arith.constant 0 : i32
          %parallel_loop3A_588 = vector.broadcast %parallel_loop3A_587 : i32 to vector<16xi32>
          %parallel_loop3A_589 = vector.broadcast %parallel_loop3A_568 : i32 to vector<16xi32>
          %parallel_loop3A_590 = arith.addi %parallel_loop3A_588, %parallel_loop3A_589 : vector<16xi32>
          tpu.vector_store_idx %run_scoped3A_10[%parallel_loop3A_590, %add3A_401], %parallel_loop3A_586 masked %lt3A_403 : memref<20x136xf32, #tpu.memory_space<vmem>>[vector<16xi32>, vector<16xi32>], vector<16xf32>, vector<16xi1>
          %parallel_loop3A_591 = arith.constant 0 : i32
          %parallel_loop3A_592 = vector.broadcast %parallel_loop3A_591 : i32 to vector<16xi32>
          %parallel_loop3A_593 = vector.shape_cast %parallel_loop3A_592 : vector<16xi32> to vector<16x1xi32>
          %parallel_loop3A_594 = vector.shape_cast %parallel_loop3A_593 : vector<16x1xi32> to vector<16xi32>
          %parallel_loop3A_595 = tpu.dynamic_gather %parallel_loop3A_586[%parallel_loop3A_594] in [0] : vector<16xf32>, vector<16xi32> -> vector<16xf32>
          %parallel_loop3A_596 = arith.index_cast %parallel_loop3A_568 : i32 to index
          %parallel_loop3A_597 = arith.constant 0 : index
          %parallel_loop3A_598 = tpu.vector_load %run_scoped3A_2[%parallel_loop3A_596, %parallel_loop3A_597] {strides = array<i32>} : memref<20x144xf32, #tpu.memory_space<vmem>>, vector<16xf32>,
          %parallel_loop3A_599 = arith.mulf %parallel_loop3A_595, %parallel_loop3A_598 : vector<16xf32>
          %parallel_loop3A_600 = arith.index_cast %parallel_loop3A_568 : i32 to index
          %parallel_loop3A_601 = arith.constant 0 : index
          %parallel_loop3A_602 = tpu.vector_load %run_scoped3A_10[%parallel_loop3A_600, %parallel_loop3A_601] {strides = array<i32>} : memref<20x136xf32, #tpu.memory_space<vmem>>, vector<16xf32>,
          tpu.vector_store %run_scoped3A_10[%parallel_loop3A_600, %parallel_loop3A_601], %parallel_loop3A_599 {strides = array<i32>} : memref<20x136xf32, #tpu.memory_space<vmem>>, vector<16xf32>,
          %parallel_loop3A_603 = arith.constant 1 : i32
          %parallel_loop3A_604 = vector.broadcast %parallel_loop3A_603 : i32 to vector<16xi32>
          %parallel_loop3A_605 = vector.shape_cast %parallel_loop3A_604 : vector<16xi32> to vector<16x1xi32>
          %parallel_loop3A_606 = vector.shape_cast %parallel_loop3A_605 : vector<16x1xi32> to vector<16xi32>
          %parallel_loop3A_607 = tpu.dynamic_gather %parallel_loop3A_586[%parallel_loop3A_606] in [0] : vector<16xf32>, vector<16xi32> -> vector<16xf32>
          %parallel_loop3A_608 = arith.index_cast %parallel_loop3A_568 : i32 to index
          %parallel_loop3A_609 = arith.constant 16 : index
          %parallel_loop3A_610 = tpu.vector_load %run_scoped3A_2[%parallel_loop3A_608, %parallel_loop3A_609] {strides = array<i32>} : memref<20x144xf32, #tpu.memory_space<vmem>>, vector<16xf32>,
          %parallel_loop3A_611 = arith.mulf %parallel_loop3A_607, %parallel_loop3A_610 : vector<16xf32>
          %parallel_loop3A_612 = arith.index_cast %parallel_loop3A_568 : i32 to index
          %parallel_loop3A_613 = arith.constant 16 : index
          %parallel_loop3A_614 = tpu.vector_load %run_scoped3A_10[%parallel_loop3A_612, %parallel_loop3A_613] {strides = array<i32>} : memref<20x136xf32, #tpu.memory_space<vmem>>, vector<16xf32>,
          tpu.vector_store %run_scoped3A_10[%parallel_loop3A_612, %parallel_loop3A_613], %parallel_loop3A_611 {strides = array<i32>} : memref<20x136xf32, #tpu.memory_space<vmem>>, vector<16xf32>,
          %parallel_loop3A_615 = arith.constant 2 : i32
          %parallel_loop3A_616 = vector.broadcast %parallel_loop3A_615 : i32 to vector<16xi32>
          %parallel_loop3A_617 = vector.shape_cast %parallel_loop3A_616 : vector<16xi32> to vector<16x1xi32>
          %parallel_loop3A_618 = vector.shape_cast %parallel_loop3A_617 : vector<16x1xi32> to vector<16xi32>
          %parallel_loop3A_619 = tpu.dynamic_gather %parallel_loop3A_586[%parallel_loop3A_618] in [0] : vector<16xf32>, vector<16xi32> -> vector<16xf32>
          %parallel_loop3A_620 = arith.index_cast %parallel_loop3A_568 : i32 to index
          %parallel_loop3A_621 = arith.constant 32 : index
          %parallel_loop3A_622 = tpu.vector_load %run_scoped3A_2[%parallel_loop3A_620, %parallel_loop3A_621] {strides = array<i32>} : memref<20x144xf32, #tpu.memory_space<vmem>>, vector<16xf32>,
          %parallel_loop3A_623 = arith.mulf %parallel_loop3A_619, %parallel_loop3A_622 : vector<16xf32>
          %parallel_loop3A_624 = arith.index_cast %parallel_loop3A_568 : i32 to index
          %parallel_loop3A_625 = arith.constant 32 : index
          %parallel_loop3A_626 = tpu.vector_load %run_scoped3A_10[%parallel_loop3A_624, %parallel_loop3A_625] {strides = array<i32>} : memref<20x136xf32, #tpu.memory_space<vmem>>, vector<16xf32>,
          tpu.vector_store %run_scoped3A_10[%parallel_loop3A_624, %parallel_loop3A_625], %parallel_loop3A_623 {strides = array<i32>} : memref<20x136xf32, #tpu.memory_space<vmem>>, vector<16xf32>,
          %parallel_loop3A_627 = arith.constant 3 : i32
          %parallel_loop3A_628 = vector.broadcast %parallel_loop3A_627 : i32 to vector<16xi32>
          %parallel_loop3A_629 = vector.shape_cast %parallel_loop3A_628 : vector<16xi32> to vector<16x1xi32>
          %parallel_loop3A_630 = vector.shape_cast %parallel_loop3A_629 : vector<16x1xi32> to vector<16xi32>
          %parallel_loop3A_631 = tpu.dynamic_gather %parallel_loop3A_586[%parallel_loop3A_630] in [0] : vector<16xf32>, vector<16xi32> -> vector<16xf32>
          %parallel_loop3A_632 = arith.index_cast %parallel_loop3A_568 : i32 to index
          %parallel_loop3A_633 = arith.constant 48 : index
          %parallel_loop3A_634 = tpu.vector_load %run_scoped3A_2[%parallel_loop3A_632, %parallel_loop3A_633] {strides = array<i32>} : memref<20x144xf32, #tpu.memory_space<vmem>>, vector<16xf32>,
          %parallel_loop3A_635 = arith.mulf %parallel_loop3A_631, %parallel_loop3A_634 : vector<16xf32>
          %parallel_loop3A_636 = arith.index_cast %parallel_loop3A_568 : i32 to index
          %parallel_loop3A_637 = arith.constant 48 : index
          %parallel_loop3A_638 = tpu.vector_load %run_scoped3A_10[%parallel_loop3A_636, %parallel_loop3A_637] {strides = array<i32>} : memref<20x136xf32, #tpu.memory_space<vmem>>, vector<16xf32>,
          tpu.vector_store %run_scoped3A_10[%parallel_loop3A_636, %parallel_loop3A_637], %parallel_loop3A_635 {strides = array<i32>} : memref<20x136xf32, #tpu.memory_space<vmem>>, vector<16xf32>,
          %parallel_loop3A_639 = arith.constant 4 : i32
          %parallel_loop3A_640 = vector.broadcast %parallel_loop3A_639 : i32 to vector<16xi32>
          %parallel_loop3A_641 = vector.shape_cast %parallel_loop3A_640 : vector<16xi32> to vector<16x1xi32>
          %parallel_loop3A_642 = vector.shape_cast %parallel_loop3A_641 : vector<16x1xi32> to vector<16xi32>
          %parallel_loop3A_643 = tpu.dynamic_gather %parallel_loop3A_586[%parallel_loop3A_642] in [0] : vector<16xf32>, vector<16xi32> -> vector<16xf32>
          %parallel_loop3A_644 = arith.index_cast %parallel_loop3A_568 : i32 to index
          %parallel_loop3A_645 = arith.constant 64 : index
          %parallel_loop3A_646 = tpu.vector_load %run_scoped3A_2[%parallel_loop3A_644, %parallel_loop3A_645] {strides = array<i32>} : memref<20x144xf32, #tpu.memory_space<vmem>>, vector<16xf32>,
          %parallel_loop3A_647 = arith.mulf %parallel_loop3A_643, %parallel_loop3A_646 : vector<16xf32>
          %parallel_loop3A_648 = arith.index_cast %parallel_loop3A_568 : i32 to index
          %parallel_loop3A_649 = arith.constant 64 : index
          %parallel_loop3A_650 = tpu.vector_load %run_scoped3A_10[%parallel_loop3A_648, %parallel_loop3A_649] {strides = array<i32>} : memref<20x136xf32, #tpu.memory_space<vmem>>, vector<16xf32>,
          tpu.vector_store %run_scoped3A_10[%parallel_loop3A_648, %parallel_loop3A_649], %parallel_loop3A_647 {strides = array<i32>} : memref<20x136xf32, #tpu.memory_space<vmem>>, vector<16xf32>,
          %parallel_loop3A_651 = arith.constant 5 : i32
          %parallel_loop3A_652 = vector.broadcast %parallel_loop3A_651 : i32 to vector<16xi32>
          %parallel_loop3A_653 = vector.shape_cast %parallel_loop3A_652 : vector<16xi32> to vector<16x1xi32>
          %parallel_loop3A_654 = vector.shape_cast %parallel_loop3A_653 : vector<16x1xi32> to vector<16xi32>
          %parallel_loop3A_655 = tpu.dynamic_gather %parallel_loop3A_586[%parallel_loop3A_654] in [0] : vector<16xf32>, vector<16xi32> -> vector<16xf32>
          %parallel_loop3A_656 = arith.index_cast %parallel_loop3A_568 : i32 to index
          %parallel_loop3A_657 = arith.constant 80 : index
          %parallel_loop3A_658 = tpu.vector_load %run_scoped3A_2[%parallel_loop3A_656, %parallel_loop3A_657] {strides = array<i32>} : memref<20x144xf32, #tpu.memory_space<vmem>>, vector<16xf32>,
          %parallel_loop3A_659 = arith.mulf %parallel_loop3A_655, %parallel_loop3A_658 : vector<16xf32>
          %parallel_loop3A_660 = arith.index_cast %parallel_loop3A_568 : i32 to index
          %parallel_loop3A_661 = arith.constant 80 : index
          %parallel_loop3A_662 = tpu.vector_load %run_scoped3A_10[%parallel_loop3A_660, %parallel_loop3A_661] {strides = array<i32>} : memref<20x136xf32, #tpu.memory_space<vmem>>, vector<16xf32>,
          tpu.vector_store %run_scoped3A_10[%parallel_loop3A_660, %parallel_loop3A_661], %parallel_loop3A_659 {strides = array<i32>} : memref<20x136xf32, #tpu.memory_space<vmem>>, vector<16xf32>,
          %parallel_loop3A_663 = arith.constant 6 : i32
          %parallel_loop3A_664 = vector.broadcast %parallel_loop3A_663 : i32 to vector<16xi32>
          %parallel_loop3A_665 = vector.shape_cast %parallel_loop3A_664 : vector<16xi32> to vector<16x1xi32>
          %parallel_loop3A_666 = vector.shape_cast %parallel_loop3A_665 : vector<16x1xi32> to vector<16xi32>
          %parallel_loop3A_667 = tpu.dynamic_gather %parallel_loop3A_586[%parallel_loop3A_666] in [0] : vector<16xf32>, vector<16xi32> -> vector<16xf32>
          %parallel_loop3A_668 = arith.index_cast %parallel_loop3A_568 : i32 to index
          %parallel_loop3A_669 = arith.constant 96 : index
          %parallel_loop3A_670 = tpu.vector_load %run_scoped3A_2[%parallel_loop3A_668, %parallel_loop3A_669] {strides = array<i32>} : memref<20x144xf32, #tpu.memory_space<vmem>>, vector<16xf32>,
          %parallel_loop3A_671 = arith.mulf %parallel_loop3A_667, %parallel_loop3A_670 : vector<16xf32>
          %parallel_loop3A_672 = arith.index_cast %parallel_loop3A_568 : i32 to index
          %parallel_loop3A_673 = arith.constant 96 : index
          %parallel_loop3A_674 = tpu.vector_load %run_scoped3A_10[%parallel_loop3A_672, %parallel_loop3A_673] {strides = array<i32>} : memref<20x136xf32, #tpu.memory_space<vmem>>, vector<16xf32>,
          tpu.vector_store %run_scoped3A_10[%parallel_loop3A_672, %parallel_loop3A_673], %parallel_loop3A_671 {strides = array<i32>} : memref<20x136xf32, #tpu.memory_space<vmem>>, vector<16xf32>,
          %parallel_loop3A_675 = arith.constant 7 : i32
          %parallel_loop3A_676 = vector.broadcast %parallel_loop3A_675 : i32 to vector<16xi32>
          %parallel_loop3A_677 = vector.shape_cast %parallel_loop3A_676 : vector<16xi32> to vector<16x1xi32>
          %parallel_loop3A_678 = vector.shape_cast %parallel_loop3A_677 : vector<16x1xi32> to vector<16xi32>
          %parallel_loop3A_679 = tpu.dynamic_gather %parallel_loop3A_586[%parallel_loop3A_678] in [0] : vector<16xf32>, vector<16xi32> -> vector<16xf32>
          %parallel_loop3A_680 = arith.index_cast %parallel_loop3A_568 : i32 to index
          %parallel_loop3A_681 = arith.constant 112 : index
          %parallel_loop3A_682 = tpu.vector_load %run_scoped3A_2[%parallel_loop3A_680, %parallel_loop3A_681] {strides = array<i32>} : memref<20x144xf32, #tpu.memory_space<vmem>>, vector<16xf32>,
          %parallel_loop3A_683 = arith.mulf %parallel_loop3A_679, %parallel_loop3A_682 : vector<16xf32>
          %parallel_loop3A_684 = arith.index_cast %parallel_loop3A_568 : i32 to index
          %parallel_loop3A_685 = arith.constant 112 : index
          %parallel_loop3A_686 = tpu.vector_load %run_scoped3A_10[%parallel_loop3A_684, %parallel_loop3A_685] {strides = array<i32>} : memref<20x136xf32, #tpu.memory_space<vmem>>, vector<16xf32>,
          tpu.vector_store %run_scoped3A_10[%parallel_loop3A_684, %parallel_loop3A_685], %parallel_loop3A_683 {strides = array<i32>} : memref<20x136xf32, #tpu.memory_space<vmem>>, vector<16xf32>,
        } {sc.loop_unroll_factor = 4 : i64, sc.parallel_access}
        %dma_start3A_492 = arith.constant 0 : i32
        %dma_start3A_493 = tpu.memref_slice %run_scoped3A_0[%add3A_464, %dma_start3A_492] : memref<500x20xi32, #tpu.memory_space<vmem>> -> memref<1x20xi32, #tpu.memory_space<vmem>>
        %dma_start3A_494 = tpu.memref_squeeze %dma_start3A_493 : memref<1x20xi32, #tpu.memory_space<vmem>> -> memref<20xi32, #tpu.memory_space<vmem>>
        %dma_start3A_495 = arith.constant 0 : i32
        %dma_start3A_496 = arith.constant 0 : i32
        %dma_start3A_497 = tpu.memref_slice %arg7[%dma_start3A_495, %dma_start3A_496] : memref<10240x136xf32, #tpu.memory_space<vmem_shared>> -> memref<10240x136xf32, #tpu.memory_space<vmem_shared>>
        tpu.enqueue_indirect_dma source(%run_scoped3A_10 : memref<20x136xf32, #tpu.memory_space<vmem>>) target(%dma_start3A_497 : memref<10240x136xf32, #tpu.memory_space<vmem_shared>>) offsets(%dma_start3A_494 : memref<20xi32, #tpu.memory_space<vmem>>) semaphore(%run_scoped3A_21 : memref<!tpu.dma_semaphore, #tpu.memory_space<semaphore_mem>>) {add = true}
        %add3A_498 = arith.constant 2 : i32
        %add3A_499 = arith.addi %add3A_431, %add3A_498 : i32
        %dma_wait3A_500 = arith.constant 0 : i32
        %dma_wait3A_501 = tpu.memref_slice %run_scoped3A[%add3A_499, %dma_wait3A_500] : memref<500x20xi32, #tpu.memory_space<vmem>> -> memref<1x20xi32, #tpu.memory_space<vmem>>
        %dma_wait3A_502 = tpu.memref_squeeze %dma_wait3A_501 : memref<1x20xi32, #tpu.memory_space<vmem>> -> memref<20xi32, #tpu.memory_space<vmem>>
        %dma_wait3A_503 = arith.constant 0 : i32
        %dma_wait3A_504 = arith.constant 0 : i32
        %dma_wait3A_505 = tpu.memref_slice %arg2[%dma_wait3A_503, %dma_wait3A_504] : memref<10000x144xf32, #tpu.memory_space<hbm>> -> memref<10000x144xf32, #tpu.memory_space<hbm>>
        tpu.wait_indirect_dma semaphore(%run_scoped3A_14 : memref<!tpu.dma_semaphore, #tpu.memory_space<semaphore_mem>>) src(%dma_wait3A_505 : memref<10000x144xf32, #tpu.memory_space<hbm>>) dst(%run_scoped3A_3 : memref<20x144xf32, #tpu.memory_space<vmem>>)
        %dma_wait3A_506 = arith.constant 0 : i32
        %dma_wait3A_507 = tpu.memref_slice %run_scoped3A_0[%add3A_499, %dma_wait3A_506] : memref<500x20xi32, #tpu.memory_space<vmem>> -> memref<1x20xi32, #tpu.memory_space<vmem>>
        %dma_wait3A_508 = tpu.memref_squeeze %dma_wait3A_507 : memref<1x20xi32, #tpu.memory_space<vmem>> -> memref<20xi32, #tpu.memory_space<vmem>>
        %dma_wait3A_509 = arith.constant 0 : i32
        %dma_wait3A_510 = arith.constant 0 : i32
        %dma_wait3A_511 = tpu.memref_slice %arg3[%dma_wait3A_509, %dma_wait3A_510] : memref<10000x16xf32, #tpu.memory_space<hbm>> -> memref<10000x16xf32, #tpu.memory_space<hbm>>
        tpu.wait_indirect_dma semaphore(%run_scoped3A_18 : memref<!tpu.dma_semaphore, #tpu.memory_space<semaphore_mem>>) src(%dma_wait3A_511 : memref<10000x16xf32, #tpu.memory_space<hbm>>) dst(%run_scoped3A_7 : memref<20x16xf32, #tpu.memory_space<vmem>>)
        %add3A_512 = arith.constant 3 : i32
        %add3A_513 = arith.addi %add3A_499, %add3A_512 : i32
        %lt3A_514 = arith.constant 500 : i32
        %lt3A_515 = arith.cmpi slt, %add3A_513, %lt3A_514 : i32
        %convert_element_type3A_516 = arith.extui %lt3A_515 : i1 to i32
        %cond3A_517 = arith.constant 0 : i32
        %cond3A_518 = arith.cmpi ne, %convert_element_type3A_516, %cond3A_517 : i32
        scf.if %cond3A_518 {
          %add3A_568 = arith.constant 3 : i32
          %add3A_569 = arith.addi %add3A_499, %add3A_568 : i32
          %dma_start3A_570 = arith.constant 0 : i32
          %dma_start3A_571 = tpu.memref_slice %run_scoped3A[%add3A_569, %dma_start3A_570] : memref<500x20xi32, #tpu.memory_space<vmem>> -> memref<1x20xi32, #tpu.memory_space<vmem>>
          %dma_start3A_572 = tpu.memref_squeeze %dma_start3A_571 : memref<1x20xi32, #tpu.memory_space<vmem>> -> memref<20xi32, #tpu.memory_space<vmem>>
          %dma_start3A_573 = arith.constant 0 : i32
          %dma_start3A_574 = arith.constant 0 : i32
          %dma_start3A_575 = tpu.memref_slice %arg2[%dma_start3A_573, %dma_start3A_574] : memref<10000x144xf32, #tpu.memory_space<hbm>> -> memref<10000x144xf32, #tpu.memory_space<hbm>>
          tpu.enqueue_indirect_dma source(%dma_start3A_575 : memref<10000x144xf32, #tpu.memory_space<hbm>>) target(%run_scoped3A_2 : memref<20x144xf32, #tpu.memory_space<vmem>>) offsets(%dma_start3A_572 : memref<20xi32, #tpu.memory_space<vmem>>) semaphore(%run_scoped3A_13 : memref<!tpu.dma_semaphore, #tpu.memory_space<semaphore_mem>>)
          %add3A_576 = arith.constant 3 : i32
          %add3A_577 = arith.addi %add3A_499, %add3A_576 : i32
          %dma_start3A_578 = arith.constant 0 : i32
          %dma_start3A_579 = tpu.memref_slice %run_scoped3A_0[%add3A_577, %dma_start3A_578] : memref<500x20xi32, #tpu.memory_space<vmem>> -> memref<1x20xi32, #tpu.memory_space<vmem>>
          %dma_start3A_580 = tpu.memref_squeeze %dma_start3A_579 : memref<1x20xi32, #tpu.memory_space<vmem>> -> memref<20xi32, #tpu.memory_space<vmem>>
          %dma_start3A_581 = arith.constant 0 : i32
          %dma_start3A_582 = arith.constant 0 : i32
          %dma_start3A_583 = tpu.memref_slice %arg3[%dma_start3A_581, %dma_start3A_582] : memref<10000x16xf32, #tpu.memory_space<hbm>> -> memref<10000x16xf32, #tpu.memory_space<hbm>>
          tpu.enqueue_indirect_dma source(%dma_start3A_583 : memref<10000x16xf32, #tpu.memory_space<hbm>>) target(%run_scoped3A_6 : memref<20x16xf32, #tpu.memory_space<vmem>>) offsets(%dma_start3A_580 : memref<20xi32, #tpu.memory_space<vmem>>) semaphore(%run_scoped3A_17 : memref<!tpu.dma_semaphore, #tpu.memory_space<semaphore_mem>>)
        } else {
        }
        %ge3A_519 = arith.constant 2 : i32
        %ge3A_520 = arith.cmpi sge, %add3A_499, %ge3A_519 : i32
        %convert_element_type3A_521 = arith.extui %ge3A_520 : i1 to i32
        %cond3A_522 = arith.constant 0 : i32
        %cond3A_523 = arith.cmpi ne, %convert_element_type3A_521, %cond3A_522 : i32
        scf.if %cond3A_523 {
          %dma_wait3A_568 = arith.constant 0 : i32
          %dma_wait3A_569 = tpu.memref_slice %run_scoped3A_0[%add3A_499, %dma_wait3A_568] : memref<500x20xi32, #tpu.memory_space<vmem>> -> memref<1x20xi32, #tpu.memory_space<vmem>>
          %dma_wait3A_570 = tpu.memref_squeeze %dma_wait3A_569 : memref<1x20xi32, #tpu.memory_space<vmem>> -> memref<20xi32, #tpu.memory_space<vmem>>
          %dma_wait3A_571 = arith.constant 0 : i32
          %dma_wait3A_572 = arith.constant 0 : i32
          %dma_wait3A_573 = tpu.memref_slice %arg7[%dma_wait3A_571, %dma_wait3A_572] : memref<10240x136xf32, #tpu.memory_space<vmem_shared>> -> memref<10240x136xf32, #tpu.memory_space<vmem_shared>>
          tpu.wait_indirect_dma semaphore(%run_scoped3A_20 : memref<!tpu.dma_semaphore, #tpu.memory_space<semaphore_mem>>) src(%run_scoped3A_9 : memref<20x136xf32, #tpu.memory_space<vmem>>) dst(%dma_wait3A_573 : memref<10240x136xf32, #tpu.memory_space<vmem_shared>>)
        } else {
        }
        %parallel_loop3A_524 = arith.constant 0 : i32
        %parallel_loop3A_525 = arith.constant 20 : i32
        %parallel_loop3A_526 = arith.constant 1 : i32
        scf.for %parallel_loop3A_568 = %parallel_loop3A_524 to %parallel_loop3A_525 step %parallel_loop3A_526  : i32 {
          %parallel_loop3A_569 = arith.index_cast %parallel_loop3A_568 : i32 to index
          %parallel_loop3A_570 = arith.constant 128 : index
          %parallel_loop3A_571 = tpu.vector_load %run_scoped3A_3[%parallel_loop3A_569, %parallel_loop3A_570] {strides = array<i32>} : memref<20x144xf32, #tpu.memory_space<vmem>>, vector<16xf32>,
          %parallel_loop3A_572 = arith.index_cast %parallel_loop3A_568 : i32 to index
          %parallel_loop3A_573 = arith.constant 0 : index
          %parallel_loop3A_574 = tpu.vector_load %run_scoped3A_7[%parallel_loop3A_572, %parallel_loop3A_573] {strides = array<i32>} : memref<20x16xf32, #tpu.memory_space<vmem>>, vector<16xf32>,
          %parallel_loop3A_575 = vector.shape_cast %add3A_394 : vector<16xi32> to vector<16x1xi32>
          %parallel_loop3A_576 = vector.shape_cast %parallel_loop3A_575 : vector<16x1xi32> to vector<16xi32>
          %parallel_loop3A_577 = tpu.dynamic_gather %parallel_loop3A_574[%parallel_loop3A_576] in [0] : vector<16xf32>, vector<16xi32> -> vector<16xf32>
          %parallel_loop3A_578 = arith.addf %parallel_loop3A_571, %parallel_loop3A_577 : vector<16xf32>
          %parallel_loop3A_579 = arith.constant 0.000000e+00 : f32
          %parallel_loop3A_580 = vector.broadcast %parallel_loop3A_579 : f32 to vector<16xf32>
          %parallel_loop3A_581 = arith.cmpf oge, %parallel_loop3A_578, %parallel_loop3A_580 : vector<16xf32>
          %parallel_loop3A_582 = arith.constant 2.000000e-01 : f32
          %parallel_loop3A_583 = vector.broadcast %parallel_loop3A_582 : f32 to vector<16xf32>
          %parallel_loop3A_584 = arith.mulf %parallel_loop3A_583, %parallel_loop3A_578 : vector<16xf32>
          %parallel_loop3A_585 = arith.select %parallel_loop3A_581, %parallel_loop3A_578, %parallel_loop3A_584 : vector<16xi1>, vector<16xf32>
          %parallel_loop3A_586 = math.exp %parallel_loop3A_585 : vector<16xf32>
          %parallel_loop3A_587 = arith.constant 0 : i32
          %parallel_loop3A_588 = vector.broadcast %parallel_loop3A_587 : i32 to vector<16xi32>
          %parallel_loop3A_589 = vector.broadcast %parallel_loop3A_568 : i32 to vector<16xi32>
          %parallel_loop3A_590 = arith.addi %parallel_loop3A_588, %parallel_loop3A_589 : vector<16xi32>
          tpu.vector_store_idx %run_scoped3A_9[%parallel_loop3A_590, %add3A_401], %parallel_loop3A_586 masked %lt3A_403 : memref<20x136xf32, #tpu.memory_space<vmem>>[vector<16xi32>, vector<16xi32>], vector<16xf32>, vector<16xi1>
          %parallel_loop3A_591 = arith.constant 0 : i32
          %parallel_loop3A_592 = vector.broadcast %parallel_loop3A_591 : i32 to vector<16xi32>
          %parallel_loop3A_593 = vector.shape_cast %parallel_loop3A_592 : vector<16xi32> to vector<16x1xi32>
          %parallel_loop3A_594 = vector.shape_cast %parallel_loop3A_593 : vector<16x1xi32> to vector<16xi32>
          %parallel_loop3A_595 = tpu.dynamic_gather %parallel_loop3A_586[%parallel_loop3A_594] in [0] : vector<16xf32>, vector<16xi32> -> vector<16xf32>
          %parallel_loop3A_596 = arith.index_cast %parallel_loop3A_568 : i32 to index
          %parallel_loop3A_597 = arith.constant 0 : index
          %parallel_loop3A_598 = tpu.vector_load %run_scoped3A_3[%parallel_loop3A_596, %parallel_loop3A_597] {strides = array<i32>} : memref<20x144xf32, #tpu.memory_space<vmem>>, vector<16xf32>,
          %parallel_loop3A_599 = arith.mulf %parallel_loop3A_595, %parallel_loop3A_598 : vector<16xf32>
          %parallel_loop3A_600 = arith.index_cast %parallel_loop3A_568 : i32 to index
          %parallel_loop3A_601 = arith.constant 0 : index
          %parallel_loop3A_602 = tpu.vector_load %run_scoped3A_9[%parallel_loop3A_600, %parallel_loop3A_601] {strides = array<i32>} : memref<20x136xf32, #tpu.memory_space<vmem>>, vector<16xf32>,
          tpu.vector_store %run_scoped3A_9[%parallel_loop3A_600, %parallel_loop3A_601], %parallel_loop3A_599 {strides = array<i32>} : memref<20x136xf32, #tpu.memory_space<vmem>>, vector<16xf32>,
          %parallel_loop3A_603 = arith.constant 1 : i32
          %parallel_loop3A_604 = vector.broadcast %parallel_loop3A_603 : i32 to vector<16xi32>
          %parallel_loop3A_605 = vector.shape_cast %parallel_loop3A_604 : vector<16xi32> to vector<16x1xi32>
          %parallel_loop3A_606 = vector.shape_cast %parallel_loop3A_605 : vector<16x1xi32> to vector<16xi32>
          %parallel_loop3A_607 = tpu.dynamic_gather %parallel_loop3A_586[%parallel_loop3A_606] in [0] : vector<16xf32>, vector<16xi32> -> vector<16xf32>
          %parallel_loop3A_608 = arith.index_cast %parallel_loop3A_568 : i32 to index
          %parallel_loop3A_609 = arith.constant 16 : index
          %parallel_loop3A_610 = tpu.vector_load %run_scoped3A_3[%parallel_loop3A_608, %parallel_loop3A_609] {strides = array<i32>} : memref<20x144xf32, #tpu.memory_space<vmem>>, vector<16xf32>,
          %parallel_loop3A_611 = arith.mulf %parallel_loop3A_607, %parallel_loop3A_610 : vector<16xf32>
          %parallel_loop3A_612 = arith.index_cast %parallel_loop3A_568 : i32 to index
          %parallel_loop3A_613 = arith.constant 16 : index
          %parallel_loop3A_614 = tpu.vector_load %run_scoped3A_9[%parallel_loop3A_612, %parallel_loop3A_613] {strides = array<i32>} : memref<20x136xf32, #tpu.memory_space<vmem>>, vector<16xf32>,
          tpu.vector_store %run_scoped3A_9[%parallel_loop3A_612, %parallel_loop3A_613], %parallel_loop3A_611 {strides = array<i32>} : memref<20x136xf32, #tpu.memory_space<vmem>>, vector<16xf32>,
          %parallel_loop3A_615 = arith.constant 2 : i32
          %parallel_loop3A_616 = vector.broadcast %parallel_loop3A_615 : i32 to vector<16xi32>
          %parallel_loop3A_617 = vector.shape_cast %parallel_loop3A_616 : vector<16xi32> to vector<16x1xi32>
          %parallel_loop3A_618 = vector.shape_cast %parallel_loop3A_617 : vector<16x1xi32> to vector<16xi32>
          %parallel_loop3A_619 = tpu.dynamic_gather %parallel_loop3A_586[%parallel_loop3A_618] in [0] : vector<16xf32>, vector<16xi32> -> vector<16xf32>
          %parallel_loop3A_620 = arith.index_cast %parallel_loop3A_568 : i32 to index
          %parallel_loop3A_621 = arith.constant 32 : index
          %parallel_loop3A_622 = tpu.vector_load %run_scoped3A_3[%parallel_loop3A_620, %parallel_loop3A_621] {strides = array<i32>} : memref<20x144xf32, #tpu.memory_space<vmem>>, vector<16xf32>,
          %parallel_loop3A_623 = arith.mulf %parallel_loop3A_619, %parallel_loop3A_622 : vector<16xf32>
          %parallel_loop3A_624 = arith.index_cast %parallel_loop3A_568 : i32 to index
          %parallel_loop3A_625 = arith.constant 32 : index
          %parallel_loop3A_626 = tpu.vector_load %run_scoped3A_9[%parallel_loop3A_624, %parallel_loop3A_625] {strides = array<i32>} : memref<20x136xf32, #tpu.memory_space<vmem>>, vector<16xf32>,
          tpu.vector_store %run_scoped3A_9[%parallel_loop3A_624, %parallel_loop3A_625], %parallel_loop3A_623 {strides = array<i32>} : memref<20x136xf32, #tpu.memory_space<vmem>>, vector<16xf32>,
          %parallel_loop3A_627 = arith.constant 3 : i32
          %parallel_loop3A_628 = vector.broadcast %parallel_loop3A_627 : i32 to vector<16xi32>
          %parallel_loop3A_629 = vector.shape_cast %parallel_loop3A_628 : vector<16xi32> to vector<16x1xi32>
          %parallel_loop3A_630 = vector.shape_cast %parallel_loop3A_629 : vector<16x1xi32> to vector<16xi32>
          %parallel_loop3A_631 = tpu.dynamic_gather %parallel_loop3A_586[%parallel_loop3A_630] in [0] : vector<16xf32>, vector<16xi32> -> vector<16xf32>
          %parallel_loop3A_632 = arith.index_cast %parallel_loop3A_568 : i32 to index
          %parallel_loop3A_633 = arith.constant 48 : index
          %parallel_loop3A_634 = tpu.vector_load %run_scoped3A_3[%parallel_loop3A_632, %parallel_loop3A_633] {strides = array<i32>} : memref<20x144xf32, #tpu.memory_space<vmem>>, vector<16xf32>,
          %parallel_loop3A_635 = arith.mulf %parallel_loop3A_631, %parallel_loop3A_634 : vector<16xf32>
          %parallel_loop3A_636 = arith.index_cast %parallel_loop3A_568 : i32 to index
          %parallel_loop3A_637 = arith.constant 48 : index
          %parallel_loop3A_638 = tpu.vector_load %run_scoped3A_9[%parallel_loop3A_636, %parallel_loop3A_637] {strides = array<i32>} : memref<20x136xf32, #tpu.memory_space<vmem>>, vector<16xf32>,
          tpu.vector_store %run_scoped3A_9[%parallel_loop3A_636, %parallel_loop3A_637], %parallel_loop3A_635 {strides = array<i32>} : memref<20x136xf32, #tpu.memory_space<vmem>>, vector<16xf32>,
          %parallel_loop3A_639 = arith.constant 4 : i32
          %parallel_loop3A_640 = vector.broadcast %parallel_loop3A_639 : i32 to vector<16xi32>
          %parallel_loop3A_641 = vector.shape_cast %parallel_loop3A_640 : vector<16xi32> to vector<16x1xi32>
          %parallel_loop3A_642 = vector.shape_cast %parallel_loop3A_641 : vector<16x1xi32> to vector<16xi32>
          %parallel_loop3A_643 = tpu.dynamic_gather %parallel_loop3A_586[%parallel_loop3A_642] in [0] : vector<16xf32>, vector<16xi32> -> vector<16xf32>
          %parallel_loop3A_644 = arith.index_cast %parallel_loop3A_568 : i32 to index
          %parallel_loop3A_645 = arith.constant 64 : index
          %parallel_loop3A_646 = tpu.vector_load %run_scoped3A_3[%parallel_loop3A_644, %parallel_loop3A_645] {strides = array<i32>} : memref<20x144xf32, #tpu.memory_space<vmem>>, vector<16xf32>,
          %parallel_loop3A_647 = arith.mulf %parallel_loop3A_643, %parallel_loop3A_646 : vector<16xf32>
          %parallel_loop3A_648 = arith.index_cast %parallel_loop3A_568 : i32 to index
          %parallel_loop3A_649 = arith.constant 64 : index
          %parallel_loop3A_650 = tpu.vector_load %run_scoped3A_9[%parallel_loop3A_648, %parallel_loop3A_649] {strides = array<i32>} : memref<20x136xf32, #tpu.memory_space<vmem>>, vector<16xf32>,
          tpu.vector_store %run_scoped3A_9[%parallel_loop3A_648, %parallel_loop3A_649], %parallel_loop3A_647 {strides = array<i32>} : memref<20x136xf32, #tpu.memory_space<vmem>>, vector<16xf32>,
          %parallel_loop3A_651 = arith.constant 5 : i32
          %parallel_loop3A_652 = vector.broadcast %parallel_loop3A_651 : i32 to vector<16xi32>
          %parallel_loop3A_653 = vector.shape_cast %parallel_loop3A_652 : vector<16xi32> to vector<16x1xi32>
          %parallel_loop3A_654 = vector.shape_cast %parallel_loop3A_653 : vector<16x1xi32> to vector<16xi32>
          %parallel_loop3A_655 = tpu.dynamic_gather %parallel_loop3A_586[%parallel_loop3A_654] in [0] : vector<16xf32>, vector<16xi32> -> vector<16xf32>
          %parallel_loop3A_656 = arith.index_cast %parallel_loop3A_568 : i32 to index
          %parallel_loop3A_657 = arith.constant 80 : index
          %parallel_loop3A_658 = tpu.vector_load %run_scoped3A_3[%parallel_loop3A_656, %parallel_loop3A_657] {strides = array<i32>} : memref<20x144xf32, #tpu.memory_space<vmem>>, vector<16xf32>,
          %parallel_loop3A_659 = arith.mulf %parallel_loop3A_655, %parallel_loop3A_658 : vector<16xf32>
          %parallel_loop3A_660 = arith.index_cast %parallel_loop3A_568 : i32 to index
          %parallel_loop3A_661 = arith.constant 80 : index
          %parallel_loop3A_662 = tpu.vector_load %run_scoped3A_9[%parallel_loop3A_660, %parallel_loop3A_661] {strides = array<i32>} : memref<20x136xf32, #tpu.memory_space<vmem>>, vector<16xf32>,
          tpu.vector_store %run_scoped3A_9[%parallel_loop3A_660, %parallel_loop3A_661], %parallel_loop3A_659 {strides = array<i32>} : memref<20x136xf32, #tpu.memory_space<vmem>>, vector<16xf32>,
          %parallel_loop3A_663 = arith.constant 6 : i32
          %parallel_loop3A_664 = vector.broadcast %parallel_loop3A_663 : i32 to vector<16xi32>
          %parallel_loop3A_665 = vector.shape_cast %parallel_loop3A_664 : vector<16xi32> to vector<16x1xi32>
          %parallel_loop3A_666 = vector.shape_cast %parallel_loop3A_665 : vector<16x1xi32> to vector<16xi32>
          %parallel_loop3A_667 = tpu.dynamic_gather %parallel_loop3A_586[%parallel_loop3A_666] in [0] : vector<16xf32>, vector<16xi32> -> vector<16xf32>
          %parallel_loop3A_668 = arith.index_cast %parallel_loop3A_568 : i32 to index
          %parallel_loop3A_669 = arith.constant 96 : index
          %parallel_loop3A_670 = tpu.vector_load %run_scoped3A_3[%parallel_loop3A_668, %parallel_loop3A_669] {strides = array<i32>} : memref<20x144xf32, #tpu.memory_space<vmem>>, vector<16xf32>,
          %parallel_loop3A_671 = arith.mulf %parallel_loop3A_667, %parallel_loop3A_670 : vector<16xf32>
          %parallel_loop3A_672 = arith.index_cast %parallel_loop3A_568 : i32 to index
          %parallel_loop3A_673 = arith.constant 96 : index
          %parallel_loop3A_674 = tpu.vector_load %run_scoped3A_9[%parallel_loop3A_672, %parallel_loop3A_673] {strides = array<i32>} : memref<20x136xf32, #tpu.memory_space<vmem>>, vector<16xf32>,
          tpu.vector_store %run_scoped3A_9[%parallel_loop3A_672, %parallel_loop3A_673], %parallel_loop3A_671 {strides = array<i32>} : memref<20x136xf32, #tpu.memory_space<vmem>>, vector<16xf32>,
          %parallel_loop3A_675 = arith.constant 7 : i32
          %parallel_loop3A_676 = vector.broadcast %parallel_loop3A_675 : i32 to vector<16xi32>
          %parallel_loop3A_677 = vector.shape_cast %parallel_loop3A_676 : vector<16xi32> to vector<16x1xi32>
          %parallel_loop3A_678 = vector.shape_cast %parallel_loop3A_677 : vector<16x1xi32> to vector<16xi32>
          %parallel_loop3A_679 = tpu.dynamic_gather %parallel_loop3A_586[%parallel_loop3A_678] in [0] : vector<16xf32>, vector<16xi32> -> vector<16xf32>
          %parallel_loop3A_680 = arith.index_cast %parallel_loop3A_568 : i32 to index
          %parallel_loop3A_681 = arith.constant 112 : index
          %parallel_loop3A_682 = tpu.vector_load %run_scoped3A_3[%parallel_loop3A_680, %parallel_loop3A_681] {strides = array<i32>} : memref<20x144xf32, #tpu.memory_space<vmem>>, vector<16xf32>,
          %parallel_loop3A_683 = arith.mulf %parallel_loop3A_679, %parallel_loop3A_682 : vector<16xf32>
          %parallel_loop3A_684 = arith.index_cast %parallel_loop3A_568 : i32 to index
          %parallel_loop3A_685 = arith.constant 112 : index
          %parallel_loop3A_686 = tpu.vector_load %run_scoped3A_9[%parallel_loop3A_684, %parallel_loop3A_685] {strides = array<i32>} : memref<20x136xf32, #tpu.memory_space<vmem>>, vector<16xf32>,
          tpu.vector_store %run_scoped3A_9[%parallel_loop3A_684, %parallel_loop3A_685], %parallel_loop3A_683 {strides = array<i32>} : memref<20x136xf32, #tpu.memory_space<vmem>>, vector<16xf32>,
        } {sc.loop_unroll_factor = 4 : i64, sc.parallel_access}
        %dma_start3A_527 = arith.constant 0 : i32
        %dma_start3A_528 = tpu.memref_slice %run_scoped3A_0[%add3A_499, %dma_start3A_527] : memref<500x20xi32, #tpu.memory_space<vmem>> -> memref<1x20xi32, #tpu.memory_space<vmem>>
        %dma_start3A_529 = tpu.memref_squeeze %dma_start3A_528 : memref<1x20xi32, #tpu.memory_space<vmem>> -> memref<20xi32, #tpu.memory_space<vmem>>
        %dma_start3A_530 = arith.constant 0 : i32
        %dma_start3A_531 = arith.constant 0 : i32
        %dma_start3A_532 = tpu.memref_slice %arg7[%dma_start3A_530, %dma_start3A_531] : memref<10240x136xf32, #tpu.memory_space<vmem_shared>> -> memref<10240x136xf32, #tpu.memory_space<vmem_shared>>
        tpu.enqueue_indirect_dma source(%run_scoped3A_9 : memref<20x136xf32, #tpu.memory_space<vmem>>) target(%dma_start3A_532 : memref<10240x136xf32, #tpu.memory_space<vmem_shared>>) offsets(%dma_start3A_529 : memref<20xi32, #tpu.memory_space<vmem>>) semaphore(%run_scoped3A_20 : memref<!tpu.dma_semaphore, #tpu.memory_space<semaphore_mem>>) {add = true}
        %add3A_533 = arith.constant 3 : i32
        %add3A_534 = arith.addi %add3A_431, %add3A_533 : i32
        %dma_wait3A_535 = arith.constant 0 : i32
        %dma_wait3A_536 = tpu.memref_slice %run_scoped3A[%add3A_534, %dma_wait3A_535] : memref<500x20xi32, #tpu.memory_space<vmem>> -> memref<1x20xi32, #tpu.memory_space<vmem>>
        %dma_wait3A_537 = tpu.memref_squeeze %dma_wait3A_536 : memref<1x20xi32, #tpu.memory_space<vmem>> -> memref<20xi32, #tpu.memory_space<vmem>>
        %dma_wait3A_538 = arith.constant 0 : i32
        %dma_wait3A_539 = arith.constant 0 : i32
        %dma_wait3A_540 = tpu.memref_slice %arg2[%dma_wait3A_538, %dma_wait3A_539] : memref<10000x144xf32, #tpu.memory_space<hbm>> -> memref<10000x144xf32, #tpu.memory_space<hbm>>
        tpu.wait_indirect_dma semaphore(%run_scoped3A_15 : memref<!tpu.dma_semaphore, #tpu.memory_space<semaphore_mem>>) src(%dma_wait3A_540 : memref<10000x144xf32, #tpu.memory_space<hbm>>) dst(%run_scoped3A_4 : memref<20x144xf32, #tpu.memory_space<vmem>>)
        %dma_wait3A_541 = arith.constant 0 : i32
        %dma_wait3A_542 = tpu.memref_slice %run_scoped3A_0[%add3A_534, %dma_wait3A_541] : memref<500x20xi32, #tpu.memory_space<vmem>> -> memref<1x20xi32, #tpu.memory_space<vmem>>
        %dma_wait3A_543 = tpu.memref_squeeze %dma_wait3A_542 : memref<1x20xi32, #tpu.memory_space<vmem>> -> memref<20xi32, #tpu.memory_space<vmem>>
        %dma_wait3A_544 = arith.constant 0 : i32
        %dma_wait3A_545 = arith.constant 0 : i32
        %dma_wait3A_546 = tpu.memref_slice %arg3[%dma_wait3A_544, %dma_wait3A_545] : memref<10000x16xf32, #tpu.memory_space<hbm>> -> memref<10000x16xf32, #tpu.memory_space<hbm>>
        tpu.wait_indirect_dma semaphore(%run_scoped3A_19 : memref<!tpu.dma_semaphore, #tpu.memory_space<semaphore_mem>>) src(%dma_wait3A_546 : memref<10000x16xf32, #tpu.memory_space<hbm>>) dst(%run_scoped3A_8 : memref<20x16xf32, #tpu.memory_space<vmem>>)
        %add3A_547 = arith.constant 3 : i32
        %add3A_548 = arith.addi %add3A_534, %add3A_547 : i32
        %lt3A_549 = arith.constant 500 : i32
        %lt3A_550 = arith.cmpi slt, %add3A_548, %lt3A_549 : i32
        %convert_element_type3A_551 = arith.extui %lt3A_550 : i1 to i32
        %cond3A_552 = arith.constant 0 : i32
        %cond3A_553 = arith.cmpi ne, %convert_element_type3A_551, %cond3A_552 : i32
        scf.if %cond3A_553 {
          %add3A_568 = arith.constant 3 : i32
          %add3A_569 = arith.addi %add3A_534, %add3A_568 : i32
          %dma_start3A_570 = arith.constant 0 : i32
          %dma_start3A_571 = tpu.memref_slice %run_scoped3A[%add3A_569, %dma_start3A_570] : memref<500x20xi32, #tpu.memory_space<vmem>> -> memref<1x20xi32, #tpu.memory_space<vmem>>
          %dma_start3A_572 = tpu.memref_squeeze %dma_start3A_571 : memref<1x20xi32, #tpu.memory_space<vmem>> -> memref<20xi32, #tpu.memory_space<vmem>>
          %dma_start3A_573 = arith.constant 0 : i32
          %dma_start3A_574 = arith.constant 0 : i32
          %dma_start3A_575 = tpu.memref_slice %arg2[%dma_start3A_573, %dma_start3A_574] : memref<10000x144xf32, #tpu.memory_space<hbm>> -> memref<10000x144xf32, #tpu.memory_space<hbm>>
          tpu.enqueue_indirect_dma source(%dma_start3A_575 : memref<10000x144xf32, #tpu.memory_space<hbm>>) target(%run_scoped3A_3 : memref<20x144xf32, #tpu.memory_space<vmem>>) offsets(%dma_start3A_572 : memref<20xi32, #tpu.memory_space<vmem>>) semaphore(%run_scoped3A_14 : memref<!tpu.dma_semaphore, #tpu.memory_space<semaphore_mem>>)
          %add3A_576 = arith.constant 3 : i32
          %add3A_577 = arith.addi %add3A_534, %add3A_576 : i32
          %dma_start3A_578 = arith.constant 0 : i32
          %dma_start3A_579 = tpu.memref_slice %run_scoped3A_0[%add3A_577, %dma_start3A_578] : memref<500x20xi32, #tpu.memory_space<vmem>> -> memref<1x20xi32, #tpu.memory_space<vmem>>
          %dma_start3A_580 = tpu.memref_squeeze %dma_start3A_579 : memref<1x20xi32, #tpu.memory_space<vmem>> -> memref<20xi32, #tpu.memory_space<vmem>>
          %dma_start3A_581 = arith.constant 0 : i32
          %dma_start3A_582 = arith.constant 0 : i32
          %dma_start3A_583 = tpu.memref_slice %arg3[%dma_start3A_581, %dma_start3A_582] : memref<10000x16xf32, #tpu.memory_space<hbm>> -> memref<10000x16xf32, #tpu.memory_space<hbm>>
          tpu.enqueue_indirect_dma source(%dma_start3A_583 : memref<10000x16xf32, #tpu.memory_space<hbm>>) target(%run_scoped3A_7 : memref<20x16xf32, #tpu.memory_space<vmem>>) offsets(%dma_start3A_580 : memref<20xi32, #tpu.memory_space<vmem>>) semaphore(%run_scoped3A_18 : memref<!tpu.dma_semaphore, #tpu.memory_space<semaphore_mem>>)
        } else {
        }
        %ge3A_554 = arith.constant 2 : i32
        %ge3A_555 = arith.cmpi sge, %add3A_534, %ge3A_554 : i32
        %convert_element_type3A_556 = arith.extui %ge3A_555 : i1 to i32
        %cond3A_557 = arith.constant 0 : i32
        %cond3A_558 = arith.cmpi ne, %convert_element_type3A_556, %cond3A_557 : i32
        scf.if %cond3A_558 {
          %dma_wait3A_568 = arith.constant 0 : i32
          %dma_wait3A_569 = tpu.memref_slice %run_scoped3A_0[%add3A_534, %dma_wait3A_568] : memref<500x20xi32, #tpu.memory_space<vmem>> -> memref<1x20xi32, #tpu.memory_space<vmem>>
          %dma_wait3A_570 = tpu.memref_squeeze %dma_wait3A_569 : memref<1x20xi32, #tpu.memory_space<vmem>> -> memref<20xi32, #tpu.memory_space<vmem>>
          %dma_wait3A_571 = arith.constant 0 : i32
          %dma_wait3A_572 = arith.constant 0 : i32
          %dma_wait3A_573 = tpu.memref_slice %arg7[%dma_wait3A_571, %dma_wait3A_572] : memref<10240x136xf32, #tpu.memory_space<vmem_shared>> -> memref<10240x136xf32, #tpu.memory_space<vmem_shared>>
          tpu.wait_indirect_dma semaphore(%run_scoped3A_21 : memref<!tpu.dma_semaphore, #tpu.memory_space<semaphore_mem>>) src(%run_scoped3A_10 : memref<20x136xf32, #tpu.memory_space<vmem>>) dst(%dma_wait3A_573 : memref<10240x136xf32, #tpu.memory_space<vmem_shared>>)
        } else {
        }
        %parallel_loop3A_559 = arith.constant 0 : i32
        %parallel_loop3A_560 = arith.constant 20 : i32
        %parallel_loop3A_561 = arith.constant 1 : i32
        scf.for %parallel_loop3A_568 = %parallel_loop3A_559 to %parallel_loop3A_560 step %parallel_loop3A_561  : i32 {
          %parallel_loop3A_569 = arith.index_cast %parallel_loop3A_568 : i32 to index
          %parallel_loop3A_570 = arith.constant 128 : index
          %parallel_loop3A_571 = tpu.vector_load %run_scoped3A_4[%parallel_loop3A_569, %parallel_loop3A_570] {strides = array<i32>} : memref<20x144xf32, #tpu.memory_space<vmem>>, vector<16xf32>,
          %parallel_loop3A_572 = arith.index_cast %parallel_loop3A_568 : i32 to index
          %parallel_loop3A_573 = arith.constant 0 : index
          %parallel_loop3A_574 = tpu.vector_load %run_scoped3A_8[%parallel_loop3A_572, %parallel_loop3A_573] {strides = array<i32>} : memref<20x16xf32, #tpu.memory_space<vmem>>, vector<16xf32>,
          %parallel_loop3A_575 = vector.shape_cast %add3A_394 : vector<16xi32> to vector<16x1xi32>
          %parallel_loop3A_576 = vector.shape_cast %parallel_loop3A_575 : vector<16x1xi32> to vector<16xi32>
          %parallel_loop3A_577 = tpu.dynamic_gather %parallel_loop3A_574[%parallel_loop3A_576] in [0] : vector<16xf32>, vector<16xi32> -> vector<16xf32>
          %parallel_loop3A_578 = arith.addf %parallel_loop3A_571, %parallel_loop3A_577 : vector<16xf32>
          %parallel_loop3A_579 = arith.constant 0.000000e+00 : f32
          %parallel_loop3A_580 = vector.broadcast %parallel_loop3A_579 : f32 to vector<16xf32>
          %parallel_loop3A_581 = arith.cmpf oge, %parallel_loop3A_578, %parallel_loop3A_580 : vector<16xf32>
          %parallel_loop3A_582 = arith.constant 2.000000e-01 : f32
          %parallel_loop3A_583 = vector.broadcast %parallel_loop3A_582 : f32 to vector<16xf32>
          %parallel_loop3A_584 = arith.mulf %parallel_loop3A_583, %parallel_loop3A_578 : vector<16xf32>
          %parallel_loop3A_585 = arith.select %parallel_loop3A_581, %parallel_loop3A_578, %parallel_loop3A_584 : vector<16xi1>, vector<16xf32>
          %parallel_loop3A_586 = math.exp %parallel_loop3A_585 : vector<16xf32>
          %parallel_loop3A_587 = arith.constant 0 : i32
          %parallel_loop3A_588 = vector.broadcast %parallel_loop3A_587 : i32 to vector<16xi32>
          %parallel_loop3A_589 = vector.broadcast %parallel_loop3A_568 : i32 to vector<16xi32>
          %parallel_loop3A_590 = arith.addi %parallel_loop3A_588, %parallel_loop3A_589 : vector<16xi32>
          tpu.vector_store_idx %run_scoped3A_10[%parallel_loop3A_590, %add3A_401], %parallel_loop3A_586 masked %lt3A_403 : memref<20x136xf32, #tpu.memory_space<vmem>>[vector<16xi32>, vector<16xi32>], vector<16xf32>, vector<16xi1>
          %parallel_loop3A_591 = arith.constant 0 : i32
          %parallel_loop3A_592 = vector.broadcast %parallel_loop3A_591 : i32 to vector<16xi32>
          %parallel_loop3A_593 = vector.shape_cast %parallel_loop3A_592 : vector<16xi32> to vector<16x1xi32>
          %parallel_loop3A_594 = vector.shape_cast %parallel_loop3A_593 : vector<16x1xi32> to vector<16xi32>
          %parallel_loop3A_595 = tpu.dynamic_gather %parallel_loop3A_586[%parallel_loop3A_594] in [0] : vector<16xf32>, vector<16xi32> -> vector<16xf32>
          %parallel_loop3A_596 = arith.index_cast %parallel_loop3A_568 : i32 to index
          %parallel_loop3A_597 = arith.constant 0 : index
          %parallel_loop3A_598 = tpu.vector_load %run_scoped3A_4[%parallel_loop3A_596, %parallel_loop3A_597] {strides = array<i32>} : memref<20x144xf32, #tpu.memory_space<vmem>>, vector<16xf32>,
          %parallel_loop3A_599 = arith.mulf %parallel_loop3A_595, %parallel_loop3A_598 : vector<16xf32>
          %parallel_loop3A_600 = arith.index_cast %parallel_loop3A_568 : i32 to index
          %parallel_loop3A_601 = arith.constant 0 : index
          %parallel_loop3A_602 = tpu.vector_load %run_scoped3A_10[%parallel_loop3A_600, %parallel_loop3A_601] {strides = array<i32>} : memref<20x136xf32, #tpu.memory_space<vmem>>, vector<16xf32>,
          tpu.vector_store %run_scoped3A_10[%parallel_loop3A_600, %parallel_loop3A_601], %parallel_loop3A_599 {strides = array<i32>} : memref<20x136xf32, #tpu.memory_space<vmem>>, vector<16xf32>,
          %parallel_loop3A_603 = arith.constant 1 : i32
          %parallel_loop3A_604 = vector.broadcast %parallel_loop3A_603 : i32 to vector<16xi32>
          %parallel_loop3A_605 = vector.shape_cast %parallel_loop3A_604 : vector<16xi32> to vector<16x1xi32>
          %parallel_loop3A_606 = vector.shape_cast %parallel_loop3A_605 : vector<16x1xi32> to vector<16xi32>
          %parallel_loop3A_607 = tpu.dynamic_gather %parallel_loop3A_586[%parallel_loop3A_606] in [0] : vector<16xf32>, vector<16xi32> -> vector<16xf32>
          %parallel_loop3A_608 = arith.index_cast %parallel_loop3A_568 : i32 to index
          %parallel_loop3A_609 = arith.constant 16 : index
          %parallel_loop3A_610 = tpu.vector_load %run_scoped3A_4[%parallel_loop3A_608, %parallel_loop3A_609] {strides = array<i32>} : memref<20x144xf32, #tpu.memory_space<vmem>>, vector<16xf32>,
          %parallel_loop3A_611 = arith.mulf %parallel_loop3A_607, %parallel_loop3A_610 : vector<16xf32>
          %parallel_loop3A_612 = arith.index_cast %parallel_loop3A_568 : i32 to index
          %parallel_loop3A_613 = arith.constant 16 : index
          %parallel_loop3A_614 = tpu.vector_load %run_scoped3A_10[%parallel_loop3A_612, %parallel_loop3A_613] {strides = array<i32>} : memref<20x136xf32, #tpu.memory_space<vmem>>, vector<16xf32>,
          tpu.vector_store %run_scoped3A_10[%parallel_loop3A_612, %parallel_loop3A_613], %parallel_loop3A_611 {strides = array<i32>} : memref<20x136xf32, #tpu.memory_space<vmem>>, vector<16xf32>,
          %parallel_loop3A_615 = arith.constant 2 : i32
          %parallel_loop3A_616 = vector.broadcast %parallel_loop3A_615 : i32 to vector<16xi32>
          %parallel_loop3A_617 = vector.shape_cast %parallel_loop3A_616 : vector<16xi32> to vector<16x1xi32>
          %parallel_loop3A_618 = vector.shape_cast %parallel_loop3A_617 : vector<16x1xi32> to vector<16xi32>
          %parallel_loop3A_619 = tpu.dynamic_gather %parallel_loop3A_586[%parallel_loop3A_618] in [0] : vector<16xf32>, vector<16xi32> -> vector<16xf32>
          %parallel_loop3A_620 = arith.index_cast %parallel_loop3A_568 : i32 to index
          %parallel_loop3A_621 = arith.constant 32 : index
          %parallel_loop3A_622 = tpu.vector_load %run_scoped3A_4[%parallel_loop3A_620, %parallel_loop3A_621] {strides = array<i32>} : memref<20x144xf32, #tpu.memory_space<vmem>>, vector<16xf32>,
          %parallel_loop3A_623 = arith.mulf %parallel_loop3A_619, %parallel_loop3A_622 : vector<16xf32>
          %parallel_loop3A_624 = arith.index_cast %parallel_loop3A_568 : i32 to index
          %parallel_loop3A_625 = arith.constant 32 : index
          %parallel_loop3A_626 = tpu.vector_load %run_scoped3A_10[%parallel_loop3A_624, %parallel_loop3A_625] {strides = array<i32>} : memref<20x136xf32, #tpu.memory_space<vmem>>, vector<16xf32>,
          tpu.vector_store %run_scoped3A_10[%parallel_loop3A_624, %parallel_loop3A_625], %parallel_loop3A_623 {strides = array<i32>} : memref<20x136xf32, #tpu.memory_space<vmem>>, vector<16xf32>,
          %parallel_loop3A_627 = arith.constant 3 : i32
          %parallel_loop3A_628 = vector.broadcast %parallel_loop3A_627 : i32 to vector<16xi32>
          %parallel_loop3A_629 = vector.shape_cast %parallel_loop3A_628 : vector<16xi32> to vector<16x1xi32>
          %parallel_loop3A_630 = vector.shape_cast %parallel_loop3A_629 : vector<16x1xi32> to vector<16xi32>
          %parallel_loop3A_631 = tpu.dynamic_gather %parallel_loop3A_586[%parallel_loop3A_630] in [0] : vector<16xf32>, vector<16xi32> -> vector<16xf32>
          %parallel_loop3A_632 = arith.index_cast %parallel_loop3A_568 : i32 to index
          %parallel_loop3A_633 = arith.constant 48 : index
          %parallel_loop3A_634 = tpu.vector_load %run_scoped3A_4[%parallel_loop3A_632, %parallel_loop3A_633] {strides = array<i32>} : memref<20x144xf32, #tpu.memory_space<vmem>>, vector<16xf32>,
          %parallel_loop3A_635 = arith.mulf %parallel_loop3A_631, %parallel_loop3A_634 : vector<16xf32>
          %parallel_loop3A_636 = arith.index_cast %parallel_loop3A_568 : i32 to index
          %parallel_loop3A_637 = arith.constant 48 : index
          %parallel_loop3A_638 = tpu.vector_load %run_scoped3A_10[%parallel_loop3A_636, %parallel_loop3A_637] {strides = array<i32>} : memref<20x136xf32, #tpu.memory_space<vmem>>, vector<16xf32>,
          tpu.vector_store %run_scoped3A_10[%parallel_loop3A_636, %parallel_loop3A_637], %parallel_loop3A_635 {strides = array<i32>} : memref<20x136xf32, #tpu.memory_space<vmem>>, vector<16xf32>,
          %parallel_loop3A_639 = arith.constant 4 : i32
          %parallel_loop3A_640 = vector.broadcast %parallel_loop3A_639 : i32 to vector<16xi32>
          %parallel_loop3A_641 = vector.shape_cast %parallel_loop3A_640 : vector<16xi32> to vector<16x1xi32>
          %parallel_loop3A_642 = vector.shape_cast %parallel_loop3A_641 : vector<16x1xi32> to vector<16xi32>
          %parallel_loop3A_643 = tpu.dynamic_gather %parallel_loop3A_586[%parallel_loop3A_642] in [0] : vector<16xf32>, vector<16xi32> -> vector<16xf32>
          %parallel_loop3A_644 = arith.index_cast %parallel_loop3A_568 : i32 to index
          %parallel_loop3A_645 = arith.constant 64 : index
          %parallel_loop3A_646 = tpu.vector_load %run_scoped3A_4[%parallel_loop3A_644, %parallel_loop3A_645] {strides = array<i32>} : memref<20x144xf32, #tpu.memory_space<vmem>>, vector<16xf32>,
          %parallel_loop3A_647 = arith.mulf %parallel_loop3A_643, %parallel_loop3A_646 : vector<16xf32>
          %parallel_loop3A_648 = arith.index_cast %parallel_loop3A_568 : i32 to index
          %parallel_loop3A_649 = arith.constant 64 : index
          %parallel_loop3A_650 = tpu.vector_load %run_scoped3A_10[%parallel_loop3A_648, %parallel_loop3A_649] {strides = array<i32>} : memref<20x136xf32, #tpu.memory_space<vmem>>, vector<16xf32>,
          tpu.vector_store %run_scoped3A_10[%parallel_loop3A_648, %parallel_loop3A_649], %parallel_loop3A_647 {strides = array<i32>} : memref<20x136xf32, #tpu.memory_space<vmem>>, vector<16xf32>,
          %parallel_loop3A_651 = arith.constant 5 : i32
          %parallel_loop3A_652 = vector.broadcast %parallel_loop3A_651 : i32 to vector<16xi32>
          %parallel_loop3A_653 = vector.shape_cast %parallel_loop3A_652 : vector<16xi32> to vector<16x1xi32>
          %parallel_loop3A_654 = vector.shape_cast %parallel_loop3A_653 : vector<16x1xi32> to vector<16xi32>
          %parallel_loop3A_655 = tpu.dynamic_gather %parallel_loop3A_586[%parallel_loop3A_654] in [0] : vector<16xf32>, vector<16xi32> -> vector<16xf32>
          %parallel_loop3A_656 = arith.index_cast %parallel_loop3A_568 : i32 to index
          %parallel_loop3A_657 = arith.constant 80 : index
          %parallel_loop3A_658 = tpu.vector_load %run_scoped3A_4[%parallel_loop3A_656, %parallel_loop3A_657] {strides = array<i32>} : memref<20x144xf32, #tpu.memory_space<vmem>>, vector<16xf32>,
          %parallel_loop3A_659 = arith.mulf %parallel_loop3A_655, %parallel_loop3A_658 : vector<16xf32>
          %parallel_loop3A_660 = arith.index_cast %parallel_loop3A_568 : i32 to index
          %parallel_loop3A_661 = arith.constant 80 : index
          %parallel_loop3A_662 = tpu.vector_load %run_scoped3A_10[%parallel_loop3A_660, %parallel_loop3A_661] {strides = array<i32>} : memref<20x136xf32, #tpu.memory_space<vmem>>, vector<16xf32>,
          tpu.vector_store %run_scoped3A_10[%parallel_loop3A_660, %parallel_loop3A_661], %parallel_loop3A_659 {strides = array<i32>} : memref<20x136xf32, #tpu.memory_space<vmem>>, vector<16xf32>,
          %parallel_loop3A_663 = arith.constant 6 : i32
          %parallel_loop3A_664 = vector.broadcast %parallel_loop3A_663 : i32 to vector<16xi32>
          %parallel_loop3A_665 = vector.shape_cast %parallel_loop3A_664 : vector<16xi32> to vector<16x1xi32>
          %parallel_loop3A_666 = vector.shape_cast %parallel_loop3A_665 : vector<16x1xi32> to vector<16xi32>
          %parallel_loop3A_667 = tpu.dynamic_gather %parallel_loop3A_586[%parallel_loop3A_666] in [0] : vector<16xf32>, vector<16xi32> -> vector<16xf32>
          %parallel_loop3A_668 = arith.index_cast %parallel_loop3A_568 : i32 to index
          %parallel_loop3A_669 = arith.constant 96 : index
          %parallel_loop3A_670 = tpu.vector_load %run_scoped3A_4[%parallel_loop3A_668, %parallel_loop3A_669] {strides = array<i32>} : memref<20x144xf32, #tpu.memory_space<vmem>>, vector<16xf32>,
          %parallel_loop3A_671 = arith.mulf %parallel_loop3A_667, %parallel_loop3A_670 : vector<16xf32>
          %parallel_loop3A_672 = arith.index_cast %parallel_loop3A_568 : i32 to index
          %parallel_loop3A_673 = arith.constant 96 : index
          %parallel_loop3A_674 = tpu.vector_load %run_scoped3A_10[%parallel_loop3A_672, %parallel_loop3A_673] {strides = array<i32>} : memref<20x136xf32, #tpu.memory_space<vmem>>, vector<16xf32>,
          tpu.vector_store %run_scoped3A_10[%parallel_loop3A_672, %parallel_loop3A_673], %parallel_loop3A_671 {strides = array<i32>} : memref<20x136xf32, #tpu.memory_space<vmem>>, vector<16xf32>,
          %parallel_loop3A_675 = arith.constant 7 : i32
          %parallel_loop3A_676 = vector.broadcast %parallel_loop3A_675 : i32 to vector<16xi32>
          %parallel_loop3A_677 = vector.shape_cast %parallel_loop3A_676 : vector<16xi32> to vector<16x1xi32>
          %parallel_loop3A_678 = vector.shape_cast %parallel_loop3A_677 : vector<16x1xi32> to vector<16xi32>
          %parallel_loop3A_679 = tpu.dynamic_gather %parallel_loop3A_586[%parallel_loop3A_678] in [0] : vector<16xf32>, vector<16xi32> -> vector<16xf32>
          %parallel_loop3A_680 = arith.index_cast %parallel_loop3A_568 : i32 to index
          %parallel_loop3A_681 = arith.constant 112 : index
          %parallel_loop3A_682 = tpu.vector_load %run_scoped3A_4[%parallel_loop3A_680, %parallel_loop3A_681] {strides = array<i32>} : memref<20x144xf32, #tpu.memory_space<vmem>>, vector<16xf32>,
          %parallel_loop3A_683 = arith.mulf %parallel_loop3A_679, %parallel_loop3A_682 : vector<16xf32>
          %parallel_loop3A_684 = arith.index_cast %parallel_loop3A_568 : i32 to index
          %parallel_loop3A_685 = arith.constant 112 : index
          %parallel_loop3A_686 = tpu.vector_load %run_scoped3A_10[%parallel_loop3A_684, %parallel_loop3A_685] {strides = array<i32>} : memref<20x136xf32, #tpu.memory_space<vmem>>, vector<16xf32>,
          tpu.vector_store %run_scoped3A_10[%parallel_loop3A_684, %parallel_loop3A_685], %parallel_loop3A_683 {strides = array<i32>} : memref<20x136xf32, #tpu.memory_space<vmem>>, vector<16xf32>,
        } {sc.loop_unroll_factor = 4 : i64, sc.parallel_access}
        %dma_start3A_562 = arith.constant 0 : i32
        %dma_start3A_563 = tpu.memref_slice %run_scoped3A_0[%add3A_534, %dma_start3A_562] : memref<500x20xi32, #tpu.memory_space<vmem>> -> memref<1x20xi32, #tpu.memory_space<vmem>>
        %dma_start3A_564 = tpu.memref_squeeze %dma_start3A_563 : memref<1x20xi32, #tpu.memory_space<vmem>> -> memref<20xi32, #tpu.memory_space<vmem>>
        %dma_start3A_565 = arith.constant 0 : i32
        %dma_start3A_566 = arith.constant 0 : i32
        %dma_start3A_567 = tpu.memref_slice %arg7[%dma_start3A_565, %dma_start3A_566] : memref<10240x136xf32, #tpu.memory_space<vmem_shared>> -> memref<10240x136xf32, #tpu.memory_space<vmem_shared>>
        tpu.enqueue_indirect_dma source(%run_scoped3A_10 : memref<20x136xf32, #tpu.memory_space<vmem>>) target(%dma_start3A_567 : memref<10240x136xf32, #tpu.memory_space<vmem_shared>>) offsets(%dma_start3A_564 : memref<20xi32, #tpu.memory_space<vmem>>) semaphore(%run_scoped3A_21 : memref<!tpu.dma_semaphore, #tpu.memory_space<semaphore_mem>>) {add = true}
      }
      %scan3A_408 = arith.constant 125 : i32
      %dma_wait3A = arith.constant 0 : i32
      %dma_wait3A_409 = arith.constant 0 : i32
      %dma_wait3A_410 = tpu.memref_slice %run_scoped3A_0[%dma_wait3A, %dma_wait3A_409] : memref<500x20xi32, #tpu.memory_space<vmem>> -> memref<1x20xi32, #tpu.memory_space<vmem>>
      %dma_wait3A_411 = tpu.memref_squeeze %dma_wait3A_410 : memref<1x20xi32, #tpu.memory_space<vmem>> -> memref<20xi32, #tpu.memory_space<vmem>>
      %dma_wait3A_412 = arith.constant 0 : i32
      %dma_wait3A_413 = arith.constant 0 : i32
      %dma_wait3A_414 = tpu.memref_slice %arg7[%dma_wait3A_412, %dma_wait3A_413] : memref<10240x136xf32, #tpu.memory_space<vmem_shared>> -> memref<10240x136xf32, #tpu.memory_space<vmem_shared>>
      tpu.wait_indirect_dma semaphore(%run_scoped3A_20 : memref<!tpu.dma_semaphore, #tpu.memory_space<semaphore_mem>>) src(%run_scoped3A_9 : memref<20x136xf32, #tpu.memory_space<vmem>>) dst(%dma_wait3A_414 : memref<10240x136xf32, #tpu.memory_space<vmem_shared>>)
      %dma_wait3A_415 = arith.constant 1 : i32
      %dma_wait3A_416 = arith.constant 0 : i32
      %dma_wait3A_417 = tpu.memref_slice %run_scoped3A_0[%dma_wait3A_415, %dma_wait3A_416] : memref<500x20xi32, #tpu.memory_space<vmem>> -> memref<1x20xi32, #tpu.memory_space<vmem>>
      %dma_wait3A_418 = tpu.memref_squeeze %dma_wait3A_417 : memref<1x20xi32, #tpu.memory_space<vmem>> -> memref<20xi32, #tpu.memory_space<vmem>>
      %dma_wait3A_419 = arith.constant 0 : i32
      %dma_wait3A_420 = arith.constant 0 : i32
      %dma_wait3A_421 = tpu.memref_slice %arg7[%dma_wait3A_419, %dma_wait3A_420] : memref<10240x136xf32, #tpu.memory_space<vmem_shared>> -> memref<10240x136xf32, #tpu.memory_space<vmem_shared>>
      tpu.wait_indirect_dma semaphore(%run_scoped3A_21 : memref<!tpu.dma_semaphore, #tpu.memory_space<semaphore_mem>>) src(%run_scoped3A_10 : memref<20x136xf32, #tpu.memory_space<vmem>>) dst(%dma_wait3A_421 : memref<10240x136xf32, #tpu.memory_space<vmem_shared>>)
      %barrier3A_422 = arith.constant 0 : index
      tpu.barrier barrier_id(%barrier3A_422)
      %mul3A_423 = arith.constant 640 : i32
      %mul3A_424 = arith.muli %arg1, %mul3A_423 : i32
      %mul3A_425 = arith.constant 640 : i32
      %mul3A_426 = arith.muli %arg1, %mul3A_425 : i32
      "tpu.region"() ({
        %run_scoped3A_427 = tpu.sem_alloc : memref<!tpu.dma_semaphore, #tpu.memory_space<semaphore_mem>>
        %dma_start3A_428 = arith.constant 0 : i32
        %dma_start3A_429 = tpu.memref_slice %arg6[%arg0, %mul3A_426, %dma_start3A_428] : memref<2x10240x136xf32, #tpu.memory_space<hbm>> -> memref<1x640x136xf32, #tpu.memory_space<hbm>>
        %dma_start3A_430 = tpu.memref_squeeze %dma_start3A_429 : memref<1x640x136xf32, #tpu.memory_space<hbm>> -> memref<640x136xf32, #tpu.memory_space<hbm>>
        %dma_start3A_431 = arith.constant 0 : i32
        %dma_start3A_432 = tpu.memref_slice %arg7[%mul3A_424, %dma_start3A_431] : memref<10240x136xf32, #tpu.memory_space<vmem_shared>> -> memref<640x136xf32, #tpu.memory_space<vmem_shared>>
        tpu.enqueue_dma source(%dma_start3A_432 : memref<640x136xf32, #tpu.memory_space<vmem_shared>>) target(%dma_start3A_430 : memref<640x136xf32, #tpu.memory_space<hbm>>) target_semaphore(%run_scoped3A_427 : memref<!tpu.dma_semaphore, #tpu.memory_space<semaphore_mem>>)
        %dma_wait3A_433 = arith.constant 0 : i32
        %dma_wait3A_434 = tpu.memref_slice %arg6[%arg0, %mul3A_426, %dma_wait3A_433] : memref<2x10240x136xf32, #tpu.memory_space<hbm>> -> memref<1x640x136xf32, #tpu.memory_space<hbm>>
        %dma_wait3A_435 = tpu.memref_squeeze %dma_wait3A_434 : memref<1x640x136xf32, #tpu.memory_space<hbm>> -> memref<640x136xf32, #tpu.memory_space<hbm>>
        %dma_wait3A_436 = arith.constant 0 : i32
        %dma_wait3A_437 = tpu.memref_slice %arg7[%mul3A_424, %dma_wait3A_436] : memref<10240x136xf32, #tpu.memory_space<vmem_shared>> -> memref<640x136xf32, #tpu.memory_space<vmem_shared>>
        tpu.wait_dma2 semaphore(%run_scoped3A_427 : memref<!tpu.dma_semaphore, #tpu.memory_space<semaphore_mem>>) src(%dma_wait3A_437 : memref<640x136xf32, #tpu.memory_space<vmem_shared>>) dst(%dma_wait3A_435 : memref<640x136xf32, #tpu.memory_space<hbm>>)
        tpu.yield
      }) : () -> ()
      tpu.yield
    }) : () -> ()
    return
  }
}

module attributes {stable_mosaic.version = 14 : i64} {
  func.func @_mm_body(%arg0: i32, %arg1: memref<1000x128xf32, #tpu.memory_space<vmem>>, %arg2: memref<128x144xf32, #tpu.memory_space<vmem>>, %arg3: memref<1000x144xf32, #tpu.memory_space<vmem>>) attributes {dimension_semantics = [#tpu.dimension_semantics<arbitrary>], iteration_bounds = array<i64: 10>, scalar_prefetch = 0 : i64, scratch_operands = 0 : i64, tpu.core_type = #tpu.core_type<tc>, window_params = [{transform_indices = @transform_0, window_bounds = array<i64: 1000, 128>}, {pipeline_mode = #tpu.pipeline_mode<synchronous>, transform_indices = @transform_1, window_bounds = array<i64: 128, 144>}, {transform_indices = @transform_2, window_bounds = array<i64: 1000, 144>}]} {
    %get3A = arith.constant 0 : index
    %get3A_0 = arith.constant 0 : index
    %get3A_1 = vector.load %arg1[%get3A, %get3A_0] : memref<1000x128xf32, #tpu.memory_space<vmem>>, vector<1000x128xf32>
    %get3A_2 = arith.constant 0 : index
    %get3A_3 = arith.constant 0 : index
    %get3A_4 = vector.load %arg2[%get3A_2, %get3A_3] : memref<128x144xf32, #tpu.memory_space<vmem>>, vector<128x144xf32>
    %dot_general3A = arith.constant dense<0.000000e+00> : vector<1000x144xf32>
    %dot_general3A_5 = tpu.matmul %get3A_1, %get3A_4, %dot_general3A {dimension_numbers = #tpu.dot_dimension_numbers<[1], [0], [0], [1], [0, 0, 1, 1], [], []>, transpose_lhs_hint = false} : vector<1000x128xf32>, vector<128x144xf32>, vector<1000x144xf32> -> vector<1000x144xf32>
    %swap3A = arith.constant 0 : index
    %swap3A_6 = arith.constant 0 : index
    %swap3A_7 = vector.load %arg3[%swap3A, %swap3A_6] : memref<1000x144xf32, #tpu.memory_space<vmem>>, vector<1000x144xf32>
    tpu.vector_store %arg3[%swap3A, %swap3A_6], %dot_general3A_5 {strides = array<i32>} : memref<1000x144xf32, #tpu.memory_space<vmem>>, vector<1000x144xf32>,
    return
  }
  func.func @transform_0(%arg0: i32) -> (i32, i32) {
    %c0_i32 = arith.constant 0 : i32
    %c0_i32_0 = arith.constant 0 : i32
    return %arg0, %c0_i32 : i32, i32
  }
  func.func @transform_1(%arg0: i32) -> (i32, i32) {
    %c0_i32 = arith.constant 0 : i32
    %c0_i32_0 = arith.constant 0 : i32
    %c0_i32_1 = arith.constant 0 : i32
    return %c0_i32, %c0_i32_0 : i32, i32
  }
  func.func @transform_2(%arg0: i32) -> (i32, i32) {
    %c0_i32 = arith.constant 0 : i32
    %c0_i32_0 = arith.constant 0 : i32
    return %arg0, %c0_i32 : i32, i32
  }
}

module attributes {stable_mosaic.version = 14 : i64} {
  func.func @_fin_body(%arg0: i32, %arg1: memref<2x1024x136xf32, #tpu.memory_space<vmem>>, %arg2: memref<136x128xf32, #tpu.memory_space<vmem>>, %arg3: memref<1024x128xf32, #tpu.memory_space<vmem>>) attributes {dimension_semantics = [#tpu.dimension_semantics<arbitrary>], iteration_bounds = array<i64: 10>, scalar_prefetch = 0 : i64, scratch_operands = 0 : i64, tpu.core_type = #tpu.core_type<tc>, window_params = [{transform_indices = @transform_0, window_bounds = array<i64: 2, 1024, 136>}, {pipeline_mode = #tpu.pipeline_mode<synchronous>, transform_indices = @transform_1, window_bounds = array<i64: 136, 128>}, {transform_indices = @transform_2, window_bounds = array<i64: 1024, 128>}]} {
    %get3A = arith.constant 0 : index
    %get3A_0 = arith.constant 0 : index
    %get3A_1 = arith.constant 0 : index
    %get3A_2 = vector.load %arg1[%get3A, %get3A_0, %get3A_1] : memref<2x1024x136xf32, #tpu.memory_space<vmem>>, vector<1x1024x136xf32>
    %get3A_3 = vector.shape_cast %get3A_2 : vector<1x1024x136xf32> to vector<1024x136xf32>
    %get3A_4 = arith.constant 1 : index
    %get3A_5 = arith.constant 0 : index
    %get3A_6 = arith.constant 0 : index
    %get3A_7 = vector.load %arg1[%get3A_4, %get3A_5, %get3A_6] : memref<2x1024x136xf32, #tpu.memory_space<vmem>>, vector<1x1024x136xf32>
    %get3A_8 = vector.shape_cast %get3A_7 : vector<1x1024x136xf32> to vector<1024x136xf32>
    %add3A = arith.addf %get3A_3, %get3A_8 : vector<1024x136xf32>
    %get3A_9 = arith.constant 0 : index
    %get3A_10 = arith.constant 0 : index
    %get3A_11 = vector.load %arg2[%get3A_9, %get3A_10] : memref<136x128xf32, #tpu.memory_space<vmem>>, vector<136x128xf32>
    %dot_general3A = arith.constant dense<0.000000e+00> : vector<1024x128xf32>
    %dot_general3A_12 = tpu.matmul %add3A, %get3A_11, %dot_general3A {dimension_numbers = #tpu.dot_dimension_numbers<[1], [0], [0], [1], [0, 0, 1, 1], [], []>, transpose_lhs_hint = false} : vector<1024x136xf32>, vector<136x128xf32>, vector<1024x128xf32> -> vector<1024x128xf32>
    %slice3A = vector.extract_strided_slice %add3A {offsets = [0, 0], sizes = [1024, 128], strides = [1, 1]} : vector<1024x136xf32> to vector<1024x128xf32>
    %max3A = arith.constant 1.000000e-16 : f32
    %max3A_13 = vector.broadcast %max3A : f32 to vector<1024x128xf32>
    %max3A_14 = arith.maximumf %dot_general3A_12, %max3A_13 : vector<1024x128xf32>
    %div3A = arith.divf %slice3A, %max3A_14 : vector<1024x128xf32>
    %swap3A = arith.constant 0 : index
    %swap3A_15 = arith.constant 0 : index
    %swap3A_16 = vector.load %arg3[%swap3A, %swap3A_15] : memref<1024x128xf32, #tpu.memory_space<vmem>>, vector<1024x128xf32>
    tpu.vector_store %arg3[%swap3A, %swap3A_15], %div3A {strides = array<i32>} : memref<1024x128xf32, #tpu.memory_space<vmem>>, vector<1024x128xf32>,
    return
  }
  func.func @transform_0(%arg0: i32) -> (i32, i32, i32) {
    %c0_i32 = arith.constant 0 : i32
    %c0_i32_0 = arith.constant 0 : i32
    %c0_i32_1 = arith.constant 0 : i32
    return %c0_i32, %arg0, %c0_i32_0 : i32, i32, i32
  }
  func.func @transform_1(%arg0: i32) -> (i32, i32) {
    %c0_i32 = arith.constant 0 : i32
    %c0_i32_0 = arith.constant 0 : i32
    %c0_i32_1 = arith.constant 0 : i32
    return %c0_i32, %c0_i32_0 : i32, i32
  }
  func.func @transform_2(%arg0: i32) -> (i32, i32) {
    %c0_i32 = arith.constant 0 : i32
    %c0_i32_0 = arith.constant 0 : i32
    return %arg0, %c0_i32 : i32, i32
  }
}

</mosaic_0001>

<sc_bundles>
// kernel: kernel.5.cloned.1.call-start
scs
__scs_entry_jumppad:
0x0: {  	(pc) =	sbr.rel $0x88, $3  }
0x1: {  	(tag) =	ssettag $0x0;
	lr =	simm.s32 $0x1  }
0x2: {  	[smem:$0x3F9D] =	sst lr;
	_ =	strace $0xD0000000  }
0x3: {  	_ = 	snop  }
0x4: {  	_ = 	snop  }
0x5: {  	_ = 	snop  }
0x6: {  	_ = 	snop  }
0x7: {  	_ = 	snop  }
__scs_overlays_trampoline_lowered:
0x8: {  	[smem:$0x3FAC] =	sst s0  }
0x9: {  	[smem:$0x3FAD] =	sst s1  }
0xa: {  	[smem:$0x3FAE] =	sst s2  }
0xb: {  	[smem:$0x3FAF] =	sst s3  }
0xc: {  	[smem:$0x3FB0] =	sst s4  }
0xd: {  	[smem:$0x3FB1] =	sst s5  }
0xe: {  	[smem:$0x3FB2] =	sst s6  }
0xf: {  	[smem:$0x3FB3] =	sst s7  }
0x10: {  	[smem:$0x3FB4] =	sst s8  }
0x11: {  	[smem:$0x3FB5] =	sst s9;
	s0 =	simm.s32 @!p0 $0x0  }
0x12: {  	s1 =	sld [smem:$0x3F9B];
	s0 =	simm.s32 @p0 $0x1  }
0x13: {  	[smem:$0x3FB6] =	sst s0;
	s0 =	simm.s32 @!p1 $0x0  }
0x14: {  	s2 =	sld [smem:$0x3F9A];
	s0 =	simm.s32 @p1 $0x1  }
0x15: {  	[smem:$0x3FB7] =	sst s0;
	s0 =	simm.s32 @!p2 $0x0  }
0x16: {  	s3 =	sld [smem:$0x3FDB];
	s0 =	simm.s32 @p2 $0x1  }
0x17: {  	s4 =	simm.s32 $0x1BF5;
	[smem:$0x3FB9] =	sst s0  }
0x18: {  	s0 =	sld [smem:$0x3F9C];
	_ =	swait.ge [sflag:s4], $0x0  }
0x19: {  	s7 =	sld [smem:$0x3F9D]  }
0x1a: {  	s8 =	sadd.s32 $0xFFFFE003, lr  }
0x1b: {  	s9 =	sadd.s32 $0xFFFFFEF7, lr;
	s5 =	simm.s32 $0xFFFFFFFF;
	p2 =	slt.u32 s8, $0xFFFFF086  }
0x1c: {  	p1 =	slt.u32 s9, $0xF7A;
	s5 =	simm.s32 @!p2 $0x0  }
0x1d: {  	s5 =	simm.s32 @p1 $0x1;
	p0 =	seq.s32 s7, s2  }
0x1e: {  	s7 =	smul.u32 @!p0 $0xF7A, s2;
	p2 =	seq.s32 @!p0 s5, $0x0  }
0x1f: {  	s9 =	smul.u32 $0xF7A, s1;
	s8 =	simm.s32 @!p0 $0x1BF5;
	p2 =	por !p2, p0  }
0x20: {  	[sflag:s8] =	ssyncset.s32 @!p0 $0xFFFFF086;
	s6 =	sadd.s32 @!p0 s3, s7;
	s7 =	simm.s32 @!p0 $0x108  }
0x21: {  	s3 =	sadd.s32 s3, s9;
	s6 =	sadd.s32 @!p0 $0x88, s6;
	s7 =	simm.s32 @p2 $0x1082  }
0x22: {  	[simem:s7], [sflag:s8] =	dma.local @!p0 [hbm:s6], $0xF7A  }
0x23: {  	s9 =	sor.u32 $0xD0000000, s2;
	s6 =	simm.s32 $0x108;
	_ =	swait.ge @!p0 [sflag:s8], $0x0  }
0x24: {  	s3 =	sadd.s32 $0x88, s3;
	s6 =	simm.s32 @!p1 $0x1082;
	[sflag:s4] =	ssyncset.s32 $0xFFFFF086  }
0x25: {  	[simem:s6], [sflag:s4] =	dma.local [hbm:s3], $0xF7A  }
0x26: {  	[smem:$0x3F9D] =	sst s1;
	(tag) =	ssettag s2;
	_ =	strace s9  }
0x27: {  	s1 =	sld [smem:$0x3FAD]  }
0x28: {  	s2 =	sld [smem:$0x3FAE]  }
0x29: {  	s4 =	sld [smem:$0x3FB0]  }
0x2a: {  	p0 =	seq.s32 s5, $0x0;
	s5 =	sld [smem:$0x3FB1]  }
0x2b: {  	s6 =	sld [smem:$0x3FB2]  }
0x2c: {  	s7 =	sld [smem:$0x3FB3]  }
0x2d: {  	s3 =	simm.s32 $0x108;
	s8 =	sld [smem:$0x3FB4]  }
0x2e: {  	s3 =	simm.s32 @!p0 $0x1082;
	s9 =	sld [smem:$0x3FB5]  }
0x2f: {  	lr =	sadd.s32 s0, s3;
	s0 =	sld [smem:$0x3FAC]  }
0x30: {  	s3 =	sld [smem:$0x3FAF]  }
0x31: {  	[smem:$0x3FB8] =	sst s10  }
0x32: {  	s10 =	sld [smem:$0x3FB6];
	_ =	sdelay $0x3  }
0x33: {  	p0 =	seq.s32 s10, $0x1;
	s10 =	sld [smem:$0x3FB8];
	_ =	sdelay $0x3  }
0x34: {  	[smem:$0x3FB8] =	sst s10  }
0x35: {  	s10 =	sld [smem:$0x3FB7];
	_ =	sdelay $0x3  }
0x36: {  	p1 =	seq.s32 s10, $0x1;
	s10 =	sld [smem:$0x3FB8];
	_ =	sdelay $0x3  }
0x37: {  	[smem:$0x3FB8] =	sst s10  }
0x38: {  	s10 =	sld [smem:$0x3FB9]  }
0x39: {  	_ = 	snop;
	(pc) =	sbr.ind lr, $3  }
0x3a: {  	_ = 	snop  }
0x3b: {  	_ = 	snop  }
0x3c: {  	p2 =	seq.s32 s10, $0x1;
	s10 =	sld [smem:$0x3FB8]  }
0x3d: {  	_ =	shalt  }
0x3e: {  	_ =	shalt  }
0x3f: {  	_ =	shalt  }
0x40: {  	_ =	shalt  }
0x41: {  	_ =	shalt  }
0x42: {  	_ =	shalt  }
0x43: {  	_ =	shalt  }
0x44: {  	_ =	shalt  }
0x45: {  	_ =	shalt  }
0x46: {  	_ =	shalt  }
0x47: {  	_ =	shalt  }
0x48: {  	_ =	shalt  }
0x49: {  	_ =	shalt  }
0x4a: {  	_ =	shalt  }
0x4b: {  	_ =	shalt  }
0x4c: {  	_ =	shalt  }
0x4d: {  	_ =	shalt  }
0x4e: {  	_ =	shalt  }
0x4f: {  	_ =	shalt  }
0x50: {  	_ =	shalt  }
0x51: {  	_ =	shalt  }
0x52: {  	_ =	shalt  }
0x53: {  	_ =	shalt  }
0x54: {  	_ =	shalt  }
0x55: {  	_ =	shalt  }
0x56: {  	_ =	shalt  }
0x57: {  	_ =	shalt  }
0x58: {  	_ =	shalt  }
0x59: {  	_ =	shalt  }
0x5a: {  	_ =	shalt  }
0x5b: {  	_ =	shalt  }
0x5c: {  	_ =	shalt  }
0x5d: {  	_ =	shalt  }
0x5e: {  	_ =	shalt  }
0x5f: {  	_ =	shalt  }
0x60: {  	_ =	shalt  }
0x61: {  	_ =	shalt  }
0x62: {  	_ =	shalt  }
0x63: {  	_ =	shalt  }
0x64: {  	_ =	shalt  }
0x65: {  	_ =	shalt  }
0x66: {  	_ =	shalt  }
0x67: {  	_ =	shalt  }
0x68: {  	_ =	shalt  }
0x69: {  	_ =	shalt  }
0x6a: {  	_ =	shalt  }
0x6b: {  	_ =	shalt  }
0x6c: {  	_ =	shalt  }
0x6d: {  	_ =	shalt  }
0x6e: {  	_ =	shalt  }
0x6f: {  	_ =	shalt  }
0x70: {  	_ =	shalt  }
0x71: {  	_ =	shalt  }
0x72: {  	_ =	shalt  }
0x73: {  	_ =	shalt  }
0x74: {  	_ =	shalt  }
0x75: {  	_ =	shalt  }
0x76: {  	_ =	shalt  }
0x77: {  	_ =	shalt  }
0x78: {  	_ =	shalt  }
0x79: {  	_ =	shalt  }
0x7a: {  	_ =	shalt  }
0x7b: {  	_ =	shalt  }
0x7c: {  	_ =	shalt  }
0x7d: {  	_ =	shalt  }
0x7e: {  	_ =	shalt  }
0x7f: {  	_ =	shalt  }
0x80: {  	_ =	shalt  }
0x81: {  	_ =	shalt  }
0x82: {  	_ =	shalt  }
0x83: {  	_ =	shalt  }
0x84: {  	_ =	shalt  }
0x85: {  	_ =	shalt  }
0x86: {  	_ =	shalt  }
0x87: {  	_ =	shalt  }
.Lfunc_end0:
.L_simem_size_0:
called_computation_lowered:
.L_overlay_start_0:
0x88: {  	s2 =	sld [smem:$0x3FD9]  }
0x89: {  	s3 =	sld [smem:$0x3FFE];
	_ =	sdelay $0x1  }
0x8a: {  	s1 =	srdreg.scid  }
0x8b: {  	s0 =	sand.u32 $0x1, s1  }
0x8c: {  	s17 =	sshll.u32 s0, $0xA;
	s2 =	sadd.s32 s3, s2  }
0x8d: {  	s2 =	sadd.s32 s2, s17  }
0x8e: {  	[smem:$0x3FC4] =	sst s2  }
0x8f: {  	_ = 	snop  }
0x90: {  	s2 =	sld [smem:$0x3FD0];
	(tm) =	ssettm $0x1  }
0x91: {  	s18 =	sld [smem:$0x3FFB];
	_ =	sdelay $0x3  }
0x92: {  	_ =	strace s18  }
0x93: {  	s3 =	sld [smem:$0x3FFC];
	_ =	sdelay $0x3  }
0x94: {  	_ =	strace s3  }
0x95: {  	s3 =	sld [smem:$0x3FFD];
	_ =	sdelay $0x3  }
0x96: {  	_ =	strace s3  }
0x97: {  	_ =	strace $0x8FFFFFFF  }
0x98: {  	s19 =	sld [smem:$0x3FDB];
	_ =	sdelay $0x1  }
0x99: {  	s4 =	simm.s32 $_scs_section_size  }
0x9a: {  	s5 =	simm.s32 $_size__tile_overlayer_lowered;
	s6 =	simm.s32 $_tile_overlayer_lowered  }
0x9b: {  	s22 =	simm.s32 $0x1BFF;
	s21 =	sshll.u32 s6, $0x1;
	s3 =	sadd.s32 s4, s19  }
0x9c: {  	s7 =	simm.s32 $0x0;
	s20 =	sshll.u32 s5, $0x1;
	s5 =	sadd.s32 s21, s3  }
0x9d: {  	[timem:s7], [sflag:s22] =	dma.local [hbm:s5], s20  }
0x9e: {  	_ =	swait.ge [sflag:s22], s20  }
0x9f: {  	s4 =	ssub.s32 $0x0, s20;
	[sflag:s22] =	ssyncset.done $0x0  }
0xa0: {  	[sflag:s22] =	ssyncadd.s32 s4;
	_ =	sdelay $0x1  }
0xa1: {  	s23 =	simm.s32 $0x1B8B  }
0xa2: {  	_ =	swait.ge [sflag:s23], $0x1  }
0xa3: {  	[sflag:s23] =	ssyncset.done $0x0  }
0xa4: {  	s25 =	simm.s32 $0x1B8E;
	s24 =	sld [smem:$0x3FFE];
	[sflag:s23] =	ssyncadd.s32 $0xFFFFFFFF  }
0xa5: {  	s26 =	simm.s32 $execute0_lowered;
	[smem:$0x3FD2] =	sst s25  }
0xa6: {  	s5 =	sshll.u32 s26, $0x1;
	_ =	strace $0x80000046;
	[dreg:$0x1] =	wrdreg $0xFFFFFFFF  }
0xa7: {  	s28 =	simm.s32 $_size_execute0_lowered;
	s3 =	sadd.s32 s3, s5;
	[dreg:$0x0] =	wrdreg $0x0  }
0xa8: {  	s5 =	sshll.u32 s28, $0x1;
	[dreg:$0x2] =	wrdreg s3  }
0xa9: {  	[dreg:$0x3] =	wrdreg s5  }
0xaa: {  	[dreg:$0x4] =	wrdreg $0xC0  }
0xab: {  	_ =	task [dreg:s7], $0x5FFFF  }
0xac: {  	[dreg:$0x1] =	wrdreg $0xFFFFFFFF  }
0xad: {  	[dreg:$0x0] =	wrdreg $0x60  }
0xae: {  	[dreg:$0x2] =	wrdreg s24  }
0xaf: {  	[dreg:$0x3] =	wrdreg s2  }
0xb0: {  	[dreg:$0x4] =	wrdreg $0x0  }
0xb1: {  	[dreg:$0x5] =	wrdreg $0x9  }
0xb2: {  	_ =	task.clear_ibuf [dreg:s7], $0x6FFFF;
	_ =	strace $0x90000046  }
0xb3: {  	s29 =	simm.s32 $0x9;
	_ =	strace $0x80000048  }
0xb4: {  	_ =	swait.ge [sflag:s29], $0x1  }
0xb5: {  	[sflag:s29] =	ssyncadd.s32 $0xFFFFFFFF  }
0xb6: {  	_ =	strace $0x90000048  }
0xb7: {  	_ =	sfence  }
0xb8: {  	s30 =	sld [smem:$0x0];
	_ =	sdelay $0x2  }
0xb9: {  	s31 =	sshll.u32 s1, $0xD;
	s1 =	sshrl.u32 s1, $0x2  }
0xba: {  	s3 =	sand.u32 $0x4000, s31;
	s1 =	sadd.s32 s1, s30  }
0xbb: {  	s0 =	sor.u32 s3, s0;
	s1 =	sshll.u32 s1, $0x11  }
0xbc: {  	s0 =	sor.u32 s1, s0  }
0xbd: {  	s0 =	sadd.s32 $0x8F2B, s0  }
0xbe: {  	[sflag:s0] =	ssyncadd.remote.s32 $0x1  }
0xbf: {  	_ =	sfence.sel $0xFFFF  }
0xc0: {  	[dreg:$0x0] =	wrdreg $0xFFFFFFFF;
	(pc) =	sbr.abs _section_cstart, $3  }
0xc1: {  	[dreg:$0x1] =	wrdreg $0xFFFFFFFF  }
0xc2: {  	_ =	task.clear_ibuf [dreg:s7], $0x2FFFF;
	_ =	strace $0x9FFFFFFF  }
0xc3: {  	(tm) =	ssettm $0x7FFFFFFF  }
tec
execute0_lowered:
.L_overlay_start_1:
0x0: {  	(tag) =	ssettag $0x1  }
0x1: {  	s1 =	rddreg [dreg:$0x0];
	s0 =	srdreg.scid  }
0x2: {  	s10 =	stileid.u32;
	s7 =	rddreg [dreg:$0x1]  }
0x3: {  	s2 =	rddreg [dreg:$0x2];
	s4 =	simm.s32 $0x0;
	s9 =	smul.u32 $0x15400, s10  }
0x4: {  	s3 =	sand.u32 $0x1, s0;
	s17 =	sshll.u32 s10, $0x1;
	s10 =	smul.u32 $0x55000, s10  }
0x5: {  	[smem:$0x7FF] =	sst s4;
	s0 =	sor.u32 s3, s17;
	s6 =	smul.u32 $0x154000, s3  }
0x6: {  	s4 =	sadd.s32 $0x400, s1;
	s5 =	sadd.s32 $0x2C400, s1;
	s8 =	smul.u32 $0x5DC, s0  }
0x7: {  	_ =	strace $0x80000047;
	s10 =	sshrl.u32 s10, $0x2;
	s6 =	sadd.s32 s9, s6  }
0x8: {  	s9 =	sadd.s32 s9, s2;
	s0 =	sadd.s32 s8, s1;
	s6 =	sshrl.u32 s6, $0x3  }
0x9: {  	s7 =	sadd.s32 s7, s8;
	[dreg:$0x4] =	wrdreg s9;
	s1 =	sadd.s32 s6, s1  }
0xa: {  	s6 =	sadd.s32 s10, s2;
	[dreg:$0x12] =	wrdreg s7;
	s0 =	sadd.s32 $0x31400, s0  }
0xb: {  	s10 =	sadd.s32 $0x440, s6;
	[smem:$0x7FB] =	sst s0  }
0xc: {  	s18 =	sadd.s32 $0x880, s6;
	[dreg:$0x5] =	wrdreg s10  }
0xd: {  	s19 =	sadd.s32 $0xCC0, s6;
	[dreg:$0x6] =	wrdreg s18  }
0xe: {  	s20 =	sadd.s32 $0x1100, s6;
	[dreg:$0x7] =	wrdreg s19  }
0xf: {  	s21 =	sadd.s32 $0x1540, s6;
	[dreg:$0x8] =	wrdreg s20  }
0x10: {  	s22 =	sadd.s32 $0x1980, s6;
	[dreg:$0x9] =	wrdreg s21  }
0x11: {  	s23 =	sadd.s32 $0x1DC0, s6;
	[dreg:$0xa] =	wrdreg s22  }
0x12: {  	s24 =	sadd.s32 $0x2200, s6;
	[dreg:$0xb] =	wrdreg s23  }
0x13: {  	s25 =	sadd.s32 $0x2640, s6;
	[dreg:$0xc] =	wrdreg s24  }
0x14: {  	s26 =	sadd.s32 $0x2A80, s6;
	[dreg:$0xd] =	wrdreg s25  }
0x15: {  	s28 =	sadd.s32 $0x2EC0, s6;
	[dreg:$0xe] =	wrdreg s26  }
0x16: {  	s29 =	sadd.s32 $0x3300, s6;
	[dreg:$0xf] =	wrdreg s28  }
0x17: {  	s30 =	sadd.s32 $0x3740, s6;
	[dreg:$0x10] =	wrdreg s29  }
0x18: {  	s3 =	ssub.s32 $0x2, s3;
	s31 =	sadd.s32 $0x3B80, s6;
	[dreg:$0x11] =	wrdreg s30  }
0x19: {  	s11 =	sshrl.u32 s3, $0x1;
	s8 =	sadd.s32 $0x3FC0, s6;
	[dreg:$0x13] =	wrdreg s31  }
0x1a: {  	s3 =	ssub.s32 s3, s11;
	s11 =	sadd.s32 $0x4840, s6;
	[dreg:$0x14] =	wrdreg s8  }
0x1b: {  	s12 =	sadd.s32 $0x4C80, s6;
	[dreg:$0x16] =	wrdreg s11  }
0x1c: {  	s13 =	sadd.s32 $0x50C0, s6;
	[dreg:$0x17] =	wrdreg s12  }
0x1d: {  	s14 =	sadd.s32 $0x5500, s6;
	[dreg:$0x18] =	wrdreg s13  }
0x1e: {  	s15 =	sadd.s32 $0x5940, s6;
	[dreg:$0x19] =	wrdreg s14  }
0x1f: {  	s16 =	sadd.s32 $0x5D80, s6;
	[dreg:$0x1a] =	wrdreg s15  }
0x20: {  	s17 =	sadd.s32 $0x61C0, s6;
	[dreg:$0x1b] =	wrdreg s16  }
0x21: {  	s10 =	sadd.s32 $0x4400, s6;
	[dreg:$0x1c] =	wrdreg s17  }
0x22: {  	s18 =	sadd.s32 $0x6600, s6;
	[dreg:$0x15] =	wrdreg s10  }
0x23: {  	s19 =	sadd.s32 $0x6A40, s6;
	[dreg:$0x1d] =	wrdreg s18  }
0x24: {  	s20 =	sadd.s32 $0x6E80, s6;
	[dreg:$0x1e] =	wrdreg s19  }
0x25: {  	s21 =	sadd.s32 $0x72C0, s6;
	[dreg:$0x1f] =	wrdreg s20  }
0x26: {  	s22 =	sadd.s32 $0x7700, s6;
	[smem:$0x7C6] =	sst s21  }
0x27: {  	s23 =	sadd.s32 $0x7B40, s6;
	[smem:$0x7C7] =	sst s22  }
0x28: {  	s24 =	sadd.s32 $0x7F80, s6;
	[smem:$0x7C8] =	sst s23  }
0x29: {  	s25 =	sadd.s32 $0x83C0, s6;
	[smem:$0x7C9] =	sst s24  }
0x2a: {  	s26 =	sadd.s32 $0x8800, s6;
	[smem:$0x7CA] =	sst s25  }
0x2b: {  	s28 =	sadd.s32 $0x8C40, s6;
	[smem:$0x7CB] =	sst s26  }
0x2c: {  	s29 =	sadd.s32 $0x9080, s6;
	[smem:$0x7CC] =	sst s28  }
0x2d: {  	s30 =	sadd.s32 $0x94C0, s6;
	[smem:$0x7CD] =	sst s29  }
0x2e: {  	s31 =	sadd.s32 $0x9900, s6;
	[smem:$0x7CE] =	sst s30  }
0x2f: {  	s8 =	sadd.s32 $0x9D40, s6;
	[smem:$0x7CF] =	sst s31  }
0x30: {  	s11 =	sadd.s32 $0xA5C0, s6;
	[smem:$0x7D0] =	sst s8  }
0x31: {  	s12 =	sadd.s32 $0xAA00, s6;
	[smem:$0x7D2] =	sst s11  }
0x32: {  	s13 =	sadd.s32 $0xAE40, s6;
	[smem:$0x7D3] =	sst s12  }
0x33: {  	s14 =	sadd.s32 $0xB280, s6;
	[smem:$0x7D4] =	sst s13  }
0x34: {  	s15 =	sadd.s32 $0xB6C0, s6;
	[smem:$0x7D5] =	sst s14  }
0x35: {  	s16 =	sadd.s32 $0xBB00, s6;
	[smem:$0x7D6] =	sst s15  }
0x36: {  	s17 =	sadd.s32 $0xBF40, s6;
	[smem:$0x7D7] =	sst s16  }
0x37: {  	s10 =	sadd.s32 $0xA180, s6;
	[smem:$0x7D8] =	sst s17  }
0x38: {  	s18 =	sadd.s32 $0xC380, s6;
	[smem:$0x7D1] =	sst s10  }
0x39: {  	s19 =	sadd.s32 $0xC7C0, s6;
	[smem:$0x7D9] =	sst s18  }
0x3a: {  	s20 =	sadd.s32 $0xCC00, s6;
	[smem:$0x7DA] =	sst s19  }
0x3b: {  	s21 =	sadd.s32 $0xD040, s6;
	[smem:$0x7DB] =	sst s20  }
0x3c: {  	s22 =	sadd.s32 $0xD480, s6;
	[smem:$0x7DC] =	sst s21  }
0x3d: {  	s23 =	sadd.s32 $0xD8C0, s6;
	[smem:$0x7DD] =	sst s22  }
0x3e: {  	s24 =	sadd.s32 $0xDD00, s6;
	[smem:$0x7DE] =	sst s23  }
0x3f: {  	s25 =	sadd.s32 $0xE140, s6;
	[smem:$0x7DF] =	sst s24  }
0x40: {  	s26 =	sadd.s32 $0xE580, s6;
	[smem:$0x7E0] =	sst s25  }
0x41: {  	s28 =	sadd.s32 $0xE9C0, s6;
	[smem:$0x7E1] =	sst s26  }
0x42: {  	s29 =	sadd.s32 $0xEE00, s6;
	[smem:$0x7E2] =	sst s28  }
0x43: {  	s30 =	sadd.s32 $0xF240, s6;
	[smem:$0x7E3] =	sst s29  }
0x44: {  	s31 =	sadd.s32 $0xF680, s6;
	[smem:$0x7E4] =	sst s30  }
0x45: {  	s8 =	sadd.s32 $0xFAC0, s6;
	[smem:$0x7E5] =	sst s31  }
0x46: {  	s11 =	sadd.s32 $0x10340, s6;
	[smem:$0x7E6] =	sst s8  }
0x47: {  	s12 =	sadd.s32 $0x10780, s6;
	[smem:$0x7E8] =	sst s11  }
0x48: {  	s13 =	sadd.s32 $0x10BC0, s6;
	[smem:$0x7E9] =	sst s12  }
0x49: {  	s14 =	sadd.s32 $0x11000, s6;
	[smem:$0x7EA] =	sst s13  }
0x4a: {  	s15 =	sadd.s32 $0x11440, s6;
	[smem:$0x7EB] =	sst s14  }
0x4b: {  	s16 =	sadd.s32 $0x11880, s6;
	[smem:$0x7EC] =	sst s15  }
0x4c: {  	s17 =	sadd.s32 $0x11CC0, s6;
	[smem:$0x7ED] =	sst s16  }
0x4d: {  	s10 =	sadd.s32 $0xFF00, s6;
	[smem:$0x7EE] =	sst s17  }
0x4e: {  	s18 =	sadd.s32 $0x12100, s6;
	[smem:$0x7E7] =	sst s10  }
0x4f: {  	s19 =	sadd.s32 $0x12540, s6;
	[smem:$0x7EF] =	sst s18  }
0x50: {  	s20 =	sadd.s32 $0x12980, s6;
	[smem:$0x7F0] =	sst s19  }
0x51: {  	s21 =	sadd.s32 $0x12DC0, s6;
	[smem:$0x7F1] =	sst s20  }
0x52: {  	s22 =	sadd.s32 $0x13200, s6;
	[smem:$0x7F2] =	sst s21  }
0x53: {  	s23 =	sadd.s32 $0x13640, s6;
	[smem:$0x7F3] =	sst s22  }
0x54: {  	s24 =	sadd.s32 $0x13A80, s6;
	[smem:$0x7F4] =	sst s23  }
0x55: {  	s25 =	sadd.s32 $0x13EC0, s6;
	[smem:$0x7F5] =	sst s24  }
0x56: {  	s26 =	sadd.s32 $0x14300, s6;
	[smem:$0x7F6] =	sst s25  }
0x57: {  	s28 =	sadd.s32 $0x14740, s6;
	[smem:$0x7F7] =	sst s26  }
0x58: {  	s29 =	sadd.s32 $0x14B80, s6;
	s6 =	sadd.s32 $0x14FC0, s6;
	[smem:$0x7F8] =	sst s28  }
0x59: {  	s30 =	sadd.s32 $0x3D000, s1;
	s31 =	smax.u32 s3, $0x1;
	[smem:$0x7F9] =	sst s29  }
0x5a: {  	s11 =	simm.s32 $0x14;
	s12 =	simm.s32 $0x1;
	[smem:$0x7FA] =	sst s6  }
0x5b: {  	s13 =	simm.s32 $0x5;
	s16 =	simm.s32 $0x1E3C0;
	[smem:$0x7FC] =	sst s30  }
0x5c: {  	v1 =	vlaneseq.u32;
	v0 =	vimm.f32 $0.0e+00;
	v3 =	vimm.s32 $0x0;
	s17 =	simm.s32 $0x2;
	s1 =	simm.s32 $0x0;
	[smem:$0x7FD] =	sst s31  }
0x5d: {  	v4 =	vimm.s32 $0x1;
	v5 =	vimm.s32 $0x2;
	v6 =	vimm.s32 $0x3;
	s10 =	simm.s32 $0xB;
	s18 =	simm.s32 $0x6;
	s19 =	simm.s32 $0x1EE60  }
0x5e: {  	v7 =	vimm.s32 $0x4;
	v8 =	vimm.s32 $0x5;
	v1 =	vand.u32 $0x7, v1;
	s20 =	simm.s32 $0x3;
	s21 =	simm.s32 $0x7;
	s22 =	simm.s32 $0x9  }
0x5f: {  	v9 =	vimm.s32 $0x6;
	v10 =	vimm.s32 $0x7;
	v2 =	vor.u32 $0x8, v1;
	s23 =	simm.s32 $0x4;
	s24 =	simm.s32 $0x8;
	s25 =	simm.s32 $0xA  }
.LBB2_1:
0x60: {  	[tilespmem:$0x1F900] =	vst v0  }
0x61: {  	[tilespmem:$0x1F910] =	vst v0  }
0x62: {  	[tilespmem:$0x1F920] =	vst v0  }
0x63: {  	[tilespmem:$0x1F930] =	vst v0  }
0x64: {  	[tilespmem:$0x1F940] =	vst v0  }
0x65: {  	[tilespmem:$0x1F950] =	vst v0  }
0x66: {  	[tilespmem:$0x1F960] =	vst v0  }
0x67: {  	[tilespmem:$0x1F970] =	vst v0  }
0x68: {  	[tilespmem:$0x1F988] =	vst v0  }
0x69: {  	[tilespmem:$0x1F998] =	vst v0  }
0x6a: {  	[tilespmem:$0x1F9A8] =	vst v0  }
0x6b: {  	[tilespmem:$0x1F9B8] =	vst v0  }
0x6c: {  	[tilespmem:$0x1F9C8] =	vst v0  }
0x6d: {  	[tilespmem:$0x1F9D8] =	vst v0  }
0x6e: {  	[tilespmem:$0x1F9E8] =	vst v0  }
0x6f: {  	[tilespmem:$0x1F9F8] =	vst v0  }
0x70: {  	[tilespmem:$0x1FA10] =	vst v0  }
0x71: {  	[tilespmem:$0x1FA20] =	vst v0  }
0x72: {  	[tilespmem:$0x1FA30] =	vst v0  }
0x73: {  	[tilespmem:$0x1FA40] =	vst v0  }
0x74: {  	[tilespmem:$0x1FA50] =	vst v0  }
0x75: {  	[tilespmem:$0x1FA60] =	vst v0  }
0x76: {  	[tilespmem:$0x1FA70] =	vst v0  }
0x77: {  	[tilespmem:$0x1FA80] =	vst v0  }
0x78: {  	[tilespmem:$0x1FA98] =	vst v0  }
0x79: {  	[tilespmem:$0x1FAA8] =	vst v0  }
0x7a: {  	[tilespmem:$0x1FAB8] =	vst v0  }
0x7b: {  	[tilespmem:$0x1FAC8] =	vst v0  }
0x7c: {  	[tilespmem:$0x1FAD8] =	vst v0  }
0x7d: {  	[tilespmem:$0x1FAE8] =	vst v0  }
0x7e: {  	[tilespmem:$0x1FAF8] =	vst v0  }
0x7f: {  	[tilespmem:$0x1FB08] =	vst v0  }
0x80: {  	[tilespmem:$0x1FB20] =	vst v0  }
0x81: {  	[tilespmem:$0x1FB30] =	vst v0  }
0x82: {  	[tilespmem:$0x1FB40] =	vst v0  }
0x83: {  	[tilespmem:$0x1FB50] =	vst v0  }
0x84: {  	[tilespmem:$0x1FB60] =	vst v0  }
0x85: {  	[tilespmem:$0x1FB70] =	vst v0  }
0x86: {  	[tilespmem:$0x1FB80] =	vst v0  }
0x87: {  	[tilespmem:$0x1FB90] =	vst v0  }
0x88: {  	[tilespmem:$0x1FBA8] =	vst v0  }
0x89: {  	[tilespmem:$0x1FBB8] =	vst v0  }
0x8a: {  	[tilespmem:$0x1FBC8] =	vst v0  }
0x8b: {  	[tilespmem:$0x1FBD8] =	vst v0  }
0x8c: {  	[tilespmem:$0x1FBE8] =	vst v0  }
0x8d: {  	[tilespmem:$0x1FBF8] =	vst v0  }
0x8e: {  	[tilespmem:$0x1FC08] =	vst v0  }
0x8f: {  	[tilespmem:$0x1FC18] =	vst v0  }
0x90: {  	[tilespmem:$0x1FC30] =	vst v0  }
0x91: {  	[tilespmem:$0x1FC40] =	vst v0  }
0x92: {  	[tilespmem:$0x1FC50] =	vst v0  }
0x93: {  	[tilespmem:$0x1FC60] =	vst v0  }
0x94: {  	[tilespmem:$0x1FC70] =	vst v0  }
0x95: {  	[tilespmem:$0x1FC80] =	vst v0  }
0x96: {  	[tilespmem:$0x1FC90] =	vst v0  }
0x97: {  	[tilespmem:$0x1FCA0] =	vst v0  }
0x98: {  	[tilespmem:$0x1FCB8] =	vst v0  }
0x99: {  	[tilespmem:$0x1FCC8] =	vst v0  }
0x9a: {  	[tilespmem:$0x1FCD8] =	vst v0  }
0x9b: {  	[tilespmem:$0x1FCE8] =	vst v0  }
0x9c: {  	[tilespmem:$0x1FCF8] =	vst v0  }
0x9d: {  	[tilespmem:$0x1FD08] =	vst v0  }
0x9e: {  	[tilespmem:$0x1FD18] =	vst v0  }
0x9f: {  	[tilespmem:$0x1FD28] =	vst v0  }
0xa0: {  	[tilespmem:$0x1F978] =	vst v0  }
0xa1: {  	[tilespmem:$0x1FA00] =	vst v0  }
0xa2: {  	[tilespmem:$0x1FA88] =	vst v0  }
0xa3: {  	[tilespmem:$0x1FB10] =	vst v0  }
0xa4: {  	[tilespmem:$0x1FB98] =	vst v0  }
0xa5: {  	[tilespmem:$0x1FC20] =	vst v0  }
0xa6: {  	[tilespmem:$0x1FCA8] =	vst v0  }
0xa7: {  	[smem:$0x7C5] =	sst s1;
	s1 =	simm.s32 $0x1F900;
	[tilespmem:$0x1FD30] =	vst v0  }
0xa8: {  	[spmem:s9] =	stream.linear.scatter [tilespmem:s1], [sflag:$0xB], $0x440, $0x38;
	[tilespmem:$0x1FD40] =	vst v63  }
0xa9: {  	_ =	swait.ge [sflag:s10], $0x440  }
0xaa: {  	[sflag:s10] =	ssyncset.done $0x0  }
0xab: {  	s0 =	rddreg [dreg:$0x5];
	[sflag:s10] =	ssyncadd.s32 $0xFFFFFBC0  }
0xac: {  	[spmem:s0] =	stream.linear.scatter [tilespmem:s1], [sflag:$0xB], $0x440, $0x38;
	[tilespmem:$0x1FD40] =	vst v63  }
0xad: {  	_ =	swait.ge [sflag:s10], $0x440  }
0xae: {  	[sflag:s10] =	ssyncset.done $0x0  }
0xaf: {  	s26 =	rddreg [dreg:$0x6];
	[sflag:s10] =	ssyncadd.s32 $0xFFFFFBC0  }
0xb0: {  	[spmem:s26] =	stream.linear.scatter [tilespmem:s1], [sflag:$0xB], $0x440, $0x38;
	[tilespmem:$0x1FD40] =	vst v63  }
0xb1: {  	_ =	swait.ge [sflag:s10], $0x440  }
0xb2: {  	[sflag:s10] =	ssyncset.done $0x0  }
0xb3: {  	s29 =	rddreg [dreg:$0x7];
	[sflag:s10] =	ssyncadd.s32 $0xFFFFFBC0  }
0xb4: {  	[spmem:s29] =	stream.linear.scatter [tilespmem:s1], [sflag:$0xB], $0x440, $0x38;
	[tilespmem:$0x1FD40] =	vst v63  }
0xb5: {  	_ =	swait.ge [sflag:s10], $0x440  }
0xb6: {  	[sflag:s10] =	ssyncset.done $0x0  }
0xb7: {  	s30 =	rddreg [dreg:$0x8];
	[sflag:s10] =	ssyncadd.s32 $0xFFFFFBC0  }
0xb8: {  	[spmem:s30] =	stream.linear.scatter [tilespmem:s1], [sflag:$0xB], $0x440, $0x38;
	[tilespmem:$0x1FD40] =	vst v63  }
0xb9: {  	_ =	swait.ge [sflag:s10], $0x440  }
0xba: {  	[sflag:s10] =	ssyncset.done $0x0  }
0xbb: {  	s31 =	rddreg [dreg:$0x9];
	[sflag:s10] =	ssyncadd.s32 $0xFFFFFBC0  }
0xbc: {  	[spmem:s31] =	stream.linear.scatter [tilespmem:s1], [sflag:$0xB], $0x440, $0x38;
	[tilespmem:$0x1FD40] =	vst v63  }
0xbd: {  	_ =	swait.ge [sflag:s10], $0x440  }
0xbe: {  	[sflag:s10] =	ssyncset.done $0x0  }
0xbf: {  	s3 =	rddreg [dreg:$0xa];
	[sflag:s10] =	ssyncadd.s32 $0xFFFFFBC0  }
0xc0: {  	[spmem:s3] =	stream.linear.scatter [tilespmem:s1], [sflag:$0xB], $0x440, $0x38;
	[tilespmem:$0x1FD40] =	vst v63  }
0xc1: {  	_ =	swait.ge [sflag:s10], $0x440  }
0xc2: {  	[sflag:s10] =	ssyncset.done $0x0  }
0xc3: {  	s6 =	rddreg [dreg:$0xb];
	[sflag:s10] =	ssyncadd.s32 $0xFFFFFBC0  }
0xc4: {  	[spmem:s6] =	stream.linear.scatter [tilespmem:s1], [sflag:$0xB], $0x440, $0x38;
	[tilespmem:$0x1FD40] =	vst v63  }
0xc5: {  	_ =	swait.ge [sflag:s10], $0x440  }
0xc6: {  	[sflag:s10] =	ssyncset.done $0x0  }
0xc7: {  	s7 =	rddreg [dreg:$0xc];
	[sflag:s10] =	ssyncadd.s32 $0xFFFFFBC0  }
0xc8: {  	[spmem:s7] =	stream.linear.scatter [tilespmem:s1], [sflag:$0xB], $0x440, $0x38;
	[tilespmem:$0x1FD40] =	vst v63  }
0xc9: {  	_ =	swait.ge [sflag:s10], $0x440  }
0xca: {  	[sflag:s10] =	ssyncset.done $0x0  }
0xcb: {  	s8 =	rddreg [dreg:$0xd];
	[sflag:s10] =	ssyncadd.s32 $0xFFFFFBC0  }
0xcc: {  	[spmem:s8] =	stream.linear.scatter [tilespmem:s1], [sflag:$0xB], $0x440, $0x38;
	[tilespmem:$0x1FD40] =	vst v63  }
0xcd: {  	_ =	swait.ge [sflag:s10], $0x440  }
0xce: {  	[sflag:s10] =	ssyncset.done $0x0  }
0xcf: {  	s9 =	rddreg [dreg:$0xe];
	[sflag:s10] =	ssyncadd.s32 $0xFFFFFBC0  }
0xd0: {  	[spmem:s9] =	stream.linear.scatter [tilespmem:s1], [sflag:$0xB], $0x440, $0x38;
	[tilespmem:$0x1FD40] =	vst v63  }
0xd1: {  	_ =	swait.ge [sflag:s10], $0x440  }
0xd2: {  	[sflag:s10] =	ssyncset.done $0x0  }
0xd3: {  	s14 =	rddreg [dreg:$0xf];
	[sflag:s10] =	ssyncadd.s32 $0xFFFFFBC0  }
0xd4: {  	[spmem:s14] =	stream.linear.scatter [tilespmem:s1], [sflag:$0xB], $0x440, $0x38;
	[tilespmem:$0x1FD40] =	vst v63  }
0xd5: {  	_ =	swait.ge [sflag:s10], $0x440  }
0xd6: {  	[sflag:s10] =	ssyncset.done $0x0  }
0xd7: {  	s15 =	rddreg [dreg:$0x10];
	[sflag:s10] =	ssyncadd.s32 $0xFFFFFBC0  }
0xd8: {  	[spmem:s15] =	stream.linear.scatter [tilespmem:s1], [sflag:$0xB], $0x440, $0x38;
	[tilespmem:$0x1FD40] =	vst v63  }
0xd9: {  	_ =	swait.ge [sflag:s10], $0x440  }
0xda: {  	[sflag:s10] =	ssyncset.done $0x0  }
0xdb: {  	s26 =	rddreg [dreg:$0x11];
	[sflag:s10] =	ssyncadd.s32 $0xFFFFFBC0  }
0xdc: {  	[spmem:s26] =	stream.linear.scatter [tilespmem:s1], [sflag:$0xB], $0x440, $0x38;
	[tilespmem:$0x1FD40] =	vst v63  }
0xdd: {  	_ =	swait.ge [sflag:s10], $0x440  }
0xde: {  	[sflag:s10] =	ssyncset.done $0x0  }
0xdf: {  	s29 =	rddreg [dreg:$0x13];
	[sflag:s10] =	ssyncadd.s32 $0xFFFFFBC0  }
0xe0: {  	[spmem:s29] =	stream.linear.scatter [tilespmem:s1], [sflag:$0xB], $0x440, $0x38;
	[tilespmem:$0x1FD40] =	vst v63  }
0xe1: {  	_ =	swait.ge [sflag:s10], $0x440  }
0xe2: {  	[sflag:s10] =	ssyncset.done $0x0  }
0xe3: {  	s30 =	rddreg [dreg:$0x14];
	[sflag:s10] =	ssyncadd.s32 $0xFFFFFBC0  }
0xe4: {  	[spmem:s30] =	stream.linear.scatter [tilespmem:s1], [sflag:$0xB], $0x440, $0x38;
	[tilespmem:$0x1FD40] =	vst v63  }
0xe5: {  	_ =	swait.ge [sflag:s10], $0x440  }
0xe6: {  	[sflag:s10] =	ssyncset.done $0x0  }
0xe7: {  	s31 =	rddreg [dreg:$0x15];
	[sflag:s10] =	ssyncadd.s32 $0xFFFFFBC0  }
0xe8: {  	[spmem:s31] =	stream.linear.scatter [tilespmem:s1], [sflag:$0xB], $0x440, $0x38;
	[tilespmem:$0x1FD40] =	vst v63  }
0xe9: {  	_ =	swait.ge [sflag:s10], $0x440  }
0xea: {  	[sflag:s10] =	ssyncset.done $0x0  }
0xeb: {  	s3 =	rddreg [dreg:$0x16];
	[sflag:s10] =	ssyncadd.s32 $0xFFFFFBC0  }
0xec: {  	[spmem:s3] =	stream.linear.scatter [tilespmem:s1], [sflag:$0xB], $0x440, $0x38;
	[tilespmem:$0x1FD40] =	vst v63  }
0xed: {  	_ =	swait.ge [sflag:s10], $0x440  }
0xee: {  	[sflag:s10] =	ssyncset.done $0x0  }
0xef: {  	s6 =	rddreg [dreg:$0x17];
	[sflag:s10] =	ssyncadd.s32 $0xFFFFFBC0  }
0xf0: {  	[spmem:s6] =	stream.linear.scatter [tilespmem:s1], [sflag:$0xB], $0x440, $0x38;
	[tilespmem:$0x1FD40] =	vst v63  }
0xf1: {  	_ =	swait.ge [sflag:s10], $0x440  }
0xf2: {  	[sflag:s10] =	ssyncset.done $0x0  }
0xf3: {  	s7 =	rddreg [dreg:$0x18];
	[sflag:s10] =	ssyncadd.s32 $0xFFFFFBC0  }
0xf4: {  	[spmem:s7] =	stream.linear.scatter [tilespmem:s1], [sflag:$0xB], $0x440, $0x38;
	[tilespmem:$0x1FD40] =	vst v63  }
0xf5: {  	_ =	swait.ge [sflag:s10], $0x440  }
0xf6: {  	[sflag:s10] =	ssyncset.done $0x0  }
0xf7: {  	s8 =	rddreg [dreg:$0x19];
	[sflag:s10] =	ssyncadd.s32 $0xFFFFFBC0  }
0xf8: {  	[spmem:s8] =	stream.linear.scatter [tilespmem:s1], [sflag:$0xB], $0x440, $0x38;
	[tilespmem:$0x1FD40] =	vst v63  }
0xf9: {  	_ =	swait.ge [sflag:s10], $0x440  }
0xfa: {  	[sflag:s10] =	ssyncset.done $0x0  }
0xfb: {  	s9 =	rddreg [dreg:$0x1a];
	[sflag:s10] =	ssyncadd.s32 $0xFFFFFBC0  }
0xfc: {  	[spmem:s9] =	stream.linear.scatter [tilespmem:s1], [sflag:$0xB], $0x440, $0x38;
	[tilespmem:$0x1FD40] =	vst v63  }
0xfd: {  	_ =	swait.ge [sflag:s10], $0x440  }
0xfe: {  	[sflag:s10] =	ssyncset.done $0x0  }
0xff: {  	s14 =	rddreg [dreg:$0x1b];
	[sflag:s10] =	ssyncadd.s32 $0xFFFFFBC0  }
0x100: {  	[spmem:s14] =	stream.linear.scatter [tilespmem:s1], [sflag:$0xB], $0x440, $0x38;
	[tilespmem:$0x1FD40] =	vst v63  }
0x101: {  	_ =	swait.ge [sflag:s10], $0x440  }
0x102: {  	[sflag:s10] =	ssyncset.done $0x0  }
0x103: {  	s15 =	rddreg [dreg:$0x1c];
	[sflag:s10] =	ssyncadd.s32 $0xFFFFFBC0  }
0x104: {  	[spmem:s15] =	stream.linear.scatter [tilespmem:s1], [sflag:$0xB], $0x440, $0x38;
	[tilespmem:$0x1FD40] =	vst v63  }
0x105: {  	_ =	swait.ge [sflag:s10], $0x440  }
0x106: {  	[sflag:s10] =	ssyncset.done $0x0  }
0x107: {  	s26 =	rddreg [dreg:$0x1d];
	[sflag:s10] =	ssyncadd.s32 $0xFFFFFBC0  }
0x108: {  	[spmem:s26] =	stream.linear.scatter [tilespmem:s1], [sflag:$0xB], $0x440, $0x38;
	[tilespmem:$0x1FD40] =	vst v63  }
0x109: {  	_ =	swait.ge [sflag:s10], $0x440  }
0x10a: {  	[sflag:s10] =	ssyncset.done $0x0  }
0x10b: {  	s29 =	rddreg [dreg:$0x1e];
	[sflag:s10] =	ssyncadd.s32 $0xFFFFFBC0  }
0x10c: {  	[spmem:s29] =	stream.linear.scatter [tilespmem:s1], [sflag:$0xB], $0x440, $0x38;
	[tilespmem:$0x1FD40] =	vst v63  }
0x10d: {  	_ =	swait.ge [sflag:s10], $0x440  }
0x10e: {  	[sflag:s10] =	ssyncset.done $0x0  }
0x10f: {  	s30 =	rddreg [dreg:$0x1f];
	[sflag:s10] =	ssyncadd.s32 $0xFFFFFBC0  }
0x110: {  	[spmem:s30] =	stream.linear.scatter [tilespmem:s1], [sflag:$0xB], $0x440, $0x38;
	[tilespmem:$0x1FD40] =	vst v63  }
0x111: {  	_ =	swait.ge [sflag:s10], $0x440  }
0x112: {  	s31 =	sld [smem:$0x7C6]  }
0x113: {  	[sflag:s10] =	ssyncset.done $0x0  }
0x114: {  	[sflag:s10] =	ssyncadd.s32 $0xFFFFFBC0  }
0x115: {  	[spmem:s31] =	stream.linear.scatter [tilespmem:s1], [sflag:$0xB], $0x440, $0x38;
	[tilespmem:$0x1FD40] =	vst v63  }
0x116: {  	_ =	swait.ge [sflag:s10], $0x440  }
0x117: {  	s3 =	sld [smem:$0x7C7]  }
0x118: {  	[sflag:s10] =	ssyncset.done $0x0  }
0x119: {  	[sflag:s10] =	ssyncadd.s32 $0xFFFFFBC0  }
0x11a: {  	[spmem:s3] =	stream.linear.scatter [tilespmem:s1], [sflag:$0xB], $0x440, $0x38;
	[tilespmem:$0x1FD40] =	vst v63  }
0x11b: {  	_ =	swait.ge [sflag:s10], $0x440  }
0x11c: {  	s6 =	sld [smem:$0x7C8]  }
0x11d: {  	[sflag:s10] =	ssyncset.done $0x0  }
0x11e: {  	[sflag:s10] =	ssyncadd.s32 $0xFFFFFBC0  }
0x11f: {  	[spmem:s6] =	stream.linear.scatter [tilespmem:s1], [sflag:$0xB], $0x440, $0x38;
	[tilespmem:$0x1FD40] =	vst v63  }
0x120: {  	_ =	swait.ge [sflag:s10], $0x440  }
0x121: {  	s7 =	sld [smem:$0x7C9]  }
0x122: {  	[sflag:s10] =	ssyncset.done $0x0  }
0x123: {  	[sflag:s10] =	ssyncadd.s32 $0xFFFFFBC0  }
0x124: {  	[spmem:s7] =	stream.linear.scatter [tilespmem:s1], [sflag:$0xB], $0x440, $0x38;
	[tilespmem:$0x1FD40] =	vst v63  }
0x125: {  	_ =	swait.ge [sflag:s10], $0x440  }
0x126: {  	s8 =	sld [smem:$0x7CA]  }
0x127: {  	[sflag:s10] =	ssyncset.done $0x0  }
0x128: {  	[sflag:s10] =	ssyncadd.s32 $0xFFFFFBC0  }
0x129: {  	[spmem:s8] =	stream.linear.scatter [tilespmem:s1], [sflag:$0xB], $0x440, $0x38;
	[tilespmem:$0x1FD40] =	vst v63  }
0x12a: {  	_ =	swait.ge [sflag:s10], $0x440  }
0x12b: {  	s9 =	sld [smem:$0x7CB]  }
0x12c: {  	[sflag:s10] =	ssyncset.done $0x0  }
0x12d: {  	[sflag:s10] =	ssyncadd.s32 $0xFFFFFBC0  }
0x12e: {  	[spmem:s9] =	stream.linear.scatter [tilespmem:s1], [sflag:$0xB], $0x440, $0x38;
	[tilespmem:$0x1FD40] =	vst v63  }
0x12f: {  	_ =	swait.ge [sflag:s10], $0x440  }
0x130: {  	s14 =	sld [smem:$0x7CC]  }
0x131: {  	[sflag:s10] =	ssyncset.done $0x0  }
0x132: {  	[sflag:s10] =	ssyncadd.s32 $0xFFFFFBC0  }
0x133: {  	[spmem:s14] =	stream.linear.scatter [tilespmem:s1], [sflag:$0xB], $0x440, $0x38;
	[tilespmem:$0x1FD40] =	vst v63  }
0x134: {  	_ =	swait.ge [sflag:s10], $0x440  }
0x135: {  	s15 =	sld [smem:$0x7CD]  }
0x136: {  	[sflag:s10] =	ssyncset.done $0x0  }
0x137: {  	[sflag:s10] =	ssyncadd.s32 $0xFFFFFBC0  }
0x138: {  	[spmem:s15] =	stream.linear.scatter [tilespmem:s1], [sflag:$0xB], $0x440, $0x38;
	[tilespmem:$0x1FD40] =	vst v63  }
0x139: {  	_ =	swait.ge [sflag:s10], $0x440  }
0x13a: {  	s26 =	sld [smem:$0x7CE]  }
0x13b: {  	[sflag:s10] =	ssyncset.done $0x0  }
0x13c: {  	[sflag:s10] =	ssyncadd.s32 $0xFFFFFBC0  }
0x13d: {  	[spmem:s26] =	stream.linear.scatter [tilespmem:s1], [sflag:$0xB], $0x440, $0x38;
	[tilespmem:$0x1FD40] =	vst v63  }
0x13e: {  	_ =	swait.ge [sflag:s10], $0x440  }
0x13f: {  	s29 =	sld [smem:$0x7CF]  }
0x140: {  	[sflag:s10] =	ssyncset.done $0x0  }
0x141: {  	[sflag:s10] =	ssyncadd.s32 $0xFFFFFBC0  }
0x142: {  	[spmem:s29] =	stream.linear.scatter [tilespmem:s1], [sflag:$0xB], $0x440, $0x38;
	[tilespmem:$0x1FD40] =	vst v63  }
0x143: {  	_ =	swait.ge [sflag:s10], $0x440  }
0x144: {  	s30 =	sld [smem:$0x7D0]  }
0x145: {  	[sflag:s10] =	ssyncset.done $0x0  }
0x146: {  	[sflag:s10] =	ssyncadd.s32 $0xFFFFFBC0  }
0x147: {  	[spmem:s30] =	stream.linear.scatter [tilespmem:s1], [sflag:$0xB], $0x440, $0x38;
	[tilespmem:$0x1FD40] =	vst v63  }
0x148: {  	_ =	swait.ge [sflag:s10], $0x440  }
0x149: {  	s31 =	sld [smem:$0x7D1]  }
0x14a: {  	[sflag:s10] =	ssyncset.done $0x0  }
0x14b: {  	[sflag:s10] =	ssyncadd.s32 $0xFFFFFBC0  }
0x14c: {  	[spmem:s31] =	stream.linear.scatter [tilespmem:s1], [sflag:$0xB], $0x440, $0x38;
	[tilespmem:$0x1FD40] =	vst v63  }
0x14d: {  	_ =	swait.ge [sflag:s10], $0x440  }
0x14e: {  	s3 =	sld [smem:$0x7D2]  }
0x14f: {  	[sflag:s10] =	ssyncset.done $0x0  }
0x150: {  	[sflag:s10] =	ssyncadd.s32 $0xFFFFFBC0  }
0x151: {  	[spmem:s3] =	stream.linear.scatter [tilespmem:s1], [sflag:$0xB], $0x440, $0x38;
	[tilespmem:$0x1FD40] =	vst v63  }
0x152: {  	_ =	swait.ge [sflag:s10], $0x440  }
0x153: {  	s6 =	sld [smem:$0x7D3]  }
0x154: {  	[sflag:s10] =	ssyncset.done $0x0  }
0x155: {  	[sflag:s10] =	ssyncadd.s32 $0xFFFFFBC0  }
0x156: {  	[spmem:s6] =	stream.linear.scatter [tilespmem:s1], [sflag:$0xB], $0x440, $0x38;
	[tilespmem:$0x1FD40] =	vst v63  }
0x157: {  	_ =	swait.ge [sflag:s10], $0x440  }
0x158: {  	s7 =	sld [smem:$0x7D4]  }
0x159: {  	[sflag:s10] =	ssyncset.done $0x0  }
0x15a: {  	[sflag:s10] =	ssyncadd.s32 $0xFFFFFBC0  }
0x15b: {  	[spmem:s7] =	stream.linear.scatter [tilespmem:s1], [sflag:$0xB], $0x440, $0x38;
	[tilespmem:$0x1FD40] =	vst v63  }
0x15c: {  	_ =	swait.ge [sflag:s10], $0x440  }
0x15d: {  	s8 =	sld [smem:$0x7D5]  }
0x15e: {  	[sflag:s10] =	ssyncset.done $0x0  }
0x15f: {  	[sflag:s10] =	ssyncadd.s32 $0xFFFFFBC0  }
0x160: {  	[spmem:s8] =	stream.linear.scatter [tilespmem:s1], [sflag:$0xB], $0x440, $0x38;
	[tilespmem:$0x1FD40] =	vst v63  }
0x161: {  	_ =	swait.ge [sflag:s10], $0x440  }
0x162: {  	s9 =	sld [smem:$0x7D6]  }
0x163: {  	[sflag:s10] =	ssyncset.done $0x0  }
0x164: {  	[sflag:s10] =	ssyncadd.s32 $0xFFFFFBC0  }
0x165: {  	[spmem:s9] =	stream.linear.scatter [tilespmem:s1], [sflag:$0xB], $0x440, $0x38;
	[tilespmem:$0x1FD40] =	vst v63  }
0x166: {  	_ =	swait.ge [sflag:s10], $0x440  }
0x167: {  	s14 =	sld [smem:$0x7D7]  }
0x168: {  	[sflag:s10] =	ssyncset.done $0x0  }
0x169: {  	[sflag:s10] =	ssyncadd.s32 $0xFFFFFBC0  }
0x16a: {  	[spmem:s14] =	stream.linear.scatter [tilespmem:s1], [sflag:$0xB], $0x440, $0x38;
	[tilespmem:$0x1FD40] =	vst v63  }
0x16b: {  	_ =	swait.ge [sflag:s10], $0x440  }
0x16c: {  	s15 =	sld [smem:$0x7D8]  }
0x16d: {  	[sflag:s10] =	ssyncset.done $0x0  }
0x16e: {  	[sflag:s10] =	ssyncadd.s32 $0xFFFFFBC0  }
0x16f: {  	[spmem:s15] =	stream.linear.scatter [tilespmem:s1], [sflag:$0xB], $0x440, $0x38;
	[tilespmem:$0x1FD40] =	vst v63  }
0x170: {  	_ =	swait.ge [sflag:s10], $0x440  }
0x171: {  	s26 =	sld [smem:$0x7D9]  }
0x172: {  	[sflag:s10] =	ssyncset.done $0x0  }
0x173: {  	[sflag:s10] =	ssyncadd.s32 $0xFFFFFBC0  }
0x174: {  	[spmem:s26] =	stream.linear.scatter [tilespmem:s1], [sflag:$0xB], $0x440, $0x38;
	[tilespmem:$0x1FD40] =	vst v63  }
0x175: {  	_ =	swait.ge [sflag:s10], $0x440  }
0x176: {  	s29 =	sld [smem:$0x7DA]  }
0x177: {  	[sflag:s10] =	ssyncset.done $0x0  }
0x178: {  	[sflag:s10] =	ssyncadd.s32 $0xFFFFFBC0  }
0x179: {  	[spmem:s29] =	stream.linear.scatter [tilespmem:s1], [sflag:$0xB], $0x440, $0x38;
	[tilespmem:$0x1FD40] =	vst v63  }
0x17a: {  	_ =	swait.ge [sflag:s10], $0x440  }
0x17b: {  	s30 =	sld [smem:$0x7DB]  }
0x17c: {  	[sflag:s10] =	ssyncset.done $0x0  }
0x17d: {  	[sflag:s10] =	ssyncadd.s32 $0xFFFFFBC0  }
0x17e: {  	[spmem:s30] =	stream.linear.scatter [tilespmem:s1], [sflag:$0xB], $0x440, $0x38;
	[tilespmem:$0x1FD40] =	vst v63  }
0x17f: {  	_ =	swait.ge [sflag:s10], $0x440  }
0x180: {  	s31 =	sld [smem:$0x7DC]  }
0x181: {  	[sflag:s10] =	ssyncset.done $0x0  }
0x182: {  	[sflag:s10] =	ssyncadd.s32 $0xFFFFFBC0  }
0x183: {  	[spmem:s31] =	stream.linear.scatter [tilespmem:s1], [sflag:$0xB], $0x440, $0x38;
	[tilespmem:$0x1FD40] =	vst v63  }
0x184: {  	_ =	swait.ge [sflag:s10], $0x440  }
0x185: {  	s3 =	sld [smem:$0x7DD]  }
0x186: {  	[sflag:s10] =	ssyncset.done $0x0  }
0x187: {  	[sflag:s10] =	ssyncadd.s32 $0xFFFFFBC0  }
0x188: {  	[spmem:s3] =	stream.linear.scatter [tilespmem:s1], [sflag:$0xB], $0x440, $0x38;
	[tilespmem:$0x1FD40] =	vst v63  }
0x189: {  	_ =	swait.ge [sflag:s10], $0x440  }
0x18a: {  	s6 =	sld [smem:$0x7DE]  }
0x18b: {  	[sflag:s10] =	ssyncset.done $0x0  }
0x18c: {  	[sflag:s10] =	ssyncadd.s32 $0xFFFFFBC0  }
0x18d: {  	[spmem:s6] =	stream.linear.scatter [tilespmem:s1], [sflag:$0xB], $0x440, $0x38;
	[tilespmem:$0x1FD40] =	vst v63  }
0x18e: {  	_ =	swait.ge [sflag:s10], $0x440  }
0x18f: {  	s7 =	sld [smem:$0x7DF]  }
0x190: {  	[sflag:s10] =	ssyncset.done $0x0  }
0x191: {  	[sflag:s10] =	ssyncadd.s32 $0xFFFFFBC0  }
0x192: {  	[spmem:s7] =	stream.linear.scatter [tilespmem:s1], [sflag:$0xB], $0x440, $0x38;
	[tilespmem:$0x1FD40] =	vst v63  }
0x193: {  	_ =	swait.ge [sflag:s10], $0x440  }
0x194: {  	s8 =	sld [smem:$0x7E0]  }
0x195: {  	[sflag:s10] =	ssyncset.done $0x0  }
0x196: {  	[sflag:s10] =	ssyncadd.s32 $0xFFFFFBC0  }
0x197: {  	[spmem:s8] =	stream.linear.scatter [tilespmem:s1], [sflag:$0xB], $0x440, $0x38;
	[tilespmem:$0x1FD40] =	vst v63  }
0x198: {  	_ =	swait.ge [sflag:s10], $0x440  }
0x199: {  	s9 =	sld [smem:$0x7E1]  }
0x19a: {  	[sflag:s10] =	ssyncset.done $0x0  }
0x19b: {  	[sflag:s10] =	ssyncadd.s32 $0xFFFFFBC0  }
0x19c: {  	[spmem:s9] =	stream.linear.scatter [tilespmem:s1], [sflag:$0xB], $0x440, $0x38;
	[tilespmem:$0x1FD40] =	vst v63  }
0x19d: {  	_ =	swait.ge [sflag:s10], $0x440  }
0x19e: {  	s14 =	sld [smem:$0x7E2]  }
0x19f: {  	[sflag:s10] =	ssyncset.done $0x0  }
0x1a0: {  	[sflag:s10] =	ssyncadd.s32 $0xFFFFFBC0  }
0x1a1: {  	[spmem:s14] =	stream.linear.scatter [tilespmem:s1], [sflag:$0xB], $0x440, $0x38;
	[tilespmem:$0x1FD40] =	vst v63  }
0x1a2: {  	_ =	swait.ge [sflag:s10], $0x440  }
0x1a3: {  	s15 =	sld [smem:$0x7E3]  }
0x1a4: {  	[sflag:s10] =	ssyncset.done $0x0  }
0x1a5: {  	[sflag:s10] =	ssyncadd.s32 $0xFFFFFBC0  }
0x1a6: {  	[spmem:s15] =	stream.linear.scatter [tilespmem:s1], [sflag:$0xB], $0x440, $0x38;
	[tilespmem:$0x1FD40] =	vst v63  }
0x1a7: {  	_ =	swait.ge [sflag:s10], $0x440  }
0x1a8: {  	s26 =	sld [smem:$0x7E4]  }
0x1a9: {  	[sflag:s10] =	ssyncset.done $0x0  }
0x1aa: {  	[sflag:s10] =	ssyncadd.s32 $0xFFFFFBC0  }
0x1ab: {  	[spmem:s26] =	stream.linear.scatter [tilespmem:s1], [sflag:$0xB], $0x440, $0x38;
	[tilespmem:$0x1FD40] =	vst v63  }
0x1ac: {  	_ =	swait.ge [sflag:s10], $0x440  }
0x1ad: {  	s29 =	sld [smem:$0x7E5]  }
0x1ae: {  	[sflag:s10] =	ssyncset.done $0x0  }
0x1af: {  	[sflag:s10] =	ssyncadd.s32 $0xFFFFFBC0  }
0x1b0: {  	[spmem:s29] =	stream.linear.scatter [tilespmem:s1], [sflag:$0xB], $0x440, $0x38;
	[tilespmem:$0x1FD40] =	vst v63  }
0x1b1: {  	_ =	swait.ge [sflag:s10], $0x440  }
0x1b2: {  	s30 =	sld [smem:$0x7E6]  }
0x1b3: {  	[sflag:s10] =	ssyncset.done $0x0  }
0x1b4: {  	[sflag:s10] =	ssyncadd.s32 $0xFFFFFBC0  }
0x1b5: {  	[spmem:s30] =	stream.linear.scatter [tilespmem:s1], [sflag:$0xB], $0x440, $0x38;
	[tilespmem:$0x1FD40] =	vst v63  }
0x1b6: {  	_ =	swait.ge [sflag:s10], $0x440  }
0x1b7: {  	s31 =	sld [smem:$0x7E7]  }
0x1b8: {  	[sflag:s10] =	ssyncset.done $0x0  }
0x1b9: {  	[sflag:s10] =	ssyncadd.s32 $0xFFFFFBC0  }
0x1ba: {  	[spmem:s31] =	stream.linear.scatter [tilespmem:s1], [sflag:$0xB], $0x440, $0x38;
	[tilespmem:$0x1FD40] =	vst v63  }
0x1bb: {  	_ =	swait.ge [sflag:s10], $0x440  }
0x1bc: {  	s3 =	sld [smem:$0x7E8]  }
0x1bd: {  	[sflag:s10] =	ssyncset.done $0x0  }
0x1be: {  	[sflag:s10] =	ssyncadd.s32 $0xFFFFFBC0  }
0x1bf: {  	[spmem:s3] =	stream.linear.scatter [tilespmem:s1], [sflag:$0xB], $0x440, $0x38;
	[tilespmem:$0x1FD40] =	vst v63  }
0x1c0: {  	_ =	swait.ge [sflag:s10], $0x440  }
0x1c1: {  	s6 =	sld [smem:$0x7E9]  }
0x1c2: {  	[sflag:s10] =	ssyncset.done $0x0  }
0x1c3: {  	[sflag:s10] =	ssyncadd.s32 $0xFFFFFBC0  }
0x1c4: {  	[spmem:s6] =	stream.linear.scatter [tilespmem:s1], [sflag:$0xB], $0x440, $0x38;
	[tilespmem:$0x1FD40] =	vst v63  }
0x1c5: {  	_ =	swait.ge [sflag:s10], $0x440  }
0x1c6: {  	s7 =	sld [smem:$0x7EA]  }
0x1c7: {  	[sflag:s10] =	ssyncset.done $0x0  }
0x1c8: {  	[sflag:s10] =	ssyncadd.s32 $0xFFFFFBC0  }
0x1c9: {  	[spmem:s7] =	stream.linear.scatter [tilespmem:s1], [sflag:$0xB], $0x440, $0x38;
	[tilespmem:$0x1FD40] =	vst v63  }
0x1ca: {  	_ =	swait.ge [sflag:s10], $0x440  }
0x1cb: {  	s8 =	sld [smem:$0x7EB]  }
0x1cc: {  	[sflag:s10] =	ssyncset.done $0x0  }
0x1cd: {  	[sflag:s10] =	ssyncadd.s32 $0xFFFFFBC0  }
0x1ce: {  	[spmem:s8] =	stream.linear.scatter [tilespmem:s1], [sflag:$0xB], $0x440, $0x38;
	[tilespmem:$0x1FD40] =	vst v63  }
0x1cf: {  	_ =	swait.ge [sflag:s10], $0x440  }
0x1d0: {  	s9 =	sld [smem:$0x7EC]  }
0x1d1: {  	[sflag:s10] =	ssyncset.done $0x0  }
0x1d2: {  	[sflag:s10] =	ssyncadd.s32 $0xFFFFFBC0  }
0x1d3: {  	[spmem:s9] =	stream.linear.scatter [tilespmem:s1], [sflag:$0xB], $0x440, $0x38;
	[tilespmem:$0x1FD40] =	vst v63  }
0x1d4: {  	_ =	swait.ge [sflag:s10], $0x440  }
0x1d5: {  	s14 =	sld [smem:$0x7ED]  }
0x1d6: {  	[sflag:s10] =	ssyncset.done $0x0  }
0x1d7: {  	[sflag:s10] =	ssyncadd.s32 $0xFFFFFBC0  }
0x1d8: {  	[spmem:s14] =	stream.linear.scatter [tilespmem:s1], [sflag:$0xB], $0x440, $0x38;
	[tilespmem:$0x1FD40] =	vst v63  }
0x1d9: {  	_ =	swait.ge [sflag:s10], $0x440  }
0x1da: {  	s15 =	sld [smem:$0x7EE]  }
0x1db: {  	[sflag:s10] =	ssyncset.done $0x0  }
0x1dc: {  	[sflag:s10] =	ssyncadd.s32 $0xFFFFFBC0  }
0x1dd: {  	[spmem:s15] =	stream.linear.scatter [tilespmem:s1], [sflag:$0xB], $0x440, $0x38;
	[tilespmem:$0x1FD40] =	vst v63  }
0x1de: {  	_ =	swait.ge [sflag:s10], $0x440  }
0x1df: {  	s26 =	sld [smem:$0x7EF]  }
0x1e0: {  	[sflag:s10] =	ssyncset.done $0x0  }
0x1e1: {  	[sflag:s10] =	ssyncadd.s32 $0xFFFFFBC0  }
0x1e2: {  	[spmem:s26] =	stream.linear.scatter [tilespmem:s1], [sflag:$0xB], $0x440, $0x38;
	[tilespmem:$0x1FD40] =	vst v63  }
0x1e3: {  	_ =	swait.ge [sflag:s10], $0x440  }
0x1e4: {  	s29 =	sld [smem:$0x7F0]  }
0x1e5: {  	[sflag:s10] =	ssyncset.done $0x0  }
0x1e6: {  	[sflag:s10] =	ssyncadd.s32 $0xFFFFFBC0  }
0x1e7: {  	[spmem:s29] =	stream.linear.scatter [tilespmem:s1], [sflag:$0xB], $0x440, $0x38;
	[tilespmem:$0x1FD40] =	vst v63  }
0x1e8: {  	_ =	swait.ge [sflag:s10], $0x440  }
0x1e9: {  	s30 =	sld [smem:$0x7F1]  }
0x1ea: {  	[sflag:s10] =	ssyncset.done $0x0  }
0x1eb: {  	[sflag:s10] =	ssyncadd.s32 $0xFFFFFBC0  }
0x1ec: {  	[spmem:s30] =	stream.linear.scatter [tilespmem:s1], [sflag:$0xB], $0x440, $0x38;
	[tilespmem:$0x1FD40] =	vst v63  }
0x1ed: {  	_ =	swait.ge [sflag:s10], $0x440  }
0x1ee: {  	s31 =	sld [smem:$0x7F2]  }
0x1ef: {  	[sflag:s10] =	ssyncset.done $0x0  }
0x1f0: {  	[sflag:s10] =	ssyncadd.s32 $0xFFFFFBC0  }
0x1f1: {  	[spmem:s31] =	stream.linear.scatter [tilespmem:s1], [sflag:$0xB], $0x440, $0x38;
	[tilespmem:$0x1FD40] =	vst v63  }
0x1f2: {  	_ =	swait.ge [sflag:s10], $0x440  }
0x1f3: {  	s3 =	sld [smem:$0x7F3]  }
0x1f4: {  	[sflag:s10] =	ssyncset.done $0x0  }
0x1f5: {  	[sflag:s10] =	ssyncadd.s32 $0xFFFFFBC0  }
0x1f6: {  	[spmem:s3] =	stream.linear.scatter [tilespmem:s1], [sflag:$0xB], $0x440, $0x38;
	[tilespmem:$0x1FD40] =	vst v63  }
0x1f7: {  	_ =	swait.ge [sflag:s10], $0x440  }
0x1f8: {  	s6 =	sld [smem:$0x7F4]  }
0x1f9: {  	[sflag:s10] =	ssyncset.done $0x0  }
0x1fa: {  	[sflag:s10] =	ssyncadd.s32 $0xFFFFFBC0  }
0x1fb: {  	[spmem:s6] =	stream.linear.scatter [tilespmem:s1], [sflag:$0xB], $0x440, $0x38;
	[tilespmem:$0x1FD40] =	vst v63  }
0x1fc: {  	_ =	swait.ge [sflag:s10], $0x440  }
0x1fd: {  	s7 =	sld [smem:$0x7F5]  }
0x1fe: {  	[sflag:s10] =	ssyncset.done $0x0  }
0x1ff: {  	[sflag:s10] =	ssyncadd.s32 $0xFFFFFBC0  }
0x200: {  	[spmem:s7] =	stream.linear.scatter [tilespmem:s1], [sflag:$0xB], $0x440, $0x38;
	[tilespmem:$0x1FD40] =	vst v63  }
0x201: {  	_ =	swait.ge [sflag:s10], $0x440  }
0x202: {  	s8 =	sld [smem:$0x7F6]  }
0x203: {  	[sflag:s10] =	ssyncset.done $0x0  }
0x204: {  	[sflag:s10] =	ssyncadd.s32 $0xFFFFFBC0  }
0x205: {  	[spmem:s8] =	stream.linear.scatter [tilespmem:s1], [sflag:$0xB], $0x440, $0x38;
	[tilespmem:$0x1FD40] =	vst v63  }
0x206: {  	_ =	swait.ge [sflag:s10], $0x440  }
0x207: {  	s9 =	sld [smem:$0x7F7]  }
0x208: {  	[sflag:s10] =	ssyncset.done $0x0  }
0x209: {  	[sflag:s10] =	ssyncadd.s32 $0xFFFFFBC0  }
0x20a: {  	[spmem:s9] =	stream.linear.scatter [tilespmem:s1], [sflag:$0xB], $0x440, $0x38;
	[tilespmem:$0x1FD40] =	vst v63  }
0x20b: {  	_ =	swait.ge [sflag:s10], $0x440  }
0x20c: {  	s14 =	sld [smem:$0x7F8]  }
0x20d: {  	[sflag:s10] =	ssyncset.done $0x0  }
0x20e: {  	[sflag:s10] =	ssyncadd.s32 $0xFFFFFBC0  }
0x20f: {  	[spmem:s14] =	stream.linear.scatter [tilespmem:s1], [sflag:$0xB], $0x440, $0x38;
	[tilespmem:$0x1FD40] =	vst v63  }
0x210: {  	_ =	swait.ge [sflag:s10], $0x440  }
0x211: {  	s15 =	sld [smem:$0x7F9]  }
0x212: {  	[sflag:s10] =	ssyncset.done $0x0  }
0x213: {  	[sflag:s10] =	ssyncadd.s32 $0xFFFFFBC0  }
0x214: {  	[spmem:s15] =	stream.linear.scatter [tilespmem:s1], [sflag:$0xB], $0x440, $0x38;
	[tilespmem:$0x1FD40] =	vst v63  }
0x215: {  	_ =	swait.ge [sflag:s10], $0x440  }
0x216: {  	s26 =	sld [smem:$0x7FA]  }
0x217: {  	[sflag:s10] =	ssyncset.done $0x0  }
0x218: {  	[sflag:s10] =	ssyncadd.s32 $0xFFFFFBC0  }
0x219: {  	[spmem:s26] =	stream.linear.scatter [tilespmem:s1], [sflag:$0xB], $0x440, $0x38;
	[tilespmem:$0x1FD40] =	vst v63  }
0x21a: {  	_ =	swait.ge [sflag:s10], $0x440  }
0x21b: {  	s29 =	simm.s32 $0x0;
	[sflag:s10] =	ssyncset.done $0x0  }
0x21c: {  	s3 =	simm.s32 $0x15400;
	s30 =	rddreg [dreg:$0x12];
	[sflag:s10] =	ssyncadd.s32 $0xFFFFFBC0  }
0x21d: {  	[tilespmem:s3], [sflag:$0xB] =	stream.linear.gather [hbm4b:s30+s29], $0x2EE0, $0x38;
	[tilespmem:$0x1FD40] =	vst v63  }
0x21e: {  	_ =	swait.ge [sflag:s10], $0x2EE0  }
0x21f: {  	s31 =	sld [smem:$0x7FB]  }
0x220: {  	[sflag:s10] =	ssyncset.done $0x0  }
0x221: {  	s6 =	simm.s32 $0x182E0;
	[sflag:s10] =	ssyncadd.s32 $0xFFFFD120  }
0x222: {  	[tilespmem:s6], [sflag:$0xB] =	stream.linear.gather [hbm4b:s31+s29], $0x2EE0, $0x38;
	[tilespmem:$0x1FD40] =	vst v63  }
0x223: {  	_ =	swait.ge [sflag:s10], $0x2EE0  }
0x224: {  	[sflag:s10] =	ssyncset.done $0x0  }
0x225: {  	s1 =	simm.s32 $0x1B1C0;
	[sflag:s10] =	ssyncadd.s32 $0xFFFFD120  }
0x226: {  	[tilespmem:s1], [sflag:$0x1] =	stream.indirect.gather [hbm4b:s4+s11], $0x90, s3, s11, $0xb8;
	[tilespmem:$0x1FD40] =	vst v63  }
0x227: {  	s7 =	simm.s32 $0x1DEC0  }
0x228: {  	[tilespmem:s7], [sflag:$0x5] =	stream.indirect.gather [hbm4b:s5+s11], $0x10, s6, s11, $0xb8;
	[tilespmem:$0x1FD40] =	vst v63  }
0x229: {  	s8 =	simm.s32 $0x15418;
	s9 =	simm.s32 $0x1BD00  }
0x22a: {  	[tilespmem:s9], [sflag:$0x2] =	stream.indirect.gather [hbm4b:s4+s11], $0x90, s8, s11, $0xb8;
	[tilespmem:$0x1FD40] =	vst v63  }
0x22b: {  	s14 =	simm.s32 $0x182F8;
	s15 =	simm.s32 $0x1E000  }
0x22c: {  	[tilespmem:s15], [sflag:$0x6] =	stream.indirect.gather [hbm4b:s5+s11], $0x10, s14, s11, $0xb8;
	[tilespmem:$0x1FD40] =	vst v63  }
0x22d: {  	s26 =	simm.s32 $0x15430;
	s29 =	simm.s32 $0x1C840  }
0x22e: {  	[tilespmem:s29], [sflag:$0x3] =	stream.indirect.gather [hbm4b:s4+s11], $0x90, s26, s11, $0xb8;
	[tilespmem:$0x1FD40] =	vst v63  }
0x22f: {  	s30 =	simm.s32 $0x18310;
	s31 =	simm.s32 $0x1E140  }
0x230: {  	[tilespmem:s31], [sflag:$0x7] =	stream.indirect.gather [hbm4b:s5+s11], $0x10, s30, s11, $0xb8;
	[tilespmem:$0x1FD40] =	vst v63  }
0x231: {  	s28 =	simm.s32 $0x0;
	[bflag:$0x0] =	sbarrier.arrive $0xFFFF  }
.LBB2_2:
0x232: {  	_ =	swait.ge [sflag:s12], $0xB40  }
0x233: {  	[sflag:s12] =	ssyncset.done $0x0  }
0x234: {  	s29 =	sshllo.u32 s28, $0x2;
	[sflag:s12] =	ssyncadd.s32 $0xFFFFF4C0  }
0x235: {  	s0 =	smul.u32 $0x18, s29;
	_ =	swait.ge [sflag:s13], $0x140  }
0x236: {  	[sflag:s13] =	ssyncset.done $0x0  }
0x237: {  	s3 =	simm.s32 $0x1D380;
	s1 =	sadd.s32 $0x15400, s0;
	[sflag:s13] =	ssyncadd.s32 $0xFFFFFEC0  }
0x238: {  	[tilespmem:s3], [sflag:$0x4] =	stream.indirect.gather [hbm4b:s4+s11], $0x90, s1, s11, $0xb8;
	[tilespmem:$0x1FD40] =	vst v63  }
0x239: {  	s8 =	simm.s32 $0x1E280;
	p0 =	seq.s32 s28, $0x0;
	s0 =	sadd.s32 $0x182E0, s0  }
0x23a: {  	[tilespmem:s8], [sflag:$0x8] =	stream.indirect.gather [hbm4b:s5+s11], $0x10, s0, s11, $0xb8;
	[tilespmem:$0x1FD40] =	vst v63  }
0x23b: {  	s0 =	simm.s32 @!p0 $0x9  }
0x23c: {  	_ =	swait.ge @!p0 [sflag:s0], $0xAA0  }
0x23d: {  	[sflag:s0] =	ssyncset.done @!p0 $0x0  }
0x23e: {  	s9 =	simm.s32 $0x1DEE0;
	[sflag:s0] =	ssyncadd.s32 @!p0 $0xFFFFF560  }
0x23f: {  	v11 =	vld [tilespmem:s9+$0xFFFFFFE0]  }
0x240: {  	s30 =	simm.s32 $0x1B2E0  }
0x241: {  	v12 =	vld [tilespmem:s30+$0xFFFFFF60];
	_ =	sdelay $0x2  }
0x242: {  	v13 =	vld [tilespmem:s9+$0xFFFFFFF0];
	v11 =	vperm.xlane v11, v2;
	_ =	sdelay $0x1  }
0x243: {  	v11 =	vadd.f32 v11, v12;
	v12 =	vld [tilespmem:s30+$0xFFFFFFF0]  }
0x244: {  	v15 =	vld [tilespmem:s9+$0x10]  }
0x245: {  	v14 =	vmul.f32 $2.000000030e-01, v11  }
0x246: {  	v13 =	vperm.xlane v13, v2;
	vm0 =	vge.f32 v11, $0.0e+00  }
0x247: {  	v11 =	vsel vm0, v11, v14;
	v14 =	vld [tilespmem:s30+$0x110]  }
0x248: {  	v11 =	vmul.f32 $1.442695020e+00, v11;
	v12 =	vadd.f32 v13, v12  }
0x249: {  	v15 =	vperm.xlane v15, v2;
	v13 =	vld [tilespmem:s9+$0x0]  }
0x24a: {  	s14 =	simm.s32 $0x3;
	s15 =	simm.s32 $0x2;
	(erf) = vpow2.f32 v11;
	v11 =	vmul.f32 $2.000000030e-01, v12  }
0x24b: {  	s26 =	simm.s32 $0x1;
	v16 =	vmov s14;
	v18 =	vmov s15;
	v17 =	vld [tilespmem:s30+$0x80];
	vm13 =	vge.f32 v12, $0.0e+00  }
0x24c: {  	v11 =	vsel vm13, v12, v11;
	v12 =	vmov s26;
	v14 =	vadd.f32 v15, v14  }
0x24d: {  	v16 =	vmul.u32 $0x88, v16;
	v11 =	vmul.f32 $1.442695020e+00, v11;
	v12 =	vmul.u32 $0x88, v12  }
0x24e: {  	v15 =	vmul.u32 $0x88, v18;
	v13 =	vperm.xlane v13, v2;
	v18 =	vmul.f32 $2.000000030e-01, v14  }
0x24f: {  	vm14 =	vge.f32 v14, $0.0e+00;
	(erf) = vpow2.f32 v11;
	v11 =	vadd.s32 $0x80, v12  }
0x250: {  	v12 =	vadd.f32 v13, v17;
	v21 =	vbroadcast v11, $0x0;
	v11 =	vsel vm14, v14, v18  }
0x251: {  	v16 =	vadd.s32 $0x80, v16;
	v19 =	vld [tilespmem:s30+$0xFFFFFEF0];
	v11 =	vmul.f32 $1.442695020e+00, v11  }
0x252: {  	v15 =	vadd.s32 $0x80, v15;
	v13 =	vld [tilespmem:s30+$0xFFFFFF00];
	v17 =	vbroadcast v16, $0x0;
	v16 =	vmul.f32 $2.000000030e-01, v12  }
0x253: {  	v33 =	vbroadcast v15, $0x0;
	v14 =	vld [tilespmem:s30+$0xFFFFFF10];
	vm15 =	vge.f32 v12, $0.0e+00;
	v18 =	vpop (erf);
	(erf) = vpow2.f32 v11  }
0x254: {  	s31 =	simm.s32 $0x0;
	v20 =	vld [tilespmem:s30+$0xFFFFFEE0];
	v12 =	vsel vm15, v12, v16;
	v15 =	vperm.xlane v18, v3;
	v16 =	vperm.xlane v18, v5  }
0x255: {  	v28 =	vld [tilespmem:s30+$0xFFFFFFD0];
	v11 =	vmov s31;
	v22 =	vperm.xlane v18, v6;
	v23 =	vmul.f32 $1.442695020e+00, v12  }
0x256: {  	v29 =	vld [tilespmem:s30+$0xFFFFFF40];
	v24 =	vperm.xlane v18, v4;
	v11 =	vmul.u32 $0x88, v11;
	v34 =	vperm.xlane v18, v7  }
0x257: {  	v35 =	vld [tilespmem:s30+$0xFFFFFF20];
	v37 =	vperm.xlane v18, v9;
	v25 =	vperm.xlane v18, v10  }
0x258: {  	v40 =	vld [tilespmem:s30+$0xFFFFFFE0];
	v43 =	vmul.f32 v13, v16;
	v26 =	vmul.f32 v14, v22;
	v11 =	vadd.s32 $0x80, v11  }
0x259: {  	v42 =	vld [tilespmem:s30+$0xFFFFFF70];
	(erf) = vpow2.f32 v23;
	v11 =	vbroadcast v11, $0x0  }
0x25a: {  	v17 =	vor.u32 v1, v17;
	v12 =	vld [tilespmem:s30+$0xD0];
	v36 =	vmul.f32 v20, v15;
	v31 =	vmul.f32 v19, v24  }
0x25b: {  	v15 =	vld [tilespmem:s30+$0xFFFFFFA0];
	v22 =	vperm.xlane v18, v8;
	v37 =	vmul.f32 v29, v37;
	v24 =	vpop (erf);
	v32 =	vor.u32 v1, v11  }
0x25c: {  	v13 =	vld [tilespmem:s30+$0x30];
	v29 =	vmul.f32 v35, v34;
	v16 =	vperm.xlane v24, v5  }
0x25d: {  	v14 =	vld [tilespmem:s30+$0x60];
	v27 =	vperm.xlane v24, v3;
	v30 =	vperm.xlane v24, v9  }
0x25e: {  	v20 =	vld [tilespmem:s30+$0xFFFFFF90];
	v38 =	vperm.xlane v24, v10;
	v41 =	vperm.xlane v24, v6;
	v11 =	vpop (erf)  }
0x25f: {  	v23 =	vld [tilespmem:s30+$0xFFFFFFB0];
	v19 =	vperm.xlane v24, v7;
	v39 =	vmul.f32 v28, v30;
	[tilespmem:v17+s16+$0x0] =	vst.idx.msk $0xff, v11  }
0x260: {  	s1 =	simm.s32 $0x1E4D0;
	v30 =	vmul.f32 v15, v41;
	v35 =	vmul.f32 v40, v38;
	v17 =	vld [tilespmem:s30+$0xA0];
	[tilespmem:v32+s16+$0x0] =	vst.idx.msk $0xff, v18  }
0x261: {  	v34 =	vor.u32 v1, v21;
	v28 =	vld [tilespmem:s30+$0xFFFFFF80];
	v40 =	vperm.xlane v11, v10;
	v44 =	vperm.xlane v11, v4;
	[tilespmem:s1+$0xFFFFFF20] =	vst v26  }
0x262: {  	v21 =	vor.u32 v1, v33;
	v41 =	vld [tilespmem:s30+$0x100];
	v33 =	vperm.xlane v11, v9;
	v18 =	vperm.xlane v24, v8;
	[tilespmem:s1+$0xFFFFFF30] =	vst v29  }
0x263: {  	v38 =	vld [tilespmem:s30+$0x70];
	v15 =	vpop (erf);
	v26 =	vperm.xlane v11, v7;
	[tilespmem:s1+$0xFFFFFEF0] =	vst v36;
	v36 =	vperm.xlane v24, v4  }
0x264: {  	s7 =	simm.s32 $0x1E6F0;
	v32 =	vld [tilespmem:s30+$0xFFFFFF50];
	[tilespmem:s1+$0xFFFFFF00] =	vst v31;
	v29 =	vperm.xlane v15, v9;
	v31 =	vperm.xlane v15, v6  }
0x265: {  	s3 =	simm.s32 $0x1B520;
	s0 =	simm.s32 $0x1DF20;
	s26 =	simm.s32 $0x4;
	[tilespmem:s1+$0xFFFFFF10] =	vst v43;
	v43 =	vld [tilespmem:s30+$0xFFFFFF30];
	v44 =	vmul.f32 v17, v44;
	v17 =	vperm.xlane v15, v8  }
.LBB2_3:
0x266: {  	s14 =	sadd.s32 $0x2, s26  }
0x267: {  	v45 =	vld [tilespmem:s0+$0xFFFFFFE0];
	s31 =	sadd.s32 $0x3, s26;
	v46 =	vperm.xlane v15, v10;
	[tilespmem:s1+$0x98] =	vst v44;
	v44 =	vperm.xlane v11, v5;
	s6 =	smov.u32 s26;
	s8 =	sadd.s32 $0x4, s26  }
0x268: {  	p0 =	slt.u32 s26, $0x10;
	v47 =	vld [tilespmem:s3+$0xFFFFFFF0];
	v48 =	vmov s14;
	v49 =	vmov s31;
	[tilespmem:v34+s16+$0x0] =	vst.idx.msk $0xff, v24;
	v24 =	vperm.xlane v15, v7  }
0x269: {  	s14 =	sadd.s32 $0x1, s6;
	v34 =	vld [tilespmem:s3+$0xFFFFFF60];
	v48 =	vmul.u32 $0x88, v48;
	v49 =	vmul.u32 $0x88, v49;
	v27 =	vmul.f32 v42, v27;
	[tilespmem:s1+$0xFFFFFFD8] =	vst v39  }
0x26a: {  	v42 =	vmov s14;
	v39 =	vld [tilespmem:s0+$0xFFFFFFF0];
	[tilespmem:s1+$0xFFFFFF50] =	vst v37;
	v37 =	vmul.f32 v38, v46;
	v38 =	vmul.f32 v41, v40  }
0x26b: {  	v40 =	vld [tilespmem:s0+$0x0];
	v41 =	vadd.s32 $0x80, v48;
	v46 =	vadd.s32 $0x80, v49;
	v43 =	vmul.f32 v43, v22;
	[tilespmem:s1+$0xFFFFFF78] =	vst v27  }
0x26c: {  	v42 =	vmul.u32 $0x88, v42;
	v48 =	vperm.xlane v15, v3;
	v27 =	vperm.xlane v45, v2;
	v45 =	vld [tilespmem:s0+$0x10];
	[tilespmem:s1+$0xF8] =	vst v38  }
0x26d: {  	v28 =	vmul.f32 v28, v36;
	v22 =	vbroadcast v46, $0x0;
	v38 =	vld [tilespmem:s3+$0x80];
	[tilespmem:s1+$0xFFFFFFA8] =	vst v30  }
0x26e: {  	v25 =	vmul.f32 v32, v25;
	v19 =	vmul.f32 v23, v19;
	v27 =	vadd.f32 v27, v34;
	[tilespmem:s1+$0xFFFFFFE8] =	vst v35;
	v23 =	vld [tilespmem:s30+$0xF0]  }
0x26f: {  	v16 =	vmul.f32 v20, v16;
	v32 =	vadd.s32 $0x80, v42;
	v30 =	vperm.xlane v39, v2;
	v34 =	vld [tilespmem:s3+$0x110];
	[tilespmem:v21+s16+$0x0] =	vst.idx.msk $0xff, v15  }
0x270: {  	v21 =	vperm.xlane v15, v5;
	v20 =	vmul.f32 $2.000000030e-01, v27;
	[tilespmem:s1+$0xFFFFFF60] =	vst v25;
	v25 =	vld [tilespmem:s30+$0x40]  }
0x271: {  	v14 =	vmul.f32 v14, v29;
	vm0 =	vge.f32 v27, $0.0e+00;
	v30 =	vadd.f32 v30, v47;
	[tilespmem:s1+$0xFFFFFF40] =	vst v43;
	v35 =	vld [tilespmem:s30+$0xFFFFFFC0]  }
0x272: {  	v13 =	vmul.f32 v13, v31;
	v20 =	vsel vm0, v27, v20;
	v27 =	vperm.xlane v45, v2;
	[tilespmem:s1+$0xFFFFFFB8] =	vst v19  }
0x273: {  	v19 =	vmul.f32 $1.442695020e+00, v20;
	vm0 =	vge.f32 v30, $0.0e+00;
	[tilespmem:s1+$0x60] =	vst v14;
	v14 =	vmul.f32 v23, v33  }
0x274: {  	v12 =	vmul.f32 v12, v26;
	v20 =	vbroadcast v32, $0x0;
	v23 =	vadd.f32 v27, v34;
	[tilespmem:s1+$0x30] =	vst v13  }
0x275: {  	(erf) = vpow2.f32 v19;
	[tilespmem:s1+$0xFFFFFF98] =	vst v16;
	v13 =	vmul.f32 v25, v24;
	v16 =	vld [tilespmem:s30+$0xC0]  }
0x276: {  	v19 =	vmul.f32 $2.000000030e-01, v23;
	v18 =	vmul.f32 v35, v18;
	v24 =	vld [tilespmem:s30+$0xB0];
	[tilespmem:s1+$0xC8] =	vst v12  }
0x277: {  	v15 =	vperm.xlane v15, v4;
	v12 =	vperm.xlane v40, v2;
	vm1 =	vge.f32 v23, $0.0e+00;
	v25 =	vld [tilespmem:s30+$0x10];
	[tilespmem:s1+$0xE8] =	vst v14  }
0x278: {  	v14 =	vmul.f32 $2.000000030e-01, v30;
	v19 =	vsel vm1, v23, v19;
	[tilespmem:s1+$0xFFFFFFC8] =	vst v18;
	v18 =	vld [tilespmem:s30+$0x50];
	v23 =	vperm.xlane v11, v6  }
0x279: {  	v12 =	vadd.f32 v12, v38;
	v19 =	vmul.f32 $1.442695020e+00, v19;
	v26 =	vld [tilespmem:s30+$0x20];
	[tilespmem:s1+$0x40] =	vst v13;
	v13 =	vperm.xlane v11, v8  }
0x27a: {  	v14 =	vsel vm0, v30, v14;
	v11 =	vperm.xlane v11, v3;
	[tilespmem:s1+$0xFFFFFF88] =	vst v28;
	v27 =	vld [tilespmem:s30+$0x0];
	v16 =	vmul.f32 v16, v23  }
0x27b: {  	v14 =	vmul.f32 $1.442695020e+00, v14;
	vm0 =	vge.f32 v12, $0.0e+00;
	v23 =	vmul.f32 v24, v44;
	v24 =	vld [tilespmem:s30+$0xE0]  }
0x27c: {  	v28 =	vmul.f32 $2.000000030e-01, v12;
	v15 =	vmul.f32 v25, v15;
	v25 =	vld [tilespmem:s30+$0x90];
	[tilespmem:s1+$0xB8] =	vst v16;
	s30 =	smov.u32 s3  }
0x27d: {  	(erf) = vpow2.f32 v14;
	v14 =	vmul.f32 v18, v17;
	[tilespmem:s1+$0xA8] =	vst v23  }
0x27e: {  	v12 =	vsel vm0, v12, v28;
	v17 =	vbroadcast v41, $0x0;
	v16 =	vld [tilespmem:s3+$0xFFFFFF00];
	v18 =	vpop (erf);
	[tilespmem:s1+$0x10] =	vst v15;
	v15 =	vmul.f32 v26, v21  }
0x27f: {  	v23 =	vperm.xlane v18, v3;
	v21 =	vld [tilespmem:s3+$0xFFFFFF10];
	v26 =	vmul.f32 v27, v48;
	[tilespmem:s1+$0x50] =	vst v14  }
0x280: {  	v14 =	vperm.xlane v18, v5;
	v27 =	vld [tilespmem:s3+$0xFFFFFEF0];
	[tilespmem:s1+$0x70] =	vst v37;
	v13 =	vmul.f32 v24, v13  }
0x281: {  	v28 =	vperm.xlane v18, v6;
	v24 =	vld [tilespmem:s3+$0xFFFFFEE0];
	(erf) = vpow2.f32 v19;
	[tilespmem:s1+$0x20] =	vst v15  }
0x282: {  	v15 =	vmov s6;
	v19 =	vmul.f32 $1.442695020e+00, v12;
	v11 =	vmul.f32 v25, v11;
	[tilespmem:s1+$0xD8] =	vst v13  }
0x283: {  	v34 =	vor.u32 v1, v20;
	v25 =	vperm.xlane v18, v4;
	v33 =	vmul.f32 v16, v14;
	v12 =	vld [tilespmem:s3+$0xD0];
	[tilespmem:s1+$0x0] =	vst v26  }
0x284: {  	v15 =	vmul.u32 $0x88, v15;
	v26 =	vmul.f32 v21, v28;
	v13 =	vld [tilespmem:s3+$0x30];
	(erf) = vpow2.f32 v19;
	[tilespmem:s1+$0x88] =	vst v11;
	s1 =	smov.u32 s7  }
0x285: {  	v21 =	vor.u32 v1, v17;
	v14 =	vld [tilespmem:s3+$0x60]  }
0x286: {  	v11 =	vadd.s32 $0x80, v15;
	v31 =	vmul.f32 v27, v25;
	v17 =	vmul.f32 v24, v23;
	v15 =	vld [tilespmem:s3+$0xFFFFFFA0];
	v24 =	vpop (erf)  }
0x287: {  	v29 =	vor.u32 v1, v22;
	v20 =	vbroadcast v11, $0x0;
	v16 =	vperm.xlane v24, v5;
	v28 =	vld [tilespmem:s3+$0xFFFFFFD0]  }
0x288: {  	v27 =	vperm.xlane v24, v3;
	v19 =	vperm.xlane v24, v7;
	v30 =	vld [tilespmem:s3+$0xFFFFFF40]  }
0x289: {  	v35 =	vperm.xlane v18, v7;
	v32 =	vor.u32 v1, v20;
	v37 =	vperm.xlane v24, v9;
	v36 =	vld [tilespmem:s3+$0xFFFFFF20]  }
0x28a: {  	v22 =	vperm.xlane v18, v8;
	v38 =	vperm.xlane v24, v10;
	v40 =	vld [tilespmem:s3+$0xFFFFFFE0];
	v11 =	vpop (erf)  }
0x28b: {  	v41 =	vperm.xlane v18, v9;
	v42 =	vperm.xlane v24, v6;
	v20 =	vld [tilespmem:s3+$0xFFFFFF90]  }
0x28c: {  	v25 =	vperm.xlane v18, v10;
	v23 =	vld [tilespmem:s3+$0xFFFFFFB0];
	v39 =	vmul.f32 v28, v37  }
0x28d: {  	v37 =	vmul.f32 v30, v41;
	v30 =	vmul.f32 v15, v42;
	[tilespmem:v29+s16+$0x0] =	vst.idx.msk $0xff, v11;
	v43 =	vld [tilespmem:s3+$0xA0];
	v15 =	vpop (erf)  }
0x28e: {  	[tilespmem:v32+s16+$0x0] =	vst.idx.msk $0xff, v18;
	v29 =	vmul.f32 v36, v35;
	v32 =	vld [tilespmem:s3+$0xFFFFFF50];
	v18 =	vperm.xlane v24, v8  }
.Ltmp0:
0x28f: {  	[tilespmem:s7+$0xFFFFFF20] =	vst v26;
	v28 =	vld [tilespmem:s3+$0xFFFFFF80];
	v35 =	vmul.f32 v40, v38;
	v40 =	vperm.xlane v11, v10;
	(pc) =	sbr.rel @p0 .LBB2_3-.Ltmp0, $4  }
0x290: {  	v44 =	vperm.xlane v11, v4;
	[tilespmem:s7+$0xFFFFFF30] =	vst v29;
	v29 =	vperm.xlane v15, v9;
	v41 =	vld [tilespmem:s3+$0x100]  }
0x291: {  	v26 =	vperm.xlane v11, v7;
	[tilespmem:s7+$0xFFFFFF00] =	vst v31;
	v42 =	vld [tilespmem:s3+$0xFFFFFF70];
	v31 =	vperm.xlane v15, v6  }
0x292: {  	s26 =	smov.u32 s8;
	v36 =	vperm.xlane v24, v4;
	[tilespmem:s7+$0xFFFFFEF0] =	vst v17;
	v38 =	vld [tilespmem:s3+$0x70];
	v44 =	vmul.f32 v43, v44  }
0x293: {  	s0 =	sadd.s32 $0x40, s0;
	v17 =	vperm.xlane v15, v8;
	s3 =	sadd.s32 $0x240, s3;
	s7 =	sadd.s32 $0x220, s7;
	[tilespmem:s1+$0xFFFFFF10] =	vst v33;
	v43 =	vld [tilespmem:s30+$0xFFFFFF30];
	v33 =	vperm.xlane v11, v9  }
0x294: {  	_ =	sdelay $0x2  }
0x295: {  	[tilespmem:s1+$0x98] =	vst v44  }
0x296: {  	[tilespmem:v34+s16+$0x0] =	vst.idx.msk $0xff, v24  }
0x297: {  	[tilespmem:s1+$0xFFFFFF50] =	vst v37  }
0x298: {  	[tilespmem:v21+s16+$0x0] =	vst.idx.msk $0xff, v15  }
0x299: {  	[tilespmem:s1+$0xFFFFFFD8] =	vst v39  }
0x29a: {  	v19 =	vmul.f32 v23, v19;
	[tilespmem:s1+$0xFFFFFFA8] =	vst v30  }
0x29b: {  	v14 =	vmul.f32 v14, v29;
	[tilespmem:s1+$0xFFFFFFE8] =	vst v35  }
0x29c: {  	v13 =	vmul.f32 v13, v31;
	[tilespmem:s1+$0xFFFFFFB8] =	vst v19  }
0x29d: {  	v21 =	vld [tilespmem:s30+$0xF0];
	v16 =	vmul.f32 v20, v16;
	[tilespmem:s1+$0x60] =	vst v14  }
0x29e: {  	v23 =	vld [tilespmem:s30+$0x40];
	v12 =	vmul.f32 v12, v26;
	[tilespmem:s1+$0x30] =	vst v13  }
0x29f: {  	v13 =	vld [tilespmem:s30+$0xC0];
	[tilespmem:s1+$0xFFFFFF98] =	vst v16;
	v22 =	vmul.f32 v43, v22  }
0x2a0: {  	v24 =	vmul.f32 v42, v27;
	v16 =	vld [tilespmem:s30+$0xB0];
	[tilespmem:s1+$0xC8] =	vst v12  }
0x2a1: {  	v27 =	vmul.f32 v41, v40;
	v14 =	vperm.xlane v15, v7;
	[tilespmem:s1+$0xFFFFFF40] =	vst v22;
	v22 =	vld [tilespmem:s30+$0xFFFFFFC0]  }
0x2a2: {  	v20 =	vperm.xlane v11, v6;
	[tilespmem:s1+$0xFFFFFF78] =	vst v24;
	v19 =	vmul.f32 v21, v33  }
0x2a3: {  	[tilespmem:s1+$0xF8] =	vst v27;
	v14 =	vmul.f32 v23, v14;
	v21 =	vperm.xlane v11, v5  }
0x2a4: {  	v12 =	vld [tilespmem:s30+$0x10];
	[tilespmem:s1+$0xE8] =	vst v19;
	v13 =	vmul.f32 v13, v20  }
0x2a5: {  	v23 =	vld [tilespmem:s30+$0x20];
	[tilespmem:s1+$0x40] =	vst v14;
	v14 =	vmul.f32 v16, v21  }
0x2a6: {  	v19 =	vld [tilespmem:s30+$0x50];
	v20 =	vperm.xlane v15, v10;
	[tilespmem:s1+$0xB8] =	vst v13;
	v18 =	vmul.f32 v22, v18  }
0x2a7: {  	v24 =	vmul.f32 v32, v25;
	v13 =	vperm.xlane v15, v5;
	[tilespmem:s1+$0xA8] =	vst v14  }
0x2a8: {  	v16 =	vld [tilespmem:s30+$0xE0];
	v14 =	vmul.f32 v38, v20;
	[tilespmem:s1+$0xFFFFFFC8] =	vst v18;
	v18 =	vperm.xlane v15, v4  }
0x2a9: {  	[tilespmem:s1+$0xFFFFFF60] =	vst v24;
	v21 =	vld [tilespmem:s30+$0x0];
	v22 =	vmul.f32 v28, v36  }
0x2aa: {  	v13 =	vmul.f32 v23, v13;
	[tilespmem:s1+$0x70] =	vst v14;
	v12 =	vmul.f32 v12, v18;
	v18 =	vld [tilespmem:s30+$0x90]  }
0x2ab: {  	v17 =	vmul.f32 v19, v17;
	v19 =	vperm.xlane v11, v8;
	[tilespmem:s1+$0xFFFFFF88] =	vst v22  }
0x2ac: {  	[tilespmem:s1+$0x10] =	vst v12;
	v12 =	vperm.xlane v15, v3  }
0x2ad: {  	v11 =	vperm.xlane v11, v3;
	[tilespmem:s1+$0x20] =	vst v13;
	v14 =	vmul.f32 v16, v19  }
0x2ae: {  	s0 =	smul.u32 $0x180, s28;
	[tilespmem:s1+$0x50] =	vst v17;
	v12 =	vmul.f32 v21, v12  }
0x2af: {  	[tilespmem:s1+$0xD8] =	vst v14;
	v11 =	vmul.f32 v18, v11  }
0x2b0: {  	s31 =	sshra.s32 s0, $0x2;
	[tilespmem:s1+$0x0] =	vst v12  }
0x2b1: {  	s0 =	sadd.s32 $0x182E0, s31;
	[tilespmem:s1+$0x88] =	vst v11  }
0x2b2: {  	[spmem:s2] =	stream.indirect.scatter.add.f32 [tilespmem:s16], [sflag:$0x9], $0x88, s0, s11, $0xb8;
	[tilespmem:$0x1FD40] =	vst v63  }
0x2b3: {  	_ =	swait.ge [sflag:s17], $0xB40  }
0x2b4: {  	[sflag:s17] =	ssyncset.done $0x0  }
0x2b5: {  	p0 =	seq.s32 s28, $0x7C;
	[sflag:s17] =	ssyncadd.s32 $0xFFFFF4C0  }
0x2b6: {  	s30 =	smul.u32 @!p0 $0x60, s28;
	_ =	swait.ge [sflag:s18], $0x140  }
0x2b7: {  	s3 =	simm.s32 @!p0 $0x1B1C0;
	p1 =	seq.s32 @!p0 s28, $0x0;
	[sflag:s18] =	ssyncset.done $0x0  }
0x2b8: {  	s1 =	simm.s32 @!p0 $0x14;
	s0 =	sadd.s32 @!p0 $0x15460, s30;
	[sflag:s18] =	ssyncadd.s32 $0xFFFFFEC0  }
0x2b9: {  	[tilespmem:s3], [sflag:$0x1] =	stream.indirect.gather @!p0 [hbm4b:s4+s1], $0x90, s0, s1, $0xb8;
	[tilespmem:$0x1FD40] =	vst v63  }
0x2ba: {  	p1 =	por p0, !p1;
	s0 =	sadd.s32 @!p0 $0x18340, s30;
	s3 =	simm.s32 @!p0 $0x1DEC0  }
0x2bb: {  	[tilespmem:s3], [sflag:$0x5] =	stream.indirect.gather @!p0 [hbm4b:s5+s1], $0x10, s0, s1, $0xb8;
	[tilespmem:$0x1FD40] =	vst v63  }
0x2bc: {  	_ =	swait.ge @p1 [sflag:s25], $0xAA0  }
0x2bd: {  	[sflag:s25] =	ssyncset.done @p1 $0x0  }
0x2be: {  	s8 =	simm.s32 $0x1E020;
	[sflag:s25] =	ssyncadd.s32 @p1 $0xFFFFF560  }
0x2bf: {  	v11 =	vld [tilespmem:s8+$0xFFFFFFE0]  }
0x2c0: {  	s1 =	simm.s32 $0x1BE20  }
0x2c1: {  	v12 =	vld [tilespmem:s1+$0xFFFFFF60];
	_ =	sdelay $0x2  }
0x2c2: {  	v13 =	vld [tilespmem:s8+$0xFFFFFFF0];
	v11 =	vperm.xlane v11, v2;
	_ =	sdelay $0x1  }
0x2c3: {  	v11 =	vadd.f32 v11, v12;
	v12 =	vld [tilespmem:s1+$0xFFFFFFF0]  }
0x2c4: {  	v15 =	vld [tilespmem:s8+$0x10]  }
0x2c5: {  	v14 =	vmul.f32 $2.000000030e-01, v11  }
0x2c6: {  	v13 =	vperm.xlane v13, v2;
	vm0 =	vge.f32 v11, $0.0e+00  }
0x2c7: {  	v11 =	vsel vm0, v11, v14;
	v14 =	vld [tilespmem:s1+$0x110]  }
0x2c8: {  	v11 =	vmul.f32 $1.442695020e+00, v11;
	v12 =	vadd.f32 v13, v12  }
0x2c9: {  	s9 =	simm.s32 $0x3;
	v15 =	vperm.xlane v15, v2;
	v13 =	vld [tilespmem:s8+$0x0]  }
0x2ca: {  	v16 =	vmov s9;
	(erf) = vpow2.f32 v11;
	v11 =	vmul.f32 $2.000000030e-01, v12  }
0x2cb: {  	s15 =	simm.s32 $0x1;
	v16 =	vmul.u32 $0x88, v16;
	v17 =	vld [tilespmem:s1+$0x80];
	vm13 =	vge.f32 v12, $0.0e+00  }
0x2cc: {  	s14 =	simm.s32 $0x2;
	v11 =	vsel vm13, v12, v11;
	v12 =	vmov s15;
	v14 =	vadd.f32 v15, v14  }
0x2cd: {  	v18 =	vmov s14;
	v11 =	vmul.f32 $1.442695020e+00, v11;
	v12 =	vmul.u32 $0x88, v12  }
0x2ce: {  	v15 =	vmul.u32 $0x88, v18;
	v13 =	vperm.xlane v13, v2;
	v18 =	vmul.f32 $2.000000030e-01, v14  }
0x2cf: {  	vm14 =	vge.f32 v14, $0.0e+00;
	(erf) = vpow2.f32 v11;
	v11 =	vadd.s32 $0x80, v12  }
0x2d0: {  	v12 =	vadd.f32 v13, v17;
	v21 =	vbroadcast v11, $0x0;
	v11 =	vsel vm14, v14, v18  }
0x2d1: {  	v16 =	vadd.s32 $0x80, v16;
	v19 =	vld [tilespmem:s1+$0xFFFFFEF0];
	v11 =	vmul.f32 $1.442695020e+00, v11  }
0x2d2: {  	v15 =	vadd.s32 $0x80, v15;
	v13 =	vld [tilespmem:s1+$0xFFFFFF00];
	v17 =	vbroadcast v16, $0x0;
	v16 =	vmul.f32 $2.000000030e-01, v12  }
0x2d3: {  	v53 =	vbroadcast v15, $0x0;
	v14 =	vld [tilespmem:s1+$0xFFFFFF10];
	vm15 =	vge.f32 v12, $0.0e+00;
	v18 =	vpop (erf);
	(erf) = vpow2.f32 v11  }
0x2d4: {  	s26 =	simm.s32 $0x0;
	v20 =	vld [tilespmem:s1+$0xFFFFFEE0];
	v12 =	vsel vm15, v12, v16;
	v15 =	vperm.xlane v18, v3;
	v16 =	vperm.xlane v18, v5  }
0x2d5: {  	v28 =	vld [tilespmem:s1+$0xFFFFFFD0];
	v11 =	vmov s26;
	v22 =	vperm.xlane v18, v6;
	v23 =	vmul.f32 $1.442695020e+00, v12  }
0x2d6: {  	v29 =	vld [tilespmem:s1+$0xFFFFFF40];
	v24 =	vperm.xlane v18, v4;
	v11 =	vmul.u32 $0x88, v11;
	v57 =	vperm.xlane v18, v7  }
0x2d7: {  	v58 =	vld [tilespmem:s1+$0xFFFFFF20];
	v61 =	vperm.xlane v18, v9;
	v25 =	vperm.xlane v18, v10  }
0x2d8: {  	v60 =	vld [tilespmem:s1+$0xFFFFFFE0];
	v54 =	vmul.f32 v13, v16;
	v26 =	vmul.f32 v14, v22;
	v11 =	vadd.s32 $0x80, v11  }
0x2d9: {  	v32 =	vld [tilespmem:s1+$0xFFFFFF50];
	(erf) = vpow2.f32 v23;
	v11 =	vbroadcast v11, $0x0  }
0x2da: {  	v41 =	vld [tilespmem:s1+$0x100];
	v17 =	vor.u32 v1, v17;
	v55 =	vmul.f32 v20, v15;
	v31 =	vmul.f32 v19, v24  }
0x2db: {  	v15 =	vld [tilespmem:s1+$0xFFFFFFA0];
	v22 =	vperm.xlane v18, v8;
	v37 =	vmul.f32 v29, v61;
	v24 =	vpop (erf);
	v56 =	vor.u32 v1, v11  }
0x2dc: {  	v42 =	vld [tilespmem:s1+$0xFFFFFF70];
	v29 =	vmul.f32 v58, v57;
	v16 =	vperm.xlane v24, v5  }
0x2dd: {  	v38 =	vld [tilespmem:s1+$0x70];
	v27 =	vperm.xlane v24, v3;
	v19 =	vperm.xlane v24, v7  }
0x2de: {  	v43 =	vld [tilespmem:s1+$0xFFFFFF30];
	v30 =	vperm.xlane v24, v9;
	v62 =	vperm.xlane v24, v6;
	v11 =	vpop (erf)  }
0x2df: {  	v12 =	vld [tilespmem:s1+$0xD0];
	v59 =	vperm.xlane v24, v10;
	v36 =	vperm.xlane v24, v4;
	[tilespmem:v17+s19+$0x0] =	vst.idx.msk $0xff, v11  }
0x2e0: {  	s0 =	simm.s32 $0x1EF70;
	v39 =	vmul.f32 v28, v30;
	v30 =	vmul.f32 v15, v62;
	v17 =	vld [tilespmem:s1+$0xA0];
	[tilespmem:v56+s19+$0x0] =	vst.idx.msk $0xff, v18  }
0x2e1: {  	v13 =	vld [tilespmem:s1+$0x30];
	v35 =	vmul.f32 v60, v59;
	v40 =	vperm.xlane v11, v10;
	[tilespmem:s0+$0xFFFFFF20] =	vst v26  }
0x2e2: {  	v14 =	vld [tilespmem:s1+$0x60];
	v63 =	vperm.xlane v11, v4;
	v33 =	vperm.xlane v11, v9;
	[tilespmem:s0+$0xFFFFFF30] =	vst v29  }
0x2e3: {  	v34 =	vor.u32 v1, v21;
	v20 =	vld [tilespmem:s1+$0xFFFFFF90];
	v18 =	vperm.xlane v24, v8;
	v15 =	vpop (erf);
	[tilespmem:s0+$0xFFFFFF00] =	vst v31;
	v26 =	vperm.xlane v11, v7  }
0x2e4: {  	s6 =	simm.s32 $0x4;
	v23 =	vld [tilespmem:s1+$0xFFFFFFB0];
	[tilespmem:s0+$0xFFFFFEF0] =	vst v55;
	v29 =	vperm.xlane v15, v9;
	v31 =	vperm.xlane v15, v6  }
0x2e5: {  	s7 =	simm.s32 $0x1C060;
	s3 =	simm.s32 $0x1E060;
	s8 =	simm.s32 $0x1F190;
	v21 =	vor.u32 v1, v53;
	v28 =	vld [tilespmem:s1+$0xFFFFFF80];
	[tilespmem:s0+$0xFFFFFF10] =	vst v54;
	v44 =	vmul.f32 v17, v63;
	v17 =	vperm.xlane v15, v8  }
.LBB2_5:
0x2e6: {  	s15 =	sadd.s32 $0x2, s6  }
0x2e7: {  	v45 =	vld [tilespmem:s3+$0xFFFFFFE0];
	s9 =	sadd.s32 $0x3, s6;
	v46 =	vperm.xlane v15, v10;
	[tilespmem:s0+$0x98] =	vst v44;
	v44 =	vperm.xlane v11, v5;
	s26 =	smov.u32 s6;
	s14 =	sadd.s32 $0x4, s6  }
0x2e8: {  	p1 =	slt.u32 s6, $0x10;
	v47 =	vld [tilespmem:s7+$0xFFFFFFF0];
	v48 =	vmov s15;
	v49 =	vmov s9;
	[tilespmem:v34+s19+$0x0] =	vst.idx.msk $0xff, v24;
	v24 =	vperm.xlane v15, v7  }
0x2e9: {  	s6 =	sadd.s32 $0x1, s26;
	v34 =	vld [tilespmem:s7+$0xFFFFFF60];
	v48 =	vmul.u32 $0x88, v48;
	v49 =	vmul.u32 $0x88, v49;
	v27 =	vmul.f32 v42, v27;
	[tilespmem:s0+$0xFFFFFFD8] =	vst v39  }
0x2ea: {  	v42 =	vmov s6;
	v39 =	vld [tilespmem:s3+$0xFFFFFFF0];
	[tilespmem:s0+$0xFFFFFF50] =	vst v37;
	v37 =	vmul.f32 v38, v46;
	v38 =	vmul.f32 v41, v40  }
0x2eb: {  	v40 =	vld [tilespmem:s3+$0x0];
	v41 =	vadd.s32 $0x80, v48;
	v46 =	vadd.s32 $0x80, v49;
	v43 =	vmul.f32 v43, v22;
	[tilespmem:s0+$0xFFFFFF78] =	vst v27  }
0x2ec: {  	v42 =	vmul.u32 $0x88, v42;
	v48 =	vperm.xlane v15, v3;
	v27 =	vperm.xlane v45, v2;
	v45 =	vld [tilespmem:s3+$0x10];
	[tilespmem:s0+$0xF8] =	vst v38  }
0x2ed: {  	v28 =	vmul.f32 v28, v36;
	v22 =	vbroadcast v46, $0x0;
	v38 =	vld [tilespmem:s7+$0x80];
	[tilespmem:s0+$0xFFFFFFA8] =	vst v30  }
0x2ee: {  	v25 =	vmul.f32 v32, v25;
	v19 =	vmul.f32 v23, v19;
	v27 =	vadd.f32 v27, v34;
	[tilespmem:s0+$0xFFFFFFE8] =	vst v35;
	v23 =	vld [tilespmem:s1+$0xF0]  }
0x2ef: {  	v16 =	vmul.f32 v20, v16;
	v32 =	vadd.s32 $0x80, v42;
	v30 =	vperm.xlane v39, v2;
	v34 =	vld [tilespmem:s7+$0x110];
	[tilespmem:v21+s19+$0x0] =	vst.idx.msk $0xff, v15  }
0x2f0: {  	v21 =	vperm.xlane v15, v5;
	v20 =	vmul.f32 $2.000000030e-01, v27;
	[tilespmem:s0+$0xFFFFFF60] =	vst v25;
	v25 =	vld [tilespmem:s1+$0x40]  }
0x2f1: {  	v14 =	vmul.f32 v14, v29;
	vm0 =	vge.f32 v27, $0.0e+00;
	v30 =	vadd.f32 v30, v47;
	[tilespmem:s0+$0xFFFFFF40] =	vst v43;
	v35 =	vld [tilespmem:s1+$0xFFFFFFC0]  }
0x2f2: {  	v13 =	vmul.f32 v13, v31;
	v20 =	vsel vm0, v27, v20;
	v27 =	vperm.xlane v45, v2;
	[tilespmem:s0+$0xFFFFFFB8] =	vst v19  }
0x2f3: {  	v19 =	vmul.f32 $1.442695020e+00, v20;
	vm0 =	vge.f32 v30, $0.0e+00;
	[tilespmem:s0+$0x60] =	vst v14;
	v14 =	vmul.f32 v23, v33  }
0x2f4: {  	v12 =	vmul.f32 v12, v26;
	v20 =	vbroadcast v32, $0x0;
	v23 =	vadd.f32 v27, v34;
	[tilespmem:s0+$0x30] =	vst v13  }
0x2f5: {  	(erf) = vpow2.f32 v19;
	[tilespmem:s0+$0xFFFFFF98] =	vst v16;
	v13 =	vmul.f32 v25, v24;
	v16 =	vld [tilespmem:s1+$0xC0]  }
0x2f6: {  	v19 =	vmul.f32 $2.000000030e-01, v23;
	v18 =	vmul.f32 v35, v18;
	v24 =	vld [tilespmem:s1+$0xB0];
	[tilespmem:s0+$0xC8] =	vst v12  }
0x2f7: {  	v15 =	vperm.xlane v15, v4;
	v12 =	vperm.xlane v40, v2;
	vm1 =	vge.f32 v23, $0.0e+00;
	v25 =	vld [tilespmem:s1+$0x10];
	[tilespmem:s0+$0xE8] =	vst v14  }
0x2f8: {  	v14 =	vmul.f32 $2.000000030e-01, v30;
	v19 =	vsel vm1, v23, v19;
	[tilespmem:s0+$0xFFFFFFC8] =	vst v18;
	v18 =	vld [tilespmem:s1+$0x50];
	v23 =	vperm.xlane v11, v6  }
0x2f9: {  	v12 =	vadd.f32 v12, v38;
	v19 =	vmul.f32 $1.442695020e+00, v19;
	v26 =	vld [tilespmem:s1+$0x20];
	[tilespmem:s0+$0x40] =	vst v13;
	v13 =	vperm.xlane v11, v8  }
0x2fa: {  	v14 =	vsel vm0, v30, v14;
	v11 =	vperm.xlane v11, v3;
	[tilespmem:s0+$0xFFFFFF88] =	vst v28;
	v27 =	vld [tilespmem:s1+$0x0];
	v16 =	vmul.f32 v16, v23  }
0x2fb: {  	v14 =	vmul.f32 $1.442695020e+00, v14;
	vm0 =	vge.f32 v12, $0.0e+00;
	v23 =	vmul.f32 v24, v44;
	v24 =	vld [tilespmem:s1+$0xE0]  }
0x2fc: {  	v28 =	vmul.f32 $2.000000030e-01, v12;
	v15 =	vmul.f32 v25, v15;
	v25 =	vld [tilespmem:s1+$0x90];
	[tilespmem:s0+$0xB8] =	vst v16;
	s1 =	smov.u32 s7  }
0x2fd: {  	(erf) = vpow2.f32 v14;
	v14 =	vmul.f32 v18, v17;
	[tilespmem:s0+$0xA8] =	vst v23  }
0x2fe: {  	v12 =	vsel vm0, v12, v28;
	v17 =	vbroadcast v41, $0x0;
	v16 =	vld [tilespmem:s7+$0xFFFFFF00];
	v18 =	vpop (erf);
	[tilespmem:s0+$0x10] =	vst v15;
	v15 =	vmul.f32 v26, v21  }
0x2ff: {  	v23 =	vperm.xlane v18, v3;
	v21 =	vld [tilespmem:s7+$0xFFFFFF10];
	v26 =	vmul.f32 v27, v48;
	[tilespmem:s0+$0x50] =	vst v14  }
0x300: {  	v14 =	vperm.xlane v18, v5;
	v27 =	vld [tilespmem:s7+$0xFFFFFEF0];
	[tilespmem:s0+$0x70] =	vst v37;
	v13 =	vmul.f32 v24, v13  }
0x301: {  	v28 =	vperm.xlane v18, v6;
	v24 =	vld [tilespmem:s7+$0xFFFFFEE0];
	(erf) = vpow2.f32 v19;
	[tilespmem:s0+$0x20] =	vst v15  }
0x302: {  	v15 =	vmov s26;
	v19 =	vmul.f32 $1.442695020e+00, v12;
	v11 =	vmul.f32 v25, v11;
	[tilespmem:s0+$0xD8] =	vst v13  }
0x303: {  	v34 =	vor.u32 v1, v20;
	v25 =	vperm.xlane v18, v4;
	v33 =	vmul.f32 v16, v14;
	v12 =	vld [tilespmem:s7+$0xD0];
	[tilespmem:s0+$0x0] =	vst v26  }
0x304: {  	v15 =	vmul.u32 $0x88, v15;
	v26 =	vmul.f32 v21, v28;
	v13 =	vld [tilespmem:s7+$0x30];
	(erf) = vpow2.f32 v19;
	[tilespmem:s0+$0x88] =	vst v11;
	s0 =	smov.u32 s8  }
0x305: {  	v21 =	vor.u32 v1, v17;
	v14 =	vld [tilespmem:s7+$0x60]  }
0x306: {  	v11 =	vadd.s32 $0x80, v15;
	v31 =	vmul.f32 v27, v25;
	v17 =	vmul.f32 v24, v23;
	v15 =	vld [tilespmem:s7+$0xFFFFFFA0];
	v24 =	vpop (erf)  }
0x307: {  	v29 =	vor.u32 v1, v22;
	v20 =	vbroadcast v11, $0x0;
	v16 =	vperm.xlane v24, v5;
	v28 =	vld [tilespmem:s7+$0xFFFFFFD0]  }
0x308: {  	v27 =	vperm.xlane v24, v3;
	v19 =	vperm.xlane v24, v7;
	v30 =	vld [tilespmem:s7+$0xFFFFFF40]  }
0x309: {  	v35 =	vperm.xlane v18, v7;
	v32 =	vor.u32 v1, v20;
	v37 =	vperm.xlane v24, v9;
	v36 =	vld [tilespmem:s7+$0xFFFFFF20]  }
0x30a: {  	v22 =	vperm.xlane v18, v8;
	v38 =	vperm.xlane v24, v10;
	v40 =	vld [tilespmem:s7+$0xFFFFFFE0];
	v11 =	vpop (erf)  }
0x30b: {  	v41 =	vperm.xlane v18, v9;
	v42 =	vperm.xlane v24, v6;
	v20 =	vld [tilespmem:s7+$0xFFFFFF90]  }
0x30c: {  	v25 =	vperm.xlane v18, v10;
	v23 =	vld [tilespmem:s7+$0xFFFFFFB0];
	v39 =	vmul.f32 v28, v37  }
0x30d: {  	v37 =	vmul.f32 v30, v41;
	v30 =	vmul.f32 v15, v42;
	[tilespmem:v29+s19+$0x0] =	vst.idx.msk $0xff, v11;
	v43 =	vld [tilespmem:s7+$0xA0];
	v15 =	vpop (erf)  }
0x30e: {  	[tilespmem:v32+s19+$0x0] =	vst.idx.msk $0xff, v18;
	v29 =	vmul.f32 v36, v35;
	v32 =	vld [tilespmem:s7+$0xFFFFFF50];
	v18 =	vperm.xlane v24, v8  }
.Ltmp1:
0x30f: {  	[tilespmem:s8+$0xFFFFFF20] =	vst v26;
	v28 =	vld [tilespmem:s7+$0xFFFFFF80];
	v35 =	vmul.f32 v40, v38;
	v40 =	vperm.xlane v11, v10;
	(pc) =	sbr.rel @p1 .LBB2_5-.Ltmp1, $4  }
0x310: {  	v44 =	vperm.xlane v11, v4;
	[tilespmem:s8+$0xFFFFFF30] =	vst v29;
	v29 =	vperm.xlane v15, v9;
	v41 =	vld [tilespmem:s7+$0x100]  }
0x311: {  	v26 =	vperm.xlane v11, v7;
	[tilespmem:s8+$0xFFFFFF00] =	vst v31;
	v42 =	vld [tilespmem:s7+$0xFFFFFF70];
	v31 =	vperm.xlane v15, v6  }
0x312: {  	s6 =	smov.u32 s14;
	v36 =	vperm.xlane v24, v4;
	[tilespmem:s8+$0xFFFFFEF0] =	vst v17;
	v38 =	vld [tilespmem:s7+$0x70];
	v44 =	vmul.f32 v43, v44  }
0x313: {  	s3 =	sadd.s32 $0x40, s3;
	v17 =	vperm.xlane v15, v8;
	s7 =	sadd.s32 $0x240, s7;
	s8 =	sadd.s32 $0x220, s8;
	[tilespmem:s0+$0xFFFFFF10] =	vst v33;
	v43 =	vld [tilespmem:s1+$0xFFFFFF30];
	v33 =	vperm.xlane v11, v9  }
0x314: {  	_ =	sdelay $0x2  }
0x315: {  	[tilespmem:s0+$0x98] =	vst v44  }
0x316: {  	[tilespmem:v34+s19+$0x0] =	vst.idx.msk $0xff, v24  }
0x317: {  	[tilespmem:s0+$0xFFFFFF50] =	vst v37  }
0x318: {  	[tilespmem:v21+s19+$0x0] =	vst.idx.msk $0xff, v15  }
0x319: {  	[tilespmem:s0+$0xFFFFFFD8] =	vst v39  }
0x31a: {  	v19 =	vmul.f32 v23, v19;
	[tilespmem:s0+$0xFFFFFFA8] =	vst v30  }
0x31b: {  	v14 =	vmul.f32 v14, v29;
	[tilespmem:s0+$0xFFFFFFE8] =	vst v35  }
0x31c: {  	v13 =	vmul.f32 v13, v31;
	[tilespmem:s0+$0xFFFFFFB8] =	vst v19  }
0x31d: {  	v21 =	vld [tilespmem:s1+$0xF0];
	v16 =	vmul.f32 v20, v16;
	[tilespmem:s0+$0x60] =	vst v14  }
0x31e: {  	v23 =	vld [tilespmem:s1+$0x40];
	v12 =	vmul.f32 v12, v26;
	[tilespmem:s0+$0x30] =	vst v13  }
0x31f: {  	v13 =	vld [tilespmem:s1+$0xC0];
	[tilespmem:s0+$0xFFFFFF98] =	vst v16;
	v22 =	vmul.f32 v43, v22  }
0x320: {  	v24 =	vmul.f32 v42, v27;
	v16 =	vld [tilespmem:s1+$0xB0];
	[tilespmem:s0+$0xC8] =	vst v12  }
0x321: {  	v27 =	vmul.f32 v41, v40;
	v14 =	vperm.xlane v15, v7;
	[tilespmem:s0+$0xFFFFFF40] =	vst v22;
	v22 =	vld [tilespmem:s1+$0xFFFFFFC0]  }
0x322: {  	v20 =	vperm.xlane v11, v6;
	[tilespmem:s0+$0xFFFFFF78] =	vst v24;
	v19 =	vmul.f32 v21, v33  }
0x323: {  	[tilespmem:s0+$0xF8] =	vst v27;
	v14 =	vmul.f32 v23, v14;
	v21 =	vperm.xlane v11, v5  }
0x324: {  	v12 =	vld [tilespmem:s1+$0x10];
	[tilespmem:s0+$0xE8] =	vst v19;
	v13 =	vmul.f32 v13, v20  }
0x325: {  	v23 =	vld [tilespmem:s1+$0x20];
	[tilespmem:s0+$0x40] =	vst v14;
	v14 =	vmul.f32 v16, v21  }
0x326: {  	v19 =	vld [tilespmem:s1+$0x50];
	v20 =	vperm.xlane v15, v10;
	[tilespmem:s0+$0xB8] =	vst v13;
	v18 =	vmul.f32 v22, v18  }
0x327: {  	v24 =	vmul.f32 v32, v25;
	v13 =	vperm.xlane v15, v5;
	[tilespmem:s0+$0xA8] =	vst v14  }
0x328: {  	v16 =	vld [tilespmem:s1+$0xE0];
	v14 =	vmul.f32 v38, v20;
	[tilespmem:s0+$0xFFFFFFC8] =	vst v18;
	v18 =	vperm.xlane v15, v4  }
0x329: {  	[tilespmem:s0+$0xFFFFFF60] =	vst v24;
	v21 =	vld [tilespmem:s1+$0x0];
	v22 =	vmul.f32 v28, v36  }
0x32a: {  	v13 =	vmul.f32 v23, v13;
	[tilespmem:s0+$0x70] =	vst v14;
	v12 =	vmul.f32 v12, v18;
	v18 =	vld [tilespmem:s1+$0x90]  }
0x32b: {  	v17 =	vmul.f32 v19, v17;
	v19 =	vperm.xlane v11, v8;
	[tilespmem:s0+$0xFFFFFF88] =	vst v22  }
0x32c: {  	[tilespmem:s0+$0x10] =	vst v12;
	v12 =	vperm.xlane v15, v3  }
0x32d: {  	v11 =	vperm.xlane v11, v3;
	[tilespmem:s0+$0x20] =	vst v13;
	v14 =	vmul.f32 v16, v19  }
0x32e: {  	[tilespmem:s0+$0x50] =	vst v17;
	v12 =	vmul.f32 v21, v12  }
0x32f: {  	[tilespmem:s0+$0xD8] =	vst v14;
	v11 =	vmul.f32 v18, v11  }
0x330: {  	[tilespmem:s0+$0x0] =	vst v12  }
0x331: {  	s7 =	sadd.s32 $0x182F8, s31;
	[tilespmem:s0+$0x88] =	vst v11  }
0x332: {  	[spmem:s2] =	stream.indirect.scatter.add.f32 [tilespmem:s19], [sflag:$0xA], $0x88, s7, s11, $0xb8;
	[tilespmem:$0x1FD40] =	vst v63  }
0x333: {  	_ =	swait.ge [sflag:s20], $0xB40  }
0x334: {  	[sflag:s20] =	ssyncset.done $0x0  }
0x335: {  	[sflag:s20] =	ssyncadd.s32 $0xFFFFF4C0  }
0x336: {  	_ =	swait.ge [sflag:s21], $0x140  }
0x337: {  	s3 =	simm.s32 @!p0 $0x1BD00;
	[sflag:s21] =	ssyncset.done $0x0  }
0x338: {  	s1 =	simm.s32 @!p0 $0x14;
	s0 =	sadd.s32 @!p0 $0x15478, s30;
	[sflag:s21] =	ssyncadd.s32 $0xFFFFFEC0  }
0x339: {  	[tilespmem:s3], [sflag:$0x2] =	stream.indirect.gather @!p0 [hbm4b:s4+s1], $0x90, s0, s1, $0xb8;
	[tilespmem:$0x1FD40] =	vst v63  }
0x33a: {  	s0 =	sadd.s32 @!p0 $0x18358, s30;
	s3 =	simm.s32 @!p0 $0x1E000  }
0x33b: {  	[tilespmem:s3], [sflag:$0x6] =	stream.indirect.gather @!p0 [hbm4b:s5+s1], $0x10, s0, s1, $0xb8;
	[tilespmem:$0x1FD40] =	vst v63  }
0x33c: {  	_ =	swait.ge [sflag:s22], $0xAA0  }
0x33d: {  	[sflag:s22] =	ssyncset.done $0x0  }
0x33e: {  	s8 =	simm.s32 $0x1E160;
	[sflag:s22] =	ssyncadd.s32 $0xFFFFF560  }
0x33f: {  	v11 =	vld [tilespmem:s8+$0xFFFFFFE0]  }
0x340: {  	s1 =	simm.s32 $0x1C960  }
0x341: {  	v12 =	vld [tilespmem:s1+$0xFFFFFF60];
	_ =	sdelay $0x2  }
0x342: {  	v13 =	vld [tilespmem:s8+$0xFFFFFFF0];
	v11 =	vperm.xlane v11, v2;
	_ =	sdelay $0x1  }
0x343: {  	v11 =	vadd.f32 v11, v12;
	v12 =	vld [tilespmem:s1+$0xFFFFFFF0]  }
0x344: {  	v15 =	vld [tilespmem:s8+$0x10]  }
0x345: {  	v14 =	vmul.f32 $2.000000030e-01, v11  }
0x346: {  	v13 =	vperm.xlane v13, v2;
	vm0 =	vge.f32 v11, $0.0e+00  }
0x347: {  	v11 =	vsel vm0, v11, v14;
	v14 =	vld [tilespmem:s1+$0x110]  }
0x348: {  	v11 =	vmul.f32 $1.442695020e+00, v11;
	v12 =	vadd.f32 v13, v12  }
0x349: {  	s9 =	simm.s32 $0x3;
	v15 =	vperm.xlane v15, v2;
	v13 =	vld [tilespmem:s8+$0x0]  }
0x34a: {  	v16 =	vmov s9;
	(erf) = vpow2.f32 v11;
	v11 =	vmul.f32 $2.000000030e-01, v12  }
0x34b: {  	s15 =	simm.s32 $0x1;
	v16 =	vmul.u32 $0x88, v16;
	v17 =	vld [tilespmem:s1+$0x80];
	vm13 =	vge.f32 v12, $0.0e+00  }
0x34c: {  	s14 =	simm.s32 $0x2;
	v11 =	vsel vm13, v12, v11;
	v12 =	vmov s15;
	v14 =	vadd.f32 v15, v14  }
0x34d: {  	v18 =	vmov s14;
	v11 =	vmul.f32 $1.442695020e+00, v11;
	v12 =	vmul.u32 $0x88, v12  }
0x34e: {  	v15 =	vmul.u32 $0x88, v18;
	v13 =	vperm.xlane v13, v2;
	v18 =	vmul.f32 $2.000000030e-01, v14  }
0x34f: {  	vm14 =	vge.f32 v14, $0.0e+00;
	(erf) = vpow2.f32 v11;
	v11 =	vadd.s32 $0x80, v12  }
0x350: {  	v12 =	vadd.f32 v13, v17;
	v21 =	vbroadcast v11, $0x0;
	v11 =	vsel vm14, v14, v18  }
0x351: {  	v16 =	vadd.s32 $0x80, v16;
	v19 =	vld [tilespmem:s1+$0xFFFFFEF0];
	v11 =	vmul.f32 $1.442695020e+00, v11  }
0x352: {  	v15 =	vadd.s32 $0x80, v15;
	v13 =	vld [tilespmem:s1+$0xFFFFFF00];
	v17 =	vbroadcast v16, $0x0;
	v16 =	vmul.f32 $2.000000030e-01, v12  }
0x353: {  	v53 =	vbroadcast v15, $0x0;
	v14 =	vld [tilespmem:s1+$0xFFFFFF10];
	vm15 =	vge.f32 v12, $0.0e+00;
	v18 =	vpop (erf);
	(erf) = vpow2.f32 v11  }
0x354: {  	s26 =	simm.s32 $0x0;
	v20 =	vld [tilespmem:s1+$0xFFFFFEE0];
	v12 =	vsel vm15, v12, v16;
	v15 =	vperm.xlane v18, v3;
	v16 =	vperm.xlane v18, v5  }
0x355: {  	v28 =	vld [tilespmem:s1+$0xFFFFFFD0];
	v11 =	vmov s26;
	v22 =	vperm.xlane v18, v6;
	v23 =	vmul.f32 $1.442695020e+00, v12  }
0x356: {  	v29 =	vld [tilespmem:s1+$0xFFFFFF40];
	v24 =	vperm.xlane v18, v4;
	v11 =	vmul.u32 $0x88, v11;
	v57 =	vperm.xlane v18, v7  }
0x357: {  	v58 =	vld [tilespmem:s1+$0xFFFFFF20];
	v61 =	vperm.xlane v18, v9;
	v25 =	vperm.xlane v18, v10  }
0x358: {  	v60 =	vld [tilespmem:s1+$0xFFFFFFE0];
	v54 =	vmul.f32 v13, v16;
	v26 =	vmul.f32 v14, v22;
	v11 =	vadd.s32 $0x80, v11  }
0x359: {  	v32 =	vld [tilespmem:s1+$0xFFFFFF50];
	(erf) = vpow2.f32 v23;
	v11 =	vbroadcast v11, $0x0  }
0x35a: {  	v41 =	vld [tilespmem:s1+$0x100];
	v17 =	vor.u32 v1, v17;
	v55 =	vmul.f32 v20, v15;
	v31 =	vmul.f32 v19, v24  }
0x35b: {  	v15 =	vld [tilespmem:s1+$0xFFFFFFA0];
	v22 =	vperm.xlane v18, v8;
	v37 =	vmul.f32 v29, v61;
	v24 =	vpop (erf);
	v56 =	vor.u32 v1, v11  }
0x35c: {  	v42 =	vld [tilespmem:s1+$0xFFFFFF70];
	v29 =	vmul.f32 v58, v57;
	v16 =	vperm.xlane v24, v5  }
0x35d: {  	v38 =	vld [tilespmem:s1+$0x70];
	v27 =	vperm.xlane v24, v3;
	v19 =	vperm.xlane v24, v7  }
0x35e: {  	v43 =	vld [tilespmem:s1+$0xFFFFFF30];
	v30 =	vperm.xlane v24, v9;
	v62 =	vperm.xlane v24, v6;
	v11 =	vpop (erf)  }
0x35f: {  	v12 =	vld [tilespmem:s1+$0xD0];
	v59 =	vperm.xlane v24, v10;
	v36 =	vperm.xlane v24, v4;
	[tilespmem:v17+s16+$0x0] =	vst.idx.msk $0xff, v11  }
0x360: {  	s0 =	simm.s32 $0x1E4D0;
	v39 =	vmul.f32 v28, v30;
	v30 =	vmul.f32 v15, v62;
	v17 =	vld [tilespmem:s1+$0xA0];
	[tilespmem:v56+s16+$0x0] =	vst.idx.msk $0xff, v18  }
0x361: {  	v13 =	vld [tilespmem:s1+$0x30];
	v35 =	vmul.f32 v60, v59;
	v40 =	vperm.xlane v11, v10;
	[tilespmem:s0+$0xFFFFFF20] =	vst v26  }
0x362: {  	v14 =	vld [tilespmem:s1+$0x60];
	v63 =	vperm.xlane v11, v4;
	v33 =	vperm.xlane v11, v9;
	[tilespmem:s0+$0xFFFFFF30] =	vst v29  }
0x363: {  	v34 =	vor.u32 v1, v21;
	v20 =	vld [tilespmem:s1+$0xFFFFFF90];
	v18 =	vperm.xlane v24, v8;
	v15 =	vpop (erf);
	[tilespmem:s0+$0xFFFFFF00] =	vst v31;
	v26 =	vperm.xlane v11, v7  }
0x364: {  	s14 =	simm.s32 $0x4;
	v23 =	vld [tilespmem:s1+$0xFFFFFFB0];
	[tilespmem:s0+$0xFFFFFEF0] =	vst v55;
	v29 =	vperm.xlane v15, v9;
	v31 =	vperm.xlane v15, v6  }
0x365: {  	s7 =	simm.s32 $0x1CBA0;
	s3 =	simm.s32 $0x1E1A0;
	s8 =	simm.s32 $0x1E6F0;
	v21 =	vor.u32 v1, v53;
	v28 =	vld [tilespmem:s1+$0xFFFFFF80];
	[tilespmem:s0+$0xFFFFFF10] =	vst v54;
	v44 =	vmul.f32 v17, v63;
	v17 =	vperm.xlane v15, v8  }
.LBB2_7:
0x366: {  	s9 =	sadd.s32 $0x2, s14  }
0x367: {  	v45 =	vld [tilespmem:s3+$0xFFFFFFE0];
	s15 =	sadd.s32 $0x3, s14;
	v46 =	vperm.xlane v15, v10;
	[tilespmem:s0+$0x98] =	vst v44;
	v44 =	vperm.xlane v11, v5;
	s26 =	smov.u32 s14;
	s6 =	sadd.s32 $0x4, s14  }
0x368: {  	p1 =	slt.u32 s14, $0x10;
	v47 =	vld [tilespmem:s7+$0xFFFFFFF0];
	v48 =	vmov s9;
	v49 =	vmov s15;
	[tilespmem:v34+s16+$0x0] =	vst.idx.msk $0xff, v24;
	v24 =	vperm.xlane v15, v7  }
0x369: {  	s9 =	sadd.s32 $0x1, s26;
	v34 =	vld [tilespmem:s7+$0xFFFFFF60];
	v48 =	vmul.u32 $0x88, v48;
	v49 =	vmul.u32 $0x88, v49;
	v27 =	vmul.f32 v42, v27;
	[tilespmem:s0+$0xFFFFFFD8] =	vst v39  }
0x36a: {  	v42 =	vmov s9;
	v39 =	vld [tilespmem:s3+$0xFFFFFFF0];
	[tilespmem:s0+$0xFFFFFF50] =	vst v37;
	v37 =	vmul.f32 v38, v46;
	v38 =	vmul.f32 v41, v40  }
0x36b: {  	v40 =	vld [tilespmem:s3+$0x0];
	v41 =	vadd.s32 $0x80, v48;
	v46 =	vadd.s32 $0x80, v49;
	v43 =	vmul.f32 v43, v22;
	[tilespmem:s0+$0xFFFFFF78] =	vst v27  }
0x36c: {  	v42 =	vmul.u32 $0x88, v42;
	v48 =	vperm.xlane v15, v3;
	v27 =	vperm.xlane v45, v2;
	v45 =	vld [tilespmem:s3+$0x10];
	[tilespmem:s0+$0xF8] =	vst v38  }
0x36d: {  	v28 =	vmul.f32 v28, v36;
	v22 =	vbroadcast v46, $0x0;
	v38 =	vld [tilespmem:s7+$0x80];
	[tilespmem:s0+$0xFFFFFFA8] =	vst v30  }
0x36e: {  	v25 =	vmul.f32 v32, v25;
	v19 =	vmul.f32 v23, v19;
	v27 =	vadd.f32 v27, v34;
	[tilespmem:s0+$0xFFFFFFE8] =	vst v35;
	v23 =	vld [tilespmem:s1+$0xF0]  }
0x36f: {  	v16 =	vmul.f32 v20, v16;
	v32 =	vadd.s32 $0x80, v42;
	v30 =	vperm.xlane v39, v2;
	v34 =	vld [tilespmem:s7+$0x110];
	[tilespmem:v21+s16+$0x0] =	vst.idx.msk $0xff, v15  }
0x370: {  	v21 =	vperm.xlane v15, v5;
	v20 =	vmul.f32 $2.000000030e-01, v27;
	[tilespmem:s0+$0xFFFFFF60] =	vst v25;
	v25 =	vld [tilespmem:s1+$0x40]  }
0x371: {  	v14 =	vmul.f32 v14, v29;
	vm0 =	vge.f32 v27, $0.0e+00;
	v30 =	vadd.f32 v30, v47;
	[tilespmem:s0+$0xFFFFFF40] =	vst v43;
	v35 =	vld [tilespmem:s1+$0xFFFFFFC0]  }
0x372: {  	v13 =	vmul.f32 v13, v31;
	v20 =	vsel vm0, v27, v20;
	v27 =	vperm.xlane v45, v2;
	[tilespmem:s0+$0xFFFFFFB8] =	vst v19  }
0x373: {  	v19 =	vmul.f32 $1.442695020e+00, v20;
	vm0 =	vge.f32 v30, $0.0e+00;
	[tilespmem:s0+$0x60] =	vst v14;
	v14 =	vmul.f32 v23, v33  }
0x374: {  	v12 =	vmul.f32 v12, v26;
	v20 =	vbroadcast v32, $0x0;
	v23 =	vadd.f32 v27, v34;
	[tilespmem:s0+$0x30] =	vst v13  }
0x375: {  	(erf) = vpow2.f32 v19;
	[tilespmem:s0+$0xFFFFFF98] =	vst v16;
	v13 =	vmul.f32 v25, v24;
	v16 =	vld [tilespmem:s1+$0xC0]  }
0x376: {  	v19 =	vmul.f32 $2.000000030e-01, v23;
	v18 =	vmul.f32 v35, v18;
	v24 =	vld [tilespmem:s1+$0xB0];
	[tilespmem:s0+$0xC8] =	vst v12  }
0x377: {  	v15 =	vperm.xlane v15, v4;
	v12 =	vperm.xlane v40, v2;
	vm1 =	vge.f32 v23, $0.0e+00;
	v25 =	vld [tilespmem:s1+$0x10];
	[tilespmem:s0+$0xE8] =	vst v14  }
0x378: {  	v14 =	vmul.f32 $2.000000030e-01, v30;
	v19 =	vsel vm1, v23, v19;
	[tilespmem:s0+$0xFFFFFFC8] =	vst v18;
	v18 =	vld [tilespmem:s1+$0x50];
	v23 =	vperm.xlane v11, v6  }
0x379: {  	v12 =	vadd.f32 v12, v38;
	v19 =	vmul.f32 $1.442695020e+00, v19;
	v26 =	vld [tilespmem:s1+$0x20];
	[tilespmem:s0+$0x40] =	vst v13;
	v13 =	vperm.xlane v11, v8  }
0x37a: {  	v14 =	vsel vm0, v30, v14;
	v11 =	vperm.xlane v11, v3;
	[tilespmem:s0+$0xFFFFFF88] =	vst v28;
	v27 =	vld [tilespmem:s1+$0x0];
	v16 =	vmul.f32 v16, v23  }
0x37b: {  	v14 =	vmul.f32 $1.442695020e+00, v14;
	vm0 =	vge.f32 v12, $0.0e+00;
	v23 =	vmul.f32 v24, v44;
	v24 =	vld [tilespmem:s1+$0xE0]  }
0x37c: {  	v28 =	vmul.f32 $2.000000030e-01, v12;
	v15 =	vmul.f32 v25, v15;
	v25 =	vld [tilespmem:s1+$0x90];
	[tilespmem:s0+$0xB8] =	vst v16;
	s1 =	smov.u32 s7  }
0x37d: {  	(erf) = vpow2.f32 v14;
	v14 =	vmul.f32 v18, v17;
	[tilespmem:s0+$0xA8] =	vst v23  }
0x37e: {  	v12 =	vsel vm0, v12, v28;
	v17 =	vbroadcast v41, $0x0;
	v16 =	vld [tilespmem:s7+$0xFFFFFF00];
	v18 =	vpop (erf);
	[tilespmem:s0+$0x10] =	vst v15;
	v15 =	vmul.f32 v26, v21  }
0x37f: {  	v23 =	vperm.xlane v18, v3;
	v21 =	vld [tilespmem:s7+$0xFFFFFF10];
	v26 =	vmul.f32 v27, v48;
	[tilespmem:s0+$0x50] =	vst v14  }
0x380: {  	v14 =	vperm.xlane v18, v5;
	v27 =	vld [tilespmem:s7+$0xFFFFFEF0];
	[tilespmem:s0+$0x70] =	vst v37;
	v13 =	vmul.f32 v24, v13  }
0x381: {  	v28 =	vperm.xlane v18, v6;
	v24 =	vld [tilespmem:s7+$0xFFFFFEE0];
	(erf) = vpow2.f32 v19;
	[tilespmem:s0+$0x20] =	vst v15  }
0x382: {  	v15 =	vmov s26;
	v19 =	vmul.f32 $1.442695020e+00, v12;
	v11 =	vmul.f32 v25, v11;
	[tilespmem:s0+$0xD8] =	vst v13  }
0x383: {  	v34 =	vor.u32 v1, v20;
	v25 =	vperm.xlane v18, v4;
	v33 =	vmul.f32 v16, v14;
	v12 =	vld [tilespmem:s7+$0xD0];
	[tilespmem:s0+$0x0] =	vst v26  }
0x384: {  	v15 =	vmul.u32 $0x88, v15;
	v26 =	vmul.f32 v21, v28;
	v13 =	vld [tilespmem:s7+$0x30];
	(erf) = vpow2.f32 v19;
	[tilespmem:s0+$0x88] =	vst v11;
	s0 =	smov.u32 s8  }
0x385: {  	v21 =	vor.u32 v1, v17;
	v14 =	vld [tilespmem:s7+$0x60]  }
0x386: {  	v11 =	vadd.s32 $0x80, v15;
	v31 =	vmul.f32 v27, v25;
	v17 =	vmul.f32 v24, v23;
	v15 =	vld [tilespmem:s7+$0xFFFFFFA0];
	v24 =	vpop (erf)  }
0x387: {  	v29 =	vor.u32 v1, v22;
	v20 =	vbroadcast v11, $0x0;
	v16 =	vperm.xlane v24, v5;
	v28 =	vld [tilespmem:s7+$0xFFFFFFD0]  }
0x388: {  	v27 =	vperm.xlane v24, v3;
	v19 =	vperm.xlane v24, v7;
	v30 =	vld [tilespmem:s7+$0xFFFFFF40]  }
0x389: {  	v35 =	vperm.xlane v18, v7;
	v32 =	vor.u32 v1, v20;
	v37 =	vperm.xlane v24, v9;
	v36 =	vld [tilespmem:s7+$0xFFFFFF20]  }
0x38a: {  	v22 =	vperm.xlane v18, v8;
	v38 =	vperm.xlane v24, v10;
	v40 =	vld [tilespmem:s7+$0xFFFFFFE0];
	v11 =	vpop (erf)  }
0x38b: {  	v41 =	vperm.xlane v18, v9;
	v42 =	vperm.xlane v24, v6;
	v20 =	vld [tilespmem:s7+$0xFFFFFF90]  }
0x38c: {  	v25 =	vperm.xlane v18, v10;
	v23 =	vld [tilespmem:s7+$0xFFFFFFB0];
	v39 =	vmul.f32 v28, v37  }
0x38d: {  	v37 =	vmul.f32 v30, v41;
	v30 =	vmul.f32 v15, v42;
	[tilespmem:v29+s16+$0x0] =	vst.idx.msk $0xff, v11;
	v43 =	vld [tilespmem:s7+$0xA0];
	v15 =	vpop (erf)  }
0x38e: {  	[tilespmem:v32+s16+$0x0] =	vst.idx.msk $0xff, v18;
	v29 =	vmul.f32 v36, v35;
	v32 =	vld [tilespmem:s7+$0xFFFFFF50];
	v18 =	vperm.xlane v24, v8  }
.Ltmp2:
0x38f: {  	[tilespmem:s8+$0xFFFFFF20] =	vst v26;
	v28 =	vld [tilespmem:s7+$0xFFFFFF80];
	v35 =	vmul.f32 v40, v38;
	v40 =	vperm.xlane v11, v10;
	(pc) =	sbr.rel @p1 .LBB2_7-.Ltmp2, $4  }
0x390: {  	v44 =	vperm.xlane v11, v4;
	[tilespmem:s8+$0xFFFFFF30] =	vst v29;
	v29 =	vperm.xlane v15, v9;
	v41 =	vld [tilespmem:s7+$0x100]  }
0x391: {  	v26 =	vperm.xlane v11, v7;
	[tilespmem:s8+$0xFFFFFF00] =	vst v31;
	v42 =	vld [tilespmem:s7+$0xFFFFFF70];
	v31 =	vperm.xlane v15, v6  }
0x392: {  	s14 =	smov.u32 s6;
	v36 =	vperm.xlane v24, v4;
	[tilespmem:s8+$0xFFFFFEF0] =	vst v17;
	v38 =	vld [tilespmem:s7+$0x70];
	v44 =	vmul.f32 v43, v44  }
0x393: {  	s3 =	sadd.s32 $0x40, s3;
	v17 =	vperm.xlane v15, v8;
	s7 =	sadd.s32 $0x240, s7;
	s8 =	sadd.s32 $0x220, s8;
	[tilespmem:s0+$0xFFFFFF10] =	vst v33;
	v43 =	vld [tilespmem:s1+$0xFFFFFF30];
	v33 =	vperm.xlane v11, v9  }
0x394: {  	_ =	sdelay $0x2  }
0x395: {  	[tilespmem:s0+$0x98] =	vst v44  }
0x396: {  	[tilespmem:v34+s16+$0x0] =	vst.idx.msk $0xff, v24  }
0x397: {  	[tilespmem:s0+$0xFFFFFF50] =	vst v37  }
0x398: {  	[tilespmem:v21+s16+$0x0] =	vst.idx.msk $0xff, v15  }
0x399: {  	[tilespmem:s0+$0xFFFFFFD8] =	vst v39  }
0x39a: {  	v19 =	vmul.f32 v23, v19;
	[tilespmem:s0+$0xFFFFFFA8] =	vst v30  }
0x39b: {  	v14 =	vmul.f32 v14, v29;
	[tilespmem:s0+$0xFFFFFFE8] =	vst v35  }
0x39c: {  	v13 =	vmul.f32 v13, v31;
	[tilespmem:s0+$0xFFFFFFB8] =	vst v19  }
0x39d: {  	v21 =	vld [tilespmem:s1+$0xF0];
	v16 =	vmul.f32 v20, v16;
	[tilespmem:s0+$0x60] =	vst v14  }
0x39e: {  	v23 =	vld [tilespmem:s1+$0x40];
	v12 =	vmul.f32 v12, v26;
	[tilespmem:s0+$0x30] =	vst v13  }
0x39f: {  	v13 =	vld [tilespmem:s1+$0xC0];
	[tilespmem:s0+$0xFFFFFF98] =	vst v16;
	v22 =	vmul.f32 v43, v22  }
0x3a0: {  	v24 =	vmul.f32 v42, v27;
	v16 =	vld [tilespmem:s1+$0xB0];
	[tilespmem:s0+$0xC8] =	vst v12  }
0x3a1: {  	v27 =	vmul.f32 v41, v40;
	v14 =	vperm.xlane v15, v7;
	[tilespmem:s0+$0xFFFFFF40] =	vst v22;
	v22 =	vld [tilespmem:s1+$0xFFFFFFC0]  }
0x3a2: {  	v20 =	vperm.xlane v11, v6;
	[tilespmem:s0+$0xFFFFFF78] =	vst v24;
	v19 =	vmul.f32 v21, v33  }
0x3a3: {  	[tilespmem:s0+$0xF8] =	vst v27;
	v14 =	vmul.f32 v23, v14;
	v21 =	vperm.xlane v11, v5  }
0x3a4: {  	v12 =	vld [tilespmem:s1+$0x10];
	[tilespmem:s0+$0xE8] =	vst v19;
	v13 =	vmul.f32 v13, v20  }
0x3a5: {  	v23 =	vld [tilespmem:s1+$0x20];
	[tilespmem:s0+$0x40] =	vst v14;
	v14 =	vmul.f32 v16, v21  }
0x3a6: {  	v19 =	vld [tilespmem:s1+$0x50];
	v20 =	vperm.xlane v15, v10;
	[tilespmem:s0+$0xB8] =	vst v13;
	v18 =	vmul.f32 v22, v18  }
0x3a7: {  	v24 =	vmul.f32 v32, v25;
	v13 =	vperm.xlane v15, v5;
	[tilespmem:s0+$0xA8] =	vst v14  }
0x3a8: {  	v16 =	vld [tilespmem:s1+$0xE0];
	v14 =	vmul.f32 v38, v20;
	[tilespmem:s0+$0xFFFFFFC8] =	vst v18;
	v18 =	vperm.xlane v15, v4  }
0x3a9: {  	[tilespmem:s0+$0xFFFFFF60] =	vst v24;
	v21 =	vld [tilespmem:s1+$0x0];
	v22 =	vmul.f32 v28, v36  }
0x3aa: {  	v13 =	vmul.f32 v23, v13;
	[tilespmem:s0+$0x70] =	vst v14;
	v12 =	vmul.f32 v12, v18;
	v18 =	vld [tilespmem:s1+$0x90]  }
0x3ab: {  	v17 =	vmul.f32 v19, v17;
	v19 =	vperm.xlane v11, v8;
	[tilespmem:s0+$0xFFFFFF88] =	vst v22  }
0x3ac: {  	[tilespmem:s0+$0x10] =	vst v12;
	v12 =	vperm.xlane v15, v3  }
0x3ad: {  	v11 =	vperm.xlane v11, v3;
	[tilespmem:s0+$0x20] =	vst v13;
	v14 =	vmul.f32 v16, v19  }
0x3ae: {  	[tilespmem:s0+$0x50] =	vst v17;
	v12 =	vmul.f32 v21, v12  }
0x3af: {  	[tilespmem:s0+$0xD8] =	vst v14;
	v11 =	vmul.f32 v18, v11  }
0x3b0: {  	[tilespmem:s0+$0x0] =	vst v12  }
0x3b1: {  	s8 =	sadd.s32 $0x18310, s31;
	[tilespmem:s0+$0x88] =	vst v11  }
0x3b2: {  	[spmem:s2] =	stream.indirect.scatter.add.f32 [tilespmem:s16], [sflag:$0x9], $0x88, s8, s11, $0xb8;
	[tilespmem:$0x1FD40] =	vst v63  }
0x3b3: {  	_ =	swait.ge [sflag:s23], $0xB40  }
0x3b4: {  	[sflag:s23] =	ssyncset.done $0x0  }
0x3b5: {  	[sflag:s23] =	ssyncadd.s32 $0xFFFFF4C0  }
0x3b6: {  	_ =	swait.ge [sflag:s24], $0x140  }
0x3b7: {  	s3 =	simm.s32 @!p0 $0x1C840;
	[sflag:s24] =	ssyncset.done $0x0  }
0x3b8: {  	s1 =	simm.s32 @!p0 $0x14;
	s0 =	sadd.s32 @!p0 $0x15490, s30;
	[sflag:s24] =	ssyncadd.s32 $0xFFFFFEC0  }
0x3b9: {  	[tilespmem:s3], [sflag:$0x3] =	stream.indirect.gather @!p0 [hbm4b:s4+s1], $0x90, s0, s1, $0xb8;
	[tilespmem:$0x1FD40] =	vst v63  }
0x3ba: {  	s0 =	sadd.s32 @!p0 $0x18370, s30;
	s3 =	simm.s32 @!p0 $0x1E140  }
0x3bb: {  	[tilespmem:s3], [sflag:$0x7] =	stream.indirect.gather @!p0 [hbm4b:s5+s1], $0x10, s0, s1, $0xb8;
	[tilespmem:$0x1FD40] =	vst v63  }
0x3bc: {  	_ =	swait.ge [sflag:s25], $0xAA0  }
0x3bd: {  	[sflag:s25] =	ssyncset.done $0x0  }
0x3be: {  	s9 =	simm.s32 $0x1E2A0;
	[sflag:s25] =	ssyncadd.s32 $0xFFFFF560  }
0x3bf: {  	v11 =	vld [tilespmem:s9+$0xFFFFFFE0]  }
0x3c0: {  	s1 =	simm.s32 $0x1D4A0  }
0x3c1: {  	v12 =	vld [tilespmem:s1+$0xFFFFFF60];
	_ =	sdelay $0x2  }
0x3c2: {  	v13 =	vld [tilespmem:s9+$0xFFFFFFF0];
	v11 =	vperm.xlane v11, v2;
	_ =	sdelay $0x1  }
0x3c3: {  	v11 =	vadd.f32 v11, v12;
	v12 =	vld [tilespmem:s1+$0xFFFFFFF0]  }
0x3c4: {  	v15 =	vld [tilespmem:s9+$0x10]  }
0x3c5: {  	v14 =	vmul.f32 $2.000000030e-01, v11  }
0x3c6: {  	v13 =	vperm.xlane v13, v2;
	vm0 =	vge.f32 v11, $0.0e+00  }
0x3c7: {  	v11 =	vsel vm0, v11, v14;
	v14 =	vld [tilespmem:s1+$0x110]  }
0x3c8: {  	v11 =	vmul.f32 $1.442695020e+00, v11;
	v12 =	vadd.f32 v13, v12  }
0x3c9: {  	s14 =	simm.s32 $0x3;
	v15 =	vperm.xlane v15, v2;
	v13 =	vld [tilespmem:s9+$0x0]  }
0x3ca: {  	v16 =	vmov s14;
	(erf) = vpow2.f32 v11;
	v11 =	vmul.f32 $2.000000030e-01, v12  }
0x3cb: {  	s26 =	simm.s32 $0x1;
	v16 =	vmul.u32 $0x88, v16;
	v17 =	vld [tilespmem:s1+$0x80];
	vm13 =	vge.f32 v12, $0.0e+00  }
0x3cc: {  	s15 =	simm.s32 $0x2;
	v11 =	vsel vm13, v12, v11;
	v12 =	vmov s26;
	v14 =	vadd.f32 v15, v14  }
0x3cd: {  	v18 =	vmov s15;
	v11 =	vmul.f32 $1.442695020e+00, v11;
	v12 =	vmul.u32 $0x88, v12  }
0x3ce: {  	v15 =	vmul.u32 $0x88, v18;
	v13 =	vperm.xlane v13, v2;
	v18 =	vmul.f32 $2.000000030e-01, v14  }
0x3cf: {  	vm14 =	vge.f32 v14, $0.0e+00;
	(erf) = vpow2.f32 v11;
	v11 =	vadd.s32 $0x80, v12  }
0x3d0: {  	v12 =	vadd.f32 v13, v17;
	v21 =	vbroadcast v11, $0x0;
	v11 =	vsel vm14, v14, v18  }
0x3d1: {  	v16 =	vadd.s32 $0x80, v16;
	v19 =	vld [tilespmem:s1+$0xFFFFFEF0];
	v11 =	vmul.f32 $1.442695020e+00, v11  }
0x3d2: {  	v15 =	vadd.s32 $0x80, v15;
	v13 =	vld [tilespmem:s1+$0xFFFFFF00];
	v17 =	vbroadcast v16, $0x0;
	v16 =	vmul.f32 $2.000000030e-01, v12  }
0x3d3: {  	v53 =	vbroadcast v15, $0x0;
	v14 =	vld [tilespmem:s1+$0xFFFFFF10];
	vm15 =	vge.f32 v12, $0.0e+00;
	v18 =	vpop (erf);
	(erf) = vpow2.f32 v11  }
0x3d4: {  	s31 =	simm.s32 $0x0;
	v20 =	vld [tilespmem:s1+$0xFFFFFEE0];
	v12 =	vsel vm15, v12, v16;
	v15 =	vperm.xlane v18, v3;
	v16 =	vperm.xlane v18, v5  }
0x3d5: {  	v28 =	vld [tilespmem:s1+$0xFFFFFFD0];
	v11 =	vmov s31;
	v22 =	vperm.xlane v18, v6;
	v23 =	vmul.f32 $1.442695020e+00, v12  }
0x3d6: {  	v29 =	vld [tilespmem:s1+$0xFFFFFF40];
	v24 =	vperm.xlane v18, v4;
	v11 =	vmul.u32 $0x88, v11;
	v57 =	vperm.xlane v18, v7  }
0x3d7: {  	v58 =	vld [tilespmem:s1+$0xFFFFFF20];
	v61 =	vperm.xlane v18, v9;
	v25 =	vperm.xlane v18, v10  }
0x3d8: {  	v60 =	vld [tilespmem:s1+$0xFFFFFFE0];
	v54 =	vmul.f32 v13, v16;
	v26 =	vmul.f32 v14, v22;
	v11 =	vadd.s32 $0x80, v11  }
0x3d9: {  	v32 =	vld [tilespmem:s1+$0xFFFFFF50];
	(erf) = vpow2.f32 v23;
	v11 =	vbroadcast v11, $0x0  }
0x3da: {  	v41 =	vld [tilespmem:s1+$0x100];
	v17 =	vor.u32 v1, v17;
	v55 =	vmul.f32 v20, v15;
	v31 =	vmul.f32 v19, v24  }
0x3db: {  	v15 =	vld [tilespmem:s1+$0xFFFFFFA0];
	v22 =	vperm.xlane v18, v8;
	v37 =	vmul.f32 v29, v61;
	v24 =	vpop (erf);
	v56 =	vor.u32 v1, v11  }
0x3dc: {  	v42 =	vld [tilespmem:s1+$0xFFFFFF70];
	v29 =	vmul.f32 v58, v57;
	v16 =	vperm.xlane v24, v5  }
0x3dd: {  	v38 =	vld [tilespmem:s1+$0x70];
	v27 =	vperm.xlane v24, v3;
	v19 =	vperm.xlane v24, v7  }
0x3de: {  	v43 =	vld [tilespmem:s1+$0xFFFFFF30];
	v30 =	vperm.xlane v24, v9;
	v62 =	vperm.xlane v24, v6;
	v11 =	vpop (erf)  }
0x3df: {  	v12 =	vld [tilespmem:s1+$0xD0];
	v59 =	vperm.xlane v24, v10;
	v36 =	vperm.xlane v24, v4;
	[tilespmem:v17+s19+$0x0] =	vst.idx.msk $0xff, v11  }
0x3e0: {  	s30 =	simm.s32 $0x1EF70;
	v39 =	vmul.f32 v28, v30;
	v30 =	vmul.f32 v15, v62;
	v17 =	vld [tilespmem:s1+$0xA0];
	[tilespmem:v56+s19+$0x0] =	vst.idx.msk $0xff, v18  }
0x3e1: {  	v13 =	vld [tilespmem:s1+$0x30];
	v35 =	vmul.f32 v60, v59;
	v40 =	vperm.xlane v11, v10;
	[tilespmem:s30+$0xFFFFFF20] =	vst v26  }
0x3e2: {  	v14 =	vld [tilespmem:s1+$0x60];
	v63 =	vperm.xlane v11, v4;
	v33 =	vperm.xlane v11, v9;
	[tilespmem:s30+$0xFFFFFF30] =	vst v29  }
0x3e3: {  	v34 =	vor.u32 v1, v21;
	v20 =	vld [tilespmem:s1+$0xFFFFFF90];
	v18 =	vperm.xlane v24, v8;
	v15 =	vpop (erf);
	[tilespmem:s30+$0xFFFFFF00] =	vst v31;
	v26 =	vperm.xlane v11, v7  }
0x3e4: {  	s7 =	simm.s32 $0x1F190;
	v23 =	vld [tilespmem:s1+$0xFFFFFFB0];
	[tilespmem:s30+$0xFFFFFEF0] =	vst v55;
	v29 =	vperm.xlane v15, v9;
	v31 =	vperm.xlane v15, v6  }
0x3e5: {  	s14 =	simm.s32 $0x4;
	s0 =	simm.s32 $0x1E2E0;
	s3 =	simm.s32 $0x1D6E0;
	v21 =	vor.u32 v1, v53;
	v28 =	vld [tilespmem:s1+$0xFFFFFF80];
	[tilespmem:s30+$0xFFFFFF10] =	vst v54;
	v44 =	vmul.f32 v17, v63;
	v17 =	vperm.xlane v15, v8  }
.LBB2_9:
0x3e6: {  	s9 =	sadd.s32 $0x2, s14  }
0x3e7: {  	v45 =	vld [tilespmem:s0+$0xFFFFFFE0];
	s15 =	sadd.s32 $0x3, s14;
	v46 =	vperm.xlane v15, v10;
	[tilespmem:s30+$0x98] =	vst v44;
	v44 =	vperm.xlane v11, v5;
	s8 =	smov.u32 s14;
	s6 =	sadd.s32 $0x4, s14  }
0x3e8: {  	p0 =	slt.u32 s14, $0x10;
	v47 =	vld [tilespmem:s3+$0xFFFFFFF0];
	v48 =	vmov s9;
	v49 =	vmov s15;
	[tilespmem:v34+s19+$0x0] =	vst.idx.msk $0xff, v24;
	v24 =	vperm.xlane v15, v7  }
0x3e9: {  	s9 =	sadd.s32 $0x1, s8;
	v34 =	vld [tilespmem:s3+$0xFFFFFF60];
	v48 =	vmul.u32 $0x88, v48;
	v49 =	vmul.u32 $0x88, v49;
	v27 =	vmul.f32 v42, v27;
	[tilespmem:s30+$0xFFFFFFD8] =	vst v39  }
0x3ea: {  	v42 =	vmov s9;
	v39 =	vld [tilespmem:s0+$0xFFFFFFF0];
	[tilespmem:s30+$0xFFFFFF50] =	vst v37;
	v37 =	vmul.f32 v38, v46;
	v38 =	vmul.f32 v41, v40  }
0x3eb: {  	v40 =	vld [tilespmem:s0+$0x0];
	v41 =	vadd.s32 $0x80, v48;
	v46 =	vadd.s32 $0x80, v49;
	v43 =	vmul.f32 v43, v22;
	[tilespmem:s30+$0xFFFFFF78] =	vst v27  }
0x3ec: {  	v42 =	vmul.u32 $0x88, v42;
	v48 =	vperm.xlane v15, v3;
	v27 =	vperm.xlane v45, v2;
	v45 =	vld [tilespmem:s0+$0x10];
	[tilespmem:s30+$0xF8] =	vst v38  }
0x3ed: {  	v28 =	vmul.f32 v28, v36;
	v22 =	vbroadcast v46, $0x0;
	v38 =	vld [tilespmem:s3+$0x80];
	[tilespmem:s30+$0xFFFFFFA8] =	vst v30  }
0x3ee: {  	v25 =	vmul.f32 v32, v25;
	v19 =	vmul.f32 v23, v19;
	v27 =	vadd.f32 v27, v34;
	[tilespmem:s30+$0xFFFFFFE8] =	vst v35;
	v23 =	vld [tilespmem:s1+$0xF0]  }
0x3ef: {  	v16 =	vmul.f32 v20, v16;
	v32 =	vadd.s32 $0x80, v42;
	v30 =	vperm.xlane v39, v2;
	v34 =	vld [tilespmem:s3+$0x110];
	[tilespmem:v21+s19+$0x0] =	vst.idx.msk $0xff, v15  }
0x3f0: {  	v21 =	vperm.xlane v15, v5;
	v20 =	vmul.f32 $2.000000030e-01, v27;
	[tilespmem:s30+$0xFFFFFF60] =	vst v25;
	v25 =	vld [tilespmem:s1+$0x40]  }
0x3f1: {  	v14 =	vmul.f32 v14, v29;
	vm0 =	vge.f32 v27, $0.0e+00;
	v30 =	vadd.f32 v30, v47;
	[tilespmem:s30+$0xFFFFFF40] =	vst v43;
	v35 =	vld [tilespmem:s1+$0xFFFFFFC0]  }
0x3f2: {  	v13 =	vmul.f32 v13, v31;
	v20 =	vsel vm0, v27, v20;
	v27 =	vperm.xlane v45, v2;
	[tilespmem:s30+$0xFFFFFFB8] =	vst v19  }
0x3f3: {  	v19 =	vmul.f32 $1.442695020e+00, v20;
	vm0 =	vge.f32 v30, $0.0e+00;
	[tilespmem:s30+$0x60] =	vst v14;
	v14 =	vmul.f32 v23, v33  }
0x3f4: {  	v12 =	vmul.f32 v12, v26;
	v20 =	vbroadcast v32, $0x0;
	v23 =	vadd.f32 v27, v34;
	[tilespmem:s30+$0x30] =	vst v13  }
0x3f5: {  	(erf) = vpow2.f32 v19;
	[tilespmem:s30+$0xFFFFFF98] =	vst v16;
	v13 =	vmul.f32 v25, v24;
	v16 =	vld [tilespmem:s1+$0xC0]  }
0x3f6: {  	v19 =	vmul.f32 $2.000000030e-01, v23;
	v18 =	vmul.f32 v35, v18;
	v24 =	vld [tilespmem:s1+$0xB0];
	[tilespmem:s30+$0xC8] =	vst v12  }
0x3f7: {  	v15 =	vperm.xlane v15, v4;
	v12 =	vperm.xlane v40, v2;
	vm1 =	vge.f32 v23, $0.0e+00;
	v25 =	vld [tilespmem:s1+$0x10];
	[tilespmem:s30+$0xE8] =	vst v14  }
0x3f8: {  	v14 =	vmul.f32 $2.000000030e-01, v30;
	v19 =	vsel vm1, v23, v19;
	[tilespmem:s30+$0xFFFFFFC8] =	vst v18;
	v18 =	vld [tilespmem:s1+$0x50];
	v23 =	vperm.xlane v11, v6  }
0x3f9: {  	v12 =	vadd.f32 v12, v38;
	v19 =	vmul.f32 $1.442695020e+00, v19;
	v26 =	vld [tilespmem:s1+$0x20];
	[tilespmem:s30+$0x40] =	vst v13;
	v13 =	vperm.xlane v11, v8  }
0x3fa: {  	v14 =	vsel vm0, v30, v14;
	v11 =	vperm.xlane v11, v3;
	[tilespmem:s30+$0xFFFFFF88] =	vst v28;
	v27 =	vld [tilespmem:s1+$0x0];
	v16 =	vmul.f32 v16, v23  }
0x3fb: {  	v14 =	vmul.f32 $1.442695020e+00, v14;
	vm0 =	vge.f32 v12, $0.0e+00;
	v23 =	vmul.f32 v24, v44;
	v24 =	vld [tilespmem:s1+$0xE0]  }
0x3fc: {  	v28 =	vmul.f32 $2.000000030e-01, v12;
	v15 =	vmul.f32 v25, v15;
	v25 =	vld [tilespmem:s1+$0x90];
	[tilespmem:s30+$0xB8] =	vst v16;
	s1 =	smov.u32 s3  }
0x3fd: {  	(erf) = vpow2.f32 v14;
	v14 =	vmul.f32 v18, v17;
	[tilespmem:s30+$0xA8] =	vst v23  }
0x3fe: {  	v12 =	vsel vm0, v12, v28;
	v17 =	vbroadcast v41, $0x0;
	v16 =	vld [tilespmem:s3+$0xFFFFFF00];
	v18 =	vpop (erf);
	[tilespmem:s30+$0x10] =	vst v15;
	v15 =	vmul.f32 v26, v21  }
0x3ff: {  	v23 =	vperm.xlane v18, v3;
	v21 =	vld [tilespmem:s3+$0xFFFFFF10];
	v26 =	vmul.f32 v27, v48;
	[tilespmem:s30+$0x50] =	vst v14  }
0x400: {  	v14 =	vperm.xlane v18, v5;
	v27 =	vld [tilespmem:s3+$0xFFFFFEF0];
	[tilespmem:s30+$0x70] =	vst v37;
	v13 =	vmul.f32 v24, v13  }
0x401: {  	v28 =	vperm.xlane v18, v6;
	v24 =	vld [tilespmem:s3+$0xFFFFFEE0];
	(erf) = vpow2.f32 v19;
	[tilespmem:s30+$0x20] =	vst v15  }
0x402: {  	v15 =	vmov s8;
	v19 =	vmul.f32 $1.442695020e+00, v12;
	v11 =	vmul.f32 v25, v11;
	[tilespmem:s30+$0xD8] =	vst v13  }
0x403: {  	v34 =	vor.u32 v1, v20;
	v25 =	vperm.xlane v18, v4;
	v33 =	vmul.f32 v16, v14;
	v12 =	vld [tilespmem:s3+$0xD0];
	[tilespmem:s30+$0x0] =	vst v26  }
0x404: {  	v15 =	vmul.u32 $0x88, v15;
	v26 =	vmul.f32 v21, v28;
	v13 =	vld [tilespmem:s3+$0x30];
	(erf) = vpow2.f32 v19;
	[tilespmem:s30+$0x88] =	vst v11;
	s30 =	smov.u32 s7  }
0x405: {  	v21 =	vor.u32 v1, v17;
	v14 =	vld [tilespmem:s3+$0x60]  }
0x406: {  	v11 =	vadd.s32 $0x80, v15;
	v31 =	vmul.f32 v27, v25;
	v17 =	vmul.f32 v24, v23;
	v15 =	vld [tilespmem:s3+$0xFFFFFFA0];
	v24 =	vpop (erf)  }
0x407: {  	v29 =	vor.u32 v1, v22;
	v20 =	vbroadcast v11, $0x0;
	v16 =	vperm.xlane v24, v5;
	v28 =	vld [tilespmem:s3+$0xFFFFFFD0]  }
0x408: {  	v27 =	vperm.xlane v24, v3;
	v19 =	vperm.xlane v24, v7;
	v30 =	vld [tilespmem:s3+$0xFFFFFF40]  }
0x409: {  	v35 =	vperm.xlane v18, v7;
	v32 =	vor.u32 v1, v20;
	v37 =	vperm.xlane v24, v9;
	v36 =	vld [tilespmem:s3+$0xFFFFFF20]  }
0x40a: {  	v22 =	vperm.xlane v18, v8;
	v38 =	vperm.xlane v24, v10;
	v40 =	vld [tilespmem:s3+$0xFFFFFFE0];
	v11 =	vpop (erf)  }
0x40b: {  	v41 =	vperm.xlane v18, v9;
	v42 =	vperm.xlane v24, v6;
	v20 =	vld [tilespmem:s3+$0xFFFFFF90]  }
0x40c: {  	v25 =	vperm.xlane v18, v10;
	v23 =	vld [tilespmem:s3+$0xFFFFFFB0];
	v39 =	vmul.f32 v28, v37  }
0x40d: {  	v37 =	vmul.f32 v30, v41;
	v30 =	vmul.f32 v15, v42;
	[tilespmem:v29+s19+$0x0] =	vst.idx.msk $0xff, v11;
	v43 =	vld [tilespmem:s3+$0xA0];
	v15 =	vpop (erf)  }
0x40e: {  	[tilespmem:v32+s19+$0x0] =	vst.idx.msk $0xff, v18;
	v29 =	vmul.f32 v36, v35;
	v32 =	vld [tilespmem:s3+$0xFFFFFF50];
	v18 =	vperm.xlane v24, v8  }
.Ltmp3:
0x40f: {  	[tilespmem:s7+$0xFFFFFF20] =	vst v26;
	v28 =	vld [tilespmem:s3+$0xFFFFFF80];
	v35 =	vmul.f32 v40, v38;
	v40 =	vperm.xlane v11, v10;
	(pc) =	sbr.rel @p0 .LBB2_9-.Ltmp3, $4  }
0x410: {  	v44 =	vperm.xlane v11, v4;
	[tilespmem:s7+$0xFFFFFF30] =	vst v29;
	v29 =	vperm.xlane v15, v9;
	v41 =	vld [tilespmem:s3+$0x100]  }
0x411: {  	v26 =	vperm.xlane v11, v7;
	[tilespmem:s7+$0xFFFFFF00] =	vst v31;
	v42 =	vld [tilespmem:s3+$0xFFFFFF70];
	v31 =	vperm.xlane v15, v6  }
0x412: {  	s14 =	smov.u32 s6;
	v36 =	vperm.xlane v24, v4;
	[tilespmem:s7+$0xFFFFFEF0] =	vst v17;
	v38 =	vld [tilespmem:s3+$0x70];
	v44 =	vmul.f32 v43, v44  }
0x413: {  	s0 =	sadd.s32 $0x40, s0;
	v17 =	vperm.xlane v15, v8;
	s3 =	sadd.s32 $0x240, s3;
	s7 =	sadd.s32 $0x220, s7;
	[tilespmem:s30+$0xFFFFFF10] =	vst v33;
	v43 =	vld [tilespmem:s1+$0xFFFFFF30];
	v33 =	vperm.xlane v11, v9  }
0x414: {  	_ =	sdelay $0x2  }
0x415: {  	[tilespmem:s30+$0x98] =	vst v44  }
0x416: {  	[tilespmem:v34+s19+$0x0] =	vst.idx.msk $0xff, v24  }
0x417: {  	[tilespmem:s30+$0xFFFFFF50] =	vst v37  }
0x418: {  	[tilespmem:v21+s19+$0x0] =	vst.idx.msk $0xff, v15  }
0x419: {  	[tilespmem:s30+$0xFFFFFFD8] =	vst v39  }
0x41a: {  	v19 =	vmul.f32 v23, v19;
	[tilespmem:s30+$0xFFFFFFA8] =	vst v30  }
0x41b: {  	v14 =	vmul.f32 v14, v29;
	[tilespmem:s30+$0xFFFFFFE8] =	vst v35  }
0x41c: {  	v13 =	vmul.f32 v13, v31;
	[tilespmem:s30+$0xFFFFFFB8] =	vst v19  }
0x41d: {  	v16 =	vmul.f32 v20, v16;
	[tilespmem:s30+$0x60] =	vst v14  }
0x41e: {  	v12 =	vmul.f32 v12, v26;
	[tilespmem:s30+$0x30] =	vst v13  }
0x41f: {  	v51 =	vmul.f32 v28, v36;
	[tilespmem:s30+$0xFFFFFF98] =	vst v16  }
0x420: {  	v46 =	vld [tilespmem:s1+$0xB0];
	v37 =	vmul.f32 v41, v40;
	[tilespmem:s30+$0xC8] =	vst v12  }
0x421: {  	v47 =	vld [tilespmem:s1+$0x10];
	v56 =	vperm.xlane v15, v10;
	v39 =	vmul.f32 v32, v25;
	[tilespmem:s30+$0xFFFFFF88] =	vst v51  }
0x422: {  	v48 =	vld [tilespmem:s1+$0x50];
	v34 =	vmul.f32 v42, v27;
	[tilespmem:s30+$0xF8] =	vst v37  }
0x423: {  	v50 =	vperm.xlane v11, v5;
	v55 =	vld [tilespmem:s1+$0xE0];
	[tilespmem:s30+$0xFFFFFF60] =	vst v39;
	v60 =	vmul.f32 v38, v56  }
0x424: {  	v52 =	vperm.xlane v15, v4;
	v59 =	vld [tilespmem:s1+$0x90];
	[tilespmem:s30+$0xFFFFFF78] =	vst v34;
	v22 =	vmul.f32 v43, v22  }
0x425: {  	v49 =	vperm.xlane v11, v6;
	v40 =	vld [tilespmem:s1+$0xF0];
	v54 =	vmul.f32 v46, v50;
	[tilespmem:s30+$0x70] =	vst v60  }
0x426: {  	v61 =	vperm.xlane v11, v8;
	v41 =	vld [tilespmem:s1+$0xFFFFFFC0];
	v12 =	vmul.f32 v47, v52;
	[tilespmem:s30+$0xFFFFFF40] =	vst v22  }
0x427: {  	v11 =	vperm.xlane v11, v3;
	v42 =	vld [tilespmem:s1+$0x40];
	v17 =	vmul.f32 v48, v17;
	[tilespmem:s30+$0xA8] =	vst v54  }
0x428: {  	v43 =	vld [tilespmem:s1+$0xC0];
	v63 =	vmul.f32 v55, v61;
	[tilespmem:s30+$0x10] =	vst v12  }
0x429: {  	v57 =	vld [tilespmem:s1+$0x0];
	v11 =	vmul.f32 v59, v11;
	[tilespmem:s30+$0x50] =	vst v17  }
0x42a: {  	v44 =	vperm.xlane v15, v7;
	v53 =	vld [tilespmem:s1+$0x20];
	v45 =	vmul.f32 v40, v33;
	[tilespmem:s30+$0xD8] =	vst v63  }
0x42b: {  	v18 =	vmul.f32 v41, v18;
	[tilespmem:s30+$0x88] =	vst v11  }
0x42c: {  	v62 =	vperm.xlane v15, v3;
	s28 =	sadd.s32 $0x1, s28;
	v14 =	vmul.f32 v42, v44;
	[tilespmem:s30+$0xE8] =	vst v45  }
0x42d: {  	v58 =	vperm.xlane v15, v5;
	s0 =	smul.u32 $0x60, s29;
	p0 =	sne.s32 s28, $0x7D;
	[tilespmem:s30+$0xFFFFFFC8] =	vst v18;
	v13 =	vmul.f32 v43, v49  }
.Ltmp4:
0x42e: {  	v12 =	vmul.f32 v57, v62;
	[tilespmem:s30+$0x40] =	vst v14;
	(pc) =	sbr.rel @p0 .LBB2_2-.Ltmp4, $4  }
0x42f: {  	[tilespmem:s30+$0xB8] =	vst v13;
	v13 =	vmul.f32 v53, v58  }
0x430: {  	s0 =	sshra.s32 s0, $0x2;
	[tilespmem:s30+$0x0] =	vst v12  }
0x431: {  	s0 =	sadd.s32 $0x182E0, s0;
	[tilespmem:s30+$0x20] =	vst v13  }
0x432: {  	[spmem:s2] =	stream.indirect.scatter.add.f32 [tilespmem:s19], [sflag:$0xA], $0x88, s0, s11, $0xb8;
	[tilespmem:$0x1FD40] =	vst v63  }
0x433: {  	_ =	swait.ge [sflag:s22], $0xAA0  }
0x434: {  	[sflag:s22] =	ssyncset.done $0x0  }
0x435: {  	[sflag:s22] =	ssyncadd.s32 $0xFFFFF560  }
0x436: {  	_ =	swait.ge [sflag:s25], $0xAA0  }
0x437: {  	[sflag:s25] =	ssyncset.done $0x0  }
0x438: {  	[sflag:s25] =	ssyncadd.s32 $0xFFFFF560  }
0x439: {  	[bflag:$0x0] =	sbarrier.arrive $0xFFFF  }
0x43a: {  	s0 =	stileid.u32;
	s3 =	sld [smem:$0x7FC]  }
0x43b: {  	s0 =	sshll.u32 s0, $0x6;
	s9 =	rddreg [dreg:$0x4]  }
0x43c: {  	s0 =	sor.u32 $0x1C0B, s0;
	s1 =	sshrl.u32 s9, $0x3  }
0x43d: {  	[hbm:s3], [sflag:s0] =	dma.local [spmem:s1], $0x2A80  }
0x43e: {  	_ =	swait.ge [sflag:s10], $0x2A80  }
0x43f: {  	s30 =	sld [smem:$0x7C5]  }
0x440: {  	s31 =	sld [smem:$0x7FD];
	_ =	sdelay $0x1  }
0x441: {  	s1 =	sadd.s32 $0x1, s30  }
0x442: {  	p0 =	sne.s32 s1, s31  }
.Ltmp5:
0x443: {  	_ = 	snop;
	(pc) =	sbr.rel @p0 .LBB2_1-.Ltmp5, $3  }
0x444: {  	_ =	sdelay $0x1  }
0x445: {  	[sflag:s10] =	ssyncset.done $0x0  }
0x446: {  	[sflag:s10] =	ssyncadd.s32 $0xFFFFD580  }
0x447: {  	_ =	sfence.sel $0x180000  }
0x448: {  	[bflag:$0x0] =	sbarrier.arrive $0xFFFF  }
0x449: {  	_ =	strace $0x90000047  }
0x44a: {  	s0 =	stileid.u32;
	[bflag:$0x2] =	sbarrier.arrive $0xFFFF  }
0x44b: {  	p0 =	sne.s32 s0, $0x0;
	s0 =	rddreg [dreg:$0x3]  }
0x44c: {  	s0 =	sadd.s32 @!p0 $0x100000, s0  }
0x44d: {  	[sflag:s0] =	ssyncadd.tile.s32 @!p0 $0x1;
	_ =	shalt  }
.Lfunc_end2:
_tile_overlayer_lowered:
.L_overlay_start_2:
0x44e: {  	(tag) =	ssettag $0x2  }
0x44f: {  	s0 =	rddreg [dreg:$0x0];
	s2 =	stileid.u32  }
0x450: {  	s1 =	rddreg [dreg:$0x1];
	p0 =	sne.s32 s2, $0x0  }
0x451: {  	s3 =	rddreg [dreg:$0x2];
	[bflag:$0x3] =	sbarrier.arrive $0xFFFF;
	s2 =	simm.s32 @!p0 $0x1C01  }
0x452: {  	[timem:s3], [sflag:s2] =	dma.local @!p0 [hbm:s0], s1  }
0x453: {  	s0 =	simm.s32 @!p0 $0x1  }
0x454: {  	_ =	swait.ge @!p0 [sflag:s0], s1  }
0x455: {  	s1 =	ssub.s32 @!p0 $0x0, s1;
	[sflag:s0] =	ssyncset.done @!p0 $0x0  }
0x456: {  	[sflag:s0] =	ssyncadd.s32 @!p0 s1  }
0x457: {  	[bflag:$0x3] =	sbarrier.arrive $0xFFFF  }
0x458: {  	_ =	shalt  }

</sc_bundles>
